<compile_context>
chip_gen: v7x
topology: tpu7x:2x2x1
jax: 0.10.2.dev20260603
libtpu: 0.0.44.dev20260713+nightly
codegen_flags: <defaults>
</compile_context>

<pallas_src>
import functools

import jax
import jax.numpy as jnp
from jax import lax
from jax.experimental import pallas as pl
from jax.experimental.pallas import tpu as pltpu
from jax.experimental.pallas import tpu_sc as plsc

N_FIELDS = 26
VOCAB = 100000
DIM = 128
BATCH = 16384

NC = 2
NS = 16
NW = NC * NS
BPW = BATCH // NW
SUB = 8
NB = BPW // SUB
NCHUNK = N_FIELDS * SUB

NBUF = 4
SBUF = 4
NOUTER = NCHUNK // NBUF


def _embed_kernel(table_hbm, idx_hbm, out_hbm, idx_src, idx_all, rows,
                  shared, g_sems, c_sems, w_sems):
    sid = lax.axis_index("s")
    wid = lax.axis_index("c") * NS + sid
    base = wid * BPW

    pltpu.sync_copy(idx_hbm.at[:, pl.ds(base, BPW)], idx_src)

    def compute_chunk(g):
        f = g // SUB
        s = g % SUB
        for j in range(NB // 16):
            idx_all[g, pl.ds(j * 16, 16)] = (
                idx_src[f, pl.ds(s * NB + j * 16, 16)] + 1)

    def gather(g, b):
        f = g // SUB
        return pltpu.make_async_copy(
            table_hbm.at[f].at[idx_all.at[g]], rows.at[b], g_sems.at[b])

    def stage(b):
        return pltpu.make_async_copy(
            rows.at[b], shared.at[sid, b % SBUF], c_sems.at[b])

    def write(g, b):
        f = g // SUB
        s = g % SUB
        return pltpu.make_async_copy(
            shared.at[sid, b % SBUF],
            out_hbm.at[pl.ds(base + s * NB, NB), pl.ds(f * DIM, DIM)],
            w_sems.at[b])

    for b in range(NBUF):
        compute_chunk(b)
    for b in range(NBUF):
        gather(b, b).start()

    for b in range(NBUF):
        compute_chunk(NBUF + b)
    for b in range(NBUF):
        gather(b, b).wait()
        stage(b).start()
    for b in range(NBUF):
        stage(b).wait()
        write(b, b).start()
        gather(b + NBUF, b).start()

    def group_body1(i_, _):
        i = i_ + 1
        for b in range(NBUF):
            compute_chunk((i + 1) * NBUF + b)
        for b in range(NBUF):
            g = i * NBUF + b
            gather(g, b).wait()
            write(g - NBUF, b).wait()
            stage(b).start()
        for b in range(NBUF):
            g = i * NBUF + b
            stage(b).wait()
            write(g, b).start()
            gather(g + NBUF, b).start()
        return 0

    lax.fori_loop(0, NOUTER - 2, group_body1, 0)

    for b in range(NBUF):
        g = (NOUTER - 1) * NBUF + b
        gather(g, b).wait()
        write(g - NBUF, b).wait()
        stage(b).start()
    for b in range(NBUF):
        g = (NOUTER - 1) * NBUF + b
        stage(b).wait()
        write(g, b).start()
    for b in range(NBUF):
        g = (NOUTER - 1) * NBUF + b
        write(g, b).wait()


@jax.jit
def _embed(tables, indices):
    k = functools.partial(
        pl.kernel,
        mesh=plsc.VectorSubcoreMesh(core_axis_name="c", subcore_axis_name="s"),
        out_type=jax.ShapeDtypeStruct((BATCH, N_FIELDS * DIM), jnp.float32),
        scratch_types=[
            pltpu.VMEM((N_FIELDS, BPW), jnp.int32),
            pltpu.VMEM((NCHUNK, NB), jnp.int32),
            pltpu.VMEM((NBUF, NB, DIM), jnp.float32),
            pltpu.VMEM_SHARED((NS, SBUF, NB, DIM), jnp.float32),
            pltpu.SemaphoreType.DMA((NBUF,)),
            pltpu.SemaphoreType.DMA((NBUF,)),
            pltpu.SemaphoreType.DMA((NBUF,)),
        ],
    )(_embed_kernel)
    return k(tables, indices)


def kernel(indices, tables):
    return _embed(tables, indices)

# --- scband reference (transcript-rebuilt; emitter-appended) ---
"""Pipeline reference for scband-ad-embedder-20658792694042 (READ-ONLY COPY).

The authoritative reference and input builder live on the scoring server;
editing this copy changes nothing except your own understanding.
"""

import jax, jax.numpy as jnp
import numpy as np

N_FIELDS = 26
VOCAB = 100000
DIM = 128
BATCH = 16384


def setup_inputs(seed: int = 0) -> dict:
    key = jax.random.key(seed)
    k1, k2 = jax.random.split(key)
    # One id per feature per example; AdBatch fields stacked as [n_fields, batch].
    indices = jax.random.randint(k1, (N_FIELDS, BATCH), 0, VOCAB, dtype=jnp.int32)
    # Per-feature embedding tables; has_nulls=True adds one null row (row 0).
    tables = jax.random.normal(k2, (N_FIELDS, VOCAB + 1, DIM), dtype=jnp.float32)
    return {"indices": indices, "tables": tables}


def reference(indices, tables):
    # has_nulls=True for every feature -> shift ids by +1 (row 0 is the null embedding)
    ids = indices + 1
    # per-feature embedding lookup: tables[f][ids[f]] -> [F, B, D]
    gathered = jax.vmap(lambda t, i: jnp.take(t, i, axis=0))(tables, ids)
    # torch.cat(x, axis=-1) over features -> [B, F*D]
    out = jnp.transpose(gathered, (1, 0, 2)).reshape(gathered.shape[1], N_FIELDS * DIM)
    return out

if __name__ == "__main__":
    import jax
    _d = setup_inputs()
    print(jax.jit(kernel)(*tuple(_d.values())))

</pallas_src>

<mosaic_0001>
#map = affine_map<(d0, d1) -> (0, 0, 0)>
#map1 = affine_map<(d0, d1) -> (0, 0)>
module attributes {stable_mosaic.version = 14 : i64} {
  func.func @_embed_kernel(%arg0: i32, %arg1: i32, %arg2: memref<26x100001x128xf32, #tpu.memory_space<hbm>>, %arg3: memref<26x16384xi32, #tpu.memory_space<hbm>>, %arg4: memref<16384x3328xf32, #tpu.memory_space<hbm>>, %arg5: memref<26x512xi32, #tpu.memory_space<vmem>>, %arg6: memref<208x64xi32, #tpu.memory_space<vmem>>, %arg7: memref<4x64x128xf32, #tpu.memory_space<vmem>>, %arg8: memref<16x4x64x128xf32, #tpu.memory_space<vmem_shared>>, %arg9: memref<4x!tpu.dma_semaphore, #tpu.memory_space<semaphore_mem>>, %arg10: memref<4x!tpu.dma_semaphore, #tpu.memory_space<semaphore_mem>>, %arg11: memref<4x!tpu.dma_semaphore, #tpu.memory_space<semaphore_mem>>) attributes {dimension_semantics = [#tpu.dimension_semantics<core_parallel>, #tpu.dimension_semantics<subcore_parallel>], iteration_bounds = array<i64: 2, 16>, scalar_prefetch = 0 : i64, scratch_operands = 7 : i64, tpu.core_type = #tpu.core_type<sc_vector_subcore>, window_params = [{transform_indices = #map}, {transform_indices = #map1}, {transform_indices = #map1}]} {
    %mul3A = arith.constant 16 : i32
    %mul3A_0 = arith.muli %arg0, %mul3A : i32
    %add3A = arith.addi %mul3A_0, %arg1 : i32
    %mul3A_1 = arith.constant 512 : i32
    %mul3A_2 = arith.muli %add3A, %mul3A_1 : i32
    "tpu.region"() ({
      %run_scoped3A = tpu.sem_alloc : memref<!tpu.dma_semaphore, #tpu.memory_space<semaphore_mem>>
      %dma_start3A_1301 = arith.constant 0 : i32
      %dma_start3A_1302 = tpu.memref_slice %arg3[%dma_start3A_1301, %mul3A_2] : memref<26x16384xi32, #tpu.memory_space<hbm>> -> memref<26x512xi32, #tpu.memory_space<hbm>>
      %dma_start3A_1303 = arith.constant 0 : i32
      %dma_start3A_1304 = tpu.memref_slice %arg3[%dma_start3A_1303, %mul3A_2] : memref<26x16384xi32, #tpu.memory_space<hbm>> -> memref<26x512xi32, #tpu.memory_space<hbm>>
      tpu.enqueue_dma source(%dma_start3A_1304 : memref<26x512xi32, #tpu.memory_space<hbm>>) target(%arg5 : memref<26x512xi32, #tpu.memory_space<vmem>>) target_semaphore(%run_scoped3A : memref<!tpu.dma_semaphore, #tpu.memory_space<semaphore_mem>>)
      %dma_wait3A_1305 = arith.constant 0 : i32
      %dma_wait3A_1306 = tpu.memref_slice %arg3[%dma_wait3A_1305, %mul3A_2] : memref<26x16384xi32, #tpu.memory_space<hbm>> -> memref<26x512xi32, #tpu.memory_space<hbm>>
      %dma_wait3A_1307 = arith.constant 0 : i32
      %dma_wait3A_1308 = tpu.memref_slice %arg3[%dma_wait3A_1307, %mul3A_2] : memref<26x16384xi32, #tpu.memory_space<hbm>> -> memref<26x512xi32, #tpu.memory_space<hbm>>
      tpu.wait_dma2 semaphore(%run_scoped3A : memref<!tpu.dma_semaphore, #tpu.memory_space<semaphore_mem>>) src(%dma_wait3A_1308 : memref<26x512xi32, #tpu.memory_space<hbm>>) dst(%arg5 : memref<26x512xi32, #tpu.memory_space<vmem>>)
      tpu.yield
    }) : () -> ()
    %get3A = arith.constant 0 : i32
    %get3A_3 = arith.index_cast %get3A : i32 to index
    %get3A_4 = arith.constant 0 : index
    %get3A_5 = tpu.vector_load %arg5[%get3A_3, %get3A_4] {strides = array<i32>} : memref<26x512xi32, #tpu.memory_space<vmem>>, vector<1x16xi32>,
    %get3A_6 = vector.shape_cast %get3A_5 : vector<1x16xi32> to vector<16xi32>
    %add3A_7 = arith.constant 1 : i32
    %add3A_8 = vector.broadcast %add3A_7 : i32 to vector<16xi32>
    %add3A_9 = arith.addi %get3A_6, %add3A_8 : vector<16xi32>
    %swap3A = arith.constant 0 : i32
    %swap3A_10 = arith.index_cast %swap3A : i32 to index
    %swap3A_11 = arith.constant 0 : index
    %swap3A_12 = tpu.vector_load %arg6[%swap3A_10, %swap3A_11] {strides = array<i32>} : memref<208x64xi32, #tpu.memory_space<vmem>>, vector<1x16xi32>,
    %swap3A_13 = vector.shape_cast %swap3A_12 : vector<1x16xi32> to vector<16xi32>
    %swap3A_14 = vector.shape_cast %add3A_9 : vector<16xi32> to vector<1x16xi32>
    tpu.vector_store %arg6[%swap3A_10, %swap3A_11], %swap3A_14 {strides = array<i32>} : memref<208x64xi32, #tpu.memory_space<vmem>>, vector<1x16xi32>,
    %get3A_15 = arith.constant 0 : i32
    %get3A_16 = arith.index_cast %get3A_15 : i32 to index
    %get3A_17 = arith.constant 16 : index
    %get3A_18 = tpu.vector_load %arg5[%get3A_16, %get3A_17] {strides = array<i32>} : memref<26x512xi32, #tpu.memory_space<vmem>>, vector<1x16xi32>,
    %get3A_19 = vector.shape_cast %get3A_18 : vector<1x16xi32> to vector<16xi32>
    %add3A_20 = arith.constant 1 : i32
    %add3A_21 = vector.broadcast %add3A_20 : i32 to vector<16xi32>
    %add3A_22 = arith.addi %get3A_19, %add3A_21 : vector<16xi32>
    %swap3A_23 = arith.constant 0 : i32
    %swap3A_24 = arith.index_cast %swap3A_23 : i32 to index
    %swap3A_25 = arith.constant 16 : index
    %swap3A_26 = tpu.vector_load %arg6[%swap3A_24, %swap3A_25] {strides = array<i32>} : memref<208x64xi32, #tpu.memory_space<vmem>>, vector<1x16xi32>,
    %swap3A_27 = vector.shape_cast %swap3A_26 : vector<1x16xi32> to vector<16xi32>
    %swap3A_28 = vector.shape_cast %add3A_22 : vector<16xi32> to vector<1x16xi32>
    tpu.vector_store %arg6[%swap3A_24, %swap3A_25], %swap3A_28 {strides = array<i32>} : memref<208x64xi32, #tpu.memory_space<vmem>>, vector<1x16xi32>,
    %get3A_29 = arith.constant 0 : i32
    %get3A_30 = arith.index_cast %get3A_29 : i32 to index
    %get3A_31 = arith.constant 32 : index
    %get3A_32 = tpu.vector_load %arg5[%get3A_30, %get3A_31] {strides = array<i32>} : memref<26x512xi32, #tpu.memory_space<vmem>>, vector<1x16xi32>,
    %get3A_33 = vector.shape_cast %get3A_32 : vector<1x16xi32> to vector<16xi32>
    %add3A_34 = arith.constant 1 : i32
    %add3A_35 = vector.broadcast %add3A_34 : i32 to vector<16xi32>
    %add3A_36 = arith.addi %get3A_33, %add3A_35 : vector<16xi32>
    %swap3A_37 = arith.constant 0 : i32
    %swap3A_38 = arith.index_cast %swap3A_37 : i32 to index
    %swap3A_39 = arith.constant 32 : index
    %swap3A_40 = tpu.vector_load %arg6[%swap3A_38, %swap3A_39] {strides = array<i32>} : memref<208x64xi32, #tpu.memory_space<vmem>>, vector<1x16xi32>,
    %swap3A_41 = vector.shape_cast %swap3A_40 : vector<1x16xi32> to vector<16xi32>
    %swap3A_42 = vector.shape_cast %add3A_36 : vector<16xi32> to vector<1x16xi32>
    tpu.vector_store %arg6[%swap3A_38, %swap3A_39], %swap3A_42 {strides = array<i32>} : memref<208x64xi32, #tpu.memory_space<vmem>>, vector<1x16xi32>,
    %get3A_43 = arith.constant 0 : i32
    %get3A_44 = arith.index_cast %get3A_43 : i32 to index
    %get3A_45 = arith.constant 48 : index
    %get3A_46 = tpu.vector_load %arg5[%get3A_44, %get3A_45] {strides = array<i32>} : memref<26x512xi32, #tpu.memory_space<vmem>>, vector<1x16xi32>,
    %get3A_47 = vector.shape_cast %get3A_46 : vector<1x16xi32> to vector<16xi32>
    %add3A_48 = arith.constant 1 : i32
    %add3A_49 = vector.broadcast %add3A_48 : i32 to vector<16xi32>
    %add3A_50 = arith.addi %get3A_47, %add3A_49 : vector<16xi32>
    %swap3A_51 = arith.constant 0 : i32
    %swap3A_52 = arith.index_cast %swap3A_51 : i32 to index
    %swap3A_53 = arith.constant 48 : index
    %swap3A_54 = tpu.vector_load %arg6[%swap3A_52, %swap3A_53] {strides = array<i32>} : memref<208x64xi32, #tpu.memory_space<vmem>>, vector<1x16xi32>,
    %swap3A_55 = vector.shape_cast %swap3A_54 : vector<1x16xi32> to vector<16xi32>
    %swap3A_56 = vector.shape_cast %add3A_50 : vector<16xi32> to vector<1x16xi32>
    tpu.vector_store %arg6[%swap3A_52, %swap3A_53], %swap3A_56 {strides = array<i32>} : memref<208x64xi32, #tpu.memory_space<vmem>>, vector<1x16xi32>,
    %get3A_57 = arith.constant 0 : i32
    %get3A_58 = arith.index_cast %get3A_57 : i32 to index
    %get3A_59 = arith.constant 64 : index
    %get3A_60 = tpu.vector_load %arg5[%get3A_58, %get3A_59] {strides = array<i32>} : memref<26x512xi32, #tpu.memory_space<vmem>>, vector<1x16xi32>,
    %get3A_61 = vector.shape_cast %get3A_60 : vector<1x16xi32> to vector<16xi32>
    %add3A_62 = arith.constant 1 : i32
    %add3A_63 = vector.broadcast %add3A_62 : i32 to vector<16xi32>
    %add3A_64 = arith.addi %get3A_61, %add3A_63 : vector<16xi32>
    %swap3A_65 = arith.constant 1 : i32
    %swap3A_66 = arith.index_cast %swap3A_65 : i32 to index
    %swap3A_67 = arith.constant 0 : index
    %swap3A_68 = tpu.vector_load %arg6[%swap3A_66, %swap3A_67] {strides = array<i32>} : memref<208x64xi32, #tpu.memory_space<vmem>>, vector<1x16xi32>,
    %swap3A_69 = vector.shape_cast %swap3A_68 : vector<1x16xi32> to vector<16xi32>
    %swap3A_70 = vector.shape_cast %add3A_64 : vector<16xi32> to vector<1x16xi32>
    tpu.vector_store %arg6[%swap3A_66, %swap3A_67], %swap3A_70 {strides = array<i32>} : memref<208x64xi32, #tpu.memory_space<vmem>>, vector<1x16xi32>,
    %get3A_71 = arith.constant 0 : i32
    %get3A_72 = arith.index_cast %get3A_71 : i32 to index
    %get3A_73 = arith.constant 80 : index
    %get3A_74 = tpu.vector_load %arg5[%get3A_72, %get3A_73] {strides = array<i32>} : memref<26x512xi32, #tpu.memory_space<vmem>>, vector<1x16xi32>,
    %get3A_75 = vector.shape_cast %get3A_74 : vector<1x16xi32> to vector<16xi32>
    %add3A_76 = arith.constant 1 : i32
    %add3A_77 = vector.broadcast %add3A_76 : i32 to vector<16xi32>
    %add3A_78 = arith.addi %get3A_75, %add3A_77 : vector<16xi32>
    %swap3A_79 = arith.constant 1 : i32
    %swap3A_80 = arith.index_cast %swap3A_79 : i32 to index
    %swap3A_81 = arith.constant 16 : index
    %swap3A_82 = tpu.vector_load %arg6[%swap3A_80, %swap3A_81] {strides = array<i32>} : memref<208x64xi32, #tpu.memory_space<vmem>>, vector<1x16xi32>,
    %swap3A_83 = vector.shape_cast %swap3A_82 : vector<1x16xi32> to vector<16xi32>
    %swap3A_84 = vector.shape_cast %add3A_78 : vector<16xi32> to vector<1x16xi32>
    tpu.vector_store %arg6[%swap3A_80, %swap3A_81], %swap3A_84 {strides = array<i32>} : memref<208x64xi32, #tpu.memory_space<vmem>>, vector<1x16xi32>,
    %get3A_85 = arith.constant 0 : i32
    %get3A_86 = arith.index_cast %get3A_85 : i32 to index
    %get3A_87 = arith.constant 96 : index
    %get3A_88 = tpu.vector_load %arg5[%get3A_86, %get3A_87] {strides = array<i32>} : memref<26x512xi32, #tpu.memory_space<vmem>>, vector<1x16xi32>,
    %get3A_89 = vector.shape_cast %get3A_88 : vector<1x16xi32> to vector<16xi32>
    %add3A_90 = arith.constant 1 : i32
    %add3A_91 = vector.broadcast %add3A_90 : i32 to vector<16xi32>
    %add3A_92 = arith.addi %get3A_89, %add3A_91 : vector<16xi32>
    %swap3A_93 = arith.constant 1 : i32
    %swap3A_94 = arith.index_cast %swap3A_93 : i32 to index
    %swap3A_95 = arith.constant 32 : index
    %swap3A_96 = tpu.vector_load %arg6[%swap3A_94, %swap3A_95] {strides = array<i32>} : memref<208x64xi32, #tpu.memory_space<vmem>>, vector<1x16xi32>,
    %swap3A_97 = vector.shape_cast %swap3A_96 : vector<1x16xi32> to vector<16xi32>
    %swap3A_98 = vector.shape_cast %add3A_92 : vector<16xi32> to vector<1x16xi32>
    tpu.vector_store %arg6[%swap3A_94, %swap3A_95], %swap3A_98 {strides = array<i32>} : memref<208x64xi32, #tpu.memory_space<vmem>>, vector<1x16xi32>,
    %get3A_99 = arith.constant 0 : i32
    %get3A_100 = arith.index_cast %get3A_99 : i32 to index
    %get3A_101 = arith.constant 112 : index
    %get3A_102 = tpu.vector_load %arg5[%get3A_100, %get3A_101] {strides = array<i32>} : memref<26x512xi32, #tpu.memory_space<vmem>>, vector<1x16xi32>,
    %get3A_103 = vector.shape_cast %get3A_102 : vector<1x16xi32> to vector<16xi32>
    %add3A_104 = arith.constant 1 : i32
    %add3A_105 = vector.broadcast %add3A_104 : i32 to vector<16xi32>
    %add3A_106 = arith.addi %get3A_103, %add3A_105 : vector<16xi32>
    %swap3A_107 = arith.constant 1 : i32
    %swap3A_108 = arith.index_cast %swap3A_107 : i32 to index
    %swap3A_109 = arith.constant 48 : index
    %swap3A_110 = tpu.vector_load %arg6[%swap3A_108, %swap3A_109] {strides = array<i32>} : memref<208x64xi32, #tpu.memory_space<vmem>>, vector<1x16xi32>,
    %swap3A_111 = vector.shape_cast %swap3A_110 : vector<1x16xi32> to vector<16xi32>
    %swap3A_112 = vector.shape_cast %add3A_106 : vector<16xi32> to vector<1x16xi32>
    tpu.vector_store %arg6[%swap3A_108, %swap3A_109], %swap3A_112 {strides = array<i32>} : memref<208x64xi32, #tpu.memory_space<vmem>>, vector<1x16xi32>,
    %get3A_113 = arith.constant 0 : i32
    %get3A_114 = arith.index_cast %get3A_113 : i32 to index
    %get3A_115 = arith.constant 128 : index
    %get3A_116 = tpu.vector_load %arg5[%get3A_114, %get3A_115] {strides = array<i32>} : memref<26x512xi32, #tpu.memory_space<vmem>>, vector<1x16xi32>,
    %get3A_117 = vector.shape_cast %get3A_116 : vector<1x16xi32> to vector<16xi32>
    %add3A_118 = arith.constant 1 : i32
    %add3A_119 = vector.broadcast %add3A_118 : i32 to vector<16xi32>
    %add3A_120 = arith.addi %get3A_117, %add3A_119 : vector<16xi32>
    %swap3A_121 = arith.constant 2 : i32
    %swap3A_122 = arith.index_cast %swap3A_121 : i32 to index
    %swap3A_123 = arith.constant 0 : index
    %swap3A_124 = tpu.vector_load %arg6[%swap3A_122, %swap3A_123] {strides = array<i32>} : memref<208x64xi32, #tpu.memory_space<vmem>>, vector<1x16xi32>,
    %swap3A_125 = vector.shape_cast %swap3A_124 : vector<1x16xi32> to vector<16xi32>
    %swap3A_126 = vector.shape_cast %add3A_120 : vector<16xi32> to vector<1x16xi32>
    tpu.vector_store %arg6[%swap3A_122, %swap3A_123], %swap3A_126 {strides = array<i32>} : memref<208x64xi32, #tpu.memory_space<vmem>>, vector<1x16xi32>,
    %get3A_127 = arith.constant 0 : i32
    %get3A_128 = arith.index_cast %get3A_127 : i32 to index
    %get3A_129 = arith.constant 144 : index
    %get3A_130 = tpu.vector_load %arg5[%get3A_128, %get3A_129] {strides = array<i32>} : memref<26x512xi32, #tpu.memory_space<vmem>>, vector<1x16xi32>,
    %get3A_131 = vector.shape_cast %get3A_130 : vector<1x16xi32> to vector<16xi32>
    %add3A_132 = arith.constant 1 : i32
    %add3A_133 = vector.broadcast %add3A_132 : i32 to vector<16xi32>
    %add3A_134 = arith.addi %get3A_131, %add3A_133 : vector<16xi32>
    %swap3A_135 = arith.constant 2 : i32
    %swap3A_136 = arith.index_cast %swap3A_135 : i32 to index
    %swap3A_137 = arith.constant 16 : index
    %swap3A_138 = tpu.vector_load %arg6[%swap3A_136, %swap3A_137] {strides = array<i32>} : memref<208x64xi32, #tpu.memory_space<vmem>>, vector<1x16xi32>,
    %swap3A_139 = vector.shape_cast %swap3A_138 : vector<1x16xi32> to vector<16xi32>
    %swap3A_140 = vector.shape_cast %add3A_134 : vector<16xi32> to vector<1x16xi32>
    tpu.vector_store %arg6[%swap3A_136, %swap3A_137], %swap3A_140 {strides = array<i32>} : memref<208x64xi32, #tpu.memory_space<vmem>>, vector<1x16xi32>,
    %get3A_141 = arith.constant 0 : i32
    %get3A_142 = arith.index_cast %get3A_141 : i32 to index
    %get3A_143 = arith.constant 160 : index
    %get3A_144 = tpu.vector_load %arg5[%get3A_142, %get3A_143] {strides = array<i32>} : memref<26x512xi32, #tpu.memory_space<vmem>>, vector<1x16xi32>,
    %get3A_145 = vector.shape_cast %get3A_144 : vector<1x16xi32> to vector<16xi32>
    %add3A_146 = arith.constant 1 : i32
    %add3A_147 = vector.broadcast %add3A_146 : i32 to vector<16xi32>
    %add3A_148 = arith.addi %get3A_145, %add3A_147 : vector<16xi32>
    %swap3A_149 = arith.constant 2 : i32
    %swap3A_150 = arith.index_cast %swap3A_149 : i32 to index
    %swap3A_151 = arith.constant 32 : index
    %swap3A_152 = tpu.vector_load %arg6[%swap3A_150, %swap3A_151] {strides = array<i32>} : memref<208x64xi32, #tpu.memory_space<vmem>>, vector<1x16xi32>,
    %swap3A_153 = vector.shape_cast %swap3A_152 : vector<1x16xi32> to vector<16xi32>
    %swap3A_154 = vector.shape_cast %add3A_148 : vector<16xi32> to vector<1x16xi32>
    tpu.vector_store %arg6[%swap3A_150, %swap3A_151], %swap3A_154 {strides = array<i32>} : memref<208x64xi32, #tpu.memory_space<vmem>>, vector<1x16xi32>,
    %get3A_155 = arith.constant 0 : i32
    %get3A_156 = arith.index_cast %get3A_155 : i32 to index
    %get3A_157 = arith.constant 176 : index
    %get3A_158 = tpu.vector_load %arg5[%get3A_156, %get3A_157] {strides = array<i32>} : memref<26x512xi32, #tpu.memory_space<vmem>>, vector<1x16xi32>,
    %get3A_159 = vector.shape_cast %get3A_158 : vector<1x16xi32> to vector<16xi32>
    %add3A_160 = arith.constant 1 : i32
    %add3A_161 = vector.broadcast %add3A_160 : i32 to vector<16xi32>
    %add3A_162 = arith.addi %get3A_159, %add3A_161 : vector<16xi32>
    %swap3A_163 = arith.constant 2 : i32
    %swap3A_164 = arith.index_cast %swap3A_163 : i32 to index
    %swap3A_165 = arith.constant 48 : index
    %swap3A_166 = tpu.vector_load %arg6[%swap3A_164, %swap3A_165] {strides = array<i32>} : memref<208x64xi32, #tpu.memory_space<vmem>>, vector<1x16xi32>,
    %swap3A_167 = vector.shape_cast %swap3A_166 : vector<1x16xi32> to vector<16xi32>
    %swap3A_168 = vector.shape_cast %add3A_162 : vector<16xi32> to vector<1x16xi32>
    tpu.vector_store %arg6[%swap3A_164, %swap3A_165], %swap3A_168 {strides = array<i32>} : memref<208x64xi32, #tpu.memory_space<vmem>>, vector<1x16xi32>,
    %get3A_169 = arith.constant 0 : i32
    %get3A_170 = arith.index_cast %get3A_169 : i32 to index
    %get3A_171 = arith.constant 192 : index
    %get3A_172 = tpu.vector_load %arg5[%get3A_170, %get3A_171] {strides = array<i32>} : memref<26x512xi32, #tpu.memory_space<vmem>>, vector<1x16xi32>,
    %get3A_173 = vector.shape_cast %get3A_172 : vector<1x16xi32> to vector<16xi32>
    %add3A_174 = arith.constant 1 : i32
    %add3A_175 = vector.broadcast %add3A_174 : i32 to vector<16xi32>
    %add3A_176 = arith.addi %get3A_173, %add3A_175 : vector<16xi32>
    %swap3A_177 = arith.constant 3 : i32
    %swap3A_178 = arith.index_cast %swap3A_177 : i32 to index
    %swap3A_179 = arith.constant 0 : index
    %swap3A_180 = tpu.vector_load %arg6[%swap3A_178, %swap3A_179] {strides = array<i32>} : memref<208x64xi32, #tpu.memory_space<vmem>>, vector<1x16xi32>,
    %swap3A_181 = vector.shape_cast %swap3A_180 : vector<1x16xi32> to vector<16xi32>
    %swap3A_182 = vector.shape_cast %add3A_176 : vector<16xi32> to vector<1x16xi32>
    tpu.vector_store %arg6[%swap3A_178, %swap3A_179], %swap3A_182 {strides = array<i32>} : memref<208x64xi32, #tpu.memory_space<vmem>>, vector<1x16xi32>,
    %get3A_183 = arith.constant 0 : i32
    %get3A_184 = arith.index_cast %get3A_183 : i32 to index
    %get3A_185 = arith.constant 208 : index
    %get3A_186 = tpu.vector_load %arg5[%get3A_184, %get3A_185] {strides = array<i32>} : memref<26x512xi32, #tpu.memory_space<vmem>>, vector<1x16xi32>,
    %get3A_187 = vector.shape_cast %get3A_186 : vector<1x16xi32> to vector<16xi32>
    %add3A_188 = arith.constant 1 : i32
    %add3A_189 = vector.broadcast %add3A_188 : i32 to vector<16xi32>
    %add3A_190 = arith.addi %get3A_187, %add3A_189 : vector<16xi32>
    %swap3A_191 = arith.constant 3 : i32
    %swap3A_192 = arith.index_cast %swap3A_191 : i32 to index
    %swap3A_193 = arith.constant 16 : index
    %swap3A_194 = tpu.vector_load %arg6[%swap3A_192, %swap3A_193] {strides = array<i32>} : memref<208x64xi32, #tpu.memory_space<vmem>>, vector<1x16xi32>,
    %swap3A_195 = vector.shape_cast %swap3A_194 : vector<1x16xi32> to vector<16xi32>
    %swap3A_196 = vector.shape_cast %add3A_190 : vector<16xi32> to vector<1x16xi32>
    tpu.vector_store %arg6[%swap3A_192, %swap3A_193], %swap3A_196 {strides = array<i32>} : memref<208x64xi32, #tpu.memory_space<vmem>>, vector<1x16xi32>,
    %get3A_197 = arith.constant 0 : i32
    %get3A_198 = arith.index_cast %get3A_197 : i32 to index
    %get3A_199 = arith.constant 224 : index
    %get3A_200 = tpu.vector_load %arg5[%get3A_198, %get3A_199] {strides = array<i32>} : memref<26x512xi32, #tpu.memory_space<vmem>>, vector<1x16xi32>,
    %get3A_201 = vector.shape_cast %get3A_200 : vector<1x16xi32> to vector<16xi32>
    %add3A_202 = arith.constant 1 : i32
    %add3A_203 = vector.broadcast %add3A_202 : i32 to vector<16xi32>
    %add3A_204 = arith.addi %get3A_201, %add3A_203 : vector<16xi32>
    %swap3A_205 = arith.constant 3 : i32
    %swap3A_206 = arith.index_cast %swap3A_205 : i32 to index
    %swap3A_207 = arith.constant 32 : index
    %swap3A_208 = tpu.vector_load %arg6[%swap3A_206, %swap3A_207] {strides = array<i32>} : memref<208x64xi32, #tpu.memory_space<vmem>>, vector<1x16xi32>,
    %swap3A_209 = vector.shape_cast %swap3A_208 : vector<1x16xi32> to vector<16xi32>
    %swap3A_210 = vector.shape_cast %add3A_204 : vector<16xi32> to vector<1x16xi32>
    tpu.vector_store %arg6[%swap3A_206, %swap3A_207], %swap3A_210 {strides = array<i32>} : memref<208x64xi32, #tpu.memory_space<vmem>>, vector<1x16xi32>,
    %get3A_211 = arith.constant 0 : i32
    %get3A_212 = arith.index_cast %get3A_211 : i32 to index
    %get3A_213 = arith.constant 240 : index
    %get3A_214 = tpu.vector_load %arg5[%get3A_212, %get3A_213] {strides = array<i32>} : memref<26x512xi32, #tpu.memory_space<vmem>>, vector<1x16xi32>,
    %get3A_215 = vector.shape_cast %get3A_214 : vector<1x16xi32> to vector<16xi32>
    %add3A_216 = arith.constant 1 : i32
    %add3A_217 = vector.broadcast %add3A_216 : i32 to vector<16xi32>
    %add3A_218 = arith.addi %get3A_215, %add3A_217 : vector<16xi32>
    %swap3A_219 = arith.constant 3 : i32
    %swap3A_220 = arith.index_cast %swap3A_219 : i32 to index
    %swap3A_221 = arith.constant 48 : index
    %swap3A_222 = tpu.vector_load %arg6[%swap3A_220, %swap3A_221] {strides = array<i32>} : memref<208x64xi32, #tpu.memory_space<vmem>>, vector<1x16xi32>,
    %swap3A_223 = vector.shape_cast %swap3A_222 : vector<1x16xi32> to vector<16xi32>
    %swap3A_224 = vector.shape_cast %add3A_218 : vector<16xi32> to vector<1x16xi32>
    tpu.vector_store %arg6[%swap3A_220, %swap3A_221], %swap3A_224 {strides = array<i32>} : memref<208x64xi32, #tpu.memory_space<vmem>>, vector<1x16xi32>,
    %dma_start3A = arith.constant 0 : i32
    %dma_start3A_225 = arith.constant 0 : i32
    %dma_start3A_226 = arith.constant 0 : i32
    %dma_start3A_227 = arith.constant 0 : i32
    %dma_start3A_228 = arith.constant 0 : i32
    %dma_start3A_229 = arith.constant 0 : i32
    %dma_start3A_230 = tpu.memref_slice %arg7[%dma_start3A_226, %dma_start3A_228, %dma_start3A_229] : memref<4x64x128xf32, #tpu.memory_space<vmem>> -> memref<1x64x128xf32, #tpu.memory_space<vmem>>
    %dma_start3A_231 = tpu.memref_squeeze %dma_start3A_230 : memref<1x64x128xf32, #tpu.memory_space<vmem>> -> memref<64x128xf32, #tpu.memory_space<vmem>>
    %dma_start3A_232 = arith.constant 0 : i32
    %dma_start3A_233 = tpu.memref_slice %arg6[%dma_start3A_225, %dma_start3A_232] : memref<208x64xi32, #tpu.memory_space<vmem>> -> memref<1x64xi32, #tpu.memory_space<vmem>>
    %dma_start3A_234 = tpu.memref_squeeze %dma_start3A_233 : memref<1x64xi32, #tpu.memory_space<vmem>> -> memref<64xi32, #tpu.memory_space<vmem>>
    %dma_start3A_235 = arith.constant 0 : i32
    %dma_start3A_236 = arith.constant 0 : i32
    %dma_start3A_237 = tpu.memref_slice %arg2[%dma_start3A, %dma_start3A_235, %dma_start3A_236] : memref<26x100001x128xf32, #tpu.memory_space<hbm>> -> memref<1x100001x128xf32, #tpu.memory_space<hbm>>
    %dma_start3A_238 = tpu.memref_squeeze %dma_start3A_237 : memref<1x100001x128xf32, #tpu.memory_space<hbm>> -> memref<100001x128xf32, #tpu.memory_space<hbm>>
    %dma_start3A_239 = arith.constant 0 : i32
    %dma_start3A_240 = arith.constant 0 : i32
    %dma_start3A_241 = tpu.memref_slice %dma_start3A_238[%dma_start3A_239, %dma_start3A_240] : memref<100001x128xf32, #tpu.memory_space<hbm>> -> memref<100001x128xf32, #tpu.memory_space<hbm>>
    %dma_start3A_242 = tpu.memref_slice %arg9[%dma_start3A_227] : memref<4x!tpu.dma_semaphore, #tpu.memory_space<semaphore_mem>> -> memref<1x!tpu.dma_semaphore, #tpu.memory_space<semaphore_mem>>
    %dma_start3A_243 = tpu.memref_squeeze %dma_start3A_242 : memref<1x!tpu.dma_semaphore, #tpu.memory_space<semaphore_mem>> -> memref<!tpu.dma_semaphore, #tpu.memory_space<semaphore_mem>>
    tpu.enqueue_indirect_dma source(%dma_start3A_241 : memref<100001x128xf32, #tpu.memory_space<hbm>>) target(%dma_start3A_231 : memref<64x128xf32, #tpu.memory_space<vmem>>) offsets(%dma_start3A_234 : memref<64xi32, #tpu.memory_space<vmem>>) semaphore(%dma_start3A_243 : memref<!tpu.dma_semaphore, #tpu.memory_space<semaphore_mem>>)
    %dma_start3A_244 = arith.constant 0 : i32
    %dma_start3A_245 = arith.constant 1 : i32
    %dma_start3A_246 = arith.constant 1 : i32
    %dma_start3A_247 = arith.constant 1 : i32
    %dma_start3A_248 = arith.constant 0 : i32
    %dma_start3A_249 = arith.constant 0 : i32
    %dma_start3A_250 = tpu.memref_slice %arg7[%dma_start3A_246, %dma_start3A_248, %dma_start3A_249] : memref<4x64x128xf32, #tpu.memory_space<vmem>> -> memref<1x64x128xf32, #tpu.memory_space<vmem>>
    %dma_start3A_251 = tpu.memref_squeeze %dma_start3A_250 : memref<1x64x128xf32, #tpu.memory_space<vmem>> -> memref<64x128xf32, #tpu.memory_space<vmem>>
    %dma_start3A_252 = arith.constant 0 : i32
    %dma_start3A_253 = tpu.memref_slice %arg6[%dma_start3A_245, %dma_start3A_252] : memref<208x64xi32, #tpu.memory_space<vmem>> -> memref<1x64xi32, #tpu.memory_space<vmem>>
    %dma_start3A_254 = tpu.memref_squeeze %dma_start3A_253 : memref<1x64xi32, #tpu.memory_space<vmem>> -> memref<64xi32, #tpu.memory_space<vmem>>
    %dma_start3A_255 = arith.constant 0 : i32
    %dma_start3A_256 = arith.constant 0 : i32
    %dma_start3A_257 = tpu.memref_slice %arg2[%dma_start3A_244, %dma_start3A_255, %dma_start3A_256] : memref<26x100001x128xf32, #tpu.memory_space<hbm>> -> memref<1x100001x128xf32, #tpu.memory_space<hbm>>
    %dma_start3A_258 = tpu.memref_squeeze %dma_start3A_257 : memref<1x100001x128xf32, #tpu.memory_space<hbm>> -> memref<100001x128xf32, #tpu.memory_space<hbm>>
    %dma_start3A_259 = arith.constant 0 : i32
    %dma_start3A_260 = arith.constant 0 : i32
    %dma_start3A_261 = tpu.memref_slice %dma_start3A_258[%dma_start3A_259, %dma_start3A_260] : memref<100001x128xf32, #tpu.memory_space<hbm>> -> memref<100001x128xf32, #tpu.memory_space<hbm>>
    %dma_start3A_262 = tpu.memref_slice %arg9[%dma_start3A_247] : memref<4x!tpu.dma_semaphore, #tpu.memory_space<semaphore_mem>> -> memref<1x!tpu.dma_semaphore, #tpu.memory_space<semaphore_mem>>
    %dma_start3A_263 = tpu.memref_squeeze %dma_start3A_262 : memref<1x!tpu.dma_semaphore, #tpu.memory_space<semaphore_mem>> -> memref<!tpu.dma_semaphore, #tpu.memory_space<semaphore_mem>>
    tpu.enqueue_indirect_dma source(%dma_start3A_261 : memref<100001x128xf32, #tpu.memory_space<hbm>>) target(%dma_start3A_251 : memref<64x128xf32, #tpu.memory_space<vmem>>) offsets(%dma_start3A_254 : memref<64xi32, #tpu.memory_space<vmem>>) semaphore(%dma_start3A_263 : memref<!tpu.dma_semaphore, #tpu.memory_space<semaphore_mem>>)
    %dma_start3A_264 = arith.constant 0 : i32
    %dma_start3A_265 = arith.constant 2 : i32
    %dma_start3A_266 = arith.constant 2 : i32
    %dma_start3A_267 = arith.constant 2 : i32
    %dma_start3A_268 = arith.constant 0 : i32
    %dma_start3A_269 = arith.constant 0 : i32
    %dma_start3A_270 = tpu.memref_slice %arg7[%dma_start3A_266, %dma_start3A_268, %dma_start3A_269] : memref<4x64x128xf32, #tpu.memory_space<vmem>> -> memref<1x64x128xf32, #tpu.memory_space<vmem>>
    %dma_start3A_271 = tpu.memref_squeeze %dma_start3A_270 : memref<1x64x128xf32, #tpu.memory_space<vmem>> -> memref<64x128xf32, #tpu.memory_space<vmem>>
    %dma_start3A_272 = arith.constant 0 : i32
    %dma_start3A_273 = tpu.memref_slice %arg6[%dma_start3A_265, %dma_start3A_272] : memref<208x64xi32, #tpu.memory_space<vmem>> -> memref<1x64xi32, #tpu.memory_space<vmem>>
    %dma_start3A_274 = tpu.memref_squeeze %dma_start3A_273 : memref<1x64xi32, #tpu.memory_space<vmem>> -> memref<64xi32, #tpu.memory_space<vmem>>
    %dma_start3A_275 = arith.constant 0 : i32
    %dma_start3A_276 = arith.constant 0 : i32
    %dma_start3A_277 = tpu.memref_slice %arg2[%dma_start3A_264, %dma_start3A_275, %dma_start3A_276] : memref<26x100001x128xf32, #tpu.memory_space<hbm>> -> memref<1x100001x128xf32, #tpu.memory_space<hbm>>
    %dma_start3A_278 = tpu.memref_squeeze %dma_start3A_277 : memref<1x100001x128xf32, #tpu.memory_space<hbm>> -> memref<100001x128xf32, #tpu.memory_space<hbm>>
    %dma_start3A_279 = arith.constant 0 : i32
    %dma_start3A_280 = arith.constant 0 : i32
    %dma_start3A_281 = tpu.memref_slice %dma_start3A_278[%dma_start3A_279, %dma_start3A_280] : memref<100001x128xf32, #tpu.memory_space<hbm>> -> memref<100001x128xf32, #tpu.memory_space<hbm>>
    %dma_start3A_282 = tpu.memref_slice %arg9[%dma_start3A_267] : memref<4x!tpu.dma_semaphore, #tpu.memory_space<semaphore_mem>> -> memref<1x!tpu.dma_semaphore, #tpu.memory_space<semaphore_mem>>
    %dma_start3A_283 = tpu.memref_squeeze %dma_start3A_282 : memref<1x!tpu.dma_semaphore, #tpu.memory_space<semaphore_mem>> -> memref<!tpu.dma_semaphore, #tpu.memory_space<semaphore_mem>>
    tpu.enqueue_indirect_dma source(%dma_start3A_281 : memref<100001x128xf32, #tpu.memory_space<hbm>>) target(%dma_start3A_271 : memref<64x128xf32, #tpu.memory_space<vmem>>) offsets(%dma_start3A_274 : memref<64xi32, #tpu.memory_space<vmem>>) semaphore(%dma_start3A_283 : memref<!tpu.dma_semaphore, #tpu.memory_space<semaphore_mem>>)
    %dma_start3A_284 = arith.constant 0 : i32
    %dma_start3A_285 = arith.constant 3 : i32
    %dma_start3A_286 = arith.constant 3 : i32
    %dma_start3A_287 = arith.constant 3 : i32
    %dma_start3A_288 = arith.constant 0 : i32
    %dma_start3A_289 = arith.constant 0 : i32
    %dma_start3A_290 = tpu.memref_slice %arg7[%dma_start3A_286, %dma_start3A_288, %dma_start3A_289] : memref<4x64x128xf32, #tpu.memory_space<vmem>> -> memref<1x64x128xf32, #tpu.memory_space<vmem>>
    %dma_start3A_291 = tpu.memref_squeeze %dma_start3A_290 : memref<1x64x128xf32, #tpu.memory_space<vmem>> -> memref<64x128xf32, #tpu.memory_space<vmem>>
    %dma_start3A_292 = arith.constant 0 : i32
    %dma_start3A_293 = tpu.memref_slice %arg6[%dma_start3A_285, %dma_start3A_292] : memref<208x64xi32, #tpu.memory_space<vmem>> -> memref<1x64xi32, #tpu.memory_space<vmem>>
    %dma_start3A_294 = tpu.memref_squeeze %dma_start3A_293 : memref<1x64xi32, #tpu.memory_space<vmem>> -> memref<64xi32, #tpu.memory_space<vmem>>
    %dma_start3A_295 = arith.constant 0 : i32
    %dma_start3A_296 = arith.constant 0 : i32
    %dma_start3A_297 = tpu.memref_slice %arg2[%dma_start3A_284, %dma_start3A_295, %dma_start3A_296] : memref<26x100001x128xf32, #tpu.memory_space<hbm>> -> memref<1x100001x128xf32, #tpu.memory_space<hbm>>
    %dma_start3A_298 = tpu.memref_squeeze %dma_start3A_297 : memref<1x100001x128xf32, #tpu.memory_space<hbm>> -> memref<100001x128xf32, #tpu.memory_space<hbm>>
    %dma_start3A_299 = arith.constant 0 : i32
    %dma_start3A_300 = arith.constant 0 : i32
    %dma_start3A_301 = tpu.memref_slice %dma_start3A_298[%dma_start3A_299, %dma_start3A_300] : memref<100001x128xf32, #tpu.memory_space<hbm>> -> memref<100001x128xf32, #tpu.memory_space<hbm>>
    %dma_start3A_302 = tpu.memref_slice %arg9[%dma_start3A_287] : memref<4x!tpu.dma_semaphore, #tpu.memory_space<semaphore_mem>> -> memref<1x!tpu.dma_semaphore, #tpu.memory_space<semaphore_mem>>
    %dma_start3A_303 = tpu.memref_squeeze %dma_start3A_302 : memref<1x!tpu.dma_semaphore, #tpu.memory_space<semaphore_mem>> -> memref<!tpu.dma_semaphore, #tpu.memory_space<semaphore_mem>>
    tpu.enqueue_indirect_dma source(%dma_start3A_301 : memref<100001x128xf32, #tpu.memory_space<hbm>>) target(%dma_start3A_291 : memref<64x128xf32, #tpu.memory_space<vmem>>) offsets(%dma_start3A_294 : memref<64xi32, #tpu.memory_space<vmem>>) semaphore(%dma_start3A_303 : memref<!tpu.dma_semaphore, #tpu.memory_space<semaphore_mem>>)
    %get3A_304 = arith.constant 0 : i32
    %get3A_305 = arith.index_cast %get3A_304 : i32 to index
    %get3A_306 = arith.constant 256 : index
    %get3A_307 = tpu.vector_load %arg5[%get3A_305, %get3A_306] {strides = array<i32>} : memref<26x512xi32, #tpu.memory_space<vmem>>, vector<1x16xi32>,
    %get3A_308 = vector.shape_cast %get3A_307 : vector<1x16xi32> to vector<16xi32>
    %add3A_309 = arith.constant 1 : i32
    %add3A_310 = vector.broadcast %add3A_309 : i32 to vector<16xi32>
    %add3A_311 = arith.addi %get3A_308, %add3A_310 : vector<16xi32>
    %swap3A_312 = arith.constant 4 : i32
    %swap3A_313 = arith.index_cast %swap3A_312 : i32 to index
    %swap3A_314 = arith.constant 0 : index
    %swap3A_315 = tpu.vector_load %arg6[%swap3A_313, %swap3A_314] {strides = array<i32>} : memref<208x64xi32, #tpu.memory_space<vmem>>, vector<1x16xi32>,
    %swap3A_316 = vector.shape_cast %swap3A_315 : vector<1x16xi32> to vector<16xi32>
    %swap3A_317 = vector.shape_cast %add3A_311 : vector<16xi32> to vector<1x16xi32>
    tpu.vector_store %arg6[%swap3A_313, %swap3A_314], %swap3A_317 {strides = array<i32>} : memref<208x64xi32, #tpu.memory_space<vmem>>, vector<1x16xi32>,
    %get3A_318 = arith.constant 0 : i32
    %get3A_319 = arith.index_cast %get3A_318 : i32 to index
    %get3A_320 = arith.constant 272 : index
    %get3A_321 = tpu.vector_load %arg5[%get3A_319, %get3A_320] {strides = array<i32>} : memref<26x512xi32, #tpu.memory_space<vmem>>, vector<1x16xi32>,
    %get3A_322 = vector.shape_cast %get3A_321 : vector<1x16xi32> to vector<16xi32>
    %add3A_323 = arith.constant 1 : i32
    %add3A_324 = vector.broadcast %add3A_323 : i32 to vector<16xi32>
    %add3A_325 = arith.addi %get3A_322, %add3A_324 : vector<16xi32>
    %swap3A_326 = arith.constant 4 : i32
    %swap3A_327 = arith.index_cast %swap3A_326 : i32 to index
    %swap3A_328 = arith.constant 16 : index
    %swap3A_329 = tpu.vector_load %arg6[%swap3A_327, %swap3A_328] {strides = array<i32>} : memref<208x64xi32, #tpu.memory_space<vmem>>, vector<1x16xi32>,
    %swap3A_330 = vector.shape_cast %swap3A_329 : vector<1x16xi32> to vector<16xi32>
    %swap3A_331 = vector.shape_cast %add3A_325 : vector<16xi32> to vector<1x16xi32>
    tpu.vector_store %arg6[%swap3A_327, %swap3A_328], %swap3A_331 {strides = array<i32>} : memref<208x64xi32, #tpu.memory_space<vmem>>, vector<1x16xi32>,
    %get3A_332 = arith.constant 0 : i32
    %get3A_333 = arith.index_cast %get3A_332 : i32 to index
    %get3A_334 = arith.constant 288 : index
    %get3A_335 = tpu.vector_load %arg5[%get3A_333, %get3A_334] {strides = array<i32>} : memref<26x512xi32, #tpu.memory_space<vmem>>, vector<1x16xi32>,
    %get3A_336 = vector.shape_cast %get3A_335 : vector<1x16xi32> to vector<16xi32>
    %add3A_337 = arith.constant 1 : i32
    %add3A_338 = vector.broadcast %add3A_337 : i32 to vector<16xi32>
    %add3A_339 = arith.addi %get3A_336, %add3A_338 : vector<16xi32>
    %swap3A_340 = arith.constant 4 : i32
    %swap3A_341 = arith.index_cast %swap3A_340 : i32 to index
    %swap3A_342 = arith.constant 32 : index
    %swap3A_343 = tpu.vector_load %arg6[%swap3A_341, %swap3A_342] {strides = array<i32>} : memref<208x64xi32, #tpu.memory_space<vmem>>, vector<1x16xi32>,
    %swap3A_344 = vector.shape_cast %swap3A_343 : vector<1x16xi32> to vector<16xi32>
    %swap3A_345 = vector.shape_cast %add3A_339 : vector<16xi32> to vector<1x16xi32>
    tpu.vector_store %arg6[%swap3A_341, %swap3A_342], %swap3A_345 {strides = array<i32>} : memref<208x64xi32, #tpu.memory_space<vmem>>, vector<1x16xi32>,
    %get3A_346 = arith.constant 0 : i32
    %get3A_347 = arith.index_cast %get3A_346 : i32 to index
    %get3A_348 = arith.constant 304 : index
    %get3A_349 = tpu.vector_load %arg5[%get3A_347, %get3A_348] {strides = array<i32>} : memref<26x512xi32, #tpu.memory_space<vmem>>, vector<1x16xi32>,
    %get3A_350 = vector.shape_cast %get3A_349 : vector<1x16xi32> to vector<16xi32>
    %add3A_351 = arith.constant 1 : i32
    %add3A_352 = vector.broadcast %add3A_351 : i32 to vector<16xi32>
    %add3A_353 = arith.addi %get3A_350, %add3A_352 : vector<16xi32>
    %swap3A_354 = arith.constant 4 : i32
    %swap3A_355 = arith.index_cast %swap3A_354 : i32 to index
    %swap3A_356 = arith.constant 48 : index
    %swap3A_357 = tpu.vector_load %arg6[%swap3A_355, %swap3A_356] {strides = array<i32>} : memref<208x64xi32, #tpu.memory_space<vmem>>, vector<1x16xi32>,
    %swap3A_358 = vector.shape_cast %swap3A_357 : vector<1x16xi32> to vector<16xi32>
    %swap3A_359 = vector.shape_cast %add3A_353 : vector<16xi32> to vector<1x16xi32>
    tpu.vector_store %arg6[%swap3A_355, %swap3A_356], %swap3A_359 {strides = array<i32>} : memref<208x64xi32, #tpu.memory_space<vmem>>, vector<1x16xi32>,
    %get3A_360 = arith.constant 0 : i32
    %get3A_361 = arith.index_cast %get3A_360 : i32 to index
    %get3A_362 = arith.constant 320 : index
    %get3A_363 = tpu.vector_load %arg5[%get3A_361, %get3A_362] {strides = array<i32>} : memref<26x512xi32, #tpu.memory_space<vmem>>, vector<1x16xi32>,
    %get3A_364 = vector.shape_cast %get3A_363 : vector<1x16xi32> to vector<16xi32>
    %add3A_365 = arith.constant 1 : i32
    %add3A_366 = vector.broadcast %add3A_365 : i32 to vector<16xi32>
    %add3A_367 = arith.addi %get3A_364, %add3A_366 : vector<16xi32>
    %swap3A_368 = arith.constant 5 : i32
    %swap3A_369 = arith.index_cast %swap3A_368 : i32 to index
    %swap3A_370 = arith.constant 0 : index
    %swap3A_371 = tpu.vector_load %arg6[%swap3A_369, %swap3A_370] {strides = array<i32>} : memref<208x64xi32, #tpu.memory_space<vmem>>, vector<1x16xi32>,
    %swap3A_372 = vector.shape_cast %swap3A_371 : vector<1x16xi32> to vector<16xi32>
    %swap3A_373 = vector.shape_cast %add3A_367 : vector<16xi32> to vector<1x16xi32>
    tpu.vector_store %arg6[%swap3A_369, %swap3A_370], %swap3A_373 {strides = array<i32>} : memref<208x64xi32, #tpu.memory_space<vmem>>, vector<1x16xi32>,
    %get3A_374 = arith.constant 0 : i32
    %get3A_375 = arith.index_cast %get3A_374 : i32 to index
    %get3A_376 = arith.constant 336 : index
    %get3A_377 = tpu.vector_load %arg5[%get3A_375, %get3A_376] {strides = array<i32>} : memref<26x512xi32, #tpu.memory_space<vmem>>, vector<1x16xi32>,
    %get3A_378 = vector.shape_cast %get3A_377 : vector<1x16xi32> to vector<16xi32>
    %add3A_379 = arith.constant 1 : i32
    %add3A_380 = vector.broadcast %add3A_379 : i32 to vector<16xi32>
    %add3A_381 = arith.addi %get3A_378, %add3A_380 : vector<16xi32>
    %swap3A_382 = arith.constant 5 : i32
    %swap3A_383 = arith.index_cast %swap3A_382 : i32 to index
    %swap3A_384 = arith.constant 16 : index
    %swap3A_385 = tpu.vector_load %arg6[%swap3A_383, %swap3A_384] {strides = array<i32>} : memref<208x64xi32, #tpu.memory_space<vmem>>, vector<1x16xi32>,
    %swap3A_386 = vector.shape_cast %swap3A_385 : vector<1x16xi32> to vector<16xi32>
    %swap3A_387 = vector.shape_cast %add3A_381 : vector<16xi32> to vector<1x16xi32>
    tpu.vector_store %arg6[%swap3A_383, %swap3A_384], %swap3A_387 {strides = array<i32>} : memref<208x64xi32, #tpu.memory_space<vmem>>, vector<1x16xi32>,
    %get3A_388 = arith.constant 0 : i32
    %get3A_389 = arith.index_cast %get3A_388 : i32 to index
    %get3A_390 = arith.constant 352 : index
    %get3A_391 = tpu.vector_load %arg5[%get3A_389, %get3A_390] {strides = array<i32>} : memref<26x512xi32, #tpu.memory_space<vmem>>, vector<1x16xi32>,
    %get3A_392 = vector.shape_cast %get3A_391 : vector<1x16xi32> to vector<16xi32>
    %add3A_393 = arith.constant 1 : i32
    %add3A_394 = vector.broadcast %add3A_393 : i32 to vector<16xi32>
    %add3A_395 = arith.addi %get3A_392, %add3A_394 : vector<16xi32>
    %swap3A_396 = arith.constant 5 : i32
    %swap3A_397 = arith.index_cast %swap3A_396 : i32 to index
    %swap3A_398 = arith.constant 32 : index
    %swap3A_399 = tpu.vector_load %arg6[%swap3A_397, %swap3A_398] {strides = array<i32>} : memref<208x64xi32, #tpu.memory_space<vmem>>, vector<1x16xi32>,
    %swap3A_400 = vector.shape_cast %swap3A_399 : vector<1x16xi32> to vector<16xi32>
    %swap3A_401 = vector.shape_cast %add3A_395 : vector<16xi32> to vector<1x16xi32>
    tpu.vector_store %arg6[%swap3A_397, %swap3A_398], %swap3A_401 {strides = array<i32>} : memref<208x64xi32, #tpu.memory_space<vmem>>, vector<1x16xi32>,
    %get3A_402 = arith.constant 0 : i32
    %get3A_403 = arith.index_cast %get3A_402 : i32 to index
    %get3A_404 = arith.constant 368 : index
    %get3A_405 = tpu.vector_load %arg5[%get3A_403, %get3A_404] {strides = array<i32>} : memref<26x512xi32, #tpu.memory_space<vmem>>, vector<1x16xi32>,
    %get3A_406 = vector.shape_cast %get3A_405 : vector<1x16xi32> to vector<16xi32>
    %add3A_407 = arith.constant 1 : i32
    %add3A_408 = vector.broadcast %add3A_407 : i32 to vector<16xi32>
    %add3A_409 = arith.addi %get3A_406, %add3A_408 : vector<16xi32>
    %swap3A_410 = arith.constant 5 : i32
    %swap3A_411 = arith.index_cast %swap3A_410 : i32 to index
    %swap3A_412 = arith.constant 48 : index
    %swap3A_413 = tpu.vector_load %arg6[%swap3A_411, %swap3A_412] {strides = array<i32>} : memref<208x64xi32, #tpu.memory_space<vmem>>, vector<1x16xi32>,
    %swap3A_414 = vector.shape_cast %swap3A_413 : vector<1x16xi32> to vector<16xi32>
    %swap3A_415 = vector.shape_cast %add3A_409 : vector<16xi32> to vector<1x16xi32>
    tpu.vector_store %arg6[%swap3A_411, %swap3A_412], %swap3A_415 {strides = array<i32>} : memref<208x64xi32, #tpu.memory_space<vmem>>, vector<1x16xi32>,
    %get3A_416 = arith.constant 0 : i32
    %get3A_417 = arith.index_cast %get3A_416 : i32 to index
    %get3A_418 = arith.constant 384 : index
    %get3A_419 = tpu.vector_load %arg5[%get3A_417, %get3A_418] {strides = array<i32>} : memref<26x512xi32, #tpu.memory_space<vmem>>, vector<1x16xi32>,
    %get3A_420 = vector.shape_cast %get3A_419 : vector<1x16xi32> to vector<16xi32>
    %add3A_421 = arith.constant 1 : i32
    %add3A_422 = vector.broadcast %add3A_421 : i32 to vector<16xi32>
    %add3A_423 = arith.addi %get3A_420, %add3A_422 : vector<16xi32>
    %swap3A_424 = arith.constant 6 : i32
    %swap3A_425 = arith.index_cast %swap3A_424 : i32 to index
    %swap3A_426 = arith.constant 0 : index
    %swap3A_427 = tpu.vector_load %arg6[%swap3A_425, %swap3A_426] {strides = array<i32>} : memref<208x64xi32, #tpu.memory_space<vmem>>, vector<1x16xi32>,
    %swap3A_428 = vector.shape_cast %swap3A_427 : vector<1x16xi32> to vector<16xi32>
    %swap3A_429 = vector.shape_cast %add3A_423 : vector<16xi32> to vector<1x16xi32>
    tpu.vector_store %arg6[%swap3A_425, %swap3A_426], %swap3A_429 {strides = array<i32>} : memref<208x64xi32, #tpu.memory_space<vmem>>, vector<1x16xi32>,
    %get3A_430 = arith.constant 0 : i32
    %get3A_431 = arith.index_cast %get3A_430 : i32 to index
    %get3A_432 = arith.constant 400 : index
    %get3A_433 = tpu.vector_load %arg5[%get3A_431, %get3A_432] {strides = array<i32>} : memref<26x512xi32, #tpu.memory_space<vmem>>, vector<1x16xi32>,
    %get3A_434 = vector.shape_cast %get3A_433 : vector<1x16xi32> to vector<16xi32>
    %add3A_435 = arith.constant 1 : i32
    %add3A_436 = vector.broadcast %add3A_435 : i32 to vector<16xi32>
    %add3A_437 = arith.addi %get3A_434, %add3A_436 : vector<16xi32>
    %swap3A_438 = arith.constant 6 : i32
    %swap3A_439 = arith.index_cast %swap3A_438 : i32 to index
    %swap3A_440 = arith.constant 16 : index
    %swap3A_441 = tpu.vector_load %arg6[%swap3A_439, %swap3A_440] {strides = array<i32>} : memref<208x64xi32, #tpu.memory_space<vmem>>, vector<1x16xi32>,
    %swap3A_442 = vector.shape_cast %swap3A_441 : vector<1x16xi32> to vector<16xi32>
    %swap3A_443 = vector.shape_cast %add3A_437 : vector<16xi32> to vector<1x16xi32>
    tpu.vector_store %arg6[%swap3A_439, %swap3A_440], %swap3A_443 {strides = array<i32>} : memref<208x64xi32, #tpu.memory_space<vmem>>, vector<1x16xi32>,
    %get3A_444 = arith.constant 0 : i32
    %get3A_445 = arith.index_cast %get3A_444 : i32 to index
    %get3A_446 = arith.constant 416 : index
    %get3A_447 = tpu.vector_load %arg5[%get3A_445, %get3A_446] {strides = array<i32>} : memref<26x512xi32, #tpu.memory_space<vmem>>, vector<1x16xi32>,
    %get3A_448 = vector.shape_cast %get3A_447 : vector<1x16xi32> to vector<16xi32>
    %add3A_449 = arith.constant 1 : i32
    %add3A_450 = vector.broadcast %add3A_449 : i32 to vector<16xi32>
    %add3A_451 = arith.addi %get3A_448, %add3A_450 : vector<16xi32>
    %swap3A_452 = arith.constant 6 : i32
    %swap3A_453 = arith.index_cast %swap3A_452 : i32 to index
    %swap3A_454 = arith.constant 32 : index
    %swap3A_455 = tpu.vector_load %arg6[%swap3A_453, %swap3A_454] {strides = array<i32>} : memref<208x64xi32, #tpu.memory_space<vmem>>, vector<1x16xi32>,
    %swap3A_456 = vector.shape_cast %swap3A_455 : vector<1x16xi32> to vector<16xi32>
    %swap3A_457 = vector.shape_cast %add3A_451 : vector<16xi32> to vector<1x16xi32>
    tpu.vector_store %arg6[%swap3A_453, %swap3A_454], %swap3A_457 {strides = array<i32>} : memref<208x64xi32, #tpu.memory_space<vmem>>, vector<1x16xi32>,
    %get3A_458 = arith.constant 0 : i32
    %get3A_459 = arith.index_cast %get3A_458 : i32 to index
    %get3A_460 = arith.constant 432 : index
    %get3A_461 = tpu.vector_load %arg5[%get3A_459, %get3A_460] {strides = array<i32>} : memref<26x512xi32, #tpu.memory_space<vmem>>, vector<1x16xi32>,
    %get3A_462 = vector.shape_cast %get3A_461 : vector<1x16xi32> to vector<16xi32>
    %add3A_463 = arith.constant 1 : i32
    %add3A_464 = vector.broadcast %add3A_463 : i32 to vector<16xi32>
    %add3A_465 = arith.addi %get3A_462, %add3A_464 : vector<16xi32>
    %swap3A_466 = arith.constant 6 : i32
    %swap3A_467 = arith.index_cast %swap3A_466 : i32 to index
    %swap3A_468 = arith.constant 48 : index
    %swap3A_469 = tpu.vector_load %arg6[%swap3A_467, %swap3A_468] {strides = array<i32>} : memref<208x64xi32, #tpu.memory_space<vmem>>, vector<1x16xi32>,
    %swap3A_470 = vector.shape_cast %swap3A_469 : vector<1x16xi32> to vector<16xi32>
    %swap3A_471 = vector.shape_cast %add3A_465 : vector<16xi32> to vector<1x16xi32>
    tpu.vector_store %arg6[%swap3A_467, %swap3A_468], %swap3A_471 {strides = array<i32>} : memref<208x64xi32, #tpu.memory_space<vmem>>, vector<1x16xi32>,
    %get3A_472 = arith.constant 0 : i32
    %get3A_473 = arith.index_cast %get3A_472 : i32 to index
    %get3A_474 = arith.constant 448 : index
    %get3A_475 = tpu.vector_load %arg5[%get3A_473, %get3A_474] {strides = array<i32>} : memref<26x512xi32, #tpu.memory_space<vmem>>, vector<1x16xi32>,
    %get3A_476 = vector.shape_cast %get3A_475 : vector<1x16xi32> to vector<16xi32>
    %add3A_477 = arith.constant 1 : i32
    %add3A_478 = vector.broadcast %add3A_477 : i32 to vector<16xi32>
    %add3A_479 = arith.addi %get3A_476, %add3A_478 : vector<16xi32>
    %swap3A_480 = arith.constant 7 : i32
    %swap3A_481 = arith.index_cast %swap3A_480 : i32 to index
    %swap3A_482 = arith.constant 0 : index
    %swap3A_483 = tpu.vector_load %arg6[%swap3A_481, %swap3A_482] {strides = array<i32>} : memref<208x64xi32, #tpu.memory_space<vmem>>, vector<1x16xi32>,
    %swap3A_484 = vector.shape_cast %swap3A_483 : vector<1x16xi32> to vector<16xi32>
    %swap3A_485 = vector.shape_cast %add3A_479 : vector<16xi32> to vector<1x16xi32>
    tpu.vector_store %arg6[%swap3A_481, %swap3A_482], %swap3A_485 {strides = array<i32>} : memref<208x64xi32, #tpu.memory_space<vmem>>, vector<1x16xi32>,
    %get3A_486 = arith.constant 0 : i32
    %get3A_487 = arith.index_cast %get3A_486 : i32 to index
    %get3A_488 = arith.constant 464 : index
    %get3A_489 = tpu.vector_load %arg5[%get3A_487, %get3A_488] {strides = array<i32>} : memref<26x512xi32, #tpu.memory_space<vmem>>, vector<1x16xi32>,
    %get3A_490 = vector.shape_cast %get3A_489 : vector<1x16xi32> to vector<16xi32>
    %add3A_491 = arith.constant 1 : i32
    %add3A_492 = vector.broadcast %add3A_491 : i32 to vector<16xi32>
    %add3A_493 = arith.addi %get3A_490, %add3A_492 : vector<16xi32>
    %swap3A_494 = arith.constant 7 : i32
    %swap3A_495 = arith.index_cast %swap3A_494 : i32 to index
    %swap3A_496 = arith.constant 16 : index
    %swap3A_497 = tpu.vector_load %arg6[%swap3A_495, %swap3A_496] {strides = array<i32>} : memref<208x64xi32, #tpu.memory_space<vmem>>, vector<1x16xi32>,
    %swap3A_498 = vector.shape_cast %swap3A_497 : vector<1x16xi32> to vector<16xi32>
    %swap3A_499 = vector.shape_cast %add3A_493 : vector<16xi32> to vector<1x16xi32>
    tpu.vector_store %arg6[%swap3A_495, %swap3A_496], %swap3A_499 {strides = array<i32>} : memref<208x64xi32, #tpu.memory_space<vmem>>, vector<1x16xi32>,
    %get3A_500 = arith.constant 0 : i32
    %get3A_501 = arith.index_cast %get3A_500 : i32 to index
    %get3A_502 = arith.constant 480 : index
    %get3A_503 = tpu.vector_load %arg5[%get3A_501, %get3A_502] {strides = array<i32>} : memref<26x512xi32, #tpu.memory_space<vmem>>, vector<1x16xi32>,
    %get3A_504 = vector.shape_cast %get3A_503 : vector<1x16xi32> to vector<16xi32>
    %add3A_505 = arith.constant 1 : i32
    %add3A_506 = vector.broadcast %add3A_505 : i32 to vector<16xi32>
    %add3A_507 = arith.addi %get3A_504, %add3A_506 : vector<16xi32>
    %swap3A_508 = arith.constant 7 : i32
    %swap3A_509 = arith.index_cast %swap3A_508 : i32 to index
    %swap3A_510 = arith.constant 32 : index
    %swap3A_511 = tpu.vector_load %arg6[%swap3A_509, %swap3A_510] {strides = array<i32>} : memref<208x64xi32, #tpu.memory_space<vmem>>, vector<1x16xi32>,
    %swap3A_512 = vector.shape_cast %swap3A_511 : vector<1x16xi32> to vector<16xi32>
    %swap3A_513 = vector.shape_cast %add3A_507 : vector<16xi32> to vector<1x16xi32>
    tpu.vector_store %arg6[%swap3A_509, %swap3A_510], %swap3A_513 {strides = array<i32>} : memref<208x64xi32, #tpu.memory_space<vmem>>, vector<1x16xi32>,
    %get3A_514 = arith.constant 0 : i32
    %get3A_515 = arith.index_cast %get3A_514 : i32 to index
    %get3A_516 = arith.constant 496 : index
    %get3A_517 = tpu.vector_load %arg5[%get3A_515, %get3A_516] {strides = array<i32>} : memref<26x512xi32, #tpu.memory_space<vmem>>, vector<1x16xi32>,
    %get3A_518 = vector.shape_cast %get3A_517 : vector<1x16xi32> to vector<16xi32>
    %add3A_519 = arith.constant 1 : i32
    %add3A_520 = vector.broadcast %add3A_519 : i32 to vector<16xi32>
    %add3A_521 = arith.addi %get3A_518, %add3A_520 : vector<16xi32>
    %swap3A_522 = arith.constant 7 : i32
    %swap3A_523 = arith.index_cast %swap3A_522 : i32 to index
    %swap3A_524 = arith.constant 48 : index
    %swap3A_525 = tpu.vector_load %arg6[%swap3A_523, %swap3A_524] {strides = array<i32>} : memref<208x64xi32, #tpu.memory_space<vmem>>, vector<1x16xi32>,
    %swap3A_526 = vector.shape_cast %swap3A_525 : vector<1x16xi32> to vector<16xi32>
    %swap3A_527 = vector.shape_cast %add3A_521 : vector<16xi32> to vector<1x16xi32>
    tpu.vector_store %arg6[%swap3A_523, %swap3A_524], %swap3A_527 {strides = array<i32>} : memref<208x64xi32, #tpu.memory_space<vmem>>, vector<1x16xi32>,
    %dma_wait3A = arith.constant 0 : i32
    %dma_wait3A_528 = arith.constant 0 : i32
    %dma_wait3A_529 = arith.constant 0 : i32
    %dma_wait3A_530 = arith.constant 0 : i32
    %dma_wait3A_531 = arith.constant 0 : i32
    %dma_wait3A_532 = arith.constant 0 : i32
    %dma_wait3A_533 = tpu.memref_slice %arg7[%dma_wait3A_529, %dma_wait3A_531, %dma_wait3A_532] : memref<4x64x128xf32, #tpu.memory_space<vmem>> -> memref<1x64x128xf32, #tpu.memory_space<vmem>>
    %dma_wait3A_534 = tpu.memref_squeeze %dma_wait3A_533 : memref<1x64x128xf32, #tpu.memory_space<vmem>> -> memref<64x128xf32, #tpu.memory_space<vmem>>
    %dma_wait3A_535 = arith.constant 0 : i32
    %dma_wait3A_536 = tpu.memref_slice %arg6[%dma_wait3A_528, %dma_wait3A_535] : memref<208x64xi32, #tpu.memory_space<vmem>> -> memref<1x64xi32, #tpu.memory_space<vmem>>
    %dma_wait3A_537 = tpu.memref_squeeze %dma_wait3A_536 : memref<1x64xi32, #tpu.memory_space<vmem>> -> memref<64xi32, #tpu.memory_space<vmem>>
    %dma_wait3A_538 = arith.constant 0 : i32
    %dma_wait3A_539 = arith.constant 0 : i32
    %dma_wait3A_540 = tpu.memref_slice %arg2[%dma_wait3A, %dma_wait3A_538, %dma_wait3A_539] : memref<26x100001x128xf32, #tpu.memory_space<hbm>> -> memref<1x100001x128xf32, #tpu.memory_space<hbm>>
    %dma_wait3A_541 = tpu.memref_squeeze %dma_wait3A_540 : memref<1x100001x128xf32, #tpu.memory_space<hbm>> -> memref<100001x128xf32, #tpu.memory_space<hbm>>
    %dma_wait3A_542 = arith.constant 0 : i32
    %dma_wait3A_543 = arith.constant 0 : i32
    %dma_wait3A_544 = tpu.memref_slice %dma_wait3A_541[%dma_wait3A_542, %dma_wait3A_543] : memref<100001x128xf32, #tpu.memory_space<hbm>> -> memref<100001x128xf32, #tpu.memory_space<hbm>>
    %dma_wait3A_545 = tpu.memref_slice %arg9[%dma_wait3A_530] : memref<4x!tpu.dma_semaphore, #tpu.memory_space<semaphore_mem>> -> memref<1x!tpu.dma_semaphore, #tpu.memory_space<semaphore_mem>>
    %dma_wait3A_546 = tpu.memref_squeeze %dma_wait3A_545 : memref<1x!tpu.dma_semaphore, #tpu.memory_space<semaphore_mem>> -> memref<!tpu.dma_semaphore, #tpu.memory_space<semaphore_mem>>
    tpu.wait_indirect_dma semaphore(%dma_wait3A_546 : memref<!tpu.dma_semaphore, #tpu.memory_space<semaphore_mem>>) src(%dma_wait3A_544 : memref<100001x128xf32, #tpu.memory_space<hbm>>) dst(%dma_wait3A_534 : memref<64x128xf32, #tpu.memory_space<vmem>>)
    %dma_start3A_547 = arith.constant 0 : i32
    %dma_start3A_548 = arith.constant 0 : i32
    %dma_start3A_549 = arith.constant 0 : i32
    %dma_start3A_550 = arith.constant 0 : i32
    %dma_start3A_551 = arith.constant 0 : i32
    %dma_start3A_552 = tpu.memref_slice %arg7[%dma_start3A_547, %dma_start3A_550, %dma_start3A_551] : memref<4x64x128xf32, #tpu.memory_space<vmem>> -> memref<1x64x128xf32, #tpu.memory_space<vmem>>
    %dma_start3A_553 = tpu.memref_squeeze %dma_start3A_552 : memref<1x64x128xf32, #tpu.memory_space<vmem>> -> memref<64x128xf32, #tpu.memory_space<vmem>>
    %dma_start3A_554 = arith.constant 0 : i32
    %dma_start3A_555 = arith.constant 0 : i32
    %dma_start3A_556 = tpu.memref_slice %arg8[%arg1, %dma_start3A_548, %dma_start3A_554, %dma_start3A_555] : memref<16x4x64x128xf32, #tpu.memory_space<vmem_shared>> -> memref<1x1x64x128xf32, #tpu.memory_space<vmem_shared>>
    %dma_start3A_557 = tpu.memref_squeeze %dma_start3A_556 : memref<1x1x64x128xf32, #tpu.memory_space<vmem_shared>> -> memref<64x128xf32, #tpu.memory_space<vmem_shared>>
    %dma_start3A_558 = tpu.memref_slice %arg10[%dma_start3A_549] : memref<4x!tpu.dma_semaphore, #tpu.memory_space<semaphore_mem>> -> memref<1x!tpu.dma_semaphore, #tpu.memory_space<semaphore_mem>>
    %dma_start3A_559 = tpu.memref_squeeze %dma_start3A_558 : memref<1x!tpu.dma_semaphore, #tpu.memory_space<semaphore_mem>> -> memref<!tpu.dma_semaphore, #tpu.memory_space<semaphore_mem>>
    %dma_start3A_560 = arith.constant 0 : i32
    %dma_start3A_561 = arith.constant 0 : i32
    %dma_start3A_562 = tpu.memref_slice %arg8[%arg1, %dma_start3A_548, %dma_start3A_560, %dma_start3A_561] : memref<16x4x64x128xf32, #tpu.memory_space<vmem_shared>> -> memref<1x1x64x128xf32, #tpu.memory_space<vmem_shared>>
    %dma_start3A_563 = tpu.memref_squeeze %dma_start3A_562 : memref<1x1x64x128xf32, #tpu.memory_space<vmem_shared>> -> memref<64x128xf32, #tpu.memory_space<vmem_shared>>
    %dma_start3A_564 = arith.constant 0 : i32
    %dma_start3A_565 = arith.constant 0 : i32
    %dma_start3A_566 = tpu.memref_slice %arg7[%dma_start3A_547, %dma_start3A_564, %dma_start3A_565] : memref<4x64x128xf32, #tpu.memory_space<vmem>> -> memref<1x64x128xf32, #tpu.memory_space<vmem>>
    %dma_start3A_567 = tpu.memref_squeeze %dma_start3A_566 : memref<1x64x128xf32, #tpu.memory_space<vmem>> -> memref<64x128xf32, #tpu.memory_space<vmem>>
    tpu.enqueue_dma source(%dma_start3A_567 : memref<64x128xf32, #tpu.memory_space<vmem>>) target(%dma_start3A_563 : memref<64x128xf32, #tpu.memory_space<vmem_shared>>) target_semaphore(%dma_start3A_559 : memref<!tpu.dma_semaphore, #tpu.memory_space<semaphore_mem>>)
    %dma_wait3A_568 = arith.constant 0 : i32
    %dma_wait3A_569 = arith.constant 1 : i32
    %dma_wait3A_570 = arith.constant 1 : i32
    %dma_wait3A_571 = arith.constant 1 : i32
    %dma_wait3A_572 = arith.constant 0 : i32
    %dma_wait3A_573 = arith.constant 0 : i32
    %dma_wait3A_574 = tpu.memref_slice %arg7[%dma_wait3A_570, %dma_wait3A_572, %dma_wait3A_573] : memref<4x64x128xf32, #tpu.memory_space<vmem>> -> memref<1x64x128xf32, #tpu.memory_space<vmem>>
    %dma_wait3A_575 = tpu.memref_squeeze %dma_wait3A_574 : memref<1x64x128xf32, #tpu.memory_space<vmem>> -> memref<64x128xf32, #tpu.memory_space<vmem>>
    %dma_wait3A_576 = arith.constant 0 : i32
    %dma_wait3A_577 = tpu.memref_slice %arg6[%dma_wait3A_569, %dma_wait3A_576] : memref<208x64xi32, #tpu.memory_space<vmem>> -> memref<1x64xi32, #tpu.memory_space<vmem>>
    %dma_wait3A_578 = tpu.memref_squeeze %dma_wait3A_577 : memref<1x64xi32, #tpu.memory_space<vmem>> -> memref<64xi32, #tpu.memory_space<vmem>>
    %dma_wait3A_579 = arith.constant 0 : i32
    %dma_wait3A_580 = arith.constant 0 : i32
    %dma_wait3A_581 = tpu.memref_slice %arg2[%dma_wait3A_568, %dma_wait3A_579, %dma_wait3A_580] : memref<26x100001x128xf32, #tpu.memory_space<hbm>> -> memref<1x100001x128xf32, #tpu.memory_space<hbm>>
    %dma_wait3A_582 = tpu.memref_squeeze %dma_wait3A_581 : memref<1x100001x128xf32, #tpu.memory_space<hbm>> -> memref<100001x128xf32, #tpu.memory_space<hbm>>
    %dma_wait3A_583 = arith.constant 0 : i32
    %dma_wait3A_584 = arith.constant 0 : i32
    %dma_wait3A_585 = tpu.memref_slice %dma_wait3A_582[%dma_wait3A_583, %dma_wait3A_584] : memref<100001x128xf32, #tpu.memory_space<hbm>> -> memref<100001x128xf32, #tpu.memory_space<hbm>>
    %dma_wait3A_586 = tpu.memref_slice %arg9[%dma_wait3A_571] : memref<4x!tpu.dma_semaphore, #tpu.memory_space<semaphore_mem>> -> memref<1x!tpu.dma_semaphore, #tpu.memory_space<semaphore_mem>>
    %dma_wait3A_587 = tpu.memref_squeeze %dma_wait3A_586 : memref<1x!tpu.dma_semaphore, #tpu.memory_space<semaphore_mem>> -> memref<!tpu.dma_semaphore, #tpu.memory_space<semaphore_mem>>
    tpu.wait_indirect_dma semaphore(%dma_wait3A_587 : memref<!tpu.dma_semaphore, #tpu.memory_space<semaphore_mem>>) src(%dma_wait3A_585 : memref<100001x128xf32, #tpu.memory_space<hbm>>) dst(%dma_wait3A_575 : memref<64x128xf32, #tpu.memory_space<vmem>>)
    %dma_start3A_588 = arith.constant 1 : i32
    %dma_start3A_589 = arith.constant 1 : i32
    %dma_start3A_590 = arith.constant 1 : i32
    %dma_start3A_591 = arith.constant 0 : i32
    %dma_start3A_592 = arith.constant 0 : i32
    %dma_start3A_593 = tpu.memref_slice %arg7[%dma_start3A_588, %dma_start3A_591, %dma_start3A_592] : memref<4x64x128xf32, #tpu.memory_space<vmem>> -> memref<1x64x128xf32, #tpu.memory_space<vmem>>
    %dma_start3A_594 = tpu.memref_squeeze %dma_start3A_593 : memref<1x64x128xf32, #tpu.memory_space<vmem>> -> memref<64x128xf32, #tpu.memory_space<vmem>>
    %dma_start3A_595 = arith.constant 0 : i32
    %dma_start3A_596 = arith.constant 0 : i32
    %dma_start3A_597 = tpu.memref_slice %arg8[%arg1, %dma_start3A_589, %dma_start3A_595, %dma_start3A_596] : memref<16x4x64x128xf32, #tpu.memory_space<vmem_shared>> -> memref<1x1x64x128xf32, #tpu.memory_space<vmem_shared>>
    %dma_start3A_598 = tpu.memref_squeeze %dma_start3A_597 : memref<1x1x64x128xf32, #tpu.memory_space<vmem_shared>> -> memref<64x128xf32, #tpu.memory_space<vmem_shared>>
    %dma_start3A_599 = tpu.memref_slice %arg10[%dma_start3A_590] : memref<4x!tpu.dma_semaphore, #tpu.memory_space<semaphore_mem>> -> memref<1x!tpu.dma_semaphore, #tpu.memory_space<semaphore_mem>>
    %dma_start3A_600 = tpu.memref_squeeze %dma_start3A_599 : memref<1x!tpu.dma_semaphore, #tpu.memory_space<semaphore_mem>> -> memref<!tpu.dma_semaphore, #tpu.memory_space<semaphore_mem>>
    %dma_start3A_601 = arith.constant 0 : i32
    %dma_start3A_602 = arith.constant 0 : i32
    %dma_start3A_603 = tpu.memref_slice %arg8[%arg1, %dma_start3A_589, %dma_start3A_601, %dma_start3A_602] : memref<16x4x64x128xf32, #tpu.memory_space<vmem_shared>> -> memref<1x1x64x128xf32, #tpu.memory_space<vmem_shared>>
    %dma_start3A_604 = tpu.memref_squeeze %dma_start3A_603 : memref<1x1x64x128xf32, #tpu.memory_space<vmem_shared>> -> memref<64x128xf32, #tpu.memory_space<vmem_shared>>
    %dma_start3A_605 = arith.constant 0 : i32
    %dma_start3A_606 = arith.constant 0 : i32
    %dma_start3A_607 = tpu.memref_slice %arg7[%dma_start3A_588, %dma_start3A_605, %dma_start3A_606] : memref<4x64x128xf32, #tpu.memory_space<vmem>> -> memref<1x64x128xf32, #tpu.memory_space<vmem>>
    %dma_start3A_608 = tpu.memref_squeeze %dma_start3A_607 : memref<1x64x128xf32, #tpu.memory_space<vmem>> -> memref<64x128xf32, #tpu.memory_space<vmem>>
    tpu.enqueue_dma source(%dma_start3A_608 : memref<64x128xf32, #tpu.memory_space<vmem>>) target(%dma_start3A_604 : memref<64x128xf32, #tpu.memory_space<vmem_shared>>) target_semaphore(%dma_start3A_600 : memref<!tpu.dma_semaphore, #tpu.memory_space<semaphore_mem>>)
    %dma_wait3A_609 = arith.constant 0 : i32
    %dma_wait3A_610 = arith.constant 2 : i32
    %dma_wait3A_611 = arith.constant 2 : i32
    %dma_wait3A_612 = arith.constant 2 : i32
    %dma_wait3A_613 = arith.constant 0 : i32
    %dma_wait3A_614 = arith.constant 0 : i32
    %dma_wait3A_615 = tpu.memref_slice %arg7[%dma_wait3A_611, %dma_wait3A_613, %dma_wait3A_614] : memref<4x64x128xf32, #tpu.memory_space<vmem>> -> memref<1x64x128xf32, #tpu.memory_space<vmem>>
    %dma_wait3A_616 = tpu.memref_squeeze %dma_wait3A_615 : memref<1x64x128xf32, #tpu.memory_space<vmem>> -> memref<64x128xf32, #tpu.memory_space<vmem>>
    %dma_wait3A_617 = arith.constant 0 : i32
    %dma_wait3A_618 = tpu.memref_slice %arg6[%dma_wait3A_610, %dma_wait3A_617] : memref<208x64xi32, #tpu.memory_space<vmem>> -> memref<1x64xi32, #tpu.memory_space<vmem>>
    %dma_wait3A_619 = tpu.memref_squeeze %dma_wait3A_618 : memref<1x64xi32, #tpu.memory_space<vmem>> -> memref<64xi32, #tpu.memory_space<vmem>>
    %dma_wait3A_620 = arith.constant 0 : i32
    %dma_wait3A_621 = arith.constant 0 : i32
    %dma_wait3A_622 = tpu.memref_slice %arg2[%dma_wait3A_609, %dma_wait3A_620, %dma_wait3A_621] : memref<26x100001x128xf32, #tpu.memory_space<hbm>> -> memref<1x100001x128xf32, #tpu.memory_space<hbm>>
    %dma_wait3A_623 = tpu.memref_squeeze %dma_wait3A_622 : memref<1x100001x128xf32, #tpu.memory_space<hbm>> -> memref<100001x128xf32, #tpu.memory_space<hbm>>
    %dma_wait3A_624 = arith.constant 0 : i32
    %dma_wait3A_625 = arith.constant 0 : i32
    %dma_wait3A_626 = tpu.memref_slice %dma_wait3A_623[%dma_wait3A_624, %dma_wait3A_625] : memref<100001x128xf32, #tpu.memory_space<hbm>> -> memref<100001x128xf32, #tpu.memory_space<hbm>>
    %dma_wait3A_627 = tpu.memref_slice %arg9[%dma_wait3A_612] : memref<4x!tpu.dma_semaphore, #tpu.memory_space<semaphore_mem>> -> memref<1x!tpu.dma_semaphore, #tpu.memory_space<semaphore_mem>>
    %dma_wait3A_628 = tpu.memref_squeeze %dma_wait3A_627 : memref<1x!tpu.dma_semaphore, #tpu.memory_space<semaphore_mem>> -> memref<!tpu.dma_semaphore, #tpu.memory_space<semaphore_mem>>
    tpu.wait_indirect_dma semaphore(%dma_wait3A_628 : memref<!tpu.dma_semaphore, #tpu.memory_space<semaphore_mem>>) src(%dma_wait3A_626 : memref<100001x128xf32, #tpu.memory_space<hbm>>) dst(%dma_wait3A_616 : memref<64x128xf32, #tpu.memory_space<vmem>>)
    %dma_start3A_629 = arith.constant 2 : i32
    %dma_start3A_630 = arith.constant 2 : i32
    %dma_start3A_631 = arith.constant 2 : i32
    %dma_start3A_632 = arith.constant 0 : i32
    %dma_start3A_633 = arith.constant 0 : i32
    %dma_start3A_634 = tpu.memref_slice %arg7[%dma_start3A_629, %dma_start3A_632, %dma_start3A_633] : memref<4x64x128xf32, #tpu.memory_space<vmem>> -> memref<1x64x128xf32, #tpu.memory_space<vmem>>
    %dma_start3A_635 = tpu.memref_squeeze %dma_start3A_634 : memref<1x64x128xf32, #tpu.memory_space<vmem>> -> memref<64x128xf32, #tpu.memory_space<vmem>>
    %dma_start3A_636 = arith.constant 0 : i32
    %dma_start3A_637 = arith.constant 0 : i32
    %dma_start3A_638 = tpu.memref_slice %arg8[%arg1, %dma_start3A_630, %dma_start3A_636, %dma_start3A_637] : memref<16x4x64x128xf32, #tpu.memory_space<vmem_shared>> -> memref<1x1x64x128xf32, #tpu.memory_space<vmem_shared>>
    %dma_start3A_639 = tpu.memref_squeeze %dma_start3A_638 : memref<1x1x64x128xf32, #tpu.memory_space<vmem_shared>> -> memref<64x128xf32, #tpu.memory_space<vmem_shared>>
    %dma_start3A_640 = tpu.memref_slice %arg10[%dma_start3A_631] : memref<4x!tpu.dma_semaphore, #tpu.memory_space<semaphore_mem>> -> memref<1x!tpu.dma_semaphore, #tpu.memory_space<semaphore_mem>>
    %dma_start3A_641 = tpu.memref_squeeze %dma_start3A_640 : memref<1x!tpu.dma_semaphore, #tpu.memory_space<semaphore_mem>> -> memref<!tpu.dma_semaphore, #tpu.memory_space<semaphore_mem>>
    %dma_start3A_642 = arith.constant 0 : i32
    %dma_start3A_643 = arith.constant 0 : i32
    %dma_start3A_644 = tpu.memref_slice %arg8[%arg1, %dma_start3A_630, %dma_start3A_642, %dma_start3A_643] : memref<16x4x64x128xf32, #tpu.memory_space<vmem_shared>> -> memref<1x1x64x128xf32, #tpu.memory_space<vmem_shared>>
    %dma_start3A_645 = tpu.memref_squeeze %dma_start3A_644 : memref<1x1x64x128xf32, #tpu.memory_space<vmem_shared>> -> memref<64x128xf32, #tpu.memory_space<vmem_shared>>
    %dma_start3A_646 = arith.constant 0 : i32
    %dma_start3A_647 = arith.constant 0 : i32
    %dma_start3A_648 = tpu.memref_slice %arg7[%dma_start3A_629, %dma_start3A_646, %dma_start3A_647] : memref<4x64x128xf32, #tpu.memory_space<vmem>> -> memref<1x64x128xf32, #tpu.memory_space<vmem>>
    %dma_start3A_649 = tpu.memref_squeeze %dma_start3A_648 : memref<1x64x128xf32, #tpu.memory_space<vmem>> -> memref<64x128xf32, #tpu.memory_space<vmem>>
    tpu.enqueue_dma source(%dma_start3A_649 : memref<64x128xf32, #tpu.memory_space<vmem>>) target(%dma_start3A_645 : memref<64x128xf32, #tpu.memory_space<vmem_shared>>) target_semaphore(%dma_start3A_641 : memref<!tpu.dma_semaphore, #tpu.memory_space<semaphore_mem>>)
    %dma_wait3A_650 = arith.constant 0 : i32
    %dma_wait3A_651 = arith.constant 3 : i32
    %dma_wait3A_652 = arith.constant 3 : i32
    %dma_wait3A_653 = arith.constant 3 : i32
    %dma_wait3A_654 = arith.constant 0 : i32
    %dma_wait3A_655 = arith.constant 0 : i32
    %dma_wait3A_656 = tpu.memref_slice %arg7[%dma_wait3A_652, %dma_wait3A_654, %dma_wait3A_655] : memref<4x64x128xf32, #tpu.memory_space<vmem>> -> memref<1x64x128xf32, #tpu.memory_space<vmem>>
    %dma_wait3A_657 = tpu.memref_squeeze %dma_wait3A_656 : memref<1x64x128xf32, #tpu.memory_space<vmem>> -> memref<64x128xf32, #tpu.memory_space<vmem>>
    %dma_wait3A_658 = arith.constant 0 : i32
    %dma_wait3A_659 = tpu.memref_slice %arg6[%dma_wait3A_651, %dma_wait3A_658] : memref<208x64xi32, #tpu.memory_space<vmem>> -> memref<1x64xi32, #tpu.memory_space<vmem>>
    %dma_wait3A_660 = tpu.memref_squeeze %dma_wait3A_659 : memref<1x64xi32, #tpu.memory_space<vmem>> -> memref<64xi32, #tpu.memory_space<vmem>>
    %dma_wait3A_661 = arith.constant 0 : i32
    %dma_wait3A_662 = arith.constant 0 : i32
    %dma_wait3A_663 = tpu.memref_slice %arg2[%dma_wait3A_650, %dma_wait3A_661, %dma_wait3A_662] : memref<26x100001x128xf32, #tpu.memory_space<hbm>> -> memref<1x100001x128xf32, #tpu.memory_space<hbm>>
    %dma_wait3A_664 = tpu.memref_squeeze %dma_wait3A_663 : memref<1x100001x128xf32, #tpu.memory_space<hbm>> -> memref<100001x128xf32, #tpu.memory_space<hbm>>
    %dma_wait3A_665 = arith.constant 0 : i32
    %dma_wait3A_666 = arith.constant 0 : i32
    %dma_wait3A_667 = tpu.memref_slice %dma_wait3A_664[%dma_wait3A_665, %dma_wait3A_666] : memref<100001x128xf32, #tpu.memory_space<hbm>> -> memref<100001x128xf32, #tpu.memory_space<hbm>>
    %dma_wait3A_668 = tpu.memref_slice %arg9[%dma_wait3A_653] : memref<4x!tpu.dma_semaphore, #tpu.memory_space<semaphore_mem>> -> memref<1x!tpu.dma_semaphore, #tpu.memory_space<semaphore_mem>>
    %dma_wait3A_669 = tpu.memref_squeeze %dma_wait3A_668 : memref<1x!tpu.dma_semaphore, #tpu.memory_space<semaphore_mem>> -> memref<!tpu.dma_semaphore, #tpu.memory_space<semaphore_mem>>
    tpu.wait_indirect_dma semaphore(%dma_wait3A_669 : memref<!tpu.dma_semaphore, #tpu.memory_space<semaphore_mem>>) src(%dma_wait3A_667 : memref<100001x128xf32, #tpu.memory_space<hbm>>) dst(%dma_wait3A_657 : memref<64x128xf32, #tpu.memory_space<vmem>>)
    %dma_start3A_670 = arith.constant 3 : i32
    %dma_start3A_671 = arith.constant 3 : i32
    %dma_start3A_672 = arith.constant 3 : i32
    %dma_start3A_673 = arith.constant 0 : i32
    %dma_start3A_674 = arith.constant 0 : i32
    %dma_start3A_675 = tpu.memref_slice %arg7[%dma_start3A_670, %dma_start3A_673, %dma_start3A_674] : memref<4x64x128xf32, #tpu.memory_space<vmem>> -> memref<1x64x128xf32, #tpu.memory_space<vmem>>
    %dma_start3A_676 = tpu.memref_squeeze %dma_start3A_675 : memref<1x64x128xf32, #tpu.memory_space<vmem>> -> memref<64x128xf32, #tpu.memory_space<vmem>>
    %dma_start3A_677 = arith.constant 0 : i32
    %dma_start3A_678 = arith.constant 0 : i32
    %dma_start3A_679 = tpu.memref_slice %arg8[%arg1, %dma_start3A_671, %dma_start3A_677, %dma_start3A_678] : memref<16x4x64x128xf32, #tpu.memory_space<vmem_shared>> -> memref<1x1x64x128xf32, #tpu.memory_space<vmem_shared>>
    %dma_start3A_680 = tpu.memref_squeeze %dma_start3A_679 : memref<1x1x64x128xf32, #tpu.memory_space<vmem_shared>> -> memref<64x128xf32, #tpu.memory_space<vmem_shared>>
    %dma_start3A_681 = tpu.memref_slice %arg10[%dma_start3A_672] : memref<4x!tpu.dma_semaphore, #tpu.memory_space<semaphore_mem>> -> memref<1x!tpu.dma_semaphore, #tpu.memory_space<semaphore_mem>>
    %dma_start3A_682 = tpu.memref_squeeze %dma_start3A_681 : memref<1x!tpu.dma_semaphore, #tpu.memory_space<semaphore_mem>> -> memref<!tpu.dma_semaphore, #tpu.memory_space<semaphore_mem>>
    %dma_start3A_683 = arith.constant 0 : i32
    %dma_start3A_684 = arith.constant 0 : i32
    %dma_start3A_685 = tpu.memref_slice %arg8[%arg1, %dma_start3A_671, %dma_start3A_683, %dma_start3A_684] : memref<16x4x64x128xf32, #tpu.memory_space<vmem_shared>> -> memref<1x1x64x128xf32, #tpu.memory_space<vmem_shared>>
    %dma_start3A_686 = tpu.memref_squeeze %dma_start3A_685 : memref<1x1x64x128xf32, #tpu.memory_space<vmem_shared>> -> memref<64x128xf32, #tpu.memory_space<vmem_shared>>
    %dma_start3A_687 = arith.constant 0 : i32
    %dma_start3A_688 = arith.constant 0 : i32
    %dma_start3A_689 = tpu.memref_slice %arg7[%dma_start3A_670, %dma_start3A_687, %dma_start3A_688] : memref<4x64x128xf32, #tpu.memory_space<vmem>> -> memref<1x64x128xf32, #tpu.memory_space<vmem>>
    %dma_start3A_690 = tpu.memref_squeeze %dma_start3A_689 : memref<1x64x128xf32, #tpu.memory_space<vmem>> -> memref<64x128xf32, #tpu.memory_space<vmem>>
    tpu.enqueue_dma source(%dma_start3A_690 : memref<64x128xf32, #tpu.memory_space<vmem>>) target(%dma_start3A_686 : memref<64x128xf32, #tpu.memory_space<vmem_shared>>) target_semaphore(%dma_start3A_682 : memref<!tpu.dma_semaphore, #tpu.memory_space<semaphore_mem>>)
    %dma_wait3A_691 = arith.constant 0 : i32
    %dma_wait3A_692 = arith.constant 0 : i32
    %dma_wait3A_693 = arith.constant 0 : i32
    %dma_wait3A_694 = arith.constant 0 : i32
    %dma_wait3A_695 = arith.constant 0 : i32
    %dma_wait3A_696 = tpu.memref_slice %arg7[%dma_wait3A_691, %dma_wait3A_694, %dma_wait3A_695] : memref<4x64x128xf32, #tpu.memory_space<vmem>> -> memref<1x64x128xf32, #tpu.memory_space<vmem>>
    %dma_wait3A_697 = tpu.memref_squeeze %dma_wait3A_696 : memref<1x64x128xf32, #tpu.memory_space<vmem>> -> memref<64x128xf32, #tpu.memory_space<vmem>>
    %dma_wait3A_698 = arith.constant 0 : i32
    %dma_wait3A_699 = arith.constant 0 : i32
    %dma_wait3A_700 = tpu.memref_slice %arg8[%arg1, %dma_wait3A_692, %dma_wait3A_698, %dma_wait3A_699] : memref<16x4x64x128xf32, #tpu.memory_space<vmem_shared>> -> memref<1x1x64x128xf32, #tpu.memory_space<vmem_shared>>
    %dma_wait3A_701 = tpu.memref_squeeze %dma_wait3A_700 : memref<1x1x64x128xf32, #tpu.memory_space<vmem_shared>> -> memref<64x128xf32, #tpu.memory_space<vmem_shared>>
    %dma_wait3A_702 = tpu.memref_slice %arg10[%dma_wait3A_693] : memref<4x!tpu.dma_semaphore, #tpu.memory_space<semaphore_mem>> -> memref<1x!tpu.dma_semaphore, #tpu.memory_space<semaphore_mem>>
    %dma_wait3A_703 = tpu.memref_squeeze %dma_wait3A_702 : memref<1x!tpu.dma_semaphore, #tpu.memory_space<semaphore_mem>> -> memref<!tpu.dma_semaphore, #tpu.memory_space<semaphore_mem>>
    %dma_wait3A_704 = arith.constant 0 : i32
    %dma_wait3A_705 = arith.constant 0 : i32
    %dma_wait3A_706 = tpu.memref_slice %arg8[%arg1, %dma_wait3A_692, %dma_wait3A_704, %dma_wait3A_705] : memref<16x4x64x128xf32, #tpu.memory_space<vmem_shared>> -> memref<1x1x64x128xf32, #tpu.memory_space<vmem_shared>>
    %dma_wait3A_707 = tpu.memref_squeeze %dma_wait3A_706 : memref<1x1x64x128xf32, #tpu.memory_space<vmem_shared>> -> memref<64x128xf32, #tpu.memory_space<vmem_shared>>
    %dma_wait3A_708 = arith.constant 0 : i32
    %dma_wait3A_709 = arith.constant 0 : i32
    %dma_wait3A_710 = tpu.memref_slice %arg7[%dma_wait3A_691, %dma_wait3A_708, %dma_wait3A_709] : memref<4x64x128xf32, #tpu.memory_space<vmem>> -> memref<1x64x128xf32, #tpu.memory_space<vmem>>
    %dma_wait3A_711 = tpu.memref_squeeze %dma_wait3A_710 : memref<1x64x128xf32, #tpu.memory_space<vmem>> -> memref<64x128xf32, #tpu.memory_space<vmem>>
    tpu.wait_dma2 semaphore(%dma_wait3A_703 : memref<!tpu.dma_semaphore, #tpu.memory_space<semaphore_mem>>) src(%dma_wait3A_711 : memref<64x128xf32, #tpu.memory_space<vmem>>) dst(%dma_wait3A_707 : memref<64x128xf32, #tpu.memory_space<vmem_shared>>)
    %add3A_712 = arith.constant 0 : i32
    %add3A_713 = arith.addi %mul3A_2, %add3A_712 : i32
    %dma_start3A_714 = arith.constant 0 : i32
    %dma_start3A_715 = arith.constant 0 : i32
    %dma_start3A_716 = tpu.memref_slice %arg11[%dma_start3A_715] : memref<4x!tpu.dma_semaphore, #tpu.memory_space<semaphore_mem>> -> memref<1x!tpu.dma_semaphore, #tpu.memory_space<semaphore_mem>>
    %dma_start3A_717 = tpu.memref_squeeze %dma_start3A_716 : memref<1x!tpu.dma_semaphore, #tpu.memory_space<semaphore_mem>> -> memref<!tpu.dma_semaphore, #tpu.memory_space<semaphore_mem>>
    %dma_start3A_718 = arith.constant 0 : i32
    %dma_start3A_719 = tpu.memref_slice %arg4[%add3A_713, %dma_start3A_718] : memref<16384x3328xf32, #tpu.memory_space<hbm>> -> memref<64x128xf32, #tpu.memory_space<hbm>>
    %dma_start3A_720 = arith.constant 0 : i32
    %dma_start3A_721 = arith.constant 0 : i32
    %dma_start3A_722 = tpu.memref_slice %arg8[%arg1, %dma_start3A_714, %dma_start3A_720, %dma_start3A_721] : memref<16x4x64x128xf32, #tpu.memory_space<vmem_shared>> -> memref<1x1x64x128xf32, #tpu.memory_space<vmem_shared>>
    %dma_start3A_723 = tpu.memref_squeeze %dma_start3A_722 : memref<1x1x64x128xf32, #tpu.memory_space<vmem_shared>> -> memref<64x128xf32, #tpu.memory_space<vmem_shared>>
    tpu.enqueue_dma source(%dma_start3A_723 : memref<64x128xf32, #tpu.memory_space<vmem_shared>>) target(%dma_start3A_719 : memref<64x128xf32, #tpu.memory_space<hbm>>) target_semaphore(%dma_start3A_717 : memref<!tpu.dma_semaphore, #tpu.memory_space<semaphore_mem>>)
    %dma_start3A_724 = arith.constant 0 : i32
    %dma_start3A_725 = arith.constant 4 : i32
    %dma_start3A_726 = arith.constant 0 : i32
    %dma_start3A_727 = arith.constant 0 : i32
    %dma_start3A_728 = arith.constant 0 : i32
    %dma_start3A_729 = arith.constant 0 : i32
    %dma_start3A_730 = tpu.memref_slice %arg7[%dma_start3A_726, %dma_start3A_728, %dma_start3A_729] : memref<4x64x128xf32, #tpu.memory_space<vmem>> -> memref<1x64x128xf32, #tpu.memory_space<vmem>>
    %dma_start3A_731 = tpu.memref_squeeze %dma_start3A_730 : memref<1x64x128xf32, #tpu.memory_space<vmem>> -> memref<64x128xf32, #tpu.memory_space<vmem>>
    %dma_start3A_732 = arith.constant 0 : i32
    %dma_start3A_733 = tpu.memref_slice %arg6[%dma_start3A_725, %dma_start3A_732] : memref<208x64xi32, #tpu.memory_space<vmem>> -> memref<1x64xi32, #tpu.memory_space<vmem>>
    %dma_start3A_734 = tpu.memref_squeeze %dma_start3A_733 : memref<1x64xi32, #tpu.memory_space<vmem>> -> memref<64xi32, #tpu.memory_space<vmem>>
    %dma_start3A_735 = arith.constant 0 : i32
    %dma_start3A_736 = arith.constant 0 : i32
    %dma_start3A_737 = tpu.memref_slice %arg2[%dma_start3A_724, %dma_start3A_735, %dma_start3A_736] : memref<26x100001x128xf32, #tpu.memory_space<hbm>> -> memref<1x100001x128xf32, #tpu.memory_space<hbm>>
    %dma_start3A_738 = tpu.memref_squeeze %dma_start3A_737 : memref<1x100001x128xf32, #tpu.memory_space<hbm>> -> memref<100001x128xf32, #tpu.memory_space<hbm>>
    %dma_start3A_739 = arith.constant 0 : i32
    %dma_start3A_740 = arith.constant 0 : i32
    %dma_start3A_741 = tpu.memref_slice %dma_start3A_738[%dma_start3A_739, %dma_start3A_740] : memref<100001x128xf32, #tpu.memory_space<hbm>> -> memref<100001x128xf32, #tpu.memory_space<hbm>>
    %dma_start3A_742 = tpu.memref_slice %arg9[%dma_start3A_727] : memref<4x!tpu.dma_semaphore, #tpu.memory_space<semaphore_mem>> -> memref<1x!tpu.dma_semaphore, #tpu.memory_space<semaphore_mem>>
    %dma_start3A_743 = tpu.memref_squeeze %dma_start3A_742 : memref<1x!tpu.dma_semaphore, #tpu.memory_space<semaphore_mem>> -> memref<!tpu.dma_semaphore, #tpu.memory_space<semaphore_mem>>
    tpu.enqueue_indirect_dma source(%dma_start3A_741 : memref<100001x128xf32, #tpu.memory_space<hbm>>) target(%dma_start3A_731 : memref<64x128xf32, #tpu.memory_space<vmem>>) offsets(%dma_start3A_734 : memref<64xi32, #tpu.memory_space<vmem>>) semaphore(%dma_start3A_743 : memref<!tpu.dma_semaphore, #tpu.memory_space<semaphore_mem>>)
    %dma_wait3A_744 = arith.constant 1 : i32
    %dma_wait3A_745 = arith.constant 1 : i32
    %dma_wait3A_746 = arith.constant 1 : i32
    %dma_wait3A_747 = arith.constant 0 : i32
    %dma_wait3A_748 = arith.constant 0 : i32
    %dma_wait3A_749 = tpu.memref_slice %arg7[%dma_wait3A_744, %dma_wait3A_747, %dma_wait3A_748] : memref<4x64x128xf32, #tpu.memory_space<vmem>> -> memref<1x64x128xf32, #tpu.memory_space<vmem>>
    %dma_wait3A_750 = tpu.memref_squeeze %dma_wait3A_749 : memref<1x64x128xf32, #tpu.memory_space<vmem>> -> memref<64x128xf32, #tpu.memory_space<vmem>>
    %dma_wait3A_751 = arith.constant 0 : i32
    %dma_wait3A_752 = arith.constant 0 : i32
    %dma_wait3A_753 = tpu.memref_slice %arg8[%arg1, %dma_wait3A_745, %dma_wait3A_751, %dma_wait3A_752] : memref<16x4x64x128xf32, #tpu.memory_space<vmem_shared>> -> memref<1x1x64x128xf32, #tpu.memory_space<vmem_shared>>
    %dma_wait3A_754 = tpu.memref_squeeze %dma_wait3A_753 : memref<1x1x64x128xf32, #tpu.memory_space<vmem_shared>> -> memref<64x128xf32, #tpu.memory_space<vmem_shared>>
    %dma_wait3A_755 = tpu.memref_slice %arg10[%dma_wait3A_746] : memref<4x!tpu.dma_semaphore, #tpu.memory_space<semaphore_mem>> -> memref<1x!tpu.dma_semaphore, #tpu.memory_space<semaphore_mem>>
    %dma_wait3A_756 = tpu.memref_squeeze %dma_wait3A_755 : memref<1x!tpu.dma_semaphore, #tpu.memory_space<semaphore_mem>> -> memref<!tpu.dma_semaphore, #tpu.memory_space<semaphore_mem>>
    %dma_wait3A_757 = arith.constant 0 : i32
    %dma_wait3A_758 = arith.constant 0 : i32
    %dma_wait3A_759 = tpu.memref_slice %arg8[%arg1, %dma_wait3A_745, %dma_wait3A_757, %dma_wait3A_758] : memref<16x4x64x128xf32, #tpu.memory_space<vmem_shared>> -> memref<1x1x64x128xf32, #tpu.memory_space<vmem_shared>>
    %dma_wait3A_760 = tpu.memref_squeeze %dma_wait3A_759 : memref<1x1x64x128xf32, #tpu.memory_space<vmem_shared>> -> memref<64x128xf32, #tpu.memory_space<vmem_shared>>
    %dma_wait3A_761 = arith.constant 0 : i32
    %dma_wait3A_762 = arith.constant 0 : i32
    %dma_wait3A_763 = tpu.memref_slice %arg7[%dma_wait3A_744, %dma_wait3A_761, %dma_wait3A_762] : memref<4x64x128xf32, #tpu.memory_space<vmem>> -> memref<1x64x128xf32, #tpu.memory_space<vmem>>
    %dma_wait3A_764 = tpu.memref_squeeze %dma_wait3A_763 : memref<1x64x128xf32, #tpu.memory_space<vmem>> -> memref<64x128xf32, #tpu.memory_space<vmem>>
    tpu.wait_dma2 semaphore(%dma_wait3A_756 : memref<!tpu.dma_semaphore, #tpu.memory_space<semaphore_mem>>) src(%dma_wait3A_764 : memref<64x128xf32, #tpu.memory_space<vmem>>) dst(%dma_wait3A_760 : memref<64x128xf32, #tpu.memory_space<vmem_shared>>)
    %add3A_765 = arith.constant 64 : i32
    %add3A_766 = arith.addi %mul3A_2, %add3A_765 : i32
    %dma_start3A_767 = arith.constant 1 : i32
    %dma_start3A_768 = arith.constant 1 : i32
    %dma_start3A_769 = tpu.memref_slice %arg11[%dma_start3A_768] : memref<4x!tpu.dma_semaphore, #tpu.memory_space<semaphore_mem>> -> memref<1x!tpu.dma_semaphore, #tpu.memory_space<semaphore_mem>>
    %dma_start3A_770 = tpu.memref_squeeze %dma_start3A_769 : memref<1x!tpu.dma_semaphore, #tpu.memory_space<semaphore_mem>> -> memref<!tpu.dma_semaphore, #tpu.memory_space<semaphore_mem>>
    %dma_start3A_771 = arith.constant 0 : i32
    %dma_start3A_772 = tpu.memref_slice %arg4[%add3A_766, %dma_start3A_771] : memref<16384x3328xf32, #tpu.memory_space<hbm>> -> memref<64x128xf32, #tpu.memory_space<hbm>>
    %dma_start3A_773 = arith.constant 0 : i32
    %dma_start3A_774 = arith.constant 0 : i32
    %dma_start3A_775 = tpu.memref_slice %arg8[%arg1, %dma_start3A_767, %dma_start3A_773, %dma_start3A_774] : memref<16x4x64x128xf32, #tpu.memory_space<vmem_shared>> -> memref<1x1x64x128xf32, #tpu.memory_space<vmem_shared>>
    %dma_start3A_776 = tpu.memref_squeeze %dma_start3A_775 : memref<1x1x64x128xf32, #tpu.memory_space<vmem_shared>> -> memref<64x128xf32, #tpu.memory_space<vmem_shared>>
    tpu.enqueue_dma source(%dma_start3A_776 : memref<64x128xf32, #tpu.memory_space<vmem_shared>>) target(%dma_start3A_772 : memref<64x128xf32, #tpu.memory_space<hbm>>) target_semaphore(%dma_start3A_770 : memref<!tpu.dma_semaphore, #tpu.memory_space<semaphore_mem>>)
    %dma_start3A_777 = arith.constant 0 : i32
    %dma_start3A_778 = arith.constant 5 : i32
    %dma_start3A_779 = arith.constant 1 : i32
    %dma_start3A_780 = arith.constant 1 : i32
    %dma_start3A_781 = arith.constant 0 : i32
    %dma_start3A_782 = arith.constant 0 : i32
    %dma_start3A_783 = tpu.memref_slice %arg7[%dma_start3A_779, %dma_start3A_781, %dma_start3A_782] : memref<4x64x128xf32, #tpu.memory_space<vmem>> -> memref<1x64x128xf32, #tpu.memory_space<vmem>>
    %dma_start3A_784 = tpu.memref_squeeze %dma_start3A_783 : memref<1x64x128xf32, #tpu.memory_space<vmem>> -> memref<64x128xf32, #tpu.memory_space<vmem>>
    %dma_start3A_785 = arith.constant 0 : i32
    %dma_start3A_786 = tpu.memref_slice %arg6[%dma_start3A_778, %dma_start3A_785] : memref<208x64xi32, #tpu.memory_space<vmem>> -> memref<1x64xi32, #tpu.memory_space<vmem>>
    %dma_start3A_787 = tpu.memref_squeeze %dma_start3A_786 : memref<1x64xi32, #tpu.memory_space<vmem>> -> memref<64xi32, #tpu.memory_space<vmem>>
    %dma_start3A_788 = arith.constant 0 : i32
    %dma_start3A_789 = arith.constant 0 : i32
    %dma_start3A_790 = tpu.memref_slice %arg2[%dma_start3A_777, %dma_start3A_788, %dma_start3A_789] : memref<26x100001x128xf32, #tpu.memory_space<hbm>> -> memref<1x100001x128xf32, #tpu.memory_space<hbm>>
    %dma_start3A_791 = tpu.memref_squeeze %dma_start3A_790 : memref<1x100001x128xf32, #tpu.memory_space<hbm>> -> memref<100001x128xf32, #tpu.memory_space<hbm>>
    %dma_start3A_792 = arith.constant 0 : i32
    %dma_start3A_793 = arith.constant 0 : i32
    %dma_start3A_794 = tpu.memref_slice %dma_start3A_791[%dma_start3A_792, %dma_start3A_793] : memref<100001x128xf32, #tpu.memory_space<hbm>> -> memref<100001x128xf32, #tpu.memory_space<hbm>>
    %dma_start3A_795 = tpu.memref_slice %arg9[%dma_start3A_780] : memref<4x!tpu.dma_semaphore, #tpu.memory_space<semaphore_mem>> -> memref<1x!tpu.dma_semaphore, #tpu.memory_space<semaphore_mem>>
    %dma_start3A_796 = tpu.memref_squeeze %dma_start3A_795 : memref<1x!tpu.dma_semaphore, #tpu.memory_space<semaphore_mem>> -> memref<!tpu.dma_semaphore, #tpu.memory_space<semaphore_mem>>
    tpu.enqueue_indirect_dma source(%dma_start3A_794 : memref<100001x128xf32, #tpu.memory_space<hbm>>) target(%dma_start3A_784 : memref<64x128xf32, #tpu.memory_space<vmem>>) offsets(%dma_start3A_787 : memref<64xi32, #tpu.memory_space<vmem>>) semaphore(%dma_start3A_796 : memref<!tpu.dma_semaphore, #tpu.memory_space<semaphore_mem>>)
    %dma_wait3A_797 = arith.constant 2 : i32
    %dma_wait3A_798 = arith.constant 2 : i32
    %dma_wait3A_799 = arith.constant 2 : i32
    %dma_wait3A_800 = arith.constant 0 : i32
    %dma_wait3A_801 = arith.constant 0 : i32
    %dma_wait3A_802 = tpu.memref_slice %arg7[%dma_wait3A_797, %dma_wait3A_800, %dma_wait3A_801] : memref<4x64x128xf32, #tpu.memory_space<vmem>> -> memref<1x64x128xf32, #tpu.memory_space<vmem>>
    %dma_wait3A_803 = tpu.memref_squeeze %dma_wait3A_802 : memref<1x64x128xf32, #tpu.memory_space<vmem>> -> memref<64x128xf32, #tpu.memory_space<vmem>>
    %dma_wait3A_804 = arith.constant 0 : i32
    %dma_wait3A_805 = arith.constant 0 : i32
    %dma_wait3A_806 = tpu.memref_slice %arg8[%arg1, %dma_wait3A_798, %dma_wait3A_804, %dma_wait3A_805] : memref<16x4x64x128xf32, #tpu.memory_space<vmem_shared>> -> memref<1x1x64x128xf32, #tpu.memory_space<vmem_shared>>
    %dma_wait3A_807 = tpu.memref_squeeze %dma_wait3A_806 : memref<1x1x64x128xf32, #tpu.memory_space<vmem_shared>> -> memref<64x128xf32, #tpu.memory_space<vmem_shared>>
    %dma_wait3A_808 = tpu.memref_slice %arg10[%dma_wait3A_799] : memref<4x!tpu.dma_semaphore, #tpu.memory_space<semaphore_mem>> -> memref<1x!tpu.dma_semaphore, #tpu.memory_space<semaphore_mem>>
    %dma_wait3A_809 = tpu.memref_squeeze %dma_wait3A_808 : memref<1x!tpu.dma_semaphore, #tpu.memory_space<semaphore_mem>> -> memref<!tpu.dma_semaphore, #tpu.memory_space<semaphore_mem>>
    %dma_wait3A_810 = arith.constant 0 : i32
    %dma_wait3A_811 = arith.constant 0 : i32
    %dma_wait3A_812 = tpu.memref_slice %arg8[%arg1, %dma_wait3A_798, %dma_wait3A_810, %dma_wait3A_811] : memref<16x4x64x128xf32, #tpu.memory_space<vmem_shared>> -> memref<1x1x64x128xf32, #tpu.memory_space<vmem_shared>>
    %dma_wait3A_813 = tpu.memref_squeeze %dma_wait3A_812 : memref<1x1x64x128xf32, #tpu.memory_space<vmem_shared>> -> memref<64x128xf32, #tpu.memory_space<vmem_shared>>
    %dma_wait3A_814 = arith.constant 0 : i32
    %dma_wait3A_815 = arith.constant 0 : i32
    %dma_wait3A_816 = tpu.memref_slice %arg7[%dma_wait3A_797, %dma_wait3A_814, %dma_wait3A_815] : memref<4x64x128xf32, #tpu.memory_space<vmem>> -> memref<1x64x128xf32, #tpu.memory_space<vmem>>
    %dma_wait3A_817 = tpu.memref_squeeze %dma_wait3A_816 : memref<1x64x128xf32, #tpu.memory_space<vmem>> -> memref<64x128xf32, #tpu.memory_space<vmem>>
    tpu.wait_dma2 semaphore(%dma_wait3A_809 : memref<!tpu.dma_semaphore, #tpu.memory_space<semaphore_mem>>) src(%dma_wait3A_817 : memref<64x128xf32, #tpu.memory_space<vmem>>) dst(%dma_wait3A_813 : memref<64x128xf32, #tpu.memory_space<vmem_shared>>)
    %add3A_818 = arith.constant 128 : i32
    %add3A_819 = arith.addi %mul3A_2, %add3A_818 : i32
    %dma_start3A_820 = arith.constant 2 : i32
    %dma_start3A_821 = arith.constant 2 : i32
    %dma_start3A_822 = tpu.memref_slice %arg11[%dma_start3A_821] : memref<4x!tpu.dma_semaphore, #tpu.memory_space<semaphore_mem>> -> memref<1x!tpu.dma_semaphore, #tpu.memory_space<semaphore_mem>>
    %dma_start3A_823 = tpu.memref_squeeze %dma_start3A_822 : memref<1x!tpu.dma_semaphore, #tpu.memory_space<semaphore_mem>> -> memref<!tpu.dma_semaphore, #tpu.memory_space<semaphore_mem>>
    %dma_start3A_824 = arith.constant 0 : i32
    %dma_start3A_825 = tpu.memref_slice %arg4[%add3A_819, %dma_start3A_824] : memref<16384x3328xf32, #tpu.memory_space<hbm>> -> memref<64x128xf32, #tpu.memory_space<hbm>>
    %dma_start3A_826 = arith.constant 0 : i32
    %dma_start3A_827 = arith.constant 0 : i32
    %dma_start3A_828 = tpu.memref_slice %arg8[%arg1, %dma_start3A_820, %dma_start3A_826, %dma_start3A_827] : memref<16x4x64x128xf32, #tpu.memory_space<vmem_shared>> -> memref<1x1x64x128xf32, #tpu.memory_space<vmem_shared>>
    %dma_start3A_829 = tpu.memref_squeeze %dma_start3A_828 : memref<1x1x64x128xf32, #tpu.memory_space<vmem_shared>> -> memref<64x128xf32, #tpu.memory_space<vmem_shared>>
    tpu.enqueue_dma source(%dma_start3A_829 : memref<64x128xf32, #tpu.memory_space<vmem_shared>>) target(%dma_start3A_825 : memref<64x128xf32, #tpu.memory_space<hbm>>) target_semaphore(%dma_start3A_823 : memref<!tpu.dma_semaphore, #tpu.memory_space<semaphore_mem>>)
    %dma_start3A_830 = arith.constant 0 : i32
    %dma_start3A_831 = arith.constant 6 : i32
    %dma_start3A_832 = arith.constant 2 : i32
    %dma_start3A_833 = arith.constant 2 : i32
    %dma_start3A_834 = arith.constant 0 : i32
    %dma_start3A_835 = arith.constant 0 : i32
    %dma_start3A_836 = tpu.memref_slice %arg7[%dma_start3A_832, %dma_start3A_834, %dma_start3A_835] : memref<4x64x128xf32, #tpu.memory_space<vmem>> -> memref<1x64x128xf32, #tpu.memory_space<vmem>>
    %dma_start3A_837 = tpu.memref_squeeze %dma_start3A_836 : memref<1x64x128xf32, #tpu.memory_space<vmem>> -> memref<64x128xf32, #tpu.memory_space<vmem>>
    %dma_start3A_838 = arith.constant 0 : i32
    %dma_start3A_839 = tpu.memref_slice %arg6[%dma_start3A_831, %dma_start3A_838] : memref<208x64xi32, #tpu.memory_space<vmem>> -> memref<1x64xi32, #tpu.memory_space<vmem>>
    %dma_start3A_840 = tpu.memref_squeeze %dma_start3A_839 : memref<1x64xi32, #tpu.memory_space<vmem>> -> memref<64xi32, #tpu.memory_space<vmem>>
    %dma_start3A_841 = arith.constant 0 : i32
    %dma_start3A_842 = arith.constant 0 : i32
    %dma_start3A_843 = tpu.memref_slice %arg2[%dma_start3A_830, %dma_start3A_841, %dma_start3A_842] : memref<26x100001x128xf32, #tpu.memory_space<hbm>> -> memref<1x100001x128xf32, #tpu.memory_space<hbm>>
    %dma_start3A_844 = tpu.memref_squeeze %dma_start3A_843 : memref<1x100001x128xf32, #tpu.memory_space<hbm>> -> memref<100001x128xf32, #tpu.memory_space<hbm>>
    %dma_start3A_845 = arith.constant 0 : i32
    %dma_start3A_846 = arith.constant 0 : i32
    %dma_start3A_847 = tpu.memref_slice %dma_start3A_844[%dma_start3A_845, %dma_start3A_846] : memref<100001x128xf32, #tpu.memory_space<hbm>> -> memref<100001x128xf32, #tpu.memory_space<hbm>>
    %dma_start3A_848 = tpu.memref_slice %arg9[%dma_start3A_833] : memref<4x!tpu.dma_semaphore, #tpu.memory_space<semaphore_mem>> -> memref<1x!tpu.dma_semaphore, #tpu.memory_space<semaphore_mem>>
    %dma_start3A_849 = tpu.memref_squeeze %dma_start3A_848 : memref<1x!tpu.dma_semaphore, #tpu.memory_space<semaphore_mem>> -> memref<!tpu.dma_semaphore, #tpu.memory_space<semaphore_mem>>
    tpu.enqueue_indirect_dma source(%dma_start3A_847 : memref<100001x128xf32, #tpu.memory_space<hbm>>) target(%dma_start3A_837 : memref<64x128xf32, #tpu.memory_space<vmem>>) offsets(%dma_start3A_840 : memref<64xi32, #tpu.memory_space<vmem>>) semaphore(%dma_start3A_849 : memref<!tpu.dma_semaphore, #tpu.memory_space<semaphore_mem>>)
    %dma_wait3A_850 = arith.constant 3 : i32
    %dma_wait3A_851 = arith.constant 3 : i32
    %dma_wait3A_852 = arith.constant 3 : i32
    %dma_wait3A_853 = arith.constant 0 : i32
    %dma_wait3A_854 = arith.constant 0 : i32
    %dma_wait3A_855 = tpu.memref_slice %arg7[%dma_wait3A_850, %dma_wait3A_853, %dma_wait3A_854] : memref<4x64x128xf32, #tpu.memory_space<vmem>> -> memref<1x64x128xf32, #tpu.memory_space<vmem>>
    %dma_wait3A_856 = tpu.memref_squeeze %dma_wait3A_855 : memref<1x64x128xf32, #tpu.memory_space<vmem>> -> memref<64x128xf32, #tpu.memory_space<vmem>>
    %dma_wait3A_857 = arith.constant 0 : i32
    %dma_wait3A_858 = arith.constant 0 : i32
    %dma_wait3A_859 = tpu.memref_slice %arg8[%arg1, %dma_wait3A_851, %dma_wait3A_857, %dma_wait3A_858] : memref<16x4x64x128xf32, #tpu.memory_space<vmem_shared>> -> memref<1x1x64x128xf32, #tpu.memory_space<vmem_shared>>
    %dma_wait3A_860 = tpu.memref_squeeze %dma_wait3A_859 : memref<1x1x64x128xf32, #tpu.memory_space<vmem_shared>> -> memref<64x128xf32, #tpu.memory_space<vmem_shared>>
    %dma_wait3A_861 = tpu.memref_slice %arg10[%dma_wait3A_852] : memref<4x!tpu.dma_semaphore, #tpu.memory_space<semaphore_mem>> -> memref<1x!tpu.dma_semaphore, #tpu.memory_space<semaphore_mem>>
    %dma_wait3A_862 = tpu.memref_squeeze %dma_wait3A_861 : memref<1x!tpu.dma_semaphore, #tpu.memory_space<semaphore_mem>> -> memref<!tpu.dma_semaphore, #tpu.memory_space<semaphore_mem>>
    %dma_wait3A_863 = arith.constant 0 : i32
    %dma_wait3A_864 = arith.constant 0 : i32
    %dma_wait3A_865 = tpu.memref_slice %arg8[%arg1, %dma_wait3A_851, %dma_wait3A_863, %dma_wait3A_864] : memref<16x4x64x128xf32, #tpu.memory_space<vmem_shared>> -> memref<1x1x64x128xf32, #tpu.memory_space<vmem_shared>>
    %dma_wait3A_866 = tpu.memref_squeeze %dma_wait3A_865 : memref<1x1x64x128xf32, #tpu.memory_space<vmem_shared>> -> memref<64x128xf32, #tpu.memory_space<vmem_shared>>
    %dma_wait3A_867 = arith.constant 0 : i32
    %dma_wait3A_868 = arith.constant 0 : i32
    %dma_wait3A_869 = tpu.memref_slice %arg7[%dma_wait3A_850, %dma_wait3A_867, %dma_wait3A_868] : memref<4x64x128xf32, #tpu.memory_space<vmem>> -> memref<1x64x128xf32, #tpu.memory_space<vmem>>
    %dma_wait3A_870 = tpu.memref_squeeze %dma_wait3A_869 : memref<1x64x128xf32, #tpu.memory_space<vmem>> -> memref<64x128xf32, #tpu.memory_space<vmem>>
    tpu.wait_dma2 semaphore(%dma_wait3A_862 : memref<!tpu.dma_semaphore, #tpu.memory_space<semaphore_mem>>) src(%dma_wait3A_870 : memref<64x128xf32, #tpu.memory_space<vmem>>) dst(%dma_wait3A_866 : memref<64x128xf32, #tpu.memory_space<vmem_shared>>)
    %add3A_871 = arith.constant 192 : i32
    %add3A_872 = arith.addi %mul3A_2, %add3A_871 : i32
    %dma_start3A_873 = arith.constant 3 : i32
    %dma_start3A_874 = arith.constant 3 : i32
    %dma_start3A_875 = tpu.memref_slice %arg11[%dma_start3A_874] : memref<4x!tpu.dma_semaphore, #tpu.memory_space<semaphore_mem>> -> memref<1x!tpu.dma_semaphore, #tpu.memory_space<semaphore_mem>>
    %dma_start3A_876 = tpu.memref_squeeze %dma_start3A_875 : memref<1x!tpu.dma_semaphore, #tpu.memory_space<semaphore_mem>> -> memref<!tpu.dma_semaphore, #tpu.memory_space<semaphore_mem>>
    %dma_start3A_877 = arith.constant 0 : i32
    %dma_start3A_878 = tpu.memref_slice %arg4[%add3A_872, %dma_start3A_877] : memref<16384x3328xf32, #tpu.memory_space<hbm>> -> memref<64x128xf32, #tpu.memory_space<hbm>>
    %dma_start3A_879 = arith.constant 0 : i32
    %dma_start3A_880 = arith.constant 0 : i32
    %dma_start3A_881 = tpu.memref_slice %arg8[%arg1, %dma_start3A_873, %dma_start3A_879, %dma_start3A_880] : memref<16x4x64x128xf32, #tpu.memory_space<vmem_shared>> -> memref<1x1x64x128xf32, #tpu.memory_space<vmem_shared>>
    %dma_start3A_882 = tpu.memref_squeeze %dma_start3A_881 : memref<1x1x64x128xf32, #tpu.memory_space<vmem_shared>> -> memref<64x128xf32, #tpu.memory_space<vmem_shared>>
    tpu.enqueue_dma source(%dma_start3A_882 : memref<64x128xf32, #tpu.memory_space<vmem_shared>>) target(%dma_start3A_878 : memref<64x128xf32, #tpu.memory_space<hbm>>) target_semaphore(%dma_start3A_876 : memref<!tpu.dma_semaphore, #tpu.memory_space<semaphore_mem>>)
    %dma_start3A_883 = arith.constant 0 : i32
    %dma_start3A_884 = arith.constant 7 : i32
    %dma_start3A_885 = arith.constant 3 : i32
    %dma_start3A_886 = arith.constant 3 : i32
    %dma_start3A_887 = arith.constant 0 : i32
    %dma_start3A_888 = arith.constant 0 : i32
    %dma_start3A_889 = tpu.memref_slice %arg7[%dma_start3A_885, %dma_start3A_887, %dma_start3A_888] : memref<4x64x128xf32, #tpu.memory_space<vmem>> -> memref<1x64x128xf32, #tpu.memory_space<vmem>>
    %dma_start3A_890 = tpu.memref_squeeze %dma_start3A_889 : memref<1x64x128xf32, #tpu.memory_space<vmem>> -> memref<64x128xf32, #tpu.memory_space<vmem>>
    %dma_start3A_891 = arith.constant 0 : i32
    %dma_start3A_892 = tpu.memref_slice %arg6[%dma_start3A_884, %dma_start3A_891] : memref<208x64xi32, #tpu.memory_space<vmem>> -> memref<1x64xi32, #tpu.memory_space<vmem>>
    %dma_start3A_893 = tpu.memref_squeeze %dma_start3A_892 : memref<1x64xi32, #tpu.memory_space<vmem>> -> memref<64xi32, #tpu.memory_space<vmem>>
    %dma_start3A_894 = arith.constant 0 : i32
    %dma_start3A_895 = arith.constant 0 : i32
    %dma_start3A_896 = tpu.memref_slice %arg2[%dma_start3A_883, %dma_start3A_894, %dma_start3A_895] : memref<26x100001x128xf32, #tpu.memory_space<hbm>> -> memref<1x100001x128xf32, #tpu.memory_space<hbm>>
    %dma_start3A_897 = tpu.memref_squeeze %dma_start3A_896 : memref<1x100001x128xf32, #tpu.memory_space<hbm>> -> memref<100001x128xf32, #tpu.memory_space<hbm>>
    %dma_start3A_898 = arith.constant 0 : i32
    %dma_start3A_899 = arith.constant 0 : i32
    %dma_start3A_900 = tpu.memref_slice %dma_start3A_897[%dma_start3A_898, %dma_start3A_899] : memref<100001x128xf32, #tpu.memory_space<hbm>> -> memref<100001x128xf32, #tpu.memory_space<hbm>>
    %dma_start3A_901 = tpu.memref_slice %arg9[%dma_start3A_886] : memref<4x!tpu.dma_semaphore, #tpu.memory_space<semaphore_mem>> -> memref<1x!tpu.dma_semaphore, #tpu.memory_space<semaphore_mem>>
    %dma_start3A_902 = tpu.memref_squeeze %dma_start3A_901 : memref<1x!tpu.dma_semaphore, #tpu.memory_space<semaphore_mem>> -> memref<!tpu.dma_semaphore, #tpu.memory_space<semaphore_mem>>
    tpu.enqueue_indirect_dma source(%dma_start3A_900 : memref<100001x128xf32, #tpu.memory_space<hbm>>) target(%dma_start3A_890 : memref<64x128xf32, #tpu.memory_space<vmem>>) offsets(%dma_start3A_893 : memref<64xi32, #tpu.memory_space<vmem>>) semaphore(%dma_start3A_902 : memref<!tpu.dma_semaphore, #tpu.memory_space<semaphore_mem>>)
    %scan3A = arith.constant 0 : i32
    %scan3A_903 = arith.constant 0 : i32
    %scan3A_904 = arith.constant 50 : i32
    %scan3A_905 = arith.addi %scan3A_903, %scan3A_904 : i32
    %scan3A_906 = arith.constant 1 : i32
    %scan3A_907 = scf.for %scan3A_1301 = %scan3A_903 to %scan3A_905 step %scan3A_906 iter_args(%scan3A_1302 = %scan3A) -> (i32)  : i32 {
      %add3A_1303 = arith.constant 1 : i32
      %add3A_1304 = arith.addi %scan3A_1301, %add3A_1303 : i32
      %add3A_1305 = arith.constant 1 : i32
      %add3A_1306 = arith.addi %add3A_1304, %add3A_1305 : i32
      %mul3A_1307 = arith.constant 4 : i32
      %mul3A_1308 = arith.muli %add3A_1306, %mul3A_1307 : i32
      %add3A_1309 = arith.constant 0 : i32
      %add3A_1310 = arith.addi %mul3A_1308, %add3A_1309 : i32
      %jit3A = arith.constant 8 : i32
      %div3A = arith.divsi %add3A_1310, %jit3A : i32
      %sign3A = arith.constant 0 : i32
      %sign3A_1311 = arith.cmpi sgt, %add3A_1310, %sign3A : i32
      %sign3A_1312 = arith.extui %sign3A_1311 : i1 to i32
      %sign3A_1313 = arith.constant 0 : i32
      %sign3A_1314 = arith.cmpi slt, %add3A_1310, %sign3A_1313 : i32
      %sign3A_1315 = arith.extui %sign3A_1314 : i1 to i32
      %sign3A_1316 = arith.subi %sign3A_1312, %sign3A_1315 : i32
      %sign3A_1317 = arith.constant 0 : i32
      %sign3A_1318 = arith.cmpi sgt, %jit3A, %sign3A_1317 : i32
      %sign3A_1319 = arith.extui %sign3A_1318 : i1 to i32
      %sign3A_1320 = arith.constant 0 : i32
      %sign3A_1321 = arith.cmpi slt, %jit3A, %sign3A_1320 : i32
      %sign3A_1322 = arith.extui %sign3A_1321 : i1 to i32
      %sign3A_1323 = arith.subi %sign3A_1319, %sign3A_1322 : i32
      %ne3A = arith.cmpi ne, %sign3A_1316, %sign3A_1323 : i32
      %rem3A = arith.remsi %add3A_1310, %jit3A : i32
      %ne3A_1324 = arith.constant 0 : i32
      %ne3A_1325 = arith.cmpi ne, %rem3A, %ne3A_1324 : i32
      %and3A = arith.andi %ne3A, %ne3A_1325 : i1
      %sub3A = arith.constant 1 : i32
      %sub3A_1326 = arith.subi %div3A, %sub3A : i32
      %select_n3A = arith.select %and3A, %sub3A_1326, %div3A : i32
      %jit3A_1327 = arith.constant 8 : i32
      %eq3A = arith.constant 0 : i32
      %eq3A_1328 = arith.cmpi eq, %jit3A_1327, %eq3A : i32
      %jit3A_1329 = arith.constant 1 : i32
      %select_n3A_1330 = arith.select %eq3A_1328, %jit3A_1329, %jit3A_1327 : i32
      %rem3A_1331 = arith.remsi %add3A_1310, %select_n3A_1330 : i32
      %ne3A_1332 = arith.constant 0 : i32
      %ne3A_1333 = arith.cmpi ne, %rem3A_1331, %ne3A_1332 : i32
      %lt3A = arith.constant 0 : i32
      %lt3A_1334 = arith.cmpi slt, %rem3A_1331, %lt3A : i32
      %lt3A_1335 = arith.constant 0 : i32
      %lt3A_1336 = arith.cmpi slt, %select_n3A_1330, %lt3A_1335 : i32
      %ne3A_1337 = arith.xori %lt3A_1334, %lt3A_1336 : i1
      %and3A_1338 = arith.andi %ne3A_1337, %ne3A_1333 : i1
      %add3A_1339 = arith.addi %rem3A_1331, %select_n3A_1330 : i32
      %select_n3A_1340 = arith.select %and3A_1338, %add3A_1339, %rem3A_1331 : i32
      %mul3A_1341 = arith.constant 64 : i32
      %mul3A_1342 = arith.muli %select_n3A_1340, %mul3A_1341 : i32
      %add3A_1343 = arith.constant 0 : i32
      %add3A_1344 = arith.addi %mul3A_1342, %add3A_1343 : i32
      %get3A_1345 = arith.index_cast %select_n3A : i32 to index
      %get3A_1346 = arith.index_cast %add3A_1344 : i32 to index
      %get3A_1347 = tpu.vector_load %arg5[%get3A_1345, %get3A_1346] {strides = array<i32>} : memref<26x512xi32, #tpu.memory_space<vmem>>, vector<1x16xi32>,
      %get3A_1348 = vector.shape_cast %get3A_1347 : vector<1x16xi32> to vector<16xi32>
      %add3A_1349 = arith.constant 1 : i32
      %add3A_1350 = vector.broadcast %add3A_1349 : i32 to vector<16xi32>
      %add3A_1351 = arith.addi %get3A_1348, %add3A_1350 : vector<16xi32>
      %swap3A_1352 = arith.index_cast %add3A_1310 : i32 to index
      %swap3A_1353 = arith.constant 0 : index
      %swap3A_1354 = tpu.vector_load %arg6[%swap3A_1352, %swap3A_1353] {strides = array<i32>} : memref<208x64xi32, #tpu.memory_space<vmem>>, vector<1x16xi32>,
      %swap3A_1355 = vector.shape_cast %swap3A_1354 : vector<1x16xi32> to vector<16xi32>
      %swap3A_1356 = vector.shape_cast %add3A_1351 : vector<16xi32> to vector<1x16xi32>
      tpu.vector_store %arg6[%swap3A_1352, %swap3A_1353], %swap3A_1356 {strides = array<i32>} : memref<208x64xi32, #tpu.memory_space<vmem>>, vector<1x16xi32>,
      %mul3A_1357 = arith.constant 64 : i32
      %mul3A_1358 = arith.muli %select_n3A_1340, %mul3A_1357 : i32
      %add3A_1359 = arith.constant 16 : i32
      %add3A_1360 = arith.addi %mul3A_1358, %add3A_1359 : i32
      %get3A_1361 = arith.index_cast %select_n3A : i32 to index
      %get3A_1362 = arith.index_cast %add3A_1360 : i32 to index
      %get3A_1363 = tpu.vector_load %arg5[%get3A_1361, %get3A_1362] {strides = array<i32>} : memref<26x512xi32, #tpu.memory_space<vmem>>, vector<1x16xi32>,
      %get3A_1364 = vector.shape_cast %get3A_1363 : vector<1x16xi32> to vector<16xi32>
      %add3A_1365 = arith.constant 1 : i32
      %add3A_1366 = vector.broadcast %add3A_1365 : i32 to vector<16xi32>
      %add3A_1367 = arith.addi %get3A_1364, %add3A_1366 : vector<16xi32>
      %swap3A_1368 = arith.index_cast %add3A_1310 : i32 to index
      %swap3A_1369 = arith.constant 16 : index
      %swap3A_1370 = tpu.vector_load %arg6[%swap3A_1368, %swap3A_1369] {strides = array<i32>} : memref<208x64xi32, #tpu.memory_space<vmem>>, vector<1x16xi32>,
      %swap3A_1371 = vector.shape_cast %swap3A_1370 : vector<1x16xi32> to vector<16xi32>
      %swap3A_1372 = vector.shape_cast %add3A_1367 : vector<16xi32> to vector<1x16xi32>
      tpu.vector_store %arg6[%swap3A_1368, %swap3A_1369], %swap3A_1372 {strides = array<i32>} : memref<208x64xi32, #tpu.memory_space<vmem>>, vector<1x16xi32>,
      %mul3A_1373 = arith.constant 64 : i32
      %mul3A_1374 = arith.muli %select_n3A_1340, %mul3A_1373 : i32
      %add3A_1375 = arith.constant 32 : i32
      %add3A_1376 = arith.addi %mul3A_1374, %add3A_1375 : i32
      %get3A_1377 = arith.index_cast %select_n3A : i32 to index
      %get3A_1378 = arith.index_cast %add3A_1376 : i32 to index
      %get3A_1379 = tpu.vector_load %arg5[%get3A_1377, %get3A_1378] {strides = array<i32>} : memref<26x512xi32, #tpu.memory_space<vmem>>, vector<1x16xi32>,
      %get3A_1380 = vector.shape_cast %get3A_1379 : vector<1x16xi32> to vector<16xi32>
      %add3A_1381 = arith.constant 1 : i32
      %add3A_1382 = vector.broadcast %add3A_1381 : i32 to vector<16xi32>
      %add3A_1383 = arith.addi %get3A_1380, %add3A_1382 : vector<16xi32>
      %swap3A_1384 = arith.index_cast %add3A_1310 : i32 to index
      %swap3A_1385 = arith.constant 32 : index
      %swap3A_1386 = tpu.vector_load %arg6[%swap3A_1384, %swap3A_1385] {strides = array<i32>} : memref<208x64xi32, #tpu.memory_space<vmem>>, vector<1x16xi32>,
      %swap3A_1387 = vector.shape_cast %swap3A_1386 : vector<1x16xi32> to vector<16xi32>
      %swap3A_1388 = vector.shape_cast %add3A_1383 : vector<16xi32> to vector<1x16xi32>
      tpu.vector_store %arg6[%swap3A_1384, %swap3A_1385], %swap3A_1388 {strides = array<i32>} : memref<208x64xi32, #tpu.memory_space<vmem>>, vector<1x16xi32>,
      %mul3A_1389 = arith.constant 64 : i32
      %mul3A_1390 = arith.muli %select_n3A_1340, %mul3A_1389 : i32
      %add3A_1391 = arith.constant 48 : i32
      %add3A_1392 = arith.addi %mul3A_1390, %add3A_1391 : i32
      %get3A_1393 = arith.index_cast %select_n3A : i32 to index
      %get3A_1394 = arith.index_cast %add3A_1392 : i32 to index
      %get3A_1395 = tpu.vector_load %arg5[%get3A_1393, %get3A_1394] {strides = array<i32>} : memref<26x512xi32, #tpu.memory_space<vmem>>, vector<1x16xi32>,
      %get3A_1396 = vector.shape_cast %get3A_1395 : vector<1x16xi32> to vector<16xi32>
      %add3A_1397 = arith.constant 1 : i32
      %add3A_1398 = vector.broadcast %add3A_1397 : i32 to vector<16xi32>
      %add3A_1399 = arith.addi %get3A_1396, %add3A_1398 : vector<16xi32>
      %swap3A_1400 = arith.index_cast %add3A_1310 : i32 to index
      %swap3A_1401 = arith.constant 48 : index
      %swap3A_1402 = tpu.vector_load %arg6[%swap3A_1400, %swap3A_1401] {strides = array<i32>} : memref<208x64xi32, #tpu.memory_space<vmem>>, vector<1x16xi32>,
      %swap3A_1403 = vector.shape_cast %swap3A_1402 : vector<1x16xi32> to vector<16xi32>
      %swap3A_1404 = vector.shape_cast %add3A_1399 : vector<16xi32> to vector<1x16xi32>
      tpu.vector_store %arg6[%swap3A_1400, %swap3A_1401], %swap3A_1404 {strides = array<i32>} : memref<208x64xi32, #tpu.memory_space<vmem>>, vector<1x16xi32>,
      %add3A_1405 = arith.constant 1 : i32
      %add3A_1406 = arith.addi %add3A_1304, %add3A_1405 : i32
      %mul3A_1407 = arith.constant 4 : i32
      %mul3A_1408 = arith.muli %add3A_1406, %mul3A_1407 : i32
      %add3A_1409 = arith.constant 1 : i32
      %add3A_1410 = arith.addi %mul3A_1408, %add3A_1409 : i32
      %jit3A_1411 = arith.constant 8 : i32
      %div3A_1412 = arith.divsi %add3A_1410, %jit3A_1411 : i32
      %sign3A_1413 = arith.constant 0 : i32
      %sign3A_1414 = arith.cmpi sgt, %add3A_1410, %sign3A_1413 : i32
      %sign3A_1415 = arith.extui %sign3A_1414 : i1 to i32
      %sign3A_1416 = arith.constant 0 : i32
      %sign3A_1417 = arith.cmpi slt, %add3A_1410, %sign3A_1416 : i32
      %sign3A_1418 = arith.extui %sign3A_1417 : i1 to i32
      %sign3A_1419 = arith.subi %sign3A_1415, %sign3A_1418 : i32
      %sign3A_1420 = arith.constant 0 : i32
      %sign3A_1421 = arith.cmpi sgt, %jit3A_1411, %sign3A_1420 : i32
      %sign3A_1422 = arith.extui %sign3A_1421 : i1 to i32
      %sign3A_1423 = arith.constant 0 : i32
      %sign3A_1424 = arith.cmpi slt, %jit3A_1411, %sign3A_1423 : i32
      %sign3A_1425 = arith.extui %sign3A_1424 : i1 to i32
      %sign3A_1426 = arith.subi %sign3A_1422, %sign3A_1425 : i32
      %ne3A_1427 = arith.cmpi ne, %sign3A_1419, %sign3A_1426 : i32
      %rem3A_1428 = arith.remsi %add3A_1410, %jit3A_1411 : i32
      %ne3A_1429 = arith.constant 0 : i32
      %ne3A_1430 = arith.cmpi ne, %rem3A_1428, %ne3A_1429 : i32
      %and3A_1431 = arith.andi %ne3A_1427, %ne3A_1430 : i1
      %sub3A_1432 = arith.constant 1 : i32
      %sub3A_1433 = arith.subi %div3A_1412, %sub3A_1432 : i32
      %select_n3A_1434 = arith.select %and3A_1431, %sub3A_1433, %div3A_1412 : i32
      %jit3A_1435 = arith.constant 8 : i32
      %eq3A_1436 = arith.constant 0 : i32
      %eq3A_1437 = arith.cmpi eq, %jit3A_1435, %eq3A_1436 : i32
      %jit3A_1438 = arith.constant 1 : i32
      %select_n3A_1439 = arith.select %eq3A_1437, %jit3A_1438, %jit3A_1435 : i32
      %rem3A_1440 = arith.remsi %add3A_1410, %select_n3A_1439 : i32
      %ne3A_1441 = arith.constant 0 : i32
      %ne3A_1442 = arith.cmpi ne, %rem3A_1440, %ne3A_1441 : i32
      %lt3A_1443 = arith.constant 0 : i32
      %lt3A_1444 = arith.cmpi slt, %rem3A_1440, %lt3A_1443 : i32
      %lt3A_1445 = arith.constant 0 : i32
      %lt3A_1446 = arith.cmpi slt, %select_n3A_1439, %lt3A_1445 : i32
      %ne3A_1447 = arith.xori %lt3A_1444, %lt3A_1446 : i1
      %and3A_1448 = arith.andi %ne3A_1447, %ne3A_1442 : i1
      %add3A_1449 = arith.addi %rem3A_1440, %select_n3A_1439 : i32
      %select_n3A_1450 = arith.select %and3A_1448, %add3A_1449, %rem3A_1440 : i32
      %mul3A_1451 = arith.constant 64 : i32
      %mul3A_1452 = arith.muli %select_n3A_1450, %mul3A_1451 : i32
      %add3A_1453 = arith.constant 0 : i32
      %add3A_1454 = arith.addi %mul3A_1452, %add3A_1453 : i32
      %get3A_1455 = arith.index_cast %select_n3A_1434 : i32 to index
      %get3A_1456 = arith.index_cast %add3A_1454 : i32 to index
      %get3A_1457 = tpu.vector_load %arg5[%get3A_1455, %get3A_1456] {strides = array<i32>} : memref<26x512xi32, #tpu.memory_space<vmem>>, vector<1x16xi32>,
      %get3A_1458 = vector.shape_cast %get3A_1457 : vector<1x16xi32> to vector<16xi32>
      %add3A_1459 = arith.constant 1 : i32
      %add3A_1460 = vector.broadcast %add3A_1459 : i32 to vector<16xi32>
      %add3A_1461 = arith.addi %get3A_1458, %add3A_1460 : vector<16xi32>
      %swap3A_1462 = arith.index_cast %add3A_1410 : i32 to index
      %swap3A_1463 = arith.constant 0 : index
      %swap3A_1464 = tpu.vector_load %arg6[%swap3A_1462, %swap3A_1463] {strides = array<i32>} : memref<208x64xi32, #tpu.memory_space<vmem>>, vector<1x16xi32>,
      %swap3A_1465 = vector.shape_cast %swap3A_1464 : vector<1x16xi32> to vector<16xi32>
      %swap3A_1466 = vector.shape_cast %add3A_1461 : vector<16xi32> to vector<1x16xi32>
      tpu.vector_store %arg6[%swap3A_1462, %swap3A_1463], %swap3A_1466 {strides = array<i32>} : memref<208x64xi32, #tpu.memory_space<vmem>>, vector<1x16xi32>,
      %mul3A_1467 = arith.constant 64 : i32
      %mul3A_1468 = arith.muli %select_n3A_1450, %mul3A_1467 : i32
      %add3A_1469 = arith.constant 16 : i32
      %add3A_1470 = arith.addi %mul3A_1468, %add3A_1469 : i32
      %get3A_1471 = arith.index_cast %select_n3A_1434 : i32 to index
      %get3A_1472 = arith.index_cast %add3A_1470 : i32 to index
      %get3A_1473 = tpu.vector_load %arg5[%get3A_1471, %get3A_1472] {strides = array<i32>} : memref<26x512xi32, #tpu.memory_space<vmem>>, vector<1x16xi32>,
      %get3A_1474 = vector.shape_cast %get3A_1473 : vector<1x16xi32> to vector<16xi32>
      %add3A_1475 = arith.constant 1 : i32
      %add3A_1476 = vector.broadcast %add3A_1475 : i32 to vector<16xi32>
      %add3A_1477 = arith.addi %get3A_1474, %add3A_1476 : vector<16xi32>
      %swap3A_1478 = arith.index_cast %add3A_1410 : i32 to index
      %swap3A_1479 = arith.constant 16 : index
      %swap3A_1480 = tpu.vector_load %arg6[%swap3A_1478, %swap3A_1479] {strides = array<i32>} : memref<208x64xi32, #tpu.memory_space<vmem>>, vector<1x16xi32>,
      %swap3A_1481 = vector.shape_cast %swap3A_1480 : vector<1x16xi32> to vector<16xi32>
      %swap3A_1482 = vector.shape_cast %add3A_1477 : vector<16xi32> to vector<1x16xi32>
      tpu.vector_store %arg6[%swap3A_1478, %swap3A_1479], %swap3A_1482 {strides = array<i32>} : memref<208x64xi32, #tpu.memory_space<vmem>>, vector<1x16xi32>,
      %mul3A_1483 = arith.constant 64 : i32
      %mul3A_1484 = arith.muli %select_n3A_1450, %mul3A_1483 : i32
      %add3A_1485 = arith.constant 32 : i32
      %add3A_1486 = arith.addi %mul3A_1484, %add3A_1485 : i32
      %get3A_1487 = arith.index_cast %select_n3A_1434 : i32 to index
      %get3A_1488 = arith.index_cast %add3A_1486 : i32 to index
      %get3A_1489 = tpu.vector_load %arg5[%get3A_1487, %get3A_1488] {strides = array<i32>} : memref<26x512xi32, #tpu.memory_space<vmem>>, vector<1x16xi32>,
      %get3A_1490 = vector.shape_cast %get3A_1489 : vector<1x16xi32> to vector<16xi32>
      %add3A_1491 = arith.constant 1 : i32
      %add3A_1492 = vector.broadcast %add3A_1491 : i32 to vector<16xi32>
      %add3A_1493 = arith.addi %get3A_1490, %add3A_1492 : vector<16xi32>
      %swap3A_1494 = arith.index_cast %add3A_1410 : i32 to index
      %swap3A_1495 = arith.constant 32 : index
      %swap3A_1496 = tpu.vector_load %arg6[%swap3A_1494, %swap3A_1495] {strides = array<i32>} : memref<208x64xi32, #tpu.memory_space<vmem>>, vector<1x16xi32>,
      %swap3A_1497 = vector.shape_cast %swap3A_1496 : vector<1x16xi32> to vector<16xi32>
      %swap3A_1498 = vector.shape_cast %add3A_1493 : vector<16xi32> to vector<1x16xi32>
      tpu.vector_store %arg6[%swap3A_1494, %swap3A_1495], %swap3A_1498 {strides = array<i32>} : memref<208x64xi32, #tpu.memory_space<vmem>>, vector<1x16xi32>,
      %mul3A_1499 = arith.constant 64 : i32
      %mul3A_1500 = arith.muli %select_n3A_1450, %mul3A_1499 : i32
      %add3A_1501 = arith.constant 48 : i32
      %add3A_1502 = arith.addi %mul3A_1500, %add3A_1501 : i32
      %get3A_1503 = arith.index_cast %select_n3A_1434 : i32 to index
      %get3A_1504 = arith.index_cast %add3A_1502 : i32 to index
      %get3A_1505 = tpu.vector_load %arg5[%get3A_1503, %get3A_1504] {strides = array<i32>} : memref<26x512xi32, #tpu.memory_space<vmem>>, vector<1x16xi32>,
      %get3A_1506 = vector.shape_cast %get3A_1505 : vector<1x16xi32> to vector<16xi32>
      %add3A_1507 = arith.constant 1 : i32
      %add3A_1508 = vector.broadcast %add3A_1507 : i32 to vector<16xi32>
      %add3A_1509 = arith.addi %get3A_1506, %add3A_1508 : vector<16xi32>
      %swap3A_1510 = arith.index_cast %add3A_1410 : i32 to index
      %swap3A_1511 = arith.constant 48 : index
      %swap3A_1512 = tpu.vector_load %arg6[%swap3A_1510, %swap3A_1511] {strides = array<i32>} : memref<208x64xi32, #tpu.memory_space<vmem>>, vector<1x16xi32>,
      %swap3A_1513 = vector.shape_cast %swap3A_1512 : vector<1x16xi32> to vector<16xi32>
      %swap3A_1514 = vector.shape_cast %add3A_1509 : vector<16xi32> to vector<1x16xi32>
      tpu.vector_store %arg6[%swap3A_1510, %swap3A_1511], %swap3A_1514 {strides = array<i32>} : memref<208x64xi32, #tpu.memory_space<vmem>>, vector<1x16xi32>,
      %add3A_1515 = arith.constant 1 : i32
      %add3A_1516 = arith.addi %add3A_1304, %add3A_1515 : i32
      %mul3A_1517 = arith.constant 4 : i32
      %mul3A_1518 = arith.muli %add3A_1516, %mul3A_1517 : i32
      %add3A_1519 = arith.constant 2 : i32
      %add3A_1520 = arith.addi %mul3A_1518, %add3A_1519 : i32
      %jit3A_1521 = arith.constant 8 : i32
      %div3A_1522 = arith.divsi %add3A_1520, %jit3A_1521 : i32
      %sign3A_1523 = arith.constant 0 : i32
      %sign3A_1524 = arith.cmpi sgt, %add3A_1520, %sign3A_1523 : i32
      %sign3A_1525 = arith.extui %sign3A_1524 : i1 to i32
      %sign3A_1526 = arith.constant 0 : i32
      %sign3A_1527 = arith.cmpi slt, %add3A_1520, %sign3A_1526 : i32
      %sign3A_1528 = arith.extui %sign3A_1527 : i1 to i32
      %sign3A_1529 = arith.subi %sign3A_1525, %sign3A_1528 : i32
      %sign3A_1530 = arith.constant 0 : i32
      %sign3A_1531 = arith.cmpi sgt, %jit3A_1521, %sign3A_1530 : i32
      %sign3A_1532 = arith.extui %sign3A_1531 : i1 to i32
      %sign3A_1533 = arith.constant 0 : i32
      %sign3A_1534 = arith.cmpi slt, %jit3A_1521, %sign3A_1533 : i32
      %sign3A_1535 = arith.extui %sign3A_1534 : i1 to i32
      %sign3A_1536 = arith.subi %sign3A_1532, %sign3A_1535 : i32
      %ne3A_1537 = arith.cmpi ne, %sign3A_1529, %sign3A_1536 : i32
      %rem3A_1538 = arith.remsi %add3A_1520, %jit3A_1521 : i32
      %ne3A_1539 = arith.constant 0 : i32
      %ne3A_1540 = arith.cmpi ne, %rem3A_1538, %ne3A_1539 : i32
      %and3A_1541 = arith.andi %ne3A_1537, %ne3A_1540 : i1
      %sub3A_1542 = arith.constant 1 : i32
      %sub3A_1543 = arith.subi %div3A_1522, %sub3A_1542 : i32
      %select_n3A_1544 = arith.select %and3A_1541, %sub3A_1543, %div3A_1522 : i32
      %jit3A_1545 = arith.constant 8 : i32
      %eq3A_1546 = arith.constant 0 : i32
      %eq3A_1547 = arith.cmpi eq, %jit3A_1545, %eq3A_1546 : i32
      %jit3A_1548 = arith.constant 1 : i32
      %select_n3A_1549 = arith.select %eq3A_1547, %jit3A_1548, %jit3A_1545 : i32
      %rem3A_1550 = arith.remsi %add3A_1520, %select_n3A_1549 : i32
      %ne3A_1551 = arith.constant 0 : i32
      %ne3A_1552 = arith.cmpi ne, %rem3A_1550, %ne3A_1551 : i32
      %lt3A_1553 = arith.constant 0 : i32
      %lt3A_1554 = arith.cmpi slt, %rem3A_1550, %lt3A_1553 : i32
      %lt3A_1555 = arith.constant 0 : i32
      %lt3A_1556 = arith.cmpi slt, %select_n3A_1549, %lt3A_1555 : i32
      %ne3A_1557 = arith.xori %lt3A_1554, %lt3A_1556 : i1
      %and3A_1558 = arith.andi %ne3A_1557, %ne3A_1552 : i1
      %add3A_1559 = arith.addi %rem3A_1550, %select_n3A_1549 : i32
      %select_n3A_1560 = arith.select %and3A_1558, %add3A_1559, %rem3A_1550 : i32
      %mul3A_1561 = arith.constant 64 : i32
      %mul3A_1562 = arith.muli %select_n3A_1560, %mul3A_1561 : i32
      %add3A_1563 = arith.constant 0 : i32
      %add3A_1564 = arith.addi %mul3A_1562, %add3A_1563 : i32
      %get3A_1565 = arith.index_cast %select_n3A_1544 : i32 to index
      %get3A_1566 = arith.index_cast %add3A_1564 : i32 to index
      %get3A_1567 = tpu.vector_load %arg5[%get3A_1565, %get3A_1566] {strides = array<i32>} : memref<26x512xi32, #tpu.memory_space<vmem>>, vector<1x16xi32>,
      %get3A_1568 = vector.shape_cast %get3A_1567 : vector<1x16xi32> to vector<16xi32>
      %add3A_1569 = arith.constant 1 : i32
      %add3A_1570 = vector.broadcast %add3A_1569 : i32 to vector<16xi32>
      %add3A_1571 = arith.addi %get3A_1568, %add3A_1570 : vector<16xi32>
      %swap3A_1572 = arith.index_cast %add3A_1520 : i32 to index
      %swap3A_1573 = arith.constant 0 : index
      %swap3A_1574 = tpu.vector_load %arg6[%swap3A_1572, %swap3A_1573] {strides = array<i32>} : memref<208x64xi32, #tpu.memory_space<vmem>>, vector<1x16xi32>,
      %swap3A_1575 = vector.shape_cast %swap3A_1574 : vector<1x16xi32> to vector<16xi32>
      %swap3A_1576 = vector.shape_cast %add3A_1571 : vector<16xi32> to vector<1x16xi32>
      tpu.vector_store %arg6[%swap3A_1572, %swap3A_1573], %swap3A_1576 {strides = array<i32>} : memref<208x64xi32, #tpu.memory_space<vmem>>, vector<1x16xi32>,
      %mul3A_1577 = arith.constant 64 : i32
      %mul3A_1578 = arith.muli %select_n3A_1560, %mul3A_1577 : i32
      %add3A_1579 = arith.constant 16 : i32
      %add3A_1580 = arith.addi %mul3A_1578, %add3A_1579 : i32
      %get3A_1581 = arith.index_cast %select_n3A_1544 : i32 to index
      %get3A_1582 = arith.index_cast %add3A_1580 : i32 to index
      %get3A_1583 = tpu.vector_load %arg5[%get3A_1581, %get3A_1582] {strides = array<i32>} : memref<26x512xi32, #tpu.memory_space<vmem>>, vector<1x16xi32>,
      %get3A_1584 = vector.shape_cast %get3A_1583 : vector<1x16xi32> to vector<16xi32>
      %add3A_1585 = arith.constant 1 : i32
      %add3A_1586 = vector.broadcast %add3A_1585 : i32 to vector<16xi32>
      %add3A_1587 = arith.addi %get3A_1584, %add3A_1586 : vector<16xi32>
      %swap3A_1588 = arith.index_cast %add3A_1520 : i32 to index
      %swap3A_1589 = arith.constant 16 : index
      %swap3A_1590 = tpu.vector_load %arg6[%swap3A_1588, %swap3A_1589] {strides = array<i32>} : memref<208x64xi32, #tpu.memory_space<vmem>>, vector<1x16xi32>,
      %swap3A_1591 = vector.shape_cast %swap3A_1590 : vector<1x16xi32> to vector<16xi32>
      %swap3A_1592 = vector.shape_cast %add3A_1587 : vector<16xi32> to vector<1x16xi32>
      tpu.vector_store %arg6[%swap3A_1588, %swap3A_1589], %swap3A_1592 {strides = array<i32>} : memref<208x64xi32, #tpu.memory_space<vmem>>, vector<1x16xi32>,
      %mul3A_1593 = arith.constant 64 : i32
      %mul3A_1594 = arith.muli %select_n3A_1560, %mul3A_1593 : i32
      %add3A_1595 = arith.constant 32 : i32
      %add3A_1596 = arith.addi %mul3A_1594, %add3A_1595 : i32
      %get3A_1597 = arith.index_cast %select_n3A_1544 : i32 to index
      %get3A_1598 = arith.index_cast %add3A_1596 : i32 to index
      %get3A_1599 = tpu.vector_load %arg5[%get3A_1597, %get3A_1598] {strides = array<i32>} : memref<26x512xi32, #tpu.memory_space<vmem>>, vector<1x16xi32>,
      %get3A_1600 = vector.shape_cast %get3A_1599 : vector<1x16xi32> to vector<16xi32>
      %add3A_1601 = arith.constant 1 : i32
      %add3A_1602 = vector.broadcast %add3A_1601 : i32 to vector<16xi32>
      %add3A_1603 = arith.addi %get3A_1600, %add3A_1602 : vector<16xi32>
      %swap3A_1604 = arith.index_cast %add3A_1520 : i32 to index
      %swap3A_1605 = arith.constant 32 : index
      %swap3A_1606 = tpu.vector_load %arg6[%swap3A_1604, %swap3A_1605] {strides = array<i32>} : memref<208x64xi32, #tpu.memory_space<vmem>>, vector<1x16xi32>,
      %swap3A_1607 = vector.shape_cast %swap3A_1606 : vector<1x16xi32> to vector<16xi32>
      %swap3A_1608 = vector.shape_cast %add3A_1603 : vector<16xi32> to vector<1x16xi32>
      tpu.vector_store %arg6[%swap3A_1604, %swap3A_1605], %swap3A_1608 {strides = array<i32>} : memref<208x64xi32, #tpu.memory_space<vmem>>, vector<1x16xi32>,
      %mul3A_1609 = arith.constant 64 : i32
      %mul3A_1610 = arith.muli %select_n3A_1560, %mul3A_1609 : i32
      %add3A_1611 = arith.constant 48 : i32
      %add3A_1612 = arith.addi %mul3A_1610, %add3A_1611 : i32
      %get3A_1613 = arith.index_cast %select_n3A_1544 : i32 to index
      %get3A_1614 = arith.index_cast %add3A_1612 : i32 to index
      %get3A_1615 = tpu.vector_load %arg5[%get3A_1613, %get3A_1614] {strides = array<i32>} : memref<26x512xi32, #tpu.memory_space<vmem>>, vector<1x16xi32>,
      %get3A_1616 = vector.shape_cast %get3A_1615 : vector<1x16xi32> to vector<16xi32>
      %add3A_1617 = arith.constant 1 : i32
      %add3A_1618 = vector.broadcast %add3A_1617 : i32 to vector<16xi32>
      %add3A_1619 = arith.addi %get3A_1616, %add3A_1618 : vector<16xi32>
      %swap3A_1620 = arith.index_cast %add3A_1520 : i32 to index
      %swap3A_1621 = arith.constant 48 : index
      %swap3A_1622 = tpu.vector_load %arg6[%swap3A_1620, %swap3A_1621] {strides = array<i32>} : memref<208x64xi32, #tpu.memory_space<vmem>>, vector<1x16xi32>,
      %swap3A_1623 = vector.shape_cast %swap3A_1622 : vector<1x16xi32> to vector<16xi32>
      %swap3A_1624 = vector.shape_cast %add3A_1619 : vector<16xi32> to vector<1x16xi32>
      tpu.vector_store %arg6[%swap3A_1620, %swap3A_1621], %swap3A_1624 {strides = array<i32>} : memref<208x64xi32, #tpu.memory_space<vmem>>, vector<1x16xi32>,
      %add3A_1625 = arith.constant 1 : i32
      %add3A_1626 = arith.addi %add3A_1304, %add3A_1625 : i32
      %mul3A_1627 = arith.constant 4 : i32
      %mul3A_1628 = arith.muli %add3A_1626, %mul3A_1627 : i32
      %add3A_1629 = arith.constant 3 : i32
      %add3A_1630 = arith.addi %mul3A_1628, %add3A_1629 : i32
      %jit3A_1631 = arith.constant 8 : i32
      %div3A_1632 = arith.divsi %add3A_1630, %jit3A_1631 : i32
      %sign3A_1633 = arith.constant 0 : i32
      %sign3A_1634 = arith.cmpi sgt, %add3A_1630, %sign3A_1633 : i32
      %sign3A_1635 = arith.extui %sign3A_1634 : i1 to i32
      %sign3A_1636 = arith.constant 0 : i32
      %sign3A_1637 = arith.cmpi slt, %add3A_1630, %sign3A_1636 : i32
      %sign3A_1638 = arith.extui %sign3A_1637 : i1 to i32
      %sign3A_1639 = arith.subi %sign3A_1635, %sign3A_1638 : i32
      %sign3A_1640 = arith.constant 0 : i32
      %sign3A_1641 = arith.cmpi sgt, %jit3A_1631, %sign3A_1640 : i32
      %sign3A_1642 = arith.extui %sign3A_1641 : i1 to i32
      %sign3A_1643 = arith.constant 0 : i32
      %sign3A_1644 = arith.cmpi slt, %jit3A_1631, %sign3A_1643 : i32
      %sign3A_1645 = arith.extui %sign3A_1644 : i1 to i32
      %sign3A_1646 = arith.subi %sign3A_1642, %sign3A_1645 : i32
      %ne3A_1647 = arith.cmpi ne, %sign3A_1639, %sign3A_1646 : i32
      %rem3A_1648 = arith.remsi %add3A_1630, %jit3A_1631 : i32
      %ne3A_1649 = arith.constant 0 : i32
      %ne3A_1650 = arith.cmpi ne, %rem3A_1648, %ne3A_1649 : i32
      %and3A_1651 = arith.andi %ne3A_1647, %ne3A_1650 : i1
      %sub3A_1652 = arith.constant 1 : i32
      %sub3A_1653 = arith.subi %div3A_1632, %sub3A_1652 : i32
      %select_n3A_1654 = arith.select %and3A_1651, %sub3A_1653, %div3A_1632 : i32
      %jit3A_1655 = arith.constant 8 : i32
      %eq3A_1656 = arith.constant 0 : i32
      %eq3A_1657 = arith.cmpi eq, %jit3A_1655, %eq3A_1656 : i32
      %jit3A_1658 = arith.constant 1 : i32
      %select_n3A_1659 = arith.select %eq3A_1657, %jit3A_1658, %jit3A_1655 : i32
      %rem3A_1660 = arith.remsi %add3A_1630, %select_n3A_1659 : i32
      %ne3A_1661 = arith.constant 0 : i32
      %ne3A_1662 = arith.cmpi ne, %rem3A_1660, %ne3A_1661 : i32
      %lt3A_1663 = arith.constant 0 : i32
      %lt3A_1664 = arith.cmpi slt, %rem3A_1660, %lt3A_1663 : i32
      %lt3A_1665 = arith.constant 0 : i32
      %lt3A_1666 = arith.cmpi slt, %select_n3A_1659, %lt3A_1665 : i32
      %ne3A_1667 = arith.xori %lt3A_1664, %lt3A_1666 : i1
      %and3A_1668 = arith.andi %ne3A_1667, %ne3A_1662 : i1
      %add3A_1669 = arith.addi %rem3A_1660, %select_n3A_1659 : i32
      %select_n3A_1670 = arith.select %and3A_1668, %add3A_1669, %rem3A_1660 : i32
      %mul3A_1671 = arith.constant 64 : i32
      %mul3A_1672 = arith.muli %select_n3A_1670, %mul3A_1671 : i32
      %add3A_1673 = arith.constant 0 : i32
      %add3A_1674 = arith.addi %mul3A_1672, %add3A_1673 : i32
      %get3A_1675 = arith.index_cast %select_n3A_1654 : i32 to index
      %get3A_1676 = arith.index_cast %add3A_1674 : i32 to index
      %get3A_1677 = tpu.vector_load %arg5[%get3A_1675, %get3A_1676] {strides = array<i32>} : memref<26x512xi32, #tpu.memory_space<vmem>>, vector<1x16xi32>,
      %get3A_1678 = vector.shape_cast %get3A_1677 : vector<1x16xi32> to vector<16xi32>
      %add3A_1679 = arith.constant 1 : i32
      %add3A_1680 = vector.broadcast %add3A_1679 : i32 to vector<16xi32>
      %add3A_1681 = arith.addi %get3A_1678, %add3A_1680 : vector<16xi32>
      %swap3A_1682 = arith.index_cast %add3A_1630 : i32 to index
      %swap3A_1683 = arith.constant 0 : index
      %swap3A_1684 = tpu.vector_load %arg6[%swap3A_1682, %swap3A_1683] {strides = array<i32>} : memref<208x64xi32, #tpu.memory_space<vmem>>, vector<1x16xi32>,
      %swap3A_1685 = vector.shape_cast %swap3A_1684 : vector<1x16xi32> to vector<16xi32>
      %swap3A_1686 = vector.shape_cast %add3A_1681 : vector<16xi32> to vector<1x16xi32>
      tpu.vector_store %arg6[%swap3A_1682, %swap3A_1683], %swap3A_1686 {strides = array<i32>} : memref<208x64xi32, #tpu.memory_space<vmem>>, vector<1x16xi32>,
      %mul3A_1687 = arith.constant 64 : i32
      %mul3A_1688 = arith.muli %select_n3A_1670, %mul3A_1687 : i32
      %add3A_1689 = arith.constant 16 : i32
      %add3A_1690 = arith.addi %mul3A_1688, %add3A_1689 : i32
      %get3A_1691 = arith.index_cast %select_n3A_1654 : i32 to index
      %get3A_1692 = arith.index_cast %add3A_1690 : i32 to index
      %get3A_1693 = tpu.vector_load %arg5[%get3A_1691, %get3A_1692] {strides = array<i32>} : memref<26x512xi32, #tpu.memory_space<vmem>>, vector<1x16xi32>,
      %get3A_1694 = vector.shape_cast %get3A_1693 : vector<1x16xi32> to vector<16xi32>
      %add3A_1695 = arith.constant 1 : i32
      %add3A_1696 = vector.broadcast %add3A_1695 : i32 to vector<16xi32>
      %add3A_1697 = arith.addi %get3A_1694, %add3A_1696 : vector<16xi32>
      %swap3A_1698 = arith.index_cast %add3A_1630 : i32 to index
      %swap3A_1699 = arith.constant 16 : index
      %swap3A_1700 = tpu.vector_load %arg6[%swap3A_1698, %swap3A_1699] {strides = array<i32>} : memref<208x64xi32, #tpu.memory_space<vmem>>, vector<1x16xi32>,
      %swap3A_1701 = vector.shape_cast %swap3A_1700 : vector<1x16xi32> to vector<16xi32>
      %swap3A_1702 = vector.shape_cast %add3A_1697 : vector<16xi32> to vector<1x16xi32>
      tpu.vector_store %arg6[%swap3A_1698, %swap3A_1699], %swap3A_1702 {strides = array<i32>} : memref<208x64xi32, #tpu.memory_space<vmem>>, vector<1x16xi32>,
      %mul3A_1703 = arith.constant 64 : i32
      %mul3A_1704 = arith.muli %select_n3A_1670, %mul3A_1703 : i32
      %add3A_1705 = arith.constant 32 : i32
      %add3A_1706 = arith.addi %mul3A_1704, %add3A_1705 : i32
      %get3A_1707 = arith.index_cast %select_n3A_1654 : i32 to index
      %get3A_1708 = arith.index_cast %add3A_1706 : i32 to index
      %get3A_1709 = tpu.vector_load %arg5[%get3A_1707, %get3A_1708] {strides = array<i32>} : memref<26x512xi32, #tpu.memory_space<vmem>>, vector<1x16xi32>,
      %get3A_1710 = vector.shape_cast %get3A_1709 : vector<1x16xi32> to vector<16xi32>
      %add3A_1711 = arith.constant 1 : i32
      %add3A_1712 = vector.broadcast %add3A_1711 : i32 to vector<16xi32>
      %add3A_1713 = arith.addi %get3A_1710, %add3A_1712 : vector<16xi32>
      %swap3A_1714 = arith.index_cast %add3A_1630 : i32 to index
      %swap3A_1715 = arith.constant 32 : index
      %swap3A_1716 = tpu.vector_load %arg6[%swap3A_1714, %swap3A_1715] {strides = array<i32>} : memref<208x64xi32, #tpu.memory_space<vmem>>, vector<1x16xi32>,
      %swap3A_1717 = vector.shape_cast %swap3A_1716 : vector<1x16xi32> to vector<16xi32>
      %swap3A_1718 = vector.shape_cast %add3A_1713 : vector<16xi32> to vector<1x16xi32>
      tpu.vector_store %arg6[%swap3A_1714, %swap3A_1715], %swap3A_1718 {strides = array<i32>} : memref<208x64xi32, #tpu.memory_space<vmem>>, vector<1x16xi32>,
      %mul3A_1719 = arith.constant 64 : i32
      %mul3A_1720 = arith.muli %select_n3A_1670, %mul3A_1719 : i32
      %add3A_1721 = arith.constant 48 : i32
      %add3A_1722 = arith.addi %mul3A_1720, %add3A_1721 : i32
      %get3A_1723 = arith.index_cast %select_n3A_1654 : i32 to index
      %get3A_1724 = arith.index_cast %add3A_1722 : i32 to index
      %get3A_1725 = tpu.vector_load %arg5[%get3A_1723, %get3A_1724] {strides = array<i32>} : memref<26x512xi32, #tpu.memory_space<vmem>>, vector<1x16xi32>,
      %get3A_1726 = vector.shape_cast %get3A_1725 : vector<1x16xi32> to vector<16xi32>
      %add3A_1727 = arith.constant 1 : i32
      %add3A_1728 = vector.broadcast %add3A_1727 : i32 to vector<16xi32>
      %add3A_1729 = arith.addi %get3A_1726, %add3A_1728 : vector<16xi32>
      %swap3A_1730 = arith.index_cast %add3A_1630 : i32 to index
      %swap3A_1731 = arith.constant 48 : index
      %swap3A_1732 = tpu.vector_load %arg6[%swap3A_1730, %swap3A_1731] {strides = array<i32>} : memref<208x64xi32, #tpu.memory_space<vmem>>, vector<1x16xi32>,
      %swap3A_1733 = vector.shape_cast %swap3A_1732 : vector<1x16xi32> to vector<16xi32>
      %swap3A_1734 = vector.shape_cast %add3A_1729 : vector<16xi32> to vector<1x16xi32>
      tpu.vector_store %arg6[%swap3A_1730, %swap3A_1731], %swap3A_1734 {strides = array<i32>} : memref<208x64xi32, #tpu.memory_space<vmem>>, vector<1x16xi32>,
      %mul3A_1735 = arith.constant 4 : i32
      %mul3A_1736 = arith.muli %add3A_1304, %mul3A_1735 : i32
      %add3A_1737 = arith.constant 0 : i32
      %add3A_1738 = arith.addi %mul3A_1736, %add3A_1737 : i32
      %jit3A_1739 = arith.constant 8 : i32
      %div3A_1740 = arith.divsi %add3A_1738, %jit3A_1739 : i32
      %sign3A_1741 = arith.constant 0 : i32
      %sign3A_1742 = arith.cmpi sgt, %add3A_1738, %sign3A_1741 : i32
      %sign3A_1743 = arith.extui %sign3A_1742 : i1 to i32
      %sign3A_1744 = arith.constant 0 : i32
      %sign3A_1745 = arith.cmpi slt, %add3A_1738, %sign3A_1744 : i32
      %sign3A_1746 = arith.extui %sign3A_1745 : i1 to i32
      %sign3A_1747 = arith.subi %sign3A_1743, %sign3A_1746 : i32
      %sign3A_1748 = arith.constant 0 : i32
      %sign3A_1749 = arith.cmpi sgt, %jit3A_1739, %sign3A_1748 : i32
      %sign3A_1750 = arith.extui %sign3A_1749 : i1 to i32
      %sign3A_1751 = arith.constant 0 : i32
      %sign3A_1752 = arith.cmpi slt, %jit3A_1739, %sign3A_1751 : i32
      %sign3A_1753 = arith.extui %sign3A_1752 : i1 to i32
      %sign3A_1754 = arith.subi %sign3A_1750, %sign3A_1753 : i32
      %ne3A_1755 = arith.cmpi ne, %sign3A_1747, %sign3A_1754 : i32
      %rem3A_1756 = arith.remsi %add3A_1738, %jit3A_1739 : i32
      %ne3A_1757 = arith.constant 0 : i32
      %ne3A_1758 = arith.cmpi ne, %rem3A_1756, %ne3A_1757 : i32
      %and3A_1759 = arith.andi %ne3A_1755, %ne3A_1758 : i1
      %sub3A_1760 = arith.constant 1 : i32
      %sub3A_1761 = arith.subi %div3A_1740, %sub3A_1760 : i32
      %select_n3A_1762 = arith.select %and3A_1759, %sub3A_1761, %div3A_1740 : i32
      %dma_wait3A_1763 = arith.constant 0 : i32
      %dma_wait3A_1764 = arith.constant 0 : i32
      %dma_wait3A_1765 = arith.constant 0 : i32
      %dma_wait3A_1766 = arith.constant 0 : i32
      %dma_wait3A_1767 = tpu.memref_slice %arg7[%dma_wait3A_1763, %dma_wait3A_1765, %dma_wait3A_1766] : memref<4x64x128xf32, #tpu.memory_space<vmem>> -> memref<1x64x128xf32, #tpu.memory_space<vmem>>
      %dma_wait3A_1768 = tpu.memref_squeeze %dma_wait3A_1767 : memref<1x64x128xf32, #tpu.memory_space<vmem>> -> memref<64x128xf32, #tpu.memory_space<vmem>>
      %dma_wait3A_1769 = arith.constant 0 : i32
      %dma_wait3A_1770 = tpu.memref_slice %arg6[%add3A_1738, %dma_wait3A_1769] : memref<208x64xi32, #tpu.memory_space<vmem>> -> memref<1x64xi32, #tpu.memory_space<vmem>>
      %dma_wait3A_1771 = tpu.memref_squeeze %dma_wait3A_1770 : memref<1x64xi32, #tpu.memory_space<vmem>> -> memref<64xi32, #tpu.memory_space<vmem>>
      %dma_wait3A_1772 = arith.constant 0 : i32
      %dma_wait3A_1773 = arith.constant 0 : i32
      %dma_wait3A_1774 = tpu.memref_slice %arg2[%select_n3A_1762, %dma_wait3A_1772, %dma_wait3A_1773] : memref<26x100001x128xf32, #tpu.memory_space<hbm>> -> memref<1x100001x128xf32, #tpu.memory_space<hbm>>
      %dma_wait3A_1775 = tpu.memref_squeeze %dma_wait3A_1774 : memref<1x100001x128xf32, #tpu.memory_space<hbm>> -> memref<100001x128xf32, #tpu.memory_space<hbm>>
      %dma_wait3A_1776 = arith.constant 0 : i32
      %dma_wait3A_1777 = arith.constant 0 : i32
      %dma_wait3A_1778 = tpu.memref_slice %dma_wait3A_1775[%dma_wait3A_1776, %dma_wait3A_1777] : memref<100001x128xf32, #tpu.memory_space<hbm>> -> memref<100001x128xf32, #tpu.memory_space<hbm>>
      %dma_wait3A_1779 = tpu.memref_slice %arg9[%dma_wait3A_1764] : memref<4x!tpu.dma_semaphore, #tpu.memory_space<semaphore_mem>> -> memref<1x!tpu.dma_semaphore, #tpu.memory_space<semaphore_mem>>
      %dma_wait3A_1780 = tpu.memref_squeeze %dma_wait3A_1779 : memref<1x!tpu.dma_semaphore, #tpu.memory_space<semaphore_mem>> -> memref<!tpu.dma_semaphore, #tpu.memory_space<semaphore_mem>>
      tpu.wait_indirect_dma semaphore(%dma_wait3A_1780 : memref<!tpu.dma_semaphore, #tpu.memory_space<semaphore_mem>>) src(%dma_wait3A_1778 : memref<100001x128xf32, #tpu.memory_space<hbm>>) dst(%dma_wait3A_1768 : memref<64x128xf32, #tpu.memory_space<vmem>>)
      %sub3A_1781 = arith.constant 4 : i32
      %sub3A_1782 = arith.subi %add3A_1738, %sub3A_1781 : i32
      %jit3A_1783 = arith.constant 8 : i32
      %div3A_1784 = arith.divsi %sub3A_1782, %jit3A_1783 : i32
      %sign3A_1785 = arith.constant 0 : i32
      %sign3A_1786 = arith.cmpi sgt, %sub3A_1782, %sign3A_1785 : i32
      %sign3A_1787 = arith.extui %sign3A_1786 : i1 to i32
      %sign3A_1788 = arith.constant 0 : i32
      %sign3A_1789 = arith.cmpi slt, %sub3A_1782, %sign3A_1788 : i32
      %sign3A_1790 = arith.extui %sign3A_1789 : i1 to i32
      %sign3A_1791 = arith.subi %sign3A_1787, %sign3A_1790 : i32
      %sign3A_1792 = arith.constant 0 : i32
      %sign3A_1793 = arith.cmpi sgt, %jit3A_1783, %sign3A_1792 : i32
      %sign3A_1794 = arith.extui %sign3A_1793 : i1 to i32
      %sign3A_1795 = arith.constant 0 : i32
      %sign3A_1796 = arith.cmpi slt, %jit3A_1783, %sign3A_1795 : i32
      %sign3A_1797 = arith.extui %sign3A_1796 : i1 to i32
      %sign3A_1798 = arith.subi %sign3A_1794, %sign3A_1797 : i32
      %ne3A_1799 = arith.cmpi ne, %sign3A_1791, %sign3A_1798 : i32
      %rem3A_1800 = arith.remsi %sub3A_1782, %jit3A_1783 : i32
      %ne3A_1801 = arith.constant 0 : i32
      %ne3A_1802 = arith.cmpi ne, %rem3A_1800, %ne3A_1801 : i32
      %and3A_1803 = arith.andi %ne3A_1799, %ne3A_1802 : i1
      %sub3A_1804 = arith.constant 1 : i32
      %sub3A_1805 = arith.subi %div3A_1784, %sub3A_1804 : i32
      %select_n3A_1806 = arith.select %and3A_1803, %sub3A_1805, %div3A_1784 : i32
      %jit3A_1807 = arith.constant 8 : i32
      %eq3A_1808 = arith.constant 0 : i32
      %eq3A_1809 = arith.cmpi eq, %jit3A_1807, %eq3A_1808 : i32
      %jit3A_1810 = arith.constant 1 : i32
      %select_n3A_1811 = arith.select %eq3A_1809, %jit3A_1810, %jit3A_1807 : i32
      %rem3A_1812 = arith.remsi %sub3A_1782, %select_n3A_1811 : i32
      %ne3A_1813 = arith.constant 0 : i32
      %ne3A_1814 = arith.cmpi ne, %rem3A_1812, %ne3A_1813 : i32
      %lt3A_1815 = arith.constant 0 : i32
      %lt3A_1816 = arith.cmpi slt, %rem3A_1812, %lt3A_1815 : i32
      %lt3A_1817 = arith.constant 0 : i32
      %lt3A_1818 = arith.cmpi slt, %select_n3A_1811, %lt3A_1817 : i32
      %ne3A_1819 = arith.xori %lt3A_1816, %lt3A_1818 : i1
      %and3A_1820 = arith.andi %ne3A_1819, %ne3A_1814 : i1
      %add3A_1821 = arith.addi %rem3A_1812, %select_n3A_1811 : i32
      %select_n3A_1822 = arith.select %and3A_1820, %add3A_1821, %rem3A_1812 : i32
      %mul3A_1823 = arith.constant 64 : i32
      %mul3A_1824 = arith.muli %select_n3A_1822, %mul3A_1823 : i32
      %add3A_1825 = arith.addi %mul3A_2, %mul3A_1824 : i32
      %mul3A_1826 = arith.constant 128 : i32
      %mul3A_1827 = arith.muli %select_n3A_1806, %mul3A_1826 : i32
      %dma_wait3A_1828 = arith.constant 0 : i32
      %dma_wait3A_1829 = arith.constant 0 : i32
      %dma_wait3A_1830 = tpu.memref_slice %arg11[%dma_wait3A_1829] : memref<4x!tpu.dma_semaphore, #tpu.memory_space<semaphore_mem>> -> memref<1x!tpu.dma_semaphore, #tpu.memory_space<semaphore_mem>>
      %dma_wait3A_1831 = tpu.memref_squeeze %dma_wait3A_1830 : memref<1x!tpu.dma_semaphore, #tpu.memory_space<semaphore_mem>> -> memref<!tpu.dma_semaphore, #tpu.memory_space<semaphore_mem>>
      %dma_wait3A_1832 = tpu.memref_slice %arg4[%add3A_1825, %mul3A_1827] : memref<16384x3328xf32, #tpu.memory_space<hbm>> -> memref<64x128xf32, #tpu.memory_space<hbm>>
      %dma_wait3A_1833 = arith.constant 0 : i32
      %dma_wait3A_1834 = arith.constant 0 : i32
      %dma_wait3A_1835 = tpu.memref_slice %arg8[%arg1, %dma_wait3A_1828, %dma_wait3A_1833, %dma_wait3A_1834] : memref<16x4x64x128xf32, #tpu.memory_space<vmem_shared>> -> memref<1x1x64x128xf32, #tpu.memory_space<vmem_shared>>
      %dma_wait3A_1836 = tpu.memref_squeeze %dma_wait3A_1835 : memref<1x1x64x128xf32, #tpu.memory_space<vmem_shared>> -> memref<64x128xf32, #tpu.memory_space<vmem_shared>>
      tpu.wait_dma2 semaphore(%dma_wait3A_1831 : memref<!tpu.dma_semaphore, #tpu.memory_space<semaphore_mem>>) src(%dma_wait3A_1836 : memref<64x128xf32, #tpu.memory_space<vmem_shared>>) dst(%dma_wait3A_1832 : memref<64x128xf32, #tpu.memory_space<hbm>>)
      %dma_start3A_1837 = arith.constant 0 : i32
      %dma_start3A_1838 = arith.constant 0 : i32
      %dma_start3A_1839 = arith.constant 0 : i32
      %dma_start3A_1840 = arith.constant 0 : i32
      %dma_start3A_1841 = arith.constant 0 : i32
      %dma_start3A_1842 = tpu.memref_slice %arg7[%dma_start3A_1837, %dma_start3A_1840, %dma_start3A_1841] : memref<4x64x128xf32, #tpu.memory_space<vmem>> -> memref<1x64x128xf32, #tpu.memory_space<vmem>>
      %dma_start3A_1843 = tpu.memref_squeeze %dma_start3A_1842 : memref<1x64x128xf32, #tpu.memory_space<vmem>> -> memref<64x128xf32, #tpu.memory_space<vmem>>
      %dma_start3A_1844 = arith.constant 0 : i32
      %dma_start3A_1845 = arith.constant 0 : i32
      %dma_start3A_1846 = tpu.memref_slice %arg8[%arg1, %dma_start3A_1838, %dma_start3A_1844, %dma_start3A_1845] : memref<16x4x64x128xf32, #tpu.memory_space<vmem_shared>> -> memref<1x1x64x128xf32, #tpu.memory_space<vmem_shared>>
      %dma_start3A_1847 = tpu.memref_squeeze %dma_start3A_1846 : memref<1x1x64x128xf32, #tpu.memory_space<vmem_shared>> -> memref<64x128xf32, #tpu.memory_space<vmem_shared>>
      %dma_start3A_1848 = tpu.memref_slice %arg10[%dma_start3A_1839] : memref<4x!tpu.dma_semaphore, #tpu.memory_space<semaphore_mem>> -> memref<1x!tpu.dma_semaphore, #tpu.memory_space<semaphore_mem>>
      %dma_start3A_1849 = tpu.memref_squeeze %dma_start3A_1848 : memref<1x!tpu.dma_semaphore, #tpu.memory_space<semaphore_mem>> -> memref<!tpu.dma_semaphore, #tpu.memory_space<semaphore_mem>>
      %dma_start3A_1850 = arith.constant 0 : i32
      %dma_start3A_1851 = arith.constant 0 : i32
      %dma_start3A_1852 = tpu.memref_slice %arg8[%arg1, %dma_start3A_1838, %dma_start3A_1850, %dma_start3A_1851] : memref<16x4x64x128xf32, #tpu.memory_space<vmem_shared>> -> memref<1x1x64x128xf32, #tpu.memory_space<vmem_shared>>
      %dma_start3A_1853 = tpu.memref_squeeze %dma_start3A_1852 : memref<1x1x64x128xf32, #tpu.memory_space<vmem_shared>> -> memref<64x128xf32, #tpu.memory_space<vmem_shared>>
      %dma_start3A_1854 = arith.constant 0 : i32
      %dma_start3A_1855 = arith.constant 0 : i32
      %dma_start3A_1856 = tpu.memref_slice %arg7[%dma_start3A_1837, %dma_start3A_1854, %dma_start3A_1855] : memref<4x64x128xf32, #tpu.memory_space<vmem>> -> memref<1x64x128xf32, #tpu.memory_space<vmem>>
      %dma_start3A_1857 = tpu.memref_squeeze %dma_start3A_1856 : memref<1x64x128xf32, #tpu.memory_space<vmem>> -> memref<64x128xf32, #tpu.memory_space<vmem>>
      tpu.enqueue_dma source(%dma_start3A_1857 : memref<64x128xf32, #tpu.memory_space<vmem>>) target(%dma_start3A_1853 : memref<64x128xf32, #tpu.memory_space<vmem_shared>>) target_semaphore(%dma_start3A_1849 : memref<!tpu.dma_semaphore, #tpu.memory_space<semaphore_mem>>)
      %mul3A_1858 = arith.constant 4 : i32
      %mul3A_1859 = arith.muli %add3A_1304, %mul3A_1858 : i32
      %add3A_1860 = arith.constant 1 : i32
      %add3A_1861 = arith.addi %mul3A_1859, %add3A_1860 : i32
      %jit3A_1862 = arith.constant 8 : i32
      %div3A_1863 = arith.divsi %add3A_1861, %jit3A_1862 : i32
      %sign3A_1864 = arith.constant 0 : i32
      %sign3A_1865 = arith.cmpi sgt, %add3A_1861, %sign3A_1864 : i32
      %sign3A_1866 = arith.extui %sign3A_1865 : i1 to i32
      %sign3A_1867 = arith.constant 0 : i32
      %sign3A_1868 = arith.cmpi slt, %add3A_1861, %sign3A_1867 : i32
      %sign3A_1869 = arith.extui %sign3A_1868 : i1 to i32
      %sign3A_1870 = arith.subi %sign3A_1866, %sign3A_1869 : i32
      %sign3A_1871 = arith.constant 0 : i32
      %sign3A_1872 = arith.cmpi sgt, %jit3A_1862, %sign3A_1871 : i32
      %sign3A_1873 = arith.extui %sign3A_1872 : i1 to i32
      %sign3A_1874 = arith.constant 0 : i32
      %sign3A_1875 = arith.cmpi slt, %jit3A_1862, %sign3A_1874 : i32
      %sign3A_1876 = arith.extui %sign3A_1875 : i1 to i32
      %sign3A_1877 = arith.subi %sign3A_1873, %sign3A_1876 : i32
      %ne3A_1878 = arith.cmpi ne, %sign3A_1870, %sign3A_1877 : i32
      %rem3A_1879 = arith.remsi %add3A_1861, %jit3A_1862 : i32
      %ne3A_1880 = arith.constant 0 : i32
      %ne3A_1881 = arith.cmpi ne, %rem3A_1879, %ne3A_1880 : i32
      %and3A_1882 = arith.andi %ne3A_1878, %ne3A_1881 : i1
      %sub3A_1883 = arith.constant 1 : i32
      %sub3A_1884 = arith.subi %div3A_1863, %sub3A_1883 : i32
      %select_n3A_1885 = arith.select %and3A_1882, %sub3A_1884, %div3A_1863 : i32
      %dma_wait3A_1886 = arith.constant 1 : i32
      %dma_wait3A_1887 = arith.constant 1 : i32
      %dma_wait3A_1888 = arith.constant 0 : i32
      %dma_wait3A_1889 = arith.constant 0 : i32
      %dma_wait3A_1890 = tpu.memref_slice %arg7[%dma_wait3A_1886, %dma_wait3A_1888, %dma_wait3A_1889] : memref<4x64x128xf32, #tpu.memory_space<vmem>> -> memref<1x64x128xf32, #tpu.memory_space<vmem>>
      %dma_wait3A_1891 = tpu.memref_squeeze %dma_wait3A_1890 : memref<1x64x128xf32, #tpu.memory_space<vmem>> -> memref<64x128xf32, #tpu.memory_space<vmem>>
      %dma_wait3A_1892 = arith.constant 0 : i32
      %dma_wait3A_1893 = tpu.memref_slice %arg6[%add3A_1861, %dma_wait3A_1892] : memref<208x64xi32, #tpu.memory_space<vmem>> -> memref<1x64xi32, #tpu.memory_space<vmem>>
      %dma_wait3A_1894 = tpu.memref_squeeze %dma_wait3A_1893 : memref<1x64xi32, #tpu.memory_space<vmem>> -> memref<64xi32, #tpu.memory_space<vmem>>
      %dma_wait3A_1895 = arith.constant 0 : i32
      %dma_wait3A_1896 = arith.constant 0 : i32
      %dma_wait3A_1897 = tpu.memref_slice %arg2[%select_n3A_1885, %dma_wait3A_1895, %dma_wait3A_1896] : memref<26x100001x128xf32, #tpu.memory_space<hbm>> -> memref<1x100001x128xf32, #tpu.memory_space<hbm>>
      %dma_wait3A_1898 = tpu.memref_squeeze %dma_wait3A_1897 : memref<1x100001x128xf32, #tpu.memory_space<hbm>> -> memref<100001x128xf32, #tpu.memory_space<hbm>>
      %dma_wait3A_1899 = arith.constant 0 : i32
      %dma_wait3A_1900 = arith.constant 0 : i32
      %dma_wait3A_1901 = tpu.memref_slice %dma_wait3A_1898[%dma_wait3A_1899, %dma_wait3A_1900] : memref<100001x128xf32, #tpu.memory_space<hbm>> -> memref<100001x128xf32, #tpu.memory_space<hbm>>
      %dma_wait3A_1902 = tpu.memref_slice %arg9[%dma_wait3A_1887] : memref<4x!tpu.dma_semaphore, #tpu.memory_space<semaphore_mem>> -> memref<1x!tpu.dma_semaphore, #tpu.memory_space<semaphore_mem>>
      %dma_wait3A_1903 = tpu.memref_squeeze %dma_wait3A_1902 : memref<1x!tpu.dma_semaphore, #tpu.memory_space<semaphore_mem>> -> memref<!tpu.dma_semaphore, #tpu.memory_space<semaphore_mem>>
      tpu.wait_indirect_dma semaphore(%dma_wait3A_1903 : memref<!tpu.dma_semaphore, #tpu.memory_space<semaphore_mem>>) src(%dma_wait3A_1901 : memref<100001x128xf32, #tpu.memory_space<hbm>>) dst(%dma_wait3A_1891 : memref<64x128xf32, #tpu.memory_space<vmem>>)
      %sub3A_1904 = arith.constant 4 : i32
      %sub3A_1905 = arith.subi %add3A_1861, %sub3A_1904 : i32
      %jit3A_1906 = arith.constant 8 : i32
      %div3A_1907 = arith.divsi %sub3A_1905, %jit3A_1906 : i32
      %sign3A_1908 = arith.constant 0 : i32
      %sign3A_1909 = arith.cmpi sgt, %sub3A_1905, %sign3A_1908 : i32
      %sign3A_1910 = arith.extui %sign3A_1909 : i1 to i32
      %sign3A_1911 = arith.constant 0 : i32
      %sign3A_1912 = arith.cmpi slt, %sub3A_1905, %sign3A_1911 : i32
      %sign3A_1913 = arith.extui %sign3A_1912 : i1 to i32
      %sign3A_1914 = arith.subi %sign3A_1910, %sign3A_1913 : i32
      %sign3A_1915 = arith.constant 0 : i32
      %sign3A_1916 = arith.cmpi sgt, %jit3A_1906, %sign3A_1915 : i32
      %sign3A_1917 = arith.extui %sign3A_1916 : i1 to i32
      %sign3A_1918 = arith.constant 0 : i32
      %sign3A_1919 = arith.cmpi slt, %jit3A_1906, %sign3A_1918 : i32
      %sign3A_1920 = arith.extui %sign3A_1919 : i1 to i32
      %sign3A_1921 = arith.subi %sign3A_1917, %sign3A_1920 : i32
      %ne3A_1922 = arith.cmpi ne, %sign3A_1914, %sign3A_1921 : i32
      %rem3A_1923 = arith.remsi %sub3A_1905, %jit3A_1906 : i32
      %ne3A_1924 = arith.constant 0 : i32
      %ne3A_1925 = arith.cmpi ne, %rem3A_1923, %ne3A_1924 : i32
      %and3A_1926 = arith.andi %ne3A_1922, %ne3A_1925 : i1
      %sub3A_1927 = arith.constant 1 : i32
      %sub3A_1928 = arith.subi %div3A_1907, %sub3A_1927 : i32
      %select_n3A_1929 = arith.select %and3A_1926, %sub3A_1928, %div3A_1907 : i32
      %jit3A_1930 = arith.constant 8 : i32
      %eq3A_1931 = arith.constant 0 : i32
      %eq3A_1932 = arith.cmpi eq, %jit3A_1930, %eq3A_1931 : i32
      %jit3A_1933 = arith.constant 1 : i32
      %select_n3A_1934 = arith.select %eq3A_1932, %jit3A_1933, %jit3A_1930 : i32
      %rem3A_1935 = arith.remsi %sub3A_1905, %select_n3A_1934 : i32
      %ne3A_1936 = arith.constant 0 : i32
      %ne3A_1937 = arith.cmpi ne, %rem3A_1935, %ne3A_1936 : i32
      %lt3A_1938 = arith.constant 0 : i32
      %lt3A_1939 = arith.cmpi slt, %rem3A_1935, %lt3A_1938 : i32
      %lt3A_1940 = arith.constant 0 : i32
      %lt3A_1941 = arith.cmpi slt, %select_n3A_1934, %lt3A_1940 : i32
      %ne3A_1942 = arith.xori %lt3A_1939, %lt3A_1941 : i1
      %and3A_1943 = arith.andi %ne3A_1942, %ne3A_1937 : i1
      %add3A_1944 = arith.addi %rem3A_1935, %select_n3A_1934 : i32
      %select_n3A_1945 = arith.select %and3A_1943, %add3A_1944, %rem3A_1935 : i32
      %mul3A_1946 = arith.constant 64 : i32
      %mul3A_1947 = arith.muli %select_n3A_1945, %mul3A_1946 : i32
      %add3A_1948 = arith.addi %mul3A_2, %mul3A_1947 : i32
      %mul3A_1949 = arith.constant 128 : i32
      %mul3A_1950 = arith.muli %select_n3A_1929, %mul3A_1949 : i32
      %dma_wait3A_1951 = arith.constant 1 : i32
      %dma_wait3A_1952 = arith.constant 1 : i32
      %dma_wait3A_1953 = tpu.memref_slice %arg11[%dma_wait3A_1952] : memref<4x!tpu.dma_semaphore, #tpu.memory_space<semaphore_mem>> -> memref<1x!tpu.dma_semaphore, #tpu.memory_space<semaphore_mem>>
      %dma_wait3A_1954 = tpu.memref_squeeze %dma_wait3A_1953 : memref<1x!tpu.dma_semaphore, #tpu.memory_space<semaphore_mem>> -> memref<!tpu.dma_semaphore, #tpu.memory_space<semaphore_mem>>
      %dma_wait3A_1955 = tpu.memref_slice %arg4[%add3A_1948, %mul3A_1950] : memref<16384x3328xf32, #tpu.memory_space<hbm>> -> memref<64x128xf32, #tpu.memory_space<hbm>>
      %dma_wait3A_1956 = arith.constant 0 : i32
      %dma_wait3A_1957 = arith.constant 0 : i32
      %dma_wait3A_1958 = tpu.memref_slice %arg8[%arg1, %dma_wait3A_1951, %dma_wait3A_1956, %dma_wait3A_1957] : memref<16x4x64x128xf32, #tpu.memory_space<vmem_shared>> -> memref<1x1x64x128xf32, #tpu.memory_space<vmem_shared>>
      %dma_wait3A_1959 = tpu.memref_squeeze %dma_wait3A_1958 : memref<1x1x64x128xf32, #tpu.memory_space<vmem_shared>> -> memref<64x128xf32, #tpu.memory_space<vmem_shared>>
      tpu.wait_dma2 semaphore(%dma_wait3A_1954 : memref<!tpu.dma_semaphore, #tpu.memory_space<semaphore_mem>>) src(%dma_wait3A_1959 : memref<64x128xf32, #tpu.memory_space<vmem_shared>>) dst(%dma_wait3A_1955 : memref<64x128xf32, #tpu.memory_space<hbm>>)
      %dma_start3A_1960 = arith.constant 1 : i32
      %dma_start3A_1961 = arith.constant 1 : i32
      %dma_start3A_1962 = arith.constant 1 : i32
      %dma_start3A_1963 = arith.constant 0 : i32
      %dma_start3A_1964 = arith.constant 0 : i32
      %dma_start3A_1965 = tpu.memref_slice %arg7[%dma_start3A_1960, %dma_start3A_1963, %dma_start3A_1964] : memref<4x64x128xf32, #tpu.memory_space<vmem>> -> memref<1x64x128xf32, #tpu.memory_space<vmem>>
      %dma_start3A_1966 = tpu.memref_squeeze %dma_start3A_1965 : memref<1x64x128xf32, #tpu.memory_space<vmem>> -> memref<64x128xf32, #tpu.memory_space<vmem>>
      %dma_start3A_1967 = arith.constant 0 : i32
      %dma_start3A_1968 = arith.constant 0 : i32
      %dma_start3A_1969 = tpu.memref_slice %arg8[%arg1, %dma_start3A_1961, %dma_start3A_1967, %dma_start3A_1968] : memref<16x4x64x128xf32, #tpu.memory_space<vmem_shared>> -> memref<1x1x64x128xf32, #tpu.memory_space<vmem_shared>>
      %dma_start3A_1970 = tpu.memref_squeeze %dma_start3A_1969 : memref<1x1x64x128xf32, #tpu.memory_space<vmem_shared>> -> memref<64x128xf32, #tpu.memory_space<vmem_shared>>
      %dma_start3A_1971 = tpu.memref_slice %arg10[%dma_start3A_1962] : memref<4x!tpu.dma_semaphore, #tpu.memory_space<semaphore_mem>> -> memref<1x!tpu.dma_semaphore, #tpu.memory_space<semaphore_mem>>
      %dma_start3A_1972 = tpu.memref_squeeze %dma_start3A_1971 : memref<1x!tpu.dma_semaphore, #tpu.memory_space<semaphore_mem>> -> memref<!tpu.dma_semaphore, #tpu.memory_space<semaphore_mem>>
      %dma_start3A_1973 = arith.constant 0 : i32
      %dma_start3A_1974 = arith.constant 0 : i32
      %dma_start3A_1975 = tpu.memref_slice %arg8[%arg1, %dma_start3A_1961, %dma_start3A_1973, %dma_start3A_1974] : memref<16x4x64x128xf32, #tpu.memory_space<vmem_shared>> -> memref<1x1x64x128xf32, #tpu.memory_space<vmem_shared>>
      %dma_start3A_1976 = tpu.memref_squeeze %dma_start3A_1975 : memref<1x1x64x128xf32, #tpu.memory_space<vmem_shared>> -> memref<64x128xf32, #tpu.memory_space<vmem_shared>>
      %dma_start3A_1977 = arith.constant 0 : i32
      %dma_start3A_1978 = arith.constant 0 : i32
      %dma_start3A_1979 = tpu.memref_slice %arg7[%dma_start3A_1960, %dma_start3A_1977, %dma_start3A_1978] : memref<4x64x128xf32, #tpu.memory_space<vmem>> -> memref<1x64x128xf32, #tpu.memory_space<vmem>>
      %dma_start3A_1980 = tpu.memref_squeeze %dma_start3A_1979 : memref<1x64x128xf32, #tpu.memory_space<vmem>> -> memref<64x128xf32, #tpu.memory_space<vmem>>
      tpu.enqueue_dma source(%dma_start3A_1980 : memref<64x128xf32, #tpu.memory_space<vmem>>) target(%dma_start3A_1976 : memref<64x128xf32, #tpu.memory_space<vmem_shared>>) target_semaphore(%dma_start3A_1972 : memref<!tpu.dma_semaphore, #tpu.memory_space<semaphore_mem>>)
      %mul3A_1981 = arith.constant 4 : i32
      %mul3A_1982 = arith.muli %add3A_1304, %mul3A_1981 : i32
      %add3A_1983 = arith.constant 2 : i32
      %add3A_1984 = arith.addi %mul3A_1982, %add3A_1983 : i32
      %jit3A_1985 = arith.constant 8 : i32
      %div3A_1986 = arith.divsi %add3A_1984, %jit3A_1985 : i32
      %sign3A_1987 = arith.constant 0 : i32
      %sign3A_1988 = arith.cmpi sgt, %add3A_1984, %sign3A_1987 : i32
      %sign3A_1989 = arith.extui %sign3A_1988 : i1 to i32
      %sign3A_1990 = arith.constant 0 : i32
      %sign3A_1991 = arith.cmpi slt, %add3A_1984, %sign3A_1990 : i32
      %sign3A_1992 = arith.extui %sign3A_1991 : i1 to i32
      %sign3A_1993 = arith.subi %sign3A_1989, %sign3A_1992 : i32
      %sign3A_1994 = arith.constant 0 : i32
      %sign3A_1995 = arith.cmpi sgt, %jit3A_1985, %sign3A_1994 : i32
      %sign3A_1996 = arith.extui %sign3A_1995 : i1 to i32
      %sign3A_1997 = arith.constant 0 : i32
      %sign3A_1998 = arith.cmpi slt, %jit3A_1985, %sign3A_1997 : i32
      %sign3A_1999 = arith.extui %sign3A_1998 : i1 to i32
      %sign3A_2000 = arith.subi %sign3A_1996, %sign3A_1999 : i32
      %ne3A_2001 = arith.cmpi ne, %sign3A_1993, %sign3A_2000 : i32
      %rem3A_2002 = arith.remsi %add3A_1984, %jit3A_1985 : i32
      %ne3A_2003 = arith.constant 0 : i32
      %ne3A_2004 = arith.cmpi ne, %rem3A_2002, %ne3A_2003 : i32
      %and3A_2005 = arith.andi %ne3A_2001, %ne3A_2004 : i1
      %sub3A_2006 = arith.constant 1 : i32
      %sub3A_2007 = arith.subi %div3A_1986, %sub3A_2006 : i32
      %select_n3A_2008 = arith.select %and3A_2005, %sub3A_2007, %div3A_1986 : i32
      %dma_wait3A_2009 = arith.constant 2 : i32
      %dma_wait3A_2010 = arith.constant 2 : i32
      %dma_wait3A_2011 = arith.constant 0 : i32
      %dma_wait3A_2012 = arith.constant 0 : i32
      %dma_wait3A_2013 = tpu.memref_slice %arg7[%dma_wait3A_2009, %dma_wait3A_2011, %dma_wait3A_2012] : memref<4x64x128xf32, #tpu.memory_space<vmem>> -> memref<1x64x128xf32, #tpu.memory_space<vmem>>
      %dma_wait3A_2014 = tpu.memref_squeeze %dma_wait3A_2013 : memref<1x64x128xf32, #tpu.memory_space<vmem>> -> memref<64x128xf32, #tpu.memory_space<vmem>>
      %dma_wait3A_2015 = arith.constant 0 : i32
      %dma_wait3A_2016 = tpu.memref_slice %arg6[%add3A_1984, %dma_wait3A_2015] : memref<208x64xi32, #tpu.memory_space<vmem>> -> memref<1x64xi32, #tpu.memory_space<vmem>>
      %dma_wait3A_2017 = tpu.memref_squeeze %dma_wait3A_2016 : memref<1x64xi32, #tpu.memory_space<vmem>> -> memref<64xi32, #tpu.memory_space<vmem>>
      %dma_wait3A_2018 = arith.constant 0 : i32
      %dma_wait3A_2019 = arith.constant 0 : i32
      %dma_wait3A_2020 = tpu.memref_slice %arg2[%select_n3A_2008, %dma_wait3A_2018, %dma_wait3A_2019] : memref<26x100001x128xf32, #tpu.memory_space<hbm>> -> memref<1x100001x128xf32, #tpu.memory_space<hbm>>
      %dma_wait3A_2021 = tpu.memref_squeeze %dma_wait3A_2020 : memref<1x100001x128xf32, #tpu.memory_space<hbm>> -> memref<100001x128xf32, #tpu.memory_space<hbm>>
      %dma_wait3A_2022 = arith.constant 0 : i32
      %dma_wait3A_2023 = arith.constant 0 : i32
      %dma_wait3A_2024 = tpu.memref_slice %dma_wait3A_2021[%dma_wait3A_2022, %dma_wait3A_2023] : memref<100001x128xf32, #tpu.memory_space<hbm>> -> memref<100001x128xf32, #tpu.memory_space<hbm>>
      %dma_wait3A_2025 = tpu.memref_slice %arg9[%dma_wait3A_2010] : memref<4x!tpu.dma_semaphore, #tpu.memory_space<semaphore_mem>> -> memref<1x!tpu.dma_semaphore, #tpu.memory_space<semaphore_mem>>
      %dma_wait3A_2026 = tpu.memref_squeeze %dma_wait3A_2025 : memref<1x!tpu.dma_semaphore, #tpu.memory_space<semaphore_mem>> -> memref<!tpu.dma_semaphore, #tpu.memory_space<semaphore_mem>>
      tpu.wait_indirect_dma semaphore(%dma_wait3A_2026 : memref<!tpu.dma_semaphore, #tpu.memory_space<semaphore_mem>>) src(%dma_wait3A_2024 : memref<100001x128xf32, #tpu.memory_space<hbm>>) dst(%dma_wait3A_2014 : memref<64x128xf32, #tpu.memory_space<vmem>>)
      %sub3A_2027 = arith.constant 4 : i32
      %sub3A_2028 = arith.subi %add3A_1984, %sub3A_2027 : i32
      %jit3A_2029 = arith.constant 8 : i32
      %div3A_2030 = arith.divsi %sub3A_2028, %jit3A_2029 : i32
      %sign3A_2031 = arith.constant 0 : i32
      %sign3A_2032 = arith.cmpi sgt, %sub3A_2028, %sign3A_2031 : i32
      %sign3A_2033 = arith.extui %sign3A_2032 : i1 to i32
      %sign3A_2034 = arith.constant 0 : i32
      %sign3A_2035 = arith.cmpi slt, %sub3A_2028, %sign3A_2034 : i32
      %sign3A_2036 = arith.extui %sign3A_2035 : i1 to i32
      %sign3A_2037 = arith.subi %sign3A_2033, %sign3A_2036 : i32
      %sign3A_2038 = arith.constant 0 : i32
      %sign3A_2039 = arith.cmpi sgt, %jit3A_2029, %sign3A_2038 : i32
      %sign3A_2040 = arith.extui %sign3A_2039 : i1 to i32
      %sign3A_2041 = arith.constant 0 : i32
      %sign3A_2042 = arith.cmpi slt, %jit3A_2029, %sign3A_2041 : i32
      %sign3A_2043 = arith.extui %sign3A_2042 : i1 to i32
      %sign3A_2044 = arith.subi %sign3A_2040, %sign3A_2043 : i32
      %ne3A_2045 = arith.cmpi ne, %sign3A_2037, %sign3A_2044 : i32
      %rem3A_2046 = arith.remsi %sub3A_2028, %jit3A_2029 : i32
      %ne3A_2047 = arith.constant 0 : i32
      %ne3A_2048 = arith.cmpi ne, %rem3A_2046, %ne3A_2047 : i32
      %and3A_2049 = arith.andi %ne3A_2045, %ne3A_2048 : i1
      %sub3A_2050 = arith.constant 1 : i32
      %sub3A_2051 = arith.subi %div3A_2030, %sub3A_2050 : i32
      %select_n3A_2052 = arith.select %and3A_2049, %sub3A_2051, %div3A_2030 : i32
      %jit3A_2053 = arith.constant 8 : i32
      %eq3A_2054 = arith.constant 0 : i32
      %eq3A_2055 = arith.cmpi eq, %jit3A_2053, %eq3A_2054 : i32
      %jit3A_2056 = arith.constant 1 : i32
      %select_n3A_2057 = arith.select %eq3A_2055, %jit3A_2056, %jit3A_2053 : i32
      %rem3A_2058 = arith.remsi %sub3A_2028, %select_n3A_2057 : i32
      %ne3A_2059 = arith.constant 0 : i32
      %ne3A_2060 = arith.cmpi ne, %rem3A_2058, %ne3A_2059 : i32
      %lt3A_2061 = arith.constant 0 : i32
      %lt3A_2062 = arith.cmpi slt, %rem3A_2058, %lt3A_2061 : i32
      %lt3A_2063 = arith.constant 0 : i32
      %lt3A_2064 = arith.cmpi slt, %select_n3A_2057, %lt3A_2063 : i32
      %ne3A_2065 = arith.xori %lt3A_2062, %lt3A_2064 : i1
      %and3A_2066 = arith.andi %ne3A_2065, %ne3A_2060 : i1
      %add3A_2067 = arith.addi %rem3A_2058, %select_n3A_2057 : i32
      %select_n3A_2068 = arith.select %and3A_2066, %add3A_2067, %rem3A_2058 : i32
      %mul3A_2069 = arith.constant 64 : i32
      %mul3A_2070 = arith.muli %select_n3A_2068, %mul3A_2069 : i32
      %add3A_2071 = arith.addi %mul3A_2, %mul3A_2070 : i32
      %mul3A_2072 = arith.constant 128 : i32
      %mul3A_2073 = arith.muli %select_n3A_2052, %mul3A_2072 : i32
      %dma_wait3A_2074 = arith.constant 2 : i32
      %dma_wait3A_2075 = arith.constant 2 : i32
      %dma_wait3A_2076 = tpu.memref_slice %arg11[%dma_wait3A_2075] : memref<4x!tpu.dma_semaphore, #tpu.memory_space<semaphore_mem>> -> memref<1x!tpu.dma_semaphore, #tpu.memory_space<semaphore_mem>>
      %dma_wait3A_2077 = tpu.memref_squeeze %dma_wait3A_2076 : memref<1x!tpu.dma_semaphore, #tpu.memory_space<semaphore_mem>> -> memref<!tpu.dma_semaphore, #tpu.memory_space<semaphore_mem>>
      %dma_wait3A_2078 = tpu.memref_slice %arg4[%add3A_2071, %mul3A_2073] : memref<16384x3328xf32, #tpu.memory_space<hbm>> -> memref<64x128xf32, #tpu.memory_space<hbm>>
      %dma_wait3A_2079 = arith.constant 0 : i32
      %dma_wait3A_2080 = arith.constant 0 : i32
      %dma_wait3A_2081 = tpu.memref_slice %arg8[%arg1, %dma_wait3A_2074, %dma_wait3A_2079, %dma_wait3A_2080] : memref<16x4x64x128xf32, #tpu.memory_space<vmem_shared>> -> memref<1x1x64x128xf32, #tpu.memory_space<vmem_shared>>
      %dma_wait3A_2082 = tpu.memref_squeeze %dma_wait3A_2081 : memref<1x1x64x128xf32, #tpu.memory_space<vmem_shared>> -> memref<64x128xf32, #tpu.memory_space<vmem_shared>>
      tpu.wait_dma2 semaphore(%dma_wait3A_2077 : memref<!tpu.dma_semaphore, #tpu.memory_space<semaphore_mem>>) src(%dma_wait3A_2082 : memref<64x128xf32, #tpu.memory_space<vmem_shared>>) dst(%dma_wait3A_2078 : memref<64x128xf32, #tpu.memory_space<hbm>>)
      %dma_start3A_2083 = arith.constant 2 : i32
      %dma_start3A_2084 = arith.constant 2 : i32
      %dma_start3A_2085 = arith.constant 2 : i32
      %dma_start3A_2086 = arith.constant 0 : i32
      %dma_start3A_2087 = arith.constant 0 : i32
      %dma_start3A_2088 = tpu.memref_slice %arg7[%dma_start3A_2083, %dma_start3A_2086, %dma_start3A_2087] : memref<4x64x128xf32, #tpu.memory_space<vmem>> -> memref<1x64x128xf32, #tpu.memory_space<vmem>>
      %dma_start3A_2089 = tpu.memref_squeeze %dma_start3A_2088 : memref<1x64x128xf32, #tpu.memory_space<vmem>> -> memref<64x128xf32, #tpu.memory_space<vmem>>
      %dma_start3A_2090 = arith.constant 0 : i32
      %dma_start3A_2091 = arith.constant 0 : i32
      %dma_start3A_2092 = tpu.memref_slice %arg8[%arg1, %dma_start3A_2084, %dma_start3A_2090, %dma_start3A_2091] : memref<16x4x64x128xf32, #tpu.memory_space<vmem_shared>> -> memref<1x1x64x128xf32, #tpu.memory_space<vmem_shared>>
      %dma_start3A_2093 = tpu.memref_squeeze %dma_start3A_2092 : memref<1x1x64x128xf32, #tpu.memory_space<vmem_shared>> -> memref<64x128xf32, #tpu.memory_space<vmem_shared>>
      %dma_start3A_2094 = tpu.memref_slice %arg10[%dma_start3A_2085] : memref<4x!tpu.dma_semaphore, #tpu.memory_space<semaphore_mem>> -> memref<1x!tpu.dma_semaphore, #tpu.memory_space<semaphore_mem>>
      %dma_start3A_2095 = tpu.memref_squeeze %dma_start3A_2094 : memref<1x!tpu.dma_semaphore, #tpu.memory_space<semaphore_mem>> -> memref<!tpu.dma_semaphore, #tpu.memory_space<semaphore_mem>>
      %dma_start3A_2096 = arith.constant 0 : i32
      %dma_start3A_2097 = arith.constant 0 : i32
      %dma_start3A_2098 = tpu.memref_slice %arg8[%arg1, %dma_start3A_2084, %dma_start3A_2096, %dma_start3A_2097] : memref<16x4x64x128xf32, #tpu.memory_space<vmem_shared>> -> memref<1x1x64x128xf32, #tpu.memory_space<vmem_shared>>
      %dma_start3A_2099 = tpu.memref_squeeze %dma_start3A_2098 : memref<1x1x64x128xf32, #tpu.memory_space<vmem_shared>> -> memref<64x128xf32, #tpu.memory_space<vmem_shared>>
      %dma_start3A_2100 = arith.constant 0 : i32
      %dma_start3A_2101 = arith.constant 0 : i32
      %dma_start3A_2102 = tpu.memref_slice %arg7[%dma_start3A_2083, %dma_start3A_2100, %dma_start3A_2101] : memref<4x64x128xf32, #tpu.memory_space<vmem>> -> memref<1x64x128xf32, #tpu.memory_space<vmem>>
      %dma_start3A_2103 = tpu.memref_squeeze %dma_start3A_2102 : memref<1x64x128xf32, #tpu.memory_space<vmem>> -> memref<64x128xf32, #tpu.memory_space<vmem>>
      tpu.enqueue_dma source(%dma_start3A_2103 : memref<64x128xf32, #tpu.memory_space<vmem>>) target(%dma_start3A_2099 : memref<64x128xf32, #tpu.memory_space<vmem_shared>>) target_semaphore(%dma_start3A_2095 : memref<!tpu.dma_semaphore, #tpu.memory_space<semaphore_mem>>)
      %mul3A_2104 = arith.constant 4 : i32
      %mul3A_2105 = arith.muli %add3A_1304, %mul3A_2104 : i32
      %add3A_2106 = arith.constant 3 : i32
      %add3A_2107 = arith.addi %mul3A_2105, %add3A_2106 : i32
      %jit3A_2108 = arith.constant 8 : i32
      %div3A_2109 = arith.divsi %add3A_2107, %jit3A_2108 : i32
      %sign3A_2110 = arith.constant 0 : i32
      %sign3A_2111 = arith.cmpi sgt, %add3A_2107, %sign3A_2110 : i32
      %sign3A_2112 = arith.extui %sign3A_2111 : i1 to i32
      %sign3A_2113 = arith.constant 0 : i32
      %sign3A_2114 = arith.cmpi slt, %add3A_2107, %sign3A_2113 : i32
      %sign3A_2115 = arith.extui %sign3A_2114 : i1 to i32
      %sign3A_2116 = arith.subi %sign3A_2112, %sign3A_2115 : i32
      %sign3A_2117 = arith.constant 0 : i32
      %sign3A_2118 = arith.cmpi sgt, %jit3A_2108, %sign3A_2117 : i32
      %sign3A_2119 = arith.extui %sign3A_2118 : i1 to i32
      %sign3A_2120 = arith.constant 0 : i32
      %sign3A_2121 = arith.cmpi slt, %jit3A_2108, %sign3A_2120 : i32
      %sign3A_2122 = arith.extui %sign3A_2121 : i1 to i32
      %sign3A_2123 = arith.subi %sign3A_2119, %sign3A_2122 : i32
      %ne3A_2124 = arith.cmpi ne, %sign3A_2116, %sign3A_2123 : i32
      %rem3A_2125 = arith.remsi %add3A_2107, %jit3A_2108 : i32
      %ne3A_2126 = arith.constant 0 : i32
      %ne3A_2127 = arith.cmpi ne, %rem3A_2125, %ne3A_2126 : i32
      %and3A_2128 = arith.andi %ne3A_2124, %ne3A_2127 : i1
      %sub3A_2129 = arith.constant 1 : i32
      %sub3A_2130 = arith.subi %div3A_2109, %sub3A_2129 : i32
      %select_n3A_2131 = arith.select %and3A_2128, %sub3A_2130, %div3A_2109 : i32
      %dma_wait3A_2132 = arith.constant 3 : i32
      %dma_wait3A_2133 = arith.constant 3 : i32
      %dma_wait3A_2134 = arith.constant 0 : i32
      %dma_wait3A_2135 = arith.constant 0 : i32
      %dma_wait3A_2136 = tpu.memref_slice %arg7[%dma_wait3A_2132, %dma_wait3A_2134, %dma_wait3A_2135] : memref<4x64x128xf32, #tpu.memory_space<vmem>> -> memref<1x64x128xf32, #tpu.memory_space<vmem>>
      %dma_wait3A_2137 = tpu.memref_squeeze %dma_wait3A_2136 : memref<1x64x128xf32, #tpu.memory_space<vmem>> -> memref<64x128xf32, #tpu.memory_space<vmem>>
      %dma_wait3A_2138 = arith.constant 0 : i32
      %dma_wait3A_2139 = tpu.memref_slice %arg6[%add3A_2107, %dma_wait3A_2138] : memref<208x64xi32, #tpu.memory_space<vmem>> -> memref<1x64xi32, #tpu.memory_space<vmem>>
      %dma_wait3A_2140 = tpu.memref_squeeze %dma_wait3A_2139 : memref<1x64xi32, #tpu.memory_space<vmem>> -> memref<64xi32, #tpu.memory_space<vmem>>
      %dma_wait3A_2141 = arith.constant 0 : i32
      %dma_wait3A_2142 = arith.constant 0 : i32
      %dma_wait3A_2143 = tpu.memref_slice %arg2[%select_n3A_2131, %dma_wait3A_2141, %dma_wait3A_2142] : memref<26x100001x128xf32, #tpu.memory_space<hbm>> -> memref<1x100001x128xf32, #tpu.memory_space<hbm>>
      %dma_wait3A_2144 = tpu.memref_squeeze %dma_wait3A_2143 : memref<1x100001x128xf32, #tpu.memory_space<hbm>> -> memref<100001x128xf32, #tpu.memory_space<hbm>>
      %dma_wait3A_2145 = arith.constant 0 : i32
      %dma_wait3A_2146 = arith.constant 0 : i32
      %dma_wait3A_2147 = tpu.memref_slice %dma_wait3A_2144[%dma_wait3A_2145, %dma_wait3A_2146] : memref<100001x128xf32, #tpu.memory_space<hbm>> -> memref<100001x128xf32, #tpu.memory_space<hbm>>
      %dma_wait3A_2148 = tpu.memref_slice %arg9[%dma_wait3A_2133] : memref<4x!tpu.dma_semaphore, #tpu.memory_space<semaphore_mem>> -> memref<1x!tpu.dma_semaphore, #tpu.memory_space<semaphore_mem>>
      %dma_wait3A_2149 = tpu.memref_squeeze %dma_wait3A_2148 : memref<1x!tpu.dma_semaphore, #tpu.memory_space<semaphore_mem>> -> memref<!tpu.dma_semaphore, #tpu.memory_space<semaphore_mem>>
      tpu.wait_indirect_dma semaphore(%dma_wait3A_2149 : memref<!tpu.dma_semaphore, #tpu.memory_space<semaphore_mem>>) src(%dma_wait3A_2147 : memref<100001x128xf32, #tpu.memory_space<hbm>>) dst(%dma_wait3A_2137 : memref<64x128xf32, #tpu.memory_space<vmem>>)
      %sub3A_2150 = arith.constant 4 : i32
      %sub3A_2151 = arith.subi %add3A_2107, %sub3A_2150 : i32
      %jit3A_2152 = arith.constant 8 : i32
      %div3A_2153 = arith.divsi %sub3A_2151, %jit3A_2152 : i32
      %sign3A_2154 = arith.constant 0 : i32
      %sign3A_2155 = arith.cmpi sgt, %sub3A_2151, %sign3A_2154 : i32
      %sign3A_2156 = arith.extui %sign3A_2155 : i1 to i32
      %sign3A_2157 = arith.constant 0 : i32
      %sign3A_2158 = arith.cmpi slt, %sub3A_2151, %sign3A_2157 : i32
      %sign3A_2159 = arith.extui %sign3A_2158 : i1 to i32
      %sign3A_2160 = arith.subi %sign3A_2156, %sign3A_2159 : i32
      %sign3A_2161 = arith.constant 0 : i32
      %sign3A_2162 = arith.cmpi sgt, %jit3A_2152, %sign3A_2161 : i32
      %sign3A_2163 = arith.extui %sign3A_2162 : i1 to i32
      %sign3A_2164 = arith.constant 0 : i32
      %sign3A_2165 = arith.cmpi slt, %jit3A_2152, %sign3A_2164 : i32
      %sign3A_2166 = arith.extui %sign3A_2165 : i1 to i32
      %sign3A_2167 = arith.subi %sign3A_2163, %sign3A_2166 : i32
      %ne3A_2168 = arith.cmpi ne, %sign3A_2160, %sign3A_2167 : i32
      %rem3A_2169 = arith.remsi %sub3A_2151, %jit3A_2152 : i32
      %ne3A_2170 = arith.constant 0 : i32
      %ne3A_2171 = arith.cmpi ne, %rem3A_2169, %ne3A_2170 : i32
      %and3A_2172 = arith.andi %ne3A_2168, %ne3A_2171 : i1
      %sub3A_2173 = arith.constant 1 : i32
      %sub3A_2174 = arith.subi %div3A_2153, %sub3A_2173 : i32
      %select_n3A_2175 = arith.select %and3A_2172, %sub3A_2174, %div3A_2153 : i32
      %jit3A_2176 = arith.constant 8 : i32
      %eq3A_2177 = arith.constant 0 : i32
      %eq3A_2178 = arith.cmpi eq, %jit3A_2176, %eq3A_2177 : i32
      %jit3A_2179 = arith.constant 1 : i32
      %select_n3A_2180 = arith.select %eq3A_2178, %jit3A_2179, %jit3A_2176 : i32
      %rem3A_2181 = arith.remsi %sub3A_2151, %select_n3A_2180 : i32
      %ne3A_2182 = arith.constant 0 : i32
      %ne3A_2183 = arith.cmpi ne, %rem3A_2181, %ne3A_2182 : i32
      %lt3A_2184 = arith.constant 0 : i32
      %lt3A_2185 = arith.cmpi slt, %rem3A_2181, %lt3A_2184 : i32
      %lt3A_2186 = arith.constant 0 : i32
      %lt3A_2187 = arith.cmpi slt, %select_n3A_2180, %lt3A_2186 : i32
      %ne3A_2188 = arith.xori %lt3A_2185, %lt3A_2187 : i1
      %and3A_2189 = arith.andi %ne3A_2188, %ne3A_2183 : i1
      %add3A_2190 = arith.addi %rem3A_2181, %select_n3A_2180 : i32
      %select_n3A_2191 = arith.select %and3A_2189, %add3A_2190, %rem3A_2181 : i32
      %mul3A_2192 = arith.constant 64 : i32
      %mul3A_2193 = arith.muli %select_n3A_2191, %mul3A_2192 : i32
      %add3A_2194 = arith.addi %mul3A_2, %mul3A_2193 : i32
      %mul3A_2195 = arith.constant 128 : i32
      %mul3A_2196 = arith.muli %select_n3A_2175, %mul3A_2195 : i32
      %dma_wait3A_2197 = arith.constant 3 : i32
      %dma_wait3A_2198 = arith.constant 3 : i32
      %dma_wait3A_2199 = tpu.memref_slice %arg11[%dma_wait3A_2198] : memref<4x!tpu.dma_semaphore, #tpu.memory_space<semaphore_mem>> -> memref<1x!tpu.dma_semaphore, #tpu.memory_space<semaphore_mem>>
      %dma_wait3A_2200 = tpu.memref_squeeze %dma_wait3A_2199 : memref<1x!tpu.dma_semaphore, #tpu.memory_space<semaphore_mem>> -> memref<!tpu.dma_semaphore, #tpu.memory_space<semaphore_mem>>
      %dma_wait3A_2201 = tpu.memref_slice %arg4[%add3A_2194, %mul3A_2196] : memref<16384x3328xf32, #tpu.memory_space<hbm>> -> memref<64x128xf32, #tpu.memory_space<hbm>>
      %dma_wait3A_2202 = arith.constant 0 : i32
      %dma_wait3A_2203 = arith.constant 0 : i32
      %dma_wait3A_2204 = tpu.memref_slice %arg8[%arg1, %dma_wait3A_2197, %dma_wait3A_2202, %dma_wait3A_2203] : memref<16x4x64x128xf32, #tpu.memory_space<vmem_shared>> -> memref<1x1x64x128xf32, #tpu.memory_space<vmem_shared>>
      %dma_wait3A_2205 = tpu.memref_squeeze %dma_wait3A_2204 : memref<1x1x64x128xf32, #tpu.memory_space<vmem_shared>> -> memref<64x128xf32, #tpu.memory_space<vmem_shared>>
      tpu.wait_dma2 semaphore(%dma_wait3A_2200 : memref<!tpu.dma_semaphore, #tpu.memory_space<semaphore_mem>>) src(%dma_wait3A_2205 : memref<64x128xf32, #tpu.memory_space<vmem_shared>>) dst(%dma_wait3A_2201 : memref<64x128xf32, #tpu.memory_space<hbm>>)
      %dma_start3A_2206 = arith.constant 3 : i32
      %dma_start3A_2207 = arith.constant 3 : i32
      %dma_start3A_2208 = arith.constant 3 : i32
      %dma_start3A_2209 = arith.constant 0 : i32
      %dma_start3A_2210 = arith.constant 0 : i32
      %dma_start3A_2211 = tpu.memref_slice %arg7[%dma_start3A_2206, %dma_start3A_2209, %dma_start3A_2210] : memref<4x64x128xf32, #tpu.memory_space<vmem>> -> memref<1x64x128xf32, #tpu.memory_space<vmem>>
      %dma_start3A_2212 = tpu.memref_squeeze %dma_start3A_2211 : memref<1x64x128xf32, #tpu.memory_space<vmem>> -> memref<64x128xf32, #tpu.memory_space<vmem>>
      %dma_start3A_2213 = arith.constant 0 : i32
      %dma_start3A_2214 = arith.constant 0 : i32
      %dma_start3A_2215 = tpu.memref_slice %arg8[%arg1, %dma_start3A_2207, %dma_start3A_2213, %dma_start3A_2214] : memref<16x4x64x128xf32, #tpu.memory_space<vmem_shared>> -> memref<1x1x64x128xf32, #tpu.memory_space<vmem_shared>>
      %dma_start3A_2216 = tpu.memref_squeeze %dma_start3A_2215 : memref<1x1x64x128xf32, #tpu.memory_space<vmem_shared>> -> memref<64x128xf32, #tpu.memory_space<vmem_shared>>
      %dma_start3A_2217 = tpu.memref_slice %arg10[%dma_start3A_2208] : memref<4x!tpu.dma_semaphore, #tpu.memory_space<semaphore_mem>> -> memref<1x!tpu.dma_semaphore, #tpu.memory_space<semaphore_mem>>
      %dma_start3A_2218 = tpu.memref_squeeze %dma_start3A_2217 : memref<1x!tpu.dma_semaphore, #tpu.memory_space<semaphore_mem>> -> memref<!tpu.dma_semaphore, #tpu.memory_space<semaphore_mem>>
      %dma_start3A_2219 = arith.constant 0 : i32
      %dma_start3A_2220 = arith.constant 0 : i32
      %dma_start3A_2221 = tpu.memref_slice %arg8[%arg1, %dma_start3A_2207, %dma_start3A_2219, %dma_start3A_2220] : memref<16x4x64x128xf32, #tpu.memory_space<vmem_shared>> -> memref<1x1x64x128xf32, #tpu.memory_space<vmem_shared>>
      %dma_start3A_2222 = tpu.memref_squeeze %dma_start3A_2221 : memref<1x1x64x128xf32, #tpu.memory_space<vmem_shared>> -> memref<64x128xf32, #tpu.memory_space<vmem_shared>>
      %dma_start3A_2223 = arith.constant 0 : i32
      %dma_start3A_2224 = arith.constant 0 : i32
      %dma_start3A_2225 = tpu.memref_slice %arg7[%dma_start3A_2206, %dma_start3A_2223, %dma_start3A_2224] : memref<4x64x128xf32, #tpu.memory_space<vmem>> -> memref<1x64x128xf32, #tpu.memory_space<vmem>>
      %dma_start3A_2226 = tpu.memref_squeeze %dma_start3A_2225 : memref<1x64x128xf32, #tpu.memory_space<vmem>> -> memref<64x128xf32, #tpu.memory_space<vmem>>
      tpu.enqueue_dma source(%dma_start3A_2226 : memref<64x128xf32, #tpu.memory_space<vmem>>) target(%dma_start3A_2222 : memref<64x128xf32, #tpu.memory_space<vmem_shared>>) target_semaphore(%dma_start3A_2218 : memref<!tpu.dma_semaphore, #tpu.memory_space<semaphore_mem>>)
      %mul3A_2227 = arith.constant 4 : i32
      %mul3A_2228 = arith.muli %add3A_1304, %mul3A_2227 : i32
      %add3A_2229 = arith.constant 0 : i32
      %add3A_2230 = arith.addi %mul3A_2228, %add3A_2229 : i32
      %dma_wait3A_2231 = arith.constant 0 : i32
      %dma_wait3A_2232 = arith.constant 0 : i32
      %dma_wait3A_2233 = arith.constant 0 : i32
      %dma_wait3A_2234 = arith.constant 0 : i32
      %dma_wait3A_2235 = arith.constant 0 : i32
      %dma_wait3A_2236 = tpu.memref_slice %arg7[%dma_wait3A_2231, %dma_wait3A_2234, %dma_wait3A_2235] : memref<4x64x128xf32, #tpu.memory_space<vmem>> -> memref<1x64x128xf32, #tpu.memory_space<vmem>>
      %dma_wait3A_2237 = tpu.memref_squeeze %dma_wait3A_2236 : memref<1x64x128xf32, #tpu.memory_space<vmem>> -> memref<64x128xf32, #tpu.memory_space<vmem>>
      %dma_wait3A_2238 = arith.constant 0 : i32
      %dma_wait3A_2239 = arith.constant 0 : i32
      %dma_wait3A_2240 = tpu.memref_slice %arg8[%arg1, %dma_wait3A_2232, %dma_wait3A_2238, %dma_wait3A_2239] : memref<16x4x64x128xf32, #tpu.memory_space<vmem_shared>> -> memref<1x1x64x128xf32, #tpu.memory_space<vmem_shared>>
      %dma_wait3A_2241 = tpu.memref_squeeze %dma_wait3A_2240 : memref<1x1x64x128xf32, #tpu.memory_space<vmem_shared>> -> memref<64x128xf32, #tpu.memory_space<vmem_shared>>
      %dma_wait3A_2242 = tpu.memref_slice %arg10[%dma_wait3A_2233] : memref<4x!tpu.dma_semaphore, #tpu.memory_space<semaphore_mem>> -> memref<1x!tpu.dma_semaphore, #tpu.memory_space<semaphore_mem>>
      %dma_wait3A_2243 = tpu.memref_squeeze %dma_wait3A_2242 : memref<1x!tpu.dma_semaphore, #tpu.memory_space<semaphore_mem>> -> memref<!tpu.dma_semaphore, #tpu.memory_space<semaphore_mem>>
      %dma_wait3A_2244 = arith.constant 0 : i32
      %dma_wait3A_2245 = arith.constant 0 : i32
      %dma_wait3A_2246 = tpu.memref_slice %arg8[%arg1, %dma_wait3A_2232, %dma_wait3A_2244, %dma_wait3A_2245] : memref<16x4x64x128xf32, #tpu.memory_space<vmem_shared>> -> memref<1x1x64x128xf32, #tpu.memory_space<vmem_shared>>
      %dma_wait3A_2247 = tpu.memref_squeeze %dma_wait3A_2246 : memref<1x1x64x128xf32, #tpu.memory_space<vmem_shared>> -> memref<64x128xf32, #tpu.memory_space<vmem_shared>>
      %dma_wait3A_2248 = arith.constant 0 : i32
      %dma_wait3A_2249 = arith.constant 0 : i32
      %dma_wait3A_2250 = tpu.memref_slice %arg7[%dma_wait3A_2231, %dma_wait3A_2248, %dma_wait3A_2249] : memref<4x64x128xf32, #tpu.memory_space<vmem>> -> memref<1x64x128xf32, #tpu.memory_space<vmem>>
      %dma_wait3A_2251 = tpu.memref_squeeze %dma_wait3A_2250 : memref<1x64x128xf32, #tpu.memory_space<vmem>> -> memref<64x128xf32, #tpu.memory_space<vmem>>
      tpu.wait_dma2 semaphore(%dma_wait3A_2243 : memref<!tpu.dma_semaphore, #tpu.memory_space<semaphore_mem>>) src(%dma_wait3A_2251 : memref<64x128xf32, #tpu.memory_space<vmem>>) dst(%dma_wait3A_2247 : memref<64x128xf32, #tpu.memory_space<vmem_shared>>)
      %jit3A_2252 = arith.constant 8 : i32
      %div3A_2253 = arith.divsi %add3A_2230, %jit3A_2252 : i32
      %sign3A_2254 = arith.constant 0 : i32
      %sign3A_2255 = arith.cmpi sgt, %add3A_2230, %sign3A_2254 : i32
      %sign3A_2256 = arith.extui %sign3A_2255 : i1 to i32
      %sign3A_2257 = arith.constant 0 : i32
      %sign3A_2258 = arith.cmpi slt, %add3A_2230, %sign3A_2257 : i32
      %sign3A_2259 = arith.extui %sign3A_2258 : i1 to i32
      %sign3A_2260 = arith.subi %sign3A_2256, %sign3A_2259 : i32
      %sign3A_2261 = arith.constant 0 : i32
      %sign3A_2262 = arith.cmpi sgt, %jit3A_2252, %sign3A_2261 : i32
      %sign3A_2263 = arith.extui %sign3A_2262 : i1 to i32
      %sign3A_2264 = arith.constant 0 : i32
      %sign3A_2265 = arith.cmpi slt, %jit3A_2252, %sign3A_2264 : i32
      %sign3A_2266 = arith.extui %sign3A_2265 : i1 to i32
      %sign3A_2267 = arith.subi %sign3A_2263, %sign3A_2266 : i32
      %ne3A_2268 = arith.cmpi ne, %sign3A_2260, %sign3A_2267 : i32
      %rem3A_2269 = arith.remsi %add3A_2230, %jit3A_2252 : i32
      %ne3A_2270 = arith.constant 0 : i32
      %ne3A_2271 = arith.cmpi ne, %rem3A_2269, %ne3A_2270 : i32
      %and3A_2272 = arith.andi %ne3A_2268, %ne3A_2271 : i1
      %sub3A_2273 = arith.constant 1 : i32
      %sub3A_2274 = arith.subi %div3A_2253, %sub3A_2273 : i32
      %select_n3A_2275 = arith.select %and3A_2272, %sub3A_2274, %div3A_2253 : i32
      %jit3A_2276 = arith.constant 8 : i32
      %eq3A_2277 = arith.constant 0 : i32
      %eq3A_2278 = arith.cmpi eq, %jit3A_2276, %eq3A_2277 : i32
      %jit3A_2279 = arith.constant 1 : i32
      %select_n3A_2280 = arith.select %eq3A_2278, %jit3A_2279, %jit3A_2276 : i32
      %rem3A_2281 = arith.remsi %add3A_2230, %select_n3A_2280 : i32
      %ne3A_2282 = arith.constant 0 : i32
      %ne3A_2283 = arith.cmpi ne, %rem3A_2281, %ne3A_2282 : i32
      %lt3A_2284 = arith.constant 0 : i32
      %lt3A_2285 = arith.cmpi slt, %rem3A_2281, %lt3A_2284 : i32
      %lt3A_2286 = arith.constant 0 : i32
      %lt3A_2287 = arith.cmpi slt, %select_n3A_2280, %lt3A_2286 : i32
      %ne3A_2288 = arith.xori %lt3A_2285, %lt3A_2287 : i1
      %and3A_2289 = arith.andi %ne3A_2288, %ne3A_2283 : i1
      %add3A_2290 = arith.addi %rem3A_2281, %select_n3A_2280 : i32
      %select_n3A_2291 = arith.select %and3A_2289, %add3A_2290, %rem3A_2281 : i32
      %mul3A_2292 = arith.constant 64 : i32
      %mul3A_2293 = arith.muli %select_n3A_2291, %mul3A_2292 : i32
      %add3A_2294 = arith.addi %mul3A_2, %mul3A_2293 : i32
      %mul3A_2295 = arith.constant 128 : i32
      %mul3A_2296 = arith.muli %select_n3A_2275, %mul3A_2295 : i32
      %dma_start3A_2297 = arith.constant 0 : i32
      %dma_start3A_2298 = arith.constant 0 : i32
      %dma_start3A_2299 = tpu.memref_slice %arg11[%dma_start3A_2298] : memref<4x!tpu.dma_semaphore, #tpu.memory_space<semaphore_mem>> -> memref<1x!tpu.dma_semaphore, #tpu.memory_space<semaphore_mem>>
      %dma_start3A_2300 = tpu.memref_squeeze %dma_start3A_2299 : memref<1x!tpu.dma_semaphore, #tpu.memory_space<semaphore_mem>> -> memref<!tpu.dma_semaphore, #tpu.memory_space<semaphore_mem>>
      %dma_start3A_2301 = tpu.memref_slice %arg4[%add3A_2294, %mul3A_2296] : memref<16384x3328xf32, #tpu.memory_space<hbm>> -> memref<64x128xf32, #tpu.memory_space<hbm>>
      %dma_start3A_2302 = arith.constant 0 : i32
      %dma_start3A_2303 = arith.constant 0 : i32
      %dma_start3A_2304 = tpu.memref_slice %arg8[%arg1, %dma_start3A_2297, %dma_start3A_2302, %dma_start3A_2303] : memref<16x4x64x128xf32, #tpu.memory_space<vmem_shared>> -> memref<1x1x64x128xf32, #tpu.memory_space<vmem_shared>>
      %dma_start3A_2305 = tpu.memref_squeeze %dma_start3A_2304 : memref<1x1x64x128xf32, #tpu.memory_space<vmem_shared>> -> memref<64x128xf32, #tpu.memory_space<vmem_shared>>
      tpu.enqueue_dma source(%dma_start3A_2305 : memref<64x128xf32, #tpu.memory_space<vmem_shared>>) target(%dma_start3A_2301 : memref<64x128xf32, #tpu.memory_space<hbm>>) target_semaphore(%dma_start3A_2300 : memref<!tpu.dma_semaphore, #tpu.memory_space<semaphore_mem>>)
      %add3A_2306 = arith.constant 4 : i32
      %add3A_2307 = arith.addi %add3A_2230, %add3A_2306 : i32
      %jit3A_2308 = arith.constant 8 : i32
      %div3A_2309 = arith.divsi %add3A_2307, %jit3A_2308 : i32
      %sign3A_2310 = arith.constant 0 : i32
      %sign3A_2311 = arith.cmpi sgt, %add3A_2307, %sign3A_2310 : i32
      %sign3A_2312 = arith.extui %sign3A_2311 : i1 to i32
      %sign3A_2313 = arith.constant 0 : i32
      %sign3A_2314 = arith.cmpi slt, %add3A_2307, %sign3A_2313 : i32
      %sign3A_2315 = arith.extui %sign3A_2314 : i1 to i32
      %sign3A_2316 = arith.subi %sign3A_2312, %sign3A_2315 : i32
      %sign3A_2317 = arith.constant 0 : i32
      %sign3A_2318 = arith.cmpi sgt, %jit3A_2308, %sign3A_2317 : i32
      %sign3A_2319 = arith.extui %sign3A_2318 : i1 to i32
      %sign3A_2320 = arith.constant 0 : i32
      %sign3A_2321 = arith.cmpi slt, %jit3A_2308, %sign3A_2320 : i32
      %sign3A_2322 = arith.extui %sign3A_2321 : i1 to i32
      %sign3A_2323 = arith.subi %sign3A_2319, %sign3A_2322 : i32
      %ne3A_2324 = arith.cmpi ne, %sign3A_2316, %sign3A_2323 : i32
      %rem3A_2325 = arith.remsi %add3A_2307, %jit3A_2308 : i32
      %ne3A_2326 = arith.constant 0 : i32
      %ne3A_2327 = arith.cmpi ne, %rem3A_2325, %ne3A_2326 : i32
      %and3A_2328 = arith.andi %ne3A_2324, %ne3A_2327 : i1
      %sub3A_2329 = arith.constant 1 : i32
      %sub3A_2330 = arith.subi %div3A_2309, %sub3A_2329 : i32
      %select_n3A_2331 = arith.select %and3A_2328, %sub3A_2330, %div3A_2309 : i32
      %dma_start3A_2332 = arith.constant 0 : i32
      %dma_start3A_2333 = arith.constant 0 : i32
      %dma_start3A_2334 = arith.constant 0 : i32
      %dma_start3A_2335 = arith.constant 0 : i32
      %dma_start3A_2336 = tpu.memref_slice %arg7[%dma_start3A_2332, %dma_start3A_2334, %dma_start3A_2335] : memref<4x64x128xf32, #tpu.memory_space<vmem>> -> memref<1x64x128xf32, #tpu.memory_space<vmem>>
      %dma_start3A_2337 = tpu.memref_squeeze %dma_start3A_2336 : memref<1x64x128xf32, #tpu.memory_space<vmem>> -> memref<64x128xf32, #tpu.memory_space<vmem>>
      %dma_start3A_2338 = arith.constant 0 : i32
      %dma_start3A_2339 = tpu.memref_slice %arg6[%add3A_2307, %dma_start3A_2338] : memref<208x64xi32, #tpu.memory_space<vmem>> -> memref<1x64xi32, #tpu.memory_space<vmem>>
      %dma_start3A_2340 = tpu.memref_squeeze %dma_start3A_2339 : memref<1x64xi32, #tpu.memory_space<vmem>> -> memref<64xi32, #tpu.memory_space<vmem>>
      %dma_start3A_2341 = arith.constant 0 : i32
      %dma_start3A_2342 = arith.constant 0 : i32
      %dma_start3A_2343 = tpu.memref_slice %arg2[%select_n3A_2331, %dma_start3A_2341, %dma_start3A_2342] : memref<26x100001x128xf32, #tpu.memory_space<hbm>> -> memref<1x100001x128xf32, #tpu.memory_space<hbm>>
      %dma_start3A_2344 = tpu.memref_squeeze %dma_start3A_2343 : memref<1x100001x128xf32, #tpu.memory_space<hbm>> -> memref<100001x128xf32, #tpu.memory_space<hbm>>
      %dma_start3A_2345 = arith.constant 0 : i32
      %dma_start3A_2346 = arith.constant 0 : i32
      %dma_start3A_2347 = tpu.memref_slice %dma_start3A_2344[%dma_start3A_2345, %dma_start3A_2346] : memref<100001x128xf32, #tpu.memory_space<hbm>> -> memref<100001x128xf32, #tpu.memory_space<hbm>>
      %dma_start3A_2348 = tpu.memref_slice %arg9[%dma_start3A_2333] : memref<4x!tpu.dma_semaphore, #tpu.memory_space<semaphore_mem>> -> memref<1x!tpu.dma_semaphore, #tpu.memory_space<semaphore_mem>>
      %dma_start3A_2349 = tpu.memref_squeeze %dma_start3A_2348 : memref<1x!tpu.dma_semaphore, #tpu.memory_space<semaphore_mem>> -> memref<!tpu.dma_semaphore, #tpu.memory_space<semaphore_mem>>
      tpu.enqueue_indirect_dma source(%dma_start3A_2347 : memref<100001x128xf32, #tpu.memory_space<hbm>>) target(%dma_start3A_2337 : memref<64x128xf32, #tpu.memory_space<vmem>>) offsets(%dma_start3A_2340 : memref<64xi32, #tpu.memory_space<vmem>>) semaphore(%dma_start3A_2349 : memref<!tpu.dma_semaphore, #tpu.memory_space<semaphore_mem>>)
      %mul3A_2350 = arith.constant 4 : i32
      %mul3A_2351 = arith.muli %add3A_1304, %mul3A_2350 : i32
      %add3A_2352 = arith.constant 1 : i32
      %add3A_2353 = arith.addi %mul3A_2351, %add3A_2352 : i32
      %dma_wait3A_2354 = arith.constant 1 : i32
      %dma_wait3A_2355 = arith.constant 1 : i32
      %dma_wait3A_2356 = arith.constant 1 : i32
      %dma_wait3A_2357 = arith.constant 0 : i32
      %dma_wait3A_2358 = arith.constant 0 : i32
      %dma_wait3A_2359 = tpu.memref_slice %arg7[%dma_wait3A_2354, %dma_wait3A_2357, %dma_wait3A_2358] : memref<4x64x128xf32, #tpu.memory_space<vmem>> -> memref<1x64x128xf32, #tpu.memory_space<vmem>>
      %dma_wait3A_2360 = tpu.memref_squeeze %dma_wait3A_2359 : memref<1x64x128xf32, #tpu.memory_space<vmem>> -> memref<64x128xf32, #tpu.memory_space<vmem>>
      %dma_wait3A_2361 = arith.constant 0 : i32
      %dma_wait3A_2362 = arith.constant 0 : i32
      %dma_wait3A_2363 = tpu.memref_slice %arg8[%arg1, %dma_wait3A_2355, %dma_wait3A_2361, %dma_wait3A_2362] : memref<16x4x64x128xf32, #tpu.memory_space<vmem_shared>> -> memref<1x1x64x128xf32, #tpu.memory_space<vmem_shared>>
      %dma_wait3A_2364 = tpu.memref_squeeze %dma_wait3A_2363 : memref<1x1x64x128xf32, #tpu.memory_space<vmem_shared>> -> memref<64x128xf32, #tpu.memory_space<vmem_shared>>
      %dma_wait3A_2365 = tpu.memref_slice %arg10[%dma_wait3A_2356] : memref<4x!tpu.dma_semaphore, #tpu.memory_space<semaphore_mem>> -> memref<1x!tpu.dma_semaphore, #tpu.memory_space<semaphore_mem>>
      %dma_wait3A_2366 = tpu.memref_squeeze %dma_wait3A_2365 : memref<1x!tpu.dma_semaphore, #tpu.memory_space<semaphore_mem>> -> memref<!tpu.dma_semaphore, #tpu.memory_space<semaphore_mem>>
      %dma_wait3A_2367 = arith.constant 0 : i32
      %dma_wait3A_2368 = arith.constant 0 : i32
      %dma_wait3A_2369 = tpu.memref_slice %arg8[%arg1, %dma_wait3A_2355, %dma_wait3A_2367, %dma_wait3A_2368] : memref<16x4x64x128xf32, #tpu.memory_space<vmem_shared>> -> memref<1x1x64x128xf32, #tpu.memory_space<vmem_shared>>
      %dma_wait3A_2370 = tpu.memref_squeeze %dma_wait3A_2369 : memref<1x1x64x128xf32, #tpu.memory_space<vmem_shared>> -> memref<64x128xf32, #tpu.memory_space<vmem_shared>>
      %dma_wait3A_2371 = arith.constant 0 : i32
      %dma_wait3A_2372 = arith.constant 0 : i32
      %dma_wait3A_2373 = tpu.memref_slice %arg7[%dma_wait3A_2354, %dma_wait3A_2371, %dma_wait3A_2372] : memref<4x64x128xf32, #tpu.memory_space<vmem>> -> memref<1x64x128xf32, #tpu.memory_space<vmem>>
      %dma_wait3A_2374 = tpu.memref_squeeze %dma_wait3A_2373 : memref<1x64x128xf32, #tpu.memory_space<vmem>> -> memref<64x128xf32, #tpu.memory_space<vmem>>
      tpu.wait_dma2 semaphore(%dma_wait3A_2366 : memref<!tpu.dma_semaphore, #tpu.memory_space<semaphore_mem>>) src(%dma_wait3A_2374 : memref<64x128xf32, #tpu.memory_space<vmem>>) dst(%dma_wait3A_2370 : memref<64x128xf32, #tpu.memory_space<vmem_shared>>)
      %jit3A_2375 = arith.constant 8 : i32
      %div3A_2376 = arith.divsi %add3A_2353, %jit3A_2375 : i32
      %sign3A_2377 = arith.constant 0 : i32
      %sign3A_2378 = arith.cmpi sgt, %add3A_2353, %sign3A_2377 : i32
      %sign3A_2379 = arith.extui %sign3A_2378 : i1 to i32
      %sign3A_2380 = arith.constant 0 : i32
      %sign3A_2381 = arith.cmpi slt, %add3A_2353, %sign3A_2380 : i32
      %sign3A_2382 = arith.extui %sign3A_2381 : i1 to i32
      %sign3A_2383 = arith.subi %sign3A_2379, %sign3A_2382 : i32
      %sign3A_2384 = arith.constant 0 : i32
      %sign3A_2385 = arith.cmpi sgt, %jit3A_2375, %sign3A_2384 : i32
      %sign3A_2386 = arith.extui %sign3A_2385 : i1 to i32
      %sign3A_2387 = arith.constant 0 : i32
      %sign3A_2388 = arith.cmpi slt, %jit3A_2375, %sign3A_2387 : i32
      %sign3A_2389 = arith.extui %sign3A_2388 : i1 to i32
      %sign3A_2390 = arith.subi %sign3A_2386, %sign3A_2389 : i32
      %ne3A_2391 = arith.cmpi ne, %sign3A_2383, %sign3A_2390 : i32
      %rem3A_2392 = arith.remsi %add3A_2353, %jit3A_2375 : i32
      %ne3A_2393 = arith.constant 0 : i32
      %ne3A_2394 = arith.cmpi ne, %rem3A_2392, %ne3A_2393 : i32
      %and3A_2395 = arith.andi %ne3A_2391, %ne3A_2394 : i1
      %sub3A_2396 = arith.constant 1 : i32
      %sub3A_2397 = arith.subi %div3A_2376, %sub3A_2396 : i32
      %select_n3A_2398 = arith.select %and3A_2395, %sub3A_2397, %div3A_2376 : i32
      %jit3A_2399 = arith.constant 8 : i32
      %eq3A_2400 = arith.constant 0 : i32
      %eq3A_2401 = arith.cmpi eq, %jit3A_2399, %eq3A_2400 : i32
      %jit3A_2402 = arith.constant 1 : i32
      %select_n3A_2403 = arith.select %eq3A_2401, %jit3A_2402, %jit3A_2399 : i32
      %rem3A_2404 = arith.remsi %add3A_2353, %select_n3A_2403 : i32
      %ne3A_2405 = arith.constant 0 : i32
      %ne3A_2406 = arith.cmpi ne, %rem3A_2404, %ne3A_2405 : i32
      %lt3A_2407 = arith.constant 0 : i32
      %lt3A_2408 = arith.cmpi slt, %rem3A_2404, %lt3A_2407 : i32
      %lt3A_2409 = arith.constant 0 : i32
      %lt3A_2410 = arith.cmpi slt, %select_n3A_2403, %lt3A_2409 : i32
      %ne3A_2411 = arith.xori %lt3A_2408, %lt3A_2410 : i1
      %and3A_2412 = arith.andi %ne3A_2411, %ne3A_2406 : i1
      %add3A_2413 = arith.addi %rem3A_2404, %select_n3A_2403 : i32
      %select_n3A_2414 = arith.select %and3A_2412, %add3A_2413, %rem3A_2404 : i32
      %mul3A_2415 = arith.constant 64 : i32
      %mul3A_2416 = arith.muli %select_n3A_2414, %mul3A_2415 : i32
      %add3A_2417 = arith.addi %mul3A_2, %mul3A_2416 : i32
      %mul3A_2418 = arith.constant 128 : i32
      %mul3A_2419 = arith.muli %select_n3A_2398, %mul3A_2418 : i32
      %dma_start3A_2420 = arith.constant 1 : i32
      %dma_start3A_2421 = arith.constant 1 : i32
      %dma_start3A_2422 = tpu.memref_slice %arg11[%dma_start3A_2421] : memref<4x!tpu.dma_semaphore, #tpu.memory_space<semaphore_mem>> -> memref<1x!tpu.dma_semaphore, #tpu.memory_space<semaphore_mem>>
      %dma_start3A_2423 = tpu.memref_squeeze %dma_start3A_2422 : memref<1x!tpu.dma_semaphore, #tpu.memory_space<semaphore_mem>> -> memref<!tpu.dma_semaphore, #tpu.memory_space<semaphore_mem>>
      %dma_start3A_2424 = tpu.memref_slice %arg4[%add3A_2417, %mul3A_2419] : memref<16384x3328xf32, #tpu.memory_space<hbm>> -> memref<64x128xf32, #tpu.memory_space<hbm>>
      %dma_start3A_2425 = arith.constant 0 : i32
      %dma_start3A_2426 = arith.constant 0 : i32
      %dma_start3A_2427 = tpu.memref_slice %arg8[%arg1, %dma_start3A_2420, %dma_start3A_2425, %dma_start3A_2426] : memref<16x4x64x128xf32, #tpu.memory_space<vmem_shared>> -> memref<1x1x64x128xf32, #tpu.memory_space<vmem_shared>>
      %dma_start3A_2428 = tpu.memref_squeeze %dma_start3A_2427 : memref<1x1x64x128xf32, #tpu.memory_space<vmem_shared>> -> memref<64x128xf32, #tpu.memory_space<vmem_shared>>
      tpu.enqueue_dma source(%dma_start3A_2428 : memref<64x128xf32, #tpu.memory_space<vmem_shared>>) target(%dma_start3A_2424 : memref<64x128xf32, #tpu.memory_space<hbm>>) target_semaphore(%dma_start3A_2423 : memref<!tpu.dma_semaphore, #tpu.memory_space<semaphore_mem>>)
      %add3A_2429 = arith.constant 4 : i32
      %add3A_2430 = arith.addi %add3A_2353, %add3A_2429 : i32
      %jit3A_2431 = arith.constant 8 : i32
      %div3A_2432 = arith.divsi %add3A_2430, %jit3A_2431 : i32
      %sign3A_2433 = arith.constant 0 : i32
      %sign3A_2434 = arith.cmpi sgt, %add3A_2430, %sign3A_2433 : i32
      %sign3A_2435 = arith.extui %sign3A_2434 : i1 to i32
      %sign3A_2436 = arith.constant 0 : i32
      %sign3A_2437 = arith.cmpi slt, %add3A_2430, %sign3A_2436 : i32
      %sign3A_2438 = arith.extui %sign3A_2437 : i1 to i32
      %sign3A_2439 = arith.subi %sign3A_2435, %sign3A_2438 : i32
      %sign3A_2440 = arith.constant 0 : i32
      %sign3A_2441 = arith.cmpi sgt, %jit3A_2431, %sign3A_2440 : i32
      %sign3A_2442 = arith.extui %sign3A_2441 : i1 to i32
      %sign3A_2443 = arith.constant 0 : i32
      %sign3A_2444 = arith.cmpi slt, %jit3A_2431, %sign3A_2443 : i32
      %sign3A_2445 = arith.extui %sign3A_2444 : i1 to i32
      %sign3A_2446 = arith.subi %sign3A_2442, %sign3A_2445 : i32
      %ne3A_2447 = arith.cmpi ne, %sign3A_2439, %sign3A_2446 : i32
      %rem3A_2448 = arith.remsi %add3A_2430, %jit3A_2431 : i32
      %ne3A_2449 = arith.constant 0 : i32
      %ne3A_2450 = arith.cmpi ne, %rem3A_2448, %ne3A_2449 : i32
      %and3A_2451 = arith.andi %ne3A_2447, %ne3A_2450 : i1
      %sub3A_2452 = arith.constant 1 : i32
      %sub3A_2453 = arith.subi %div3A_2432, %sub3A_2452 : i32
      %select_n3A_2454 = arith.select %and3A_2451, %sub3A_2453, %div3A_2432 : i32
      %dma_start3A_2455 = arith.constant 1 : i32
      %dma_start3A_2456 = arith.constant 1 : i32
      %dma_start3A_2457 = arith.constant 0 : i32
      %dma_start3A_2458 = arith.constant 0 : i32
      %dma_start3A_2459 = tpu.memref_slice %arg7[%dma_start3A_2455, %dma_start3A_2457, %dma_start3A_2458] : memref<4x64x128xf32, #tpu.memory_space<vmem>> -> memref<1x64x128xf32, #tpu.memory_space<vmem>>
      %dma_start3A_2460 = tpu.memref_squeeze %dma_start3A_2459 : memref<1x64x128xf32, #tpu.memory_space<vmem>> -> memref<64x128xf32, #tpu.memory_space<vmem>>
      %dma_start3A_2461 = arith.constant 0 : i32
      %dma_start3A_2462 = tpu.memref_slice %arg6[%add3A_2430, %dma_start3A_2461] : memref<208x64xi32, #tpu.memory_space<vmem>> -> memref<1x64xi32, #tpu.memory_space<vmem>>
      %dma_start3A_2463 = tpu.memref_squeeze %dma_start3A_2462 : memref<1x64xi32, #tpu.memory_space<vmem>> -> memref<64xi32, #tpu.memory_space<vmem>>
      %dma_start3A_2464 = arith.constant 0 : i32
      %dma_start3A_2465 = arith.constant 0 : i32
      %dma_start3A_2466 = tpu.memref_slice %arg2[%select_n3A_2454, %dma_start3A_2464, %dma_start3A_2465] : memref<26x100001x128xf32, #tpu.memory_space<hbm>> -> memref<1x100001x128xf32, #tpu.memory_space<hbm>>
      %dma_start3A_2467 = tpu.memref_squeeze %dma_start3A_2466 : memref<1x100001x128xf32, #tpu.memory_space<hbm>> -> memref<100001x128xf32, #tpu.memory_space<hbm>>
      %dma_start3A_2468 = arith.constant 0 : i32
      %dma_start3A_2469 = arith.constant 0 : i32
      %dma_start3A_2470 = tpu.memref_slice %dma_start3A_2467[%dma_start3A_2468, %dma_start3A_2469] : memref<100001x128xf32, #tpu.memory_space<hbm>> -> memref<100001x128xf32, #tpu.memory_space<hbm>>
      %dma_start3A_2471 = tpu.memref_slice %arg9[%dma_start3A_2456] : memref<4x!tpu.dma_semaphore, #tpu.memory_space<semaphore_mem>> -> memref<1x!tpu.dma_semaphore, #tpu.memory_space<semaphore_mem>>
      %dma_start3A_2472 = tpu.memref_squeeze %dma_start3A_2471 : memref<1x!tpu.dma_semaphore, #tpu.memory_space<semaphore_mem>> -> memref<!tpu.dma_semaphore, #tpu.memory_space<semaphore_mem>>
      tpu.enqueue_indirect_dma source(%dma_start3A_2470 : memref<100001x128xf32, #tpu.memory_space<hbm>>) target(%dma_start3A_2460 : memref<64x128xf32, #tpu.memory_space<vmem>>) offsets(%dma_start3A_2463 : memref<64xi32, #tpu.memory_space<vmem>>) semaphore(%dma_start3A_2472 : memref<!tpu.dma_semaphore, #tpu.memory_space<semaphore_mem>>)
      %mul3A_2473 = arith.constant 4 : i32
      %mul3A_2474 = arith.muli %add3A_1304, %mul3A_2473 : i32
      %add3A_2475 = arith.constant 2 : i32
      %add3A_2476 = arith.addi %mul3A_2474, %add3A_2475 : i32
      %dma_wait3A_2477 = arith.constant 2 : i32
      %dma_wait3A_2478 = arith.constant 2 : i32
      %dma_wait3A_2479 = arith.constant 2 : i32
      %dma_wait3A_2480 = arith.constant 0 : i32
      %dma_wait3A_2481 = arith.constant 0 : i32
      %dma_wait3A_2482 = tpu.memref_slice %arg7[%dma_wait3A_2477, %dma_wait3A_2480, %dma_wait3A_2481] : memref<4x64x128xf32, #tpu.memory_space<vmem>> -> memref<1x64x128xf32, #tpu.memory_space<vmem>>
      %dma_wait3A_2483 = tpu.memref_squeeze %dma_wait3A_2482 : memref<1x64x128xf32, #tpu.memory_space<vmem>> -> memref<64x128xf32, #tpu.memory_space<vmem>>
      %dma_wait3A_2484 = arith.constant 0 : i32
      %dma_wait3A_2485 = arith.constant 0 : i32
      %dma_wait3A_2486 = tpu.memref_slice %arg8[%arg1, %dma_wait3A_2478, %dma_wait3A_2484, %dma_wait3A_2485] : memref<16x4x64x128xf32, #tpu.memory_space<vmem_shared>> -> memref<1x1x64x128xf32, #tpu.memory_space<vmem_shared>>
      %dma_wait3A_2487 = tpu.memref_squeeze %dma_wait3A_2486 : memref<1x1x64x128xf32, #tpu.memory_space<vmem_shared>> -> memref<64x128xf32, #tpu.memory_space<vmem_shared>>
      %dma_wait3A_2488 = tpu.memref_slice %arg10[%dma_wait3A_2479] : memref<4x!tpu.dma_semaphore, #tpu.memory_space<semaphore_mem>> -> memref<1x!tpu.dma_semaphore, #tpu.memory_space<semaphore_mem>>
      %dma_wait3A_2489 = tpu.memref_squeeze %dma_wait3A_2488 : memref<1x!tpu.dma_semaphore, #tpu.memory_space<semaphore_mem>> -> memref<!tpu.dma_semaphore, #tpu.memory_space<semaphore_mem>>
      %dma_wait3A_2490 = arith.constant 0 : i32
      %dma_wait3A_2491 = arith.constant 0 : i32
      %dma_wait3A_2492 = tpu.memref_slice %arg8[%arg1, %dma_wait3A_2478, %dma_wait3A_2490, %dma_wait3A_2491] : memref<16x4x64x128xf32, #tpu.memory_space<vmem_shared>> -> memref<1x1x64x128xf32, #tpu.memory_space<vmem_shared>>
      %dma_wait3A_2493 = tpu.memref_squeeze %dma_wait3A_2492 : memref<1x1x64x128xf32, #tpu.memory_space<vmem_shared>> -> memref<64x128xf32, #tpu.memory_space<vmem_shared>>
      %dma_wait3A_2494 = arith.constant 0 : i32
      %dma_wait3A_2495 = arith.constant 0 : i32
      %dma_wait3A_2496 = tpu.memref_slice %arg7[%dma_wait3A_2477, %dma_wait3A_2494, %dma_wait3A_2495] : memref<4x64x128xf32, #tpu.memory_space<vmem>> -> memref<1x64x128xf32, #tpu.memory_space<vmem>>
      %dma_wait3A_2497 = tpu.memref_squeeze %dma_wait3A_2496 : memref<1x64x128xf32, #tpu.memory_space<vmem>> -> memref<64x128xf32, #tpu.memory_space<vmem>>
      tpu.wait_dma2 semaphore(%dma_wait3A_2489 : memref<!tpu.dma_semaphore, #tpu.memory_space<semaphore_mem>>) src(%dma_wait3A_2497 : memref<64x128xf32, #tpu.memory_space<vmem>>) dst(%dma_wait3A_2493 : memref<64x128xf32, #tpu.memory_space<vmem_shared>>)
      %jit3A_2498 = arith.constant 8 : i32
      %div3A_2499 = arith.divsi %add3A_2476, %jit3A_2498 : i32
      %sign3A_2500 = arith.constant 0 : i32
      %sign3A_2501 = arith.cmpi sgt, %add3A_2476, %sign3A_2500 : i32
      %sign3A_2502 = arith.extui %sign3A_2501 : i1 to i32
      %sign3A_2503 = arith.constant 0 : i32
      %sign3A_2504 = arith.cmpi slt, %add3A_2476, %sign3A_2503 : i32
      %sign3A_2505 = arith.extui %sign3A_2504 : i1 to i32
      %sign3A_2506 = arith.subi %sign3A_2502, %sign3A_2505 : i32
      %sign3A_2507 = arith.constant 0 : i32
      %sign3A_2508 = arith.cmpi sgt, %jit3A_2498, %sign3A_2507 : i32
      %sign3A_2509 = arith.extui %sign3A_2508 : i1 to i32
      %sign3A_2510 = arith.constant 0 : i32
      %sign3A_2511 = arith.cmpi slt, %jit3A_2498, %sign3A_2510 : i32
      %sign3A_2512 = arith.extui %sign3A_2511 : i1 to i32
      %sign3A_2513 = arith.subi %sign3A_2509, %sign3A_2512 : i32
      %ne3A_2514 = arith.cmpi ne, %sign3A_2506, %sign3A_2513 : i32
      %rem3A_2515 = arith.remsi %add3A_2476, %jit3A_2498 : i32
      %ne3A_2516 = arith.constant 0 : i32
      %ne3A_2517 = arith.cmpi ne, %rem3A_2515, %ne3A_2516 : i32
      %and3A_2518 = arith.andi %ne3A_2514, %ne3A_2517 : i1
      %sub3A_2519 = arith.constant 1 : i32
      %sub3A_2520 = arith.subi %div3A_2499, %sub3A_2519 : i32
      %select_n3A_2521 = arith.select %and3A_2518, %sub3A_2520, %div3A_2499 : i32
      %jit3A_2522 = arith.constant 8 : i32
      %eq3A_2523 = arith.constant 0 : i32
      %eq3A_2524 = arith.cmpi eq, %jit3A_2522, %eq3A_2523 : i32
      %jit3A_2525 = arith.constant 1 : i32
      %select_n3A_2526 = arith.select %eq3A_2524, %jit3A_2525, %jit3A_2522 : i32
      %rem3A_2527 = arith.remsi %add3A_2476, %select_n3A_2526 : i32
      %ne3A_2528 = arith.constant 0 : i32
      %ne3A_2529 = arith.cmpi ne, %rem3A_2527, %ne3A_2528 : i32
      %lt3A_2530 = arith.constant 0 : i32
      %lt3A_2531 = arith.cmpi slt, %rem3A_2527, %lt3A_2530 : i32
      %lt3A_2532 = arith.constant 0 : i32
      %lt3A_2533 = arith.cmpi slt, %select_n3A_2526, %lt3A_2532 : i32
      %ne3A_2534 = arith.xori %lt3A_2531, %lt3A_2533 : i1
      %and3A_2535 = arith.andi %ne3A_2534, %ne3A_2529 : i1
      %add3A_2536 = arith.addi %rem3A_2527, %select_n3A_2526 : i32
      %select_n3A_2537 = arith.select %and3A_2535, %add3A_2536, %rem3A_2527 : i32
      %mul3A_2538 = arith.constant 64 : i32
      %mul3A_2539 = arith.muli %select_n3A_2537, %mul3A_2538 : i32
      %add3A_2540 = arith.addi %mul3A_2, %mul3A_2539 : i32
      %mul3A_2541 = arith.constant 128 : i32
      %mul3A_2542 = arith.muli %select_n3A_2521, %mul3A_2541 : i32
      %dma_start3A_2543 = arith.constant 2 : i32
      %dma_start3A_2544 = arith.constant 2 : i32
      %dma_start3A_2545 = tpu.memref_slice %arg11[%dma_start3A_2544] : memref<4x!tpu.dma_semaphore, #tpu.memory_space<semaphore_mem>> -> memref<1x!tpu.dma_semaphore, #tpu.memory_space<semaphore_mem>>
      %dma_start3A_2546 = tpu.memref_squeeze %dma_start3A_2545 : memref<1x!tpu.dma_semaphore, #tpu.memory_space<semaphore_mem>> -> memref<!tpu.dma_semaphore, #tpu.memory_space<semaphore_mem>>
      %dma_start3A_2547 = tpu.memref_slice %arg4[%add3A_2540, %mul3A_2542] : memref<16384x3328xf32, #tpu.memory_space<hbm>> -> memref<64x128xf32, #tpu.memory_space<hbm>>
      %dma_start3A_2548 = arith.constant 0 : i32
      %dma_start3A_2549 = arith.constant 0 : i32
      %dma_start3A_2550 = tpu.memref_slice %arg8[%arg1, %dma_start3A_2543, %dma_start3A_2548, %dma_start3A_2549] : memref<16x4x64x128xf32, #tpu.memory_space<vmem_shared>> -> memref<1x1x64x128xf32, #tpu.memory_space<vmem_shared>>
      %dma_start3A_2551 = tpu.memref_squeeze %dma_start3A_2550 : memref<1x1x64x128xf32, #tpu.memory_space<vmem_shared>> -> memref<64x128xf32, #tpu.memory_space<vmem_shared>>
      tpu.enqueue_dma source(%dma_start3A_2551 : memref<64x128xf32, #tpu.memory_space<vmem_shared>>) target(%dma_start3A_2547 : memref<64x128xf32, #tpu.memory_space<hbm>>) target_semaphore(%dma_start3A_2546 : memref<!tpu.dma_semaphore, #tpu.memory_space<semaphore_mem>>)
      %add3A_2552 = arith.constant 4 : i32
      %add3A_2553 = arith.addi %add3A_2476, %add3A_2552 : i32
      %jit3A_2554 = arith.constant 8 : i32
      %div3A_2555 = arith.divsi %add3A_2553, %jit3A_2554 : i32
      %sign3A_2556 = arith.constant 0 : i32
      %sign3A_2557 = arith.cmpi sgt, %add3A_2553, %sign3A_2556 : i32
      %sign3A_2558 = arith.extui %sign3A_2557 : i1 to i32
      %sign3A_2559 = arith.constant 0 : i32
      %sign3A_2560 = arith.cmpi slt, %add3A_2553, %sign3A_2559 : i32
      %sign3A_2561 = arith.extui %sign3A_2560 : i1 to i32
      %sign3A_2562 = arith.subi %sign3A_2558, %sign3A_2561 : i32
      %sign3A_2563 = arith.constant 0 : i32
      %sign3A_2564 = arith.cmpi sgt, %jit3A_2554, %sign3A_2563 : i32
      %sign3A_2565 = arith.extui %sign3A_2564 : i1 to i32
      %sign3A_2566 = arith.constant 0 : i32
      %sign3A_2567 = arith.cmpi slt, %jit3A_2554, %sign3A_2566 : i32
      %sign3A_2568 = arith.extui %sign3A_2567 : i1 to i32
      %sign3A_2569 = arith.subi %sign3A_2565, %sign3A_2568 : i32
      %ne3A_2570 = arith.cmpi ne, %sign3A_2562, %sign3A_2569 : i32
      %rem3A_2571 = arith.remsi %add3A_2553, %jit3A_2554 : i32
      %ne3A_2572 = arith.constant 0 : i32
      %ne3A_2573 = arith.cmpi ne, %rem3A_2571, %ne3A_2572 : i32
      %and3A_2574 = arith.andi %ne3A_2570, %ne3A_2573 : i1
      %sub3A_2575 = arith.constant 1 : i32
      %sub3A_2576 = arith.subi %div3A_2555, %sub3A_2575 : i32
      %select_n3A_2577 = arith.select %and3A_2574, %sub3A_2576, %div3A_2555 : i32
      %dma_start3A_2578 = arith.constant 2 : i32
      %dma_start3A_2579 = arith.constant 2 : i32
      %dma_start3A_2580 = arith.constant 0 : i32
      %dma_start3A_2581 = arith.constant 0 : i32
      %dma_start3A_2582 = tpu.memref_slice %arg7[%dma_start3A_2578, %dma_start3A_2580, %dma_start3A_2581] : memref<4x64x128xf32, #tpu.memory_space<vmem>> -> memref<1x64x128xf32, #tpu.memory_space<vmem>>
      %dma_start3A_2583 = tpu.memref_squeeze %dma_start3A_2582 : memref<1x64x128xf32, #tpu.memory_space<vmem>> -> memref<64x128xf32, #tpu.memory_space<vmem>>
      %dma_start3A_2584 = arith.constant 0 : i32
      %dma_start3A_2585 = tpu.memref_slice %arg6[%add3A_2553, %dma_start3A_2584] : memref<208x64xi32, #tpu.memory_space<vmem>> -> memref<1x64xi32, #tpu.memory_space<vmem>>
      %dma_start3A_2586 = tpu.memref_squeeze %dma_start3A_2585 : memref<1x64xi32, #tpu.memory_space<vmem>> -> memref<64xi32, #tpu.memory_space<vmem>>
      %dma_start3A_2587 = arith.constant 0 : i32
      %dma_start3A_2588 = arith.constant 0 : i32
      %dma_start3A_2589 = tpu.memref_slice %arg2[%select_n3A_2577, %dma_start3A_2587, %dma_start3A_2588] : memref<26x100001x128xf32, #tpu.memory_space<hbm>> -> memref<1x100001x128xf32, #tpu.memory_space<hbm>>
      %dma_start3A_2590 = tpu.memref_squeeze %dma_start3A_2589 : memref<1x100001x128xf32, #tpu.memory_space<hbm>> -> memref<100001x128xf32, #tpu.memory_space<hbm>>
      %dma_start3A_2591 = arith.constant 0 : i32
      %dma_start3A_2592 = arith.constant 0 : i32
      %dma_start3A_2593 = tpu.memref_slice %dma_start3A_2590[%dma_start3A_2591, %dma_start3A_2592] : memref<100001x128xf32, #tpu.memory_space<hbm>> -> memref<100001x128xf32, #tpu.memory_space<hbm>>
      %dma_start3A_2594 = tpu.memref_slice %arg9[%dma_start3A_2579] : memref<4x!tpu.dma_semaphore, #tpu.memory_space<semaphore_mem>> -> memref<1x!tpu.dma_semaphore, #tpu.memory_space<semaphore_mem>>
      %dma_start3A_2595 = tpu.memref_squeeze %dma_start3A_2594 : memref<1x!tpu.dma_semaphore, #tpu.memory_space<semaphore_mem>> -> memref<!tpu.dma_semaphore, #tpu.memory_space<semaphore_mem>>
      tpu.enqueue_indirect_dma source(%dma_start3A_2593 : memref<100001x128xf32, #tpu.memory_space<hbm>>) target(%dma_start3A_2583 : memref<64x128xf32, #tpu.memory_space<vmem>>) offsets(%dma_start3A_2586 : memref<64xi32, #tpu.memory_space<vmem>>) semaphore(%dma_start3A_2595 : memref<!tpu.dma_semaphore, #tpu.memory_space<semaphore_mem>>)
      %mul3A_2596 = arith.constant 4 : i32
      %mul3A_2597 = arith.muli %add3A_1304, %mul3A_2596 : i32
      %add3A_2598 = arith.constant 3 : i32
      %add3A_2599 = arith.addi %mul3A_2597, %add3A_2598 : i32
      %dma_wait3A_2600 = arith.constant 3 : i32
      %dma_wait3A_2601 = arith.constant 3 : i32
      %dma_wait3A_2602 = arith.constant 3 : i32
      %dma_wait3A_2603 = arith.constant 0 : i32
      %dma_wait3A_2604 = arith.constant 0 : i32
      %dma_wait3A_2605 = tpu.memref_slice %arg7[%dma_wait3A_2600, %dma_wait3A_2603, %dma_wait3A_2604] : memref<4x64x128xf32, #tpu.memory_space<vmem>> -> memref<1x64x128xf32, #tpu.memory_space<vmem>>
      %dma_wait3A_2606 = tpu.memref_squeeze %dma_wait3A_2605 : memref<1x64x128xf32, #tpu.memory_space<vmem>> -> memref<64x128xf32, #tpu.memory_space<vmem>>
      %dma_wait3A_2607 = arith.constant 0 : i32
      %dma_wait3A_2608 = arith.constant 0 : i32
      %dma_wait3A_2609 = tpu.memref_slice %arg8[%arg1, %dma_wait3A_2601, %dma_wait3A_2607, %dma_wait3A_2608] : memref<16x4x64x128xf32, #tpu.memory_space<vmem_shared>> -> memref<1x1x64x128xf32, #tpu.memory_space<vmem_shared>>
      %dma_wait3A_2610 = tpu.memref_squeeze %dma_wait3A_2609 : memref<1x1x64x128xf32, #tpu.memory_space<vmem_shared>> -> memref<64x128xf32, #tpu.memory_space<vmem_shared>>
      %dma_wait3A_2611 = tpu.memref_slice %arg10[%dma_wait3A_2602] : memref<4x!tpu.dma_semaphore, #tpu.memory_space<semaphore_mem>> -> memref<1x!tpu.dma_semaphore, #tpu.memory_space<semaphore_mem>>
      %dma_wait3A_2612 = tpu.memref_squeeze %dma_wait3A_2611 : memref<1x!tpu.dma_semaphore, #tpu.memory_space<semaphore_mem>> -> memref<!tpu.dma_semaphore, #tpu.memory_space<semaphore_mem>>
      %dma_wait3A_2613 = arith.constant 0 : i32
      %dma_wait3A_2614 = arith.constant 0 : i32
      %dma_wait3A_2615 = tpu.memref_slice %arg8[%arg1, %dma_wait3A_2601, %dma_wait3A_2613, %dma_wait3A_2614] : memref<16x4x64x128xf32, #tpu.memory_space<vmem_shared>> -> memref<1x1x64x128xf32, #tpu.memory_space<vmem_shared>>
      %dma_wait3A_2616 = tpu.memref_squeeze %dma_wait3A_2615 : memref<1x1x64x128xf32, #tpu.memory_space<vmem_shared>> -> memref<64x128xf32, #tpu.memory_space<vmem_shared>>
      %dma_wait3A_2617 = arith.constant 0 : i32
      %dma_wait3A_2618 = arith.constant 0 : i32
      %dma_wait3A_2619 = tpu.memref_slice %arg7[%dma_wait3A_2600, %dma_wait3A_2617, %dma_wait3A_2618] : memref<4x64x128xf32, #tpu.memory_space<vmem>> -> memref<1x64x128xf32, #tpu.memory_space<vmem>>
      %dma_wait3A_2620 = tpu.memref_squeeze %dma_wait3A_2619 : memref<1x64x128xf32, #tpu.memory_space<vmem>> -> memref<64x128xf32, #tpu.memory_space<vmem>>
      tpu.wait_dma2 semaphore(%dma_wait3A_2612 : memref<!tpu.dma_semaphore, #tpu.memory_space<semaphore_mem>>) src(%dma_wait3A_2620 : memref<64x128xf32, #tpu.memory_space<vmem>>) dst(%dma_wait3A_2616 : memref<64x128xf32, #tpu.memory_space<vmem_shared>>)
      %jit3A_2621 = arith.constant 8 : i32
      %div3A_2622 = arith.divsi %add3A_2599, %jit3A_2621 : i32
      %sign3A_2623 = arith.constant 0 : i32
      %sign3A_2624 = arith.cmpi sgt, %add3A_2599, %sign3A_2623 : i32
      %sign3A_2625 = arith.extui %sign3A_2624 : i1 to i32
      %sign3A_2626 = arith.constant 0 : i32
      %sign3A_2627 = arith.cmpi slt, %add3A_2599, %sign3A_2626 : i32
      %sign3A_2628 = arith.extui %sign3A_2627 : i1 to i32
      %sign3A_2629 = arith.subi %sign3A_2625, %sign3A_2628 : i32
      %sign3A_2630 = arith.constant 0 : i32
      %sign3A_2631 = arith.cmpi sgt, %jit3A_2621, %sign3A_2630 : i32
      %sign3A_2632 = arith.extui %sign3A_2631 : i1 to i32
      %sign3A_2633 = arith.constant 0 : i32
      %sign3A_2634 = arith.cmpi slt, %jit3A_2621, %sign3A_2633 : i32
      %sign3A_2635 = arith.extui %sign3A_2634 : i1 to i32
      %sign3A_2636 = arith.subi %sign3A_2632, %sign3A_2635 : i32
      %ne3A_2637 = arith.cmpi ne, %sign3A_2629, %sign3A_2636 : i32
      %rem3A_2638 = arith.remsi %add3A_2599, %jit3A_2621 : i32
      %ne3A_2639 = arith.constant 0 : i32
      %ne3A_2640 = arith.cmpi ne, %rem3A_2638, %ne3A_2639 : i32
      %and3A_2641 = arith.andi %ne3A_2637, %ne3A_2640 : i1
      %sub3A_2642 = arith.constant 1 : i32
      %sub3A_2643 = arith.subi %div3A_2622, %sub3A_2642 : i32
      %select_n3A_2644 = arith.select %and3A_2641, %sub3A_2643, %div3A_2622 : i32
      %jit3A_2645 = arith.constant 8 : i32
      %eq3A_2646 = arith.constant 0 : i32
      %eq3A_2647 = arith.cmpi eq, %jit3A_2645, %eq3A_2646 : i32
      %jit3A_2648 = arith.constant 1 : i32
      %select_n3A_2649 = arith.select %eq3A_2647, %jit3A_2648, %jit3A_2645 : i32
      %rem3A_2650 = arith.remsi %add3A_2599, %select_n3A_2649 : i32
      %ne3A_2651 = arith.constant 0 : i32
      %ne3A_2652 = arith.cmpi ne, %rem3A_2650, %ne3A_2651 : i32
      %lt3A_2653 = arith.constant 0 : i32
      %lt3A_2654 = arith.cmpi slt, %rem3A_2650, %lt3A_2653 : i32
      %lt3A_2655 = arith.constant 0 : i32
      %lt3A_2656 = arith.cmpi slt, %select_n3A_2649, %lt3A_2655 : i32
      %ne3A_2657 = arith.xori %lt3A_2654, %lt3A_2656 : i1
      %and3A_2658 = arith.andi %ne3A_2657, %ne3A_2652 : i1
      %add3A_2659 = arith.addi %rem3A_2650, %select_n3A_2649 : i32
      %select_n3A_2660 = arith.select %and3A_2658, %add3A_2659, %rem3A_2650 : i32
      %mul3A_2661 = arith.constant 64 : i32
      %mul3A_2662 = arith.muli %select_n3A_2660, %mul3A_2661 : i32
      %add3A_2663 = arith.addi %mul3A_2, %mul3A_2662 : i32
      %mul3A_2664 = arith.constant 128 : i32
      %mul3A_2665 = arith.muli %select_n3A_2644, %mul3A_2664 : i32
      %dma_start3A_2666 = arith.constant 3 : i32
      %dma_start3A_2667 = arith.constant 3 : i32
      %dma_start3A_2668 = tpu.memref_slice %arg11[%dma_start3A_2667] : memref<4x!tpu.dma_semaphore, #tpu.memory_space<semaphore_mem>> -> memref<1x!tpu.dma_semaphore, #tpu.memory_space<semaphore_mem>>
      %dma_start3A_2669 = tpu.memref_squeeze %dma_start3A_2668 : memref<1x!tpu.dma_semaphore, #tpu.memory_space<semaphore_mem>> -> memref<!tpu.dma_semaphore, #tpu.memory_space<semaphore_mem>>
      %dma_start3A_2670 = tpu.memref_slice %arg4[%add3A_2663, %mul3A_2665] : memref<16384x3328xf32, #tpu.memory_space<hbm>> -> memref<64x128xf32, #tpu.memory_space<hbm>>
      %dma_start3A_2671 = arith.constant 0 : i32
      %dma_start3A_2672 = arith.constant 0 : i32
      %dma_start3A_2673 = tpu.memref_slice %arg8[%arg1, %dma_start3A_2666, %dma_start3A_2671, %dma_start3A_2672] : memref<16x4x64x128xf32, #tpu.memory_space<vmem_shared>> -> memref<1x1x64x128xf32, #tpu.memory_space<vmem_shared>>
      %dma_start3A_2674 = tpu.memref_squeeze %dma_start3A_2673 : memref<1x1x64x128xf32, #tpu.memory_space<vmem_shared>> -> memref<64x128xf32, #tpu.memory_space<vmem_shared>>
      tpu.enqueue_dma source(%dma_start3A_2674 : memref<64x128xf32, #tpu.memory_space<vmem_shared>>) target(%dma_start3A_2670 : memref<64x128xf32, #tpu.memory_space<hbm>>) target_semaphore(%dma_start3A_2669 : memref<!tpu.dma_semaphore, #tpu.memory_space<semaphore_mem>>)
      %add3A_2675 = arith.constant 4 : i32
      %add3A_2676 = arith.addi %add3A_2599, %add3A_2675 : i32
      %jit3A_2677 = arith.constant 8 : i32
      %div3A_2678 = arith.divsi %add3A_2676, %jit3A_2677 : i32
      %sign3A_2679 = arith.constant 0 : i32
      %sign3A_2680 = arith.cmpi sgt, %add3A_2676, %sign3A_2679 : i32
      %sign3A_2681 = arith.extui %sign3A_2680 : i1 to i32
      %sign3A_2682 = arith.constant 0 : i32
      %sign3A_2683 = arith.cmpi slt, %add3A_2676, %sign3A_2682 : i32
      %sign3A_2684 = arith.extui %sign3A_2683 : i1 to i32
      %sign3A_2685 = arith.subi %sign3A_2681, %sign3A_2684 : i32
      %sign3A_2686 = arith.constant 0 : i32
      %sign3A_2687 = arith.cmpi sgt, %jit3A_2677, %sign3A_2686 : i32
      %sign3A_2688 = arith.extui %sign3A_2687 : i1 to i32
      %sign3A_2689 = arith.constant 0 : i32
      %sign3A_2690 = arith.cmpi slt, %jit3A_2677, %sign3A_2689 : i32
      %sign3A_2691 = arith.extui %sign3A_2690 : i1 to i32
      %sign3A_2692 = arith.subi %sign3A_2688, %sign3A_2691 : i32
      %ne3A_2693 = arith.cmpi ne, %sign3A_2685, %sign3A_2692 : i32
      %rem3A_2694 = arith.remsi %add3A_2676, %jit3A_2677 : i32
      %ne3A_2695 = arith.constant 0 : i32
      %ne3A_2696 = arith.cmpi ne, %rem3A_2694, %ne3A_2695 : i32
      %and3A_2697 = arith.andi %ne3A_2693, %ne3A_2696 : i1
      %sub3A_2698 = arith.constant 1 : i32
      %sub3A_2699 = arith.subi %div3A_2678, %sub3A_2698 : i32
      %select_n3A_2700 = arith.select %and3A_2697, %sub3A_2699, %div3A_2678 : i32
      %dma_start3A_2701 = arith.constant 3 : i32
      %dma_start3A_2702 = arith.constant 3 : i32
      %dma_start3A_2703 = arith.constant 0 : i32
      %dma_start3A_2704 = arith.constant 0 : i32
      %dma_start3A_2705 = tpu.memref_slice %arg7[%dma_start3A_2701, %dma_start3A_2703, %dma_start3A_2704] : memref<4x64x128xf32, #tpu.memory_space<vmem>> -> memref<1x64x128xf32, #tpu.memory_space<vmem>>
      %dma_start3A_2706 = tpu.memref_squeeze %dma_start3A_2705 : memref<1x64x128xf32, #tpu.memory_space<vmem>> -> memref<64x128xf32, #tpu.memory_space<vmem>>
      %dma_start3A_2707 = arith.constant 0 : i32
      %dma_start3A_2708 = tpu.memref_slice %arg6[%add3A_2676, %dma_start3A_2707] : memref<208x64xi32, #tpu.memory_space<vmem>> -> memref<1x64xi32, #tpu.memory_space<vmem>>
      %dma_start3A_2709 = tpu.memref_squeeze %dma_start3A_2708 : memref<1x64xi32, #tpu.memory_space<vmem>> -> memref<64xi32, #tpu.memory_space<vmem>>
      %dma_start3A_2710 = arith.constant 0 : i32
      %dma_start3A_2711 = arith.constant 0 : i32
      %dma_start3A_2712 = tpu.memref_slice %arg2[%select_n3A_2700, %dma_start3A_2710, %dma_start3A_2711] : memref<26x100001x128xf32, #tpu.memory_space<hbm>> -> memref<1x100001x128xf32, #tpu.memory_space<hbm>>
      %dma_start3A_2713 = tpu.memref_squeeze %dma_start3A_2712 : memref<1x100001x128xf32, #tpu.memory_space<hbm>> -> memref<100001x128xf32, #tpu.memory_space<hbm>>
      %dma_start3A_2714 = arith.constant 0 : i32
      %dma_start3A_2715 = arith.constant 0 : i32
      %dma_start3A_2716 = tpu.memref_slice %dma_start3A_2713[%dma_start3A_2714, %dma_start3A_2715] : memref<100001x128xf32, #tpu.memory_space<hbm>> -> memref<100001x128xf32, #tpu.memory_space<hbm>>
      %dma_start3A_2717 = tpu.memref_slice %arg9[%dma_start3A_2702] : memref<4x!tpu.dma_semaphore, #tpu.memory_space<semaphore_mem>> -> memref<1x!tpu.dma_semaphore, #tpu.memory_space<semaphore_mem>>
      %dma_start3A_2718 = tpu.memref_squeeze %dma_start3A_2717 : memref<1x!tpu.dma_semaphore, #tpu.memory_space<semaphore_mem>> -> memref<!tpu.dma_semaphore, #tpu.memory_space<semaphore_mem>>
      tpu.enqueue_indirect_dma source(%dma_start3A_2716 : memref<100001x128xf32, #tpu.memory_space<hbm>>) target(%dma_start3A_2706 : memref<64x128xf32, #tpu.memory_space<vmem>>) offsets(%dma_start3A_2709 : memref<64xi32, #tpu.memory_space<vmem>>) semaphore(%dma_start3A_2718 : memref<!tpu.dma_semaphore, #tpu.memory_space<semaphore_mem>>)
      %scan3A_2719 = arith.constant 0 : i32
      scf.yield %scan3A_2719 : i32
    }
    %scan3A_908 = arith.constant 50 : i32
    %dma_wait3A_909 = arith.constant 25 : i32
    %dma_wait3A_910 = arith.constant 204 : i32
    %dma_wait3A_911 = arith.constant 0 : i32
    %dma_wait3A_912 = arith.constant 0 : i32
    %dma_wait3A_913 = arith.constant 0 : i32
    %dma_wait3A_914 = arith.constant 0 : i32
    %dma_wait3A_915 = tpu.memref_slice %arg7[%dma_wait3A_911, %dma_wait3A_913, %dma_wait3A_914] : memref<4x64x128xf32, #tpu.memory_space<vmem>> -> memref<1x64x128xf32, #tpu.memory_space<vmem>>
    %dma_wait3A_916 = tpu.memref_squeeze %dma_wait3A_915 : memref<1x64x128xf32, #tpu.memory_space<vmem>> -> memref<64x128xf32, #tpu.memory_space<vmem>>
    %dma_wait3A_917 = arith.constant 0 : i32
    %dma_wait3A_918 = tpu.memref_slice %arg6[%dma_wait3A_910, %dma_wait3A_917] : memref<208x64xi32, #tpu.memory_space<vmem>> -> memref<1x64xi32, #tpu.memory_space<vmem>>
    %dma_wait3A_919 = tpu.memref_squeeze %dma_wait3A_918 : memref<1x64xi32, #tpu.memory_space<vmem>> -> memref<64xi32, #tpu.memory_space<vmem>>
    %dma_wait3A_920 = arith.constant 0 : i32
    %dma_wait3A_921 = arith.constant 0 : i32
    %dma_wait3A_922 = tpu.memref_slice %arg2[%dma_wait3A_909, %dma_wait3A_920, %dma_wait3A_921] : memref<26x100001x128xf32, #tpu.memory_space<hbm>> -> memref<1x100001x128xf32, #tpu.memory_space<hbm>>
    %dma_wait3A_923 = tpu.memref_squeeze %dma_wait3A_922 : memref<1x100001x128xf32, #tpu.memory_space<hbm>> -> memref<100001x128xf32, #tpu.memory_space<hbm>>
    %dma_wait3A_924 = arith.constant 0 : i32
    %dma_wait3A_925 = arith.constant 0 : i32
    %dma_wait3A_926 = tpu.memref_slice %dma_wait3A_923[%dma_wait3A_924, %dma_wait3A_925] : memref<100001x128xf32, #tpu.memory_space<hbm>> -> memref<100001x128xf32, #tpu.memory_space<hbm>>
    %dma_wait3A_927 = tpu.memref_slice %arg9[%dma_wait3A_912] : memref<4x!tpu.dma_semaphore, #tpu.memory_space<semaphore_mem>> -> memref<1x!tpu.dma_semaphore, #tpu.memory_space<semaphore_mem>>
    %dma_wait3A_928 = tpu.memref_squeeze %dma_wait3A_927 : memref<1x!tpu.dma_semaphore, #tpu.memory_space<semaphore_mem>> -> memref<!tpu.dma_semaphore, #tpu.memory_space<semaphore_mem>>
    tpu.wait_indirect_dma semaphore(%dma_wait3A_928 : memref<!tpu.dma_semaphore, #tpu.memory_space<semaphore_mem>>) src(%dma_wait3A_926 : memref<100001x128xf32, #tpu.memory_space<hbm>>) dst(%dma_wait3A_916 : memref<64x128xf32, #tpu.memory_space<vmem>>)
    %add3A_929 = arith.constant 0 : i32
    %add3A_930 = arith.addi %mul3A_2, %add3A_929 : i32
    %dma_wait3A_931 = arith.constant 0 : i32
    %dma_wait3A_932 = arith.constant 0 : i32
    %dma_wait3A_933 = tpu.memref_slice %arg11[%dma_wait3A_932] : memref<4x!tpu.dma_semaphore, #tpu.memory_space<semaphore_mem>> -> memref<1x!tpu.dma_semaphore, #tpu.memory_space<semaphore_mem>>
    %dma_wait3A_934 = tpu.memref_squeeze %dma_wait3A_933 : memref<1x!tpu.dma_semaphore, #tpu.memory_space<semaphore_mem>> -> memref<!tpu.dma_semaphore, #tpu.memory_space<semaphore_mem>>
    %dma_wait3A_935 = arith.constant 3200 : i32
    %dma_wait3A_936 = tpu.memref_slice %arg4[%add3A_930, %dma_wait3A_935] : memref<16384x3328xf32, #tpu.memory_space<hbm>> -> memref<64x128xf32, #tpu.memory_space<hbm>>
    %dma_wait3A_937 = arith.constant 0 : i32
    %dma_wait3A_938 = arith.constant 0 : i32
    %dma_wait3A_939 = tpu.memref_slice %arg8[%arg1, %dma_wait3A_931, %dma_wait3A_937, %dma_wait3A_938] : memref<16x4x64x128xf32, #tpu.memory_space<vmem_shared>> -> memref<1x1x64x128xf32, #tpu.memory_space<vmem_shared>>
    %dma_wait3A_940 = tpu.memref_squeeze %dma_wait3A_939 : memref<1x1x64x128xf32, #tpu.memory_space<vmem_shared>> -> memref<64x128xf32, #tpu.memory_space<vmem_shared>>
    tpu.wait_dma2 semaphore(%dma_wait3A_934 : memref<!tpu.dma_semaphore, #tpu.memory_space<semaphore_mem>>) src(%dma_wait3A_940 : memref<64x128xf32, #tpu.memory_space<vmem_shared>>) dst(%dma_wait3A_936 : memref<64x128xf32, #tpu.memory_space<hbm>>)
    %dma_start3A_941 = arith.constant 0 : i32
    %dma_start3A_942 = arith.constant 0 : i32
    %dma_start3A_943 = arith.constant 0 : i32
    %dma_start3A_944 = arith.constant 0 : i32
    %dma_start3A_945 = arith.constant 0 : i32
    %dma_start3A_946 = tpu.memref_slice %arg7[%dma_start3A_941, %dma_start3A_944, %dma_start3A_945] : memref<4x64x128xf32, #tpu.memory_space<vmem>> -> memref<1x64x128xf32, #tpu.memory_space<vmem>>
    %dma_start3A_947 = tpu.memref_squeeze %dma_start3A_946 : memref<1x64x128xf32, #tpu.memory_space<vmem>> -> memref<64x128xf32, #tpu.memory_space<vmem>>
    %dma_start3A_948 = arith.constant 0 : i32
    %dma_start3A_949 = arith.constant 0 : i32
    %dma_start3A_950 = tpu.memref_slice %arg8[%arg1, %dma_start3A_942, %dma_start3A_948, %dma_start3A_949] : memref<16x4x64x128xf32, #tpu.memory_space<vmem_shared>> -> memref<1x1x64x128xf32, #tpu.memory_space<vmem_shared>>
    %dma_start3A_951 = tpu.memref_squeeze %dma_start3A_950 : memref<1x1x64x128xf32, #tpu.memory_space<vmem_shared>> -> memref<64x128xf32, #tpu.memory_space<vmem_shared>>
    %dma_start3A_952 = tpu.memref_slice %arg10[%dma_start3A_943] : memref<4x!tpu.dma_semaphore, #tpu.memory_space<semaphore_mem>> -> memref<1x!tpu.dma_semaphore, #tpu.memory_space<semaphore_mem>>
    %dma_start3A_953 = tpu.memref_squeeze %dma_start3A_952 : memref<1x!tpu.dma_semaphore, #tpu.memory_space<semaphore_mem>> -> memref<!tpu.dma_semaphore, #tpu.memory_space<semaphore_mem>>
    %dma_start3A_954 = arith.constant 0 : i32
    %dma_start3A_955 = arith.constant 0 : i32
    %dma_start3A_956 = tpu.memref_slice %arg8[%arg1, %dma_start3A_942, %dma_start3A_954, %dma_start3A_955] : memref<16x4x64x128xf32, #tpu.memory_space<vmem_shared>> -> memref<1x1x64x128xf32, #tpu.memory_space<vmem_shared>>
    %dma_start3A_957 = tpu.memref_squeeze %dma_start3A_956 : memref<1x1x64x128xf32, #tpu.memory_space<vmem_shared>> -> memref<64x128xf32, #tpu.memory_space<vmem_shared>>
    %dma_start3A_958 = arith.constant 0 : i32
    %dma_start3A_959 = arith.constant 0 : i32
    %dma_start3A_960 = tpu.memref_slice %arg7[%dma_start3A_941, %dma_start3A_958, %dma_start3A_959] : memref<4x64x128xf32, #tpu.memory_space<vmem>> -> memref<1x64x128xf32, #tpu.memory_space<vmem>>
    %dma_start3A_961 = tpu.memref_squeeze %dma_start3A_960 : memref<1x64x128xf32, #tpu.memory_space<vmem>> -> memref<64x128xf32, #tpu.memory_space<vmem>>
    tpu.enqueue_dma source(%dma_start3A_961 : memref<64x128xf32, #tpu.memory_space<vmem>>) target(%dma_start3A_957 : memref<64x128xf32, #tpu.memory_space<vmem_shared>>) target_semaphore(%dma_start3A_953 : memref<!tpu.dma_semaphore, #tpu.memory_space<semaphore_mem>>)
    %dma_wait3A_962 = arith.constant 25 : i32
    %dma_wait3A_963 = arith.constant 205 : i32
    %dma_wait3A_964 = arith.constant 1 : i32
    %dma_wait3A_965 = arith.constant 1 : i32
    %dma_wait3A_966 = arith.constant 0 : i32
    %dma_wait3A_967 = arith.constant 0 : i32
    %dma_wait3A_968 = tpu.memref_slice %arg7[%dma_wait3A_964, %dma_wait3A_966, %dma_wait3A_967] : memref<4x64x128xf32, #tpu.memory_space<vmem>> -> memref<1x64x128xf32, #tpu.memory_space<vmem>>
    %dma_wait3A_969 = tpu.memref_squeeze %dma_wait3A_968 : memref<1x64x128xf32, #tpu.memory_space<vmem>> -> memref<64x128xf32, #tpu.memory_space<vmem>>
    %dma_wait3A_970 = arith.constant 0 : i32
    %dma_wait3A_971 = tpu.memref_slice %arg6[%dma_wait3A_963, %dma_wait3A_970] : memref<208x64xi32, #tpu.memory_space<vmem>> -> memref<1x64xi32, #tpu.memory_space<vmem>>
    %dma_wait3A_972 = tpu.memref_squeeze %dma_wait3A_971 : memref<1x64xi32, #tpu.memory_space<vmem>> -> memref<64xi32, #tpu.memory_space<vmem>>
    %dma_wait3A_973 = arith.constant 0 : i32
    %dma_wait3A_974 = arith.constant 0 : i32
    %dma_wait3A_975 = tpu.memref_slice %arg2[%dma_wait3A_962, %dma_wait3A_973, %dma_wait3A_974] : memref<26x100001x128xf32, #tpu.memory_space<hbm>> -> memref<1x100001x128xf32, #tpu.memory_space<hbm>>
    %dma_wait3A_976 = tpu.memref_squeeze %dma_wait3A_975 : memref<1x100001x128xf32, #tpu.memory_space<hbm>> -> memref<100001x128xf32, #tpu.memory_space<hbm>>
    %dma_wait3A_977 = arith.constant 0 : i32
    %dma_wait3A_978 = arith.constant 0 : i32
    %dma_wait3A_979 = tpu.memref_slice %dma_wait3A_976[%dma_wait3A_977, %dma_wait3A_978] : memref<100001x128xf32, #tpu.memory_space<hbm>> -> memref<100001x128xf32, #tpu.memory_space<hbm>>
    %dma_wait3A_980 = tpu.memref_slice %arg9[%dma_wait3A_965] : memref<4x!tpu.dma_semaphore, #tpu.memory_space<semaphore_mem>> -> memref<1x!tpu.dma_semaphore, #tpu.memory_space<semaphore_mem>>
    %dma_wait3A_981 = tpu.memref_squeeze %dma_wait3A_980 : memref<1x!tpu.dma_semaphore, #tpu.memory_space<semaphore_mem>> -> memref<!tpu.dma_semaphore, #tpu.memory_space<semaphore_mem>>
    tpu.wait_indirect_dma semaphore(%dma_wait3A_981 : memref<!tpu.dma_semaphore, #tpu.memory_space<semaphore_mem>>) src(%dma_wait3A_979 : memref<100001x128xf32, #tpu.memory_space<hbm>>) dst(%dma_wait3A_969 : memref<64x128xf32, #tpu.memory_space<vmem>>)
    %add3A_982 = arith.constant 64 : i32
    %add3A_983 = arith.addi %mul3A_2, %add3A_982 : i32
    %dma_wait3A_984 = arith.constant 1 : i32
    %dma_wait3A_985 = arith.constant 1 : i32
    %dma_wait3A_986 = tpu.memref_slice %arg11[%dma_wait3A_985] : memref<4x!tpu.dma_semaphore, #tpu.memory_space<semaphore_mem>> -> memref<1x!tpu.dma_semaphore, #tpu.memory_space<semaphore_mem>>
    %dma_wait3A_987 = tpu.memref_squeeze %dma_wait3A_986 : memref<1x!tpu.dma_semaphore, #tpu.memory_space<semaphore_mem>> -> memref<!tpu.dma_semaphore, #tpu.memory_space<semaphore_mem>>
    %dma_wait3A_988 = arith.constant 3200 : i32
    %dma_wait3A_989 = tpu.memref_slice %arg4[%add3A_983, %dma_wait3A_988] : memref<16384x3328xf32, #tpu.memory_space<hbm>> -> memref<64x128xf32, #tpu.memory_space<hbm>>
    %dma_wait3A_990 = arith.constant 0 : i32
    %dma_wait3A_991 = arith.constant 0 : i32
    %dma_wait3A_992 = tpu.memref_slice %arg8[%arg1, %dma_wait3A_984, %dma_wait3A_990, %dma_wait3A_991] : memref<16x4x64x128xf32, #tpu.memory_space<vmem_shared>> -> memref<1x1x64x128xf32, #tpu.memory_space<vmem_shared>>
    %dma_wait3A_993 = tpu.memref_squeeze %dma_wait3A_992 : memref<1x1x64x128xf32, #tpu.memory_space<vmem_shared>> -> memref<64x128xf32, #tpu.memory_space<vmem_shared>>
    tpu.wait_dma2 semaphore(%dma_wait3A_987 : memref<!tpu.dma_semaphore, #tpu.memory_space<semaphore_mem>>) src(%dma_wait3A_993 : memref<64x128xf32, #tpu.memory_space<vmem_shared>>) dst(%dma_wait3A_989 : memref<64x128xf32, #tpu.memory_space<hbm>>)
    %dma_start3A_994 = arith.constant 1 : i32
    %dma_start3A_995 = arith.constant 1 : i32
    %dma_start3A_996 = arith.constant 1 : i32
    %dma_start3A_997 = arith.constant 0 : i32
    %dma_start3A_998 = arith.constant 0 : i32
    %dma_start3A_999 = tpu.memref_slice %arg7[%dma_start3A_994, %dma_start3A_997, %dma_start3A_998] : memref<4x64x128xf32, #tpu.memory_space<vmem>> -> memref<1x64x128xf32, #tpu.memory_space<vmem>>
    %dma_start3A_1000 = tpu.memref_squeeze %dma_start3A_999 : memref<1x64x128xf32, #tpu.memory_space<vmem>> -> memref<64x128xf32, #tpu.memory_space<vmem>>
    %dma_start3A_1001 = arith.constant 0 : i32
    %dma_start3A_1002 = arith.constant 0 : i32
    %dma_start3A_1003 = tpu.memref_slice %arg8[%arg1, %dma_start3A_995, %dma_start3A_1001, %dma_start3A_1002] : memref<16x4x64x128xf32, #tpu.memory_space<vmem_shared>> -> memref<1x1x64x128xf32, #tpu.memory_space<vmem_shared>>
    %dma_start3A_1004 = tpu.memref_squeeze %dma_start3A_1003 : memref<1x1x64x128xf32, #tpu.memory_space<vmem_shared>> -> memref<64x128xf32, #tpu.memory_space<vmem_shared>>
    %dma_start3A_1005 = tpu.memref_slice %arg10[%dma_start3A_996] : memref<4x!tpu.dma_semaphore, #tpu.memory_space<semaphore_mem>> -> memref<1x!tpu.dma_semaphore, #tpu.memory_space<semaphore_mem>>
    %dma_start3A_1006 = tpu.memref_squeeze %dma_start3A_1005 : memref<1x!tpu.dma_semaphore, #tpu.memory_space<semaphore_mem>> -> memref<!tpu.dma_semaphore, #tpu.memory_space<semaphore_mem>>
    %dma_start3A_1007 = arith.constant 0 : i32
    %dma_start3A_1008 = arith.constant 0 : i32
    %dma_start3A_1009 = tpu.memref_slice %arg8[%arg1, %dma_start3A_995, %dma_start3A_1007, %dma_start3A_1008] : memref<16x4x64x128xf32, #tpu.memory_space<vmem_shared>> -> memref<1x1x64x128xf32, #tpu.memory_space<vmem_shared>>
    %dma_start3A_1010 = tpu.memref_squeeze %dma_start3A_1009 : memref<1x1x64x128xf32, #tpu.memory_space<vmem_shared>> -> memref<64x128xf32, #tpu.memory_space<vmem_shared>>
    %dma_start3A_1011 = arith.constant 0 : i32
    %dma_start3A_1012 = arith.constant 0 : i32
    %dma_start3A_1013 = tpu.memref_slice %arg7[%dma_start3A_994, %dma_start3A_1011, %dma_start3A_1012] : memref<4x64x128xf32, #tpu.memory_space<vmem>> -> memref<1x64x128xf32, #tpu.memory_space<vmem>>
    %dma_start3A_1014 = tpu.memref_squeeze %dma_start3A_1013 : memref<1x64x128xf32, #tpu.memory_space<vmem>> -> memref<64x128xf32, #tpu.memory_space<vmem>>
    tpu.enqueue_dma source(%dma_start3A_1014 : memref<64x128xf32, #tpu.memory_space<vmem>>) target(%dma_start3A_1010 : memref<64x128xf32, #tpu.memory_space<vmem_shared>>) target_semaphore(%dma_start3A_1006 : memref<!tpu.dma_semaphore, #tpu.memory_space<semaphore_mem>>)
    %dma_wait3A_1015 = arith.constant 25 : i32
    %dma_wait3A_1016 = arith.constant 206 : i32
    %dma_wait3A_1017 = arith.constant 2 : i32
    %dma_wait3A_1018 = arith.constant 2 : i32
    %dma_wait3A_1019 = arith.constant 0 : i32
    %dma_wait3A_1020 = arith.constant 0 : i32
    %dma_wait3A_1021 = tpu.memref_slice %arg7[%dma_wait3A_1017, %dma_wait3A_1019, %dma_wait3A_1020] : memref<4x64x128xf32, #tpu.memory_space<vmem>> -> memref<1x64x128xf32, #tpu.memory_space<vmem>>
    %dma_wait3A_1022 = tpu.memref_squeeze %dma_wait3A_1021 : memref<1x64x128xf32, #tpu.memory_space<vmem>> -> memref<64x128xf32, #tpu.memory_space<vmem>>
    %dma_wait3A_1023 = arith.constant 0 : i32
    %dma_wait3A_1024 = tpu.memref_slice %arg6[%dma_wait3A_1016, %dma_wait3A_1023] : memref<208x64xi32, #tpu.memory_space<vmem>> -> memref<1x64xi32, #tpu.memory_space<vmem>>
    %dma_wait3A_1025 = tpu.memref_squeeze %dma_wait3A_1024 : memref<1x64xi32, #tpu.memory_space<vmem>> -> memref<64xi32, #tpu.memory_space<vmem>>
    %dma_wait3A_1026 = arith.constant 0 : i32
    %dma_wait3A_1027 = arith.constant 0 : i32
    %dma_wait3A_1028 = tpu.memref_slice %arg2[%dma_wait3A_1015, %dma_wait3A_1026, %dma_wait3A_1027] : memref<26x100001x128xf32, #tpu.memory_space<hbm>> -> memref<1x100001x128xf32, #tpu.memory_space<hbm>>
    %dma_wait3A_1029 = tpu.memref_squeeze %dma_wait3A_1028 : memref<1x100001x128xf32, #tpu.memory_space<hbm>> -> memref<100001x128xf32, #tpu.memory_space<hbm>>
    %dma_wait3A_1030 = arith.constant 0 : i32
    %dma_wait3A_1031 = arith.constant 0 : i32
    %dma_wait3A_1032 = tpu.memref_slice %dma_wait3A_1029[%dma_wait3A_1030, %dma_wait3A_1031] : memref<100001x128xf32, #tpu.memory_space<hbm>> -> memref<100001x128xf32, #tpu.memory_space<hbm>>
    %dma_wait3A_1033 = tpu.memref_slice %arg9[%dma_wait3A_1018] : memref<4x!tpu.dma_semaphore, #tpu.memory_space<semaphore_mem>> -> memref<1x!tpu.dma_semaphore, #tpu.memory_space<semaphore_mem>>
    %dma_wait3A_1034 = tpu.memref_squeeze %dma_wait3A_1033 : memref<1x!tpu.dma_semaphore, #tpu.memory_space<semaphore_mem>> -> memref<!tpu.dma_semaphore, #tpu.memory_space<semaphore_mem>>
    tpu.wait_indirect_dma semaphore(%dma_wait3A_1034 : memref<!tpu.dma_semaphore, #tpu.memory_space<semaphore_mem>>) src(%dma_wait3A_1032 : memref<100001x128xf32, #tpu.memory_space<hbm>>) dst(%dma_wait3A_1022 : memref<64x128xf32, #tpu.memory_space<vmem>>)
    %add3A_1035 = arith.constant 128 : i32
    %add3A_1036 = arith.addi %mul3A_2, %add3A_1035 : i32
    %dma_wait3A_1037 = arith.constant 2 : i32
    %dma_wait3A_1038 = arith.constant 2 : i32
    %dma_wait3A_1039 = tpu.memref_slice %arg11[%dma_wait3A_1038] : memref<4x!tpu.dma_semaphore, #tpu.memory_space<semaphore_mem>> -> memref<1x!tpu.dma_semaphore, #tpu.memory_space<semaphore_mem>>
    %dma_wait3A_1040 = tpu.memref_squeeze %dma_wait3A_1039 : memref<1x!tpu.dma_semaphore, #tpu.memory_space<semaphore_mem>> -> memref<!tpu.dma_semaphore, #tpu.memory_space<semaphore_mem>>
    %dma_wait3A_1041 = arith.constant 3200 : i32
    %dma_wait3A_1042 = tpu.memref_slice %arg4[%add3A_1036, %dma_wait3A_1041] : memref<16384x3328xf32, #tpu.memory_space<hbm>> -> memref<64x128xf32, #tpu.memory_space<hbm>>
    %dma_wait3A_1043 = arith.constant 0 : i32
    %dma_wait3A_1044 = arith.constant 0 : i32
    %dma_wait3A_1045 = tpu.memref_slice %arg8[%arg1, %dma_wait3A_1037, %dma_wait3A_1043, %dma_wait3A_1044] : memref<16x4x64x128xf32, #tpu.memory_space<vmem_shared>> -> memref<1x1x64x128xf32, #tpu.memory_space<vmem_shared>>
    %dma_wait3A_1046 = tpu.memref_squeeze %dma_wait3A_1045 : memref<1x1x64x128xf32, #tpu.memory_space<vmem_shared>> -> memref<64x128xf32, #tpu.memory_space<vmem_shared>>
    tpu.wait_dma2 semaphore(%dma_wait3A_1040 : memref<!tpu.dma_semaphore, #tpu.memory_space<semaphore_mem>>) src(%dma_wait3A_1046 : memref<64x128xf32, #tpu.memory_space<vmem_shared>>) dst(%dma_wait3A_1042 : memref<64x128xf32, #tpu.memory_space<hbm>>)
    %dma_start3A_1047 = arith.constant 2 : i32
    %dma_start3A_1048 = arith.constant 2 : i32
    %dma_start3A_1049 = arith.constant 2 : i32
    %dma_start3A_1050 = arith.constant 0 : i32
    %dma_start3A_1051 = arith.constant 0 : i32
    %dma_start3A_1052 = tpu.memref_slice %arg7[%dma_start3A_1047, %dma_start3A_1050, %dma_start3A_1051] : memref<4x64x128xf32, #tpu.memory_space<vmem>> -> memref<1x64x128xf32, #tpu.memory_space<vmem>>
    %dma_start3A_1053 = tpu.memref_squeeze %dma_start3A_1052 : memref<1x64x128xf32, #tpu.memory_space<vmem>> -> memref<64x128xf32, #tpu.memory_space<vmem>>
    %dma_start3A_1054 = arith.constant 0 : i32
    %dma_start3A_1055 = arith.constant 0 : i32
    %dma_start3A_1056 = tpu.memref_slice %arg8[%arg1, %dma_start3A_1048, %dma_start3A_1054, %dma_start3A_1055] : memref<16x4x64x128xf32, #tpu.memory_space<vmem_shared>> -> memref<1x1x64x128xf32, #tpu.memory_space<vmem_shared>>
    %dma_start3A_1057 = tpu.memref_squeeze %dma_start3A_1056 : memref<1x1x64x128xf32, #tpu.memory_space<vmem_shared>> -> memref<64x128xf32, #tpu.memory_space<vmem_shared>>
    %dma_start3A_1058 = tpu.memref_slice %arg10[%dma_start3A_1049] : memref<4x!tpu.dma_semaphore, #tpu.memory_space<semaphore_mem>> -> memref<1x!tpu.dma_semaphore, #tpu.memory_space<semaphore_mem>>
    %dma_start3A_1059 = tpu.memref_squeeze %dma_start3A_1058 : memref<1x!tpu.dma_semaphore, #tpu.memory_space<semaphore_mem>> -> memref<!tpu.dma_semaphore, #tpu.memory_space<semaphore_mem>>
    %dma_start3A_1060 = arith.constant 0 : i32
    %dma_start3A_1061 = arith.constant 0 : i32
    %dma_start3A_1062 = tpu.memref_slice %arg8[%arg1, %dma_start3A_1048, %dma_start3A_1060, %dma_start3A_1061] : memref<16x4x64x128xf32, #tpu.memory_space<vmem_shared>> -> memref<1x1x64x128xf32, #tpu.memory_space<vmem_shared>>
    %dma_start3A_1063 = tpu.memref_squeeze %dma_start3A_1062 : memref<1x1x64x128xf32, #tpu.memory_space<vmem_shared>> -> memref<64x128xf32, #tpu.memory_space<vmem_shared>>
    %dma_start3A_1064 = arith.constant 0 : i32
    %dma_start3A_1065 = arith.constant 0 : i32
    %dma_start3A_1066 = tpu.memref_slice %arg7[%dma_start3A_1047, %dma_start3A_1064, %dma_start3A_1065] : memref<4x64x128xf32, #tpu.memory_space<vmem>> -> memref<1x64x128xf32, #tpu.memory_space<vmem>>
    %dma_start3A_1067 = tpu.memref_squeeze %dma_start3A_1066 : memref<1x64x128xf32, #tpu.memory_space<vmem>> -> memref<64x128xf32, #tpu.memory_space<vmem>>
    tpu.enqueue_dma source(%dma_start3A_1067 : memref<64x128xf32, #tpu.memory_space<vmem>>) target(%dma_start3A_1063 : memref<64x128xf32, #tpu.memory_space<vmem_shared>>) target_semaphore(%dma_start3A_1059 : memref<!tpu.dma_semaphore, #tpu.memory_space<semaphore_mem>>)
    %dma_wait3A_1068 = arith.constant 25 : i32
    %dma_wait3A_1069 = arith.constant 207 : i32
    %dma_wait3A_1070 = arith.constant 3 : i32
    %dma_wait3A_1071 = arith.constant 3 : i32
    %dma_wait3A_1072 = arith.constant 0 : i32
    %dma_wait3A_1073 = arith.constant 0 : i32
    %dma_wait3A_1074 = tpu.memref_slice %arg7[%dma_wait3A_1070, %dma_wait3A_1072, %dma_wait3A_1073] : memref<4x64x128xf32, #tpu.memory_space<vmem>> -> memref<1x64x128xf32, #tpu.memory_space<vmem>>
    %dma_wait3A_1075 = tpu.memref_squeeze %dma_wait3A_1074 : memref<1x64x128xf32, #tpu.memory_space<vmem>> -> memref<64x128xf32, #tpu.memory_space<vmem>>
    %dma_wait3A_1076 = arith.constant 0 : i32
    %dma_wait3A_1077 = tpu.memref_slice %arg6[%dma_wait3A_1069, %dma_wait3A_1076] : memref<208x64xi32, #tpu.memory_space<vmem>> -> memref<1x64xi32, #tpu.memory_space<vmem>>
    %dma_wait3A_1078 = tpu.memref_squeeze %dma_wait3A_1077 : memref<1x64xi32, #tpu.memory_space<vmem>> -> memref<64xi32, #tpu.memory_space<vmem>>
    %dma_wait3A_1079 = arith.constant 0 : i32
    %dma_wait3A_1080 = arith.constant 0 : i32
    %dma_wait3A_1081 = tpu.memref_slice %arg2[%dma_wait3A_1068, %dma_wait3A_1079, %dma_wait3A_1080] : memref<26x100001x128xf32, #tpu.memory_space<hbm>> -> memref<1x100001x128xf32, #tpu.memory_space<hbm>>
    %dma_wait3A_1082 = tpu.memref_squeeze %dma_wait3A_1081 : memref<1x100001x128xf32, #tpu.memory_space<hbm>> -> memref<100001x128xf32, #tpu.memory_space<hbm>>
    %dma_wait3A_1083 = arith.constant 0 : i32
    %dma_wait3A_1084 = arith.constant 0 : i32
    %dma_wait3A_1085 = tpu.memref_slice %dma_wait3A_1082[%dma_wait3A_1083, %dma_wait3A_1084] : memref<100001x128xf32, #tpu.memory_space<hbm>> -> memref<100001x128xf32, #tpu.memory_space<hbm>>
    %dma_wait3A_1086 = tpu.memref_slice %arg9[%dma_wait3A_1071] : memref<4x!tpu.dma_semaphore, #tpu.memory_space<semaphore_mem>> -> memref<1x!tpu.dma_semaphore, #tpu.memory_space<semaphore_mem>>
    %dma_wait3A_1087 = tpu.memref_squeeze %dma_wait3A_1086 : memref<1x!tpu.dma_semaphore, #tpu.memory_space<semaphore_mem>> -> memref<!tpu.dma_semaphore, #tpu.memory_space<semaphore_mem>>
    tpu.wait_indirect_dma semaphore(%dma_wait3A_1087 : memref<!tpu.dma_semaphore, #tpu.memory_space<semaphore_mem>>) src(%dma_wait3A_1085 : memref<100001x128xf32, #tpu.memory_space<hbm>>) dst(%dma_wait3A_1075 : memref<64x128xf32, #tpu.memory_space<vmem>>)
    %add3A_1088 = arith.constant 192 : i32
    %add3A_1089 = arith.addi %mul3A_2, %add3A_1088 : i32
    %dma_wait3A_1090 = arith.constant 3 : i32
    %dma_wait3A_1091 = arith.constant 3 : i32
    %dma_wait3A_1092 = tpu.memref_slice %arg11[%dma_wait3A_1091] : memref<4x!tpu.dma_semaphore, #tpu.memory_space<semaphore_mem>> -> memref<1x!tpu.dma_semaphore, #tpu.memory_space<semaphore_mem>>
    %dma_wait3A_1093 = tpu.memref_squeeze %dma_wait3A_1092 : memref<1x!tpu.dma_semaphore, #tpu.memory_space<semaphore_mem>> -> memref<!tpu.dma_semaphore, #tpu.memory_space<semaphore_mem>>
    %dma_wait3A_1094 = arith.constant 3200 : i32
    %dma_wait3A_1095 = tpu.memref_slice %arg4[%add3A_1089, %dma_wait3A_1094] : memref<16384x3328xf32, #tpu.memory_space<hbm>> -> memref<64x128xf32, #tpu.memory_space<hbm>>
    %dma_wait3A_1096 = arith.constant 0 : i32
    %dma_wait3A_1097 = arith.constant 0 : i32
    %dma_wait3A_1098 = tpu.memref_slice %arg8[%arg1, %dma_wait3A_1090, %dma_wait3A_1096, %dma_wait3A_1097] : memref<16x4x64x128xf32, #tpu.memory_space<vmem_shared>> -> memref<1x1x64x128xf32, #tpu.memory_space<vmem_shared>>
    %dma_wait3A_1099 = tpu.memref_squeeze %dma_wait3A_1098 : memref<1x1x64x128xf32, #tpu.memory_space<vmem_shared>> -> memref<64x128xf32, #tpu.memory_space<vmem_shared>>
    tpu.wait_dma2 semaphore(%dma_wait3A_1093 : memref<!tpu.dma_semaphore, #tpu.memory_space<semaphore_mem>>) src(%dma_wait3A_1099 : memref<64x128xf32, #tpu.memory_space<vmem_shared>>) dst(%dma_wait3A_1095 : memref<64x128xf32, #tpu.memory_space<hbm>>)
    %dma_start3A_1100 = arith.constant 3 : i32
    %dma_start3A_1101 = arith.constant 3 : i32
    %dma_start3A_1102 = arith.constant 3 : i32
    %dma_start3A_1103 = arith.constant 0 : i32
    %dma_start3A_1104 = arith.constant 0 : i32
    %dma_start3A_1105 = tpu.memref_slice %arg7[%dma_start3A_1100, %dma_start3A_1103, %dma_start3A_1104] : memref<4x64x128xf32, #tpu.memory_space<vmem>> -> memref<1x64x128xf32, #tpu.memory_space<vmem>>
    %dma_start3A_1106 = tpu.memref_squeeze %dma_start3A_1105 : memref<1x64x128xf32, #tpu.memory_space<vmem>> -> memref<64x128xf32, #tpu.memory_space<vmem>>
    %dma_start3A_1107 = arith.constant 0 : i32
    %dma_start3A_1108 = arith.constant 0 : i32
    %dma_start3A_1109 = tpu.memref_slice %arg8[%arg1, %dma_start3A_1101, %dma_start3A_1107, %dma_start3A_1108] : memref<16x4x64x128xf32, #tpu.memory_space<vmem_shared>> -> memref<1x1x64x128xf32, #tpu.memory_space<vmem_shared>>
    %dma_start3A_1110 = tpu.memref_squeeze %dma_start3A_1109 : memref<1x1x64x128xf32, #tpu.memory_space<vmem_shared>> -> memref<64x128xf32, #tpu.memory_space<vmem_shared>>
    %dma_start3A_1111 = tpu.memref_slice %arg10[%dma_start3A_1102] : memref<4x!tpu.dma_semaphore, #tpu.memory_space<semaphore_mem>> -> memref<1x!tpu.dma_semaphore, #tpu.memory_space<semaphore_mem>>
    %dma_start3A_1112 = tpu.memref_squeeze %dma_start3A_1111 : memref<1x!tpu.dma_semaphore, #tpu.memory_space<semaphore_mem>> -> memref<!tpu.dma_semaphore, #tpu.memory_space<semaphore_mem>>
    %dma_start3A_1113 = arith.constant 0 : i32
    %dma_start3A_1114 = arith.constant 0 : i32
    %dma_start3A_1115 = tpu.memref_slice %arg8[%arg1, %dma_start3A_1101, %dma_start3A_1113, %dma_start3A_1114] : memref<16x4x64x128xf32, #tpu.memory_space<vmem_shared>> -> memref<1x1x64x128xf32, #tpu.memory_space<vmem_shared>>
    %dma_start3A_1116 = tpu.memref_squeeze %dma_start3A_1115 : memref<1x1x64x128xf32, #tpu.memory_space<vmem_shared>> -> memref<64x128xf32, #tpu.memory_space<vmem_shared>>
    %dma_start3A_1117 = arith.constant 0 : i32
    %dma_start3A_1118 = arith.constant 0 : i32
    %dma_start3A_1119 = tpu.memref_slice %arg7[%dma_start3A_1100, %dma_start3A_1117, %dma_start3A_1118] : memref<4x64x128xf32, #tpu.memory_space<vmem>> -> memref<1x64x128xf32, #tpu.memory_space<vmem>>
    %dma_start3A_1120 = tpu.memref_squeeze %dma_start3A_1119 : memref<1x64x128xf32, #tpu.memory_space<vmem>> -> memref<64x128xf32, #tpu.memory_space<vmem>>
    tpu.enqueue_dma source(%dma_start3A_1120 : memref<64x128xf32, #tpu.memory_space<vmem>>) target(%dma_start3A_1116 : memref<64x128xf32, #tpu.memory_space<vmem_shared>>) target_semaphore(%dma_start3A_1112 : memref<!tpu.dma_semaphore, #tpu.memory_space<semaphore_mem>>)
    %dma_wait3A_1121 = arith.constant 0 : i32
    %dma_wait3A_1122 = arith.constant 0 : i32
    %dma_wait3A_1123 = arith.constant 0 : i32
    %dma_wait3A_1124 = arith.constant 0 : i32
    %dma_wait3A_1125 = arith.constant 0 : i32
    %dma_wait3A_1126 = tpu.memref_slice %arg7[%dma_wait3A_1121, %dma_wait3A_1124, %dma_wait3A_1125] : memref<4x64x128xf32, #tpu.memory_space<vmem>> -> memref<1x64x128xf32, #tpu.memory_space<vmem>>
    %dma_wait3A_1127 = tpu.memref_squeeze %dma_wait3A_1126 : memref<1x64x128xf32, #tpu.memory_space<vmem>> -> memref<64x128xf32, #tpu.memory_space<vmem>>
    %dma_wait3A_1128 = arith.constant 0 : i32
    %dma_wait3A_1129 = arith.constant 0 : i32
    %dma_wait3A_1130 = tpu.memref_slice %arg8[%arg1, %dma_wait3A_1122, %dma_wait3A_1128, %dma_wait3A_1129] : memref<16x4x64x128xf32, #tpu.memory_space<vmem_shared>> -> memref<1x1x64x128xf32, #tpu.memory_space<vmem_shared>>
    %dma_wait3A_1131 = tpu.memref_squeeze %dma_wait3A_1130 : memref<1x1x64x128xf32, #tpu.memory_space<vmem_shared>> -> memref<64x128xf32, #tpu.memory_space<vmem_shared>>
    %dma_wait3A_1132 = tpu.memref_slice %arg10[%dma_wait3A_1123] : memref<4x!tpu.dma_semaphore, #tpu.memory_space<semaphore_mem>> -> memref<1x!tpu.dma_semaphore, #tpu.memory_space<semaphore_mem>>
    %dma_wait3A_1133 = tpu.memref_squeeze %dma_wait3A_1132 : memref<1x!tpu.dma_semaphore, #tpu.memory_space<semaphore_mem>> -> memref<!tpu.dma_semaphore, #tpu.memory_space<semaphore_mem>>
    %dma_wait3A_1134 = arith.constant 0 : i32
    %dma_wait3A_1135 = arith.constant 0 : i32
    %dma_wait3A_1136 = tpu.memref_slice %arg8[%arg1, %dma_wait3A_1122, %dma_wait3A_1134, %dma_wait3A_1135] : memref<16x4x64x128xf32, #tpu.memory_space<vmem_shared>> -> memref<1x1x64x128xf32, #tpu.memory_space<vmem_shared>>
    %dma_wait3A_1137 = tpu.memref_squeeze %dma_wait3A_1136 : memref<1x1x64x128xf32, #tpu.memory_space<vmem_shared>> -> memref<64x128xf32, #tpu.memory_space<vmem_shared>>
    %dma_wait3A_1138 = arith.constant 0 : i32
    %dma_wait3A_1139 = arith.constant 0 : i32
    %dma_wait3A_1140 = tpu.memref_slice %arg7[%dma_wait3A_1121, %dma_wait3A_1138, %dma_wait3A_1139] : memref<4x64x128xf32, #tpu.memory_space<vmem>> -> memref<1x64x128xf32, #tpu.memory_space<vmem>>
    %dma_wait3A_1141 = tpu.memref_squeeze %dma_wait3A_1140 : memref<1x64x128xf32, #tpu.memory_space<vmem>> -> memref<64x128xf32, #tpu.memory_space<vmem>>
    tpu.wait_dma2 semaphore(%dma_wait3A_1133 : memref<!tpu.dma_semaphore, #tpu.memory_space<semaphore_mem>>) src(%dma_wait3A_1141 : memref<64x128xf32, #tpu.memory_space<vmem>>) dst(%dma_wait3A_1137 : memref<64x128xf32, #tpu.memory_space<vmem_shared>>)
    %add3A_1142 = arith.constant 256 : i32
    %add3A_1143 = arith.addi %mul3A_2, %add3A_1142 : i32
    %dma_start3A_1144 = arith.constant 0 : i32
    %dma_start3A_1145 = arith.constant 0 : i32
    %dma_start3A_1146 = tpu.memref_slice %arg11[%dma_start3A_1145] : memref<4x!tpu.dma_semaphore, #tpu.memory_space<semaphore_mem>> -> memref<1x!tpu.dma_semaphore, #tpu.memory_space<semaphore_mem>>
    %dma_start3A_1147 = tpu.memref_squeeze %dma_start3A_1146 : memref<1x!tpu.dma_semaphore, #tpu.memory_space<semaphore_mem>> -> memref<!tpu.dma_semaphore, #tpu.memory_space<semaphore_mem>>
    %dma_start3A_1148 = arith.constant 3200 : i32
    %dma_start3A_1149 = tpu.memref_slice %arg4[%add3A_1143, %dma_start3A_1148] : memref<16384x3328xf32, #tpu.memory_space<hbm>> -> memref<64x128xf32, #tpu.memory_space<hbm>>
    %dma_start3A_1150 = arith.constant 0 : i32
    %dma_start3A_1151 = arith.constant 0 : i32
    %dma_start3A_1152 = tpu.memref_slice %arg8[%arg1, %dma_start3A_1144, %dma_start3A_1150, %dma_start3A_1151] : memref<16x4x64x128xf32, #tpu.memory_space<vmem_shared>> -> memref<1x1x64x128xf32, #tpu.memory_space<vmem_shared>>
    %dma_start3A_1153 = tpu.memref_squeeze %dma_start3A_1152 : memref<1x1x64x128xf32, #tpu.memory_space<vmem_shared>> -> memref<64x128xf32, #tpu.memory_space<vmem_shared>>
    tpu.enqueue_dma source(%dma_start3A_1153 : memref<64x128xf32, #tpu.memory_space<vmem_shared>>) target(%dma_start3A_1149 : memref<64x128xf32, #tpu.memory_space<hbm>>) target_semaphore(%dma_start3A_1147 : memref<!tpu.dma_semaphore, #tpu.memory_space<semaphore_mem>>)
    %dma_wait3A_1154 = arith.constant 1 : i32
    %dma_wait3A_1155 = arith.constant 1 : i32
    %dma_wait3A_1156 = arith.constant 1 : i32
    %dma_wait3A_1157 = arith.constant 0 : i32
    %dma_wait3A_1158 = arith.constant 0 : i32
    %dma_wait3A_1159 = tpu.memref_slice %arg7[%dma_wait3A_1154, %dma_wait3A_1157, %dma_wait3A_1158] : memref<4x64x128xf32, #tpu.memory_space<vmem>> -> memref<1x64x128xf32, #tpu.memory_space<vmem>>
    %dma_wait3A_1160 = tpu.memref_squeeze %dma_wait3A_1159 : memref<1x64x128xf32, #tpu.memory_space<vmem>> -> memref<64x128xf32, #tpu.memory_space<vmem>>
    %dma_wait3A_1161 = arith.constant 0 : i32
    %dma_wait3A_1162 = arith.constant 0 : i32
    %dma_wait3A_1163 = tpu.memref_slice %arg8[%arg1, %dma_wait3A_1155, %dma_wait3A_1161, %dma_wait3A_1162] : memref<16x4x64x128xf32, #tpu.memory_space<vmem_shared>> -> memref<1x1x64x128xf32, #tpu.memory_space<vmem_shared>>
    %dma_wait3A_1164 = tpu.memref_squeeze %dma_wait3A_1163 : memref<1x1x64x128xf32, #tpu.memory_space<vmem_shared>> -> memref<64x128xf32, #tpu.memory_space<vmem_shared>>
    %dma_wait3A_1165 = tpu.memref_slice %arg10[%dma_wait3A_1156] : memref<4x!tpu.dma_semaphore, #tpu.memory_space<semaphore_mem>> -> memref<1x!tpu.dma_semaphore, #tpu.memory_space<semaphore_mem>>
    %dma_wait3A_1166 = tpu.memref_squeeze %dma_wait3A_1165 : memref<1x!tpu.dma_semaphore, #tpu.memory_space<semaphore_mem>> -> memref<!tpu.dma_semaphore, #tpu.memory_space<semaphore_mem>>
    %dma_wait3A_1167 = arith.constant 0 : i32
    %dma_wait3A_1168 = arith.constant 0 : i32
    %dma_wait3A_1169 = tpu.memref_slice %arg8[%arg1, %dma_wait3A_1155, %dma_wait3A_1167, %dma_wait3A_1168] : memref<16x4x64x128xf32, #tpu.memory_space<vmem_shared>> -> memref<1x1x64x128xf32, #tpu.memory_space<vmem_shared>>
    %dma_wait3A_1170 = tpu.memref_squeeze %dma_wait3A_1169 : memref<1x1x64x128xf32, #tpu.memory_space<vmem_shared>> -> memref<64x128xf32, #tpu.memory_space<vmem_shared>>
    %dma_wait3A_1171 = arith.constant 0 : i32
    %dma_wait3A_1172 = arith.constant 0 : i32
    %dma_wait3A_1173 = tpu.memref_slice %arg7[%dma_wait3A_1154, %dma_wait3A_1171, %dma_wait3A_1172] : memref<4x64x128xf32, #tpu.memory_space<vmem>> -> memref<1x64x128xf32, #tpu.memory_space<vmem>>
    %dma_wait3A_1174 = tpu.memref_squeeze %dma_wait3A_1173 : memref<1x64x128xf32, #tpu.memory_space<vmem>> -> memref<64x128xf32, #tpu.memory_space<vmem>>
    tpu.wait_dma2 semaphore(%dma_wait3A_1166 : memref<!tpu.dma_semaphore, #tpu.memory_space<semaphore_mem>>) src(%dma_wait3A_1174 : memref<64x128xf32, #tpu.memory_space<vmem>>) dst(%dma_wait3A_1170 : memref<64x128xf32, #tpu.memory_space<vmem_shared>>)
    %add3A_1175 = arith.constant 320 : i32
    %add3A_1176 = arith.addi %mul3A_2, %add3A_1175 : i32
    %dma_start3A_1177 = arith.constant 1 : i32
    %dma_start3A_1178 = arith.constant 1 : i32
    %dma_start3A_1179 = tpu.memref_slice %arg11[%dma_start3A_1178] : memref<4x!tpu.dma_semaphore, #tpu.memory_space<semaphore_mem>> -> memref<1x!tpu.dma_semaphore, #tpu.memory_space<semaphore_mem>>
    %dma_start3A_1180 = tpu.memref_squeeze %dma_start3A_1179 : memref<1x!tpu.dma_semaphore, #tpu.memory_space<semaphore_mem>> -> memref<!tpu.dma_semaphore, #tpu.memory_space<semaphore_mem>>
    %dma_start3A_1181 = arith.constant 3200 : i32
    %dma_start3A_1182 = tpu.memref_slice %arg4[%add3A_1176, %dma_start3A_1181] : memref<16384x3328xf32, #tpu.memory_space<hbm>> -> memref<64x128xf32, #tpu.memory_space<hbm>>
    %dma_start3A_1183 = arith.constant 0 : i32
    %dma_start3A_1184 = arith.constant 0 : i32
    %dma_start3A_1185 = tpu.memref_slice %arg8[%arg1, %dma_start3A_1177, %dma_start3A_1183, %dma_start3A_1184] : memref<16x4x64x128xf32, #tpu.memory_space<vmem_shared>> -> memref<1x1x64x128xf32, #tpu.memory_space<vmem_shared>>
    %dma_start3A_1186 = tpu.memref_squeeze %dma_start3A_1185 : memref<1x1x64x128xf32, #tpu.memory_space<vmem_shared>> -> memref<64x128xf32, #tpu.memory_space<vmem_shared>>
    tpu.enqueue_dma source(%dma_start3A_1186 : memref<64x128xf32, #tpu.memory_space<vmem_shared>>) target(%dma_start3A_1182 : memref<64x128xf32, #tpu.memory_space<hbm>>) target_semaphore(%dma_start3A_1180 : memref<!tpu.dma_semaphore, #tpu.memory_space<semaphore_mem>>)
    %dma_wait3A_1187 = arith.constant 2 : i32
    %dma_wait3A_1188 = arith.constant 2 : i32
    %dma_wait3A_1189 = arith.constant 2 : i32
    %dma_wait3A_1190 = arith.constant 0 : i32
    %dma_wait3A_1191 = arith.constant 0 : i32
    %dma_wait3A_1192 = tpu.memref_slice %arg7[%dma_wait3A_1187, %dma_wait3A_1190, %dma_wait3A_1191] : memref<4x64x128xf32, #tpu.memory_space<vmem>> -> memref<1x64x128xf32, #tpu.memory_space<vmem>>
    %dma_wait3A_1193 = tpu.memref_squeeze %dma_wait3A_1192 : memref<1x64x128xf32, #tpu.memory_space<vmem>> -> memref<64x128xf32, #tpu.memory_space<vmem>>
    %dma_wait3A_1194 = arith.constant 0 : i32
    %dma_wait3A_1195 = arith.constant 0 : i32
    %dma_wait3A_1196 = tpu.memref_slice %arg8[%arg1, %dma_wait3A_1188, %dma_wait3A_1194, %dma_wait3A_1195] : memref<16x4x64x128xf32, #tpu.memory_space<vmem_shared>> -> memref<1x1x64x128xf32, #tpu.memory_space<vmem_shared>>
    %dma_wait3A_1197 = tpu.memref_squeeze %dma_wait3A_1196 : memref<1x1x64x128xf32, #tpu.memory_space<vmem_shared>> -> memref<64x128xf32, #tpu.memory_space<vmem_shared>>
    %dma_wait3A_1198 = tpu.memref_slice %arg10[%dma_wait3A_1189] : memref<4x!tpu.dma_semaphore, #tpu.memory_space<semaphore_mem>> -> memref<1x!tpu.dma_semaphore, #tpu.memory_space<semaphore_mem>>
    %dma_wait3A_1199 = tpu.memref_squeeze %dma_wait3A_1198 : memref<1x!tpu.dma_semaphore, #tpu.memory_space<semaphore_mem>> -> memref<!tpu.dma_semaphore, #tpu.memory_space<semaphore_mem>>
    %dma_wait3A_1200 = arith.constant 0 : i32
    %dma_wait3A_1201 = arith.constant 0 : i32
    %dma_wait3A_1202 = tpu.memref_slice %arg8[%arg1, %dma_wait3A_1188, %dma_wait3A_1200, %dma_wait3A_1201] : memref<16x4x64x128xf32, #tpu.memory_space<vmem_shared>> -> memref<1x1x64x128xf32, #tpu.memory_space<vmem_shared>>
    %dma_wait3A_1203 = tpu.memref_squeeze %dma_wait3A_1202 : memref<1x1x64x128xf32, #tpu.memory_space<vmem_shared>> -> memref<64x128xf32, #tpu.memory_space<vmem_shared>>
    %dma_wait3A_1204 = arith.constant 0 : i32
    %dma_wait3A_1205 = arith.constant 0 : i32
    %dma_wait3A_1206 = tpu.memref_slice %arg7[%dma_wait3A_1187, %dma_wait3A_1204, %dma_wait3A_1205] : memref<4x64x128xf32, #tpu.memory_space<vmem>> -> memref<1x64x128xf32, #tpu.memory_space<vmem>>
    %dma_wait3A_1207 = tpu.memref_squeeze %dma_wait3A_1206 : memref<1x64x128xf32, #tpu.memory_space<vmem>> -> memref<64x128xf32, #tpu.memory_space<vmem>>
    tpu.wait_dma2 semaphore(%dma_wait3A_1199 : memref<!tpu.dma_semaphore, #tpu.memory_space<semaphore_mem>>) src(%dma_wait3A_1207 : memref<64x128xf32, #tpu.memory_space<vmem>>) dst(%dma_wait3A_1203 : memref<64x128xf32, #tpu.memory_space<vmem_shared>>)
    %add3A_1208 = arith.constant 384 : i32
    %add3A_1209 = arith.addi %mul3A_2, %add3A_1208 : i32
    %dma_start3A_1210 = arith.constant 2 : i32
    %dma_start3A_1211 = arith.constant 2 : i32
    %dma_start3A_1212 = tpu.memref_slice %arg11[%dma_start3A_1211] : memref<4x!tpu.dma_semaphore, #tpu.memory_space<semaphore_mem>> -> memref<1x!tpu.dma_semaphore, #tpu.memory_space<semaphore_mem>>
    %dma_start3A_1213 = tpu.memref_squeeze %dma_start3A_1212 : memref<1x!tpu.dma_semaphore, #tpu.memory_space<semaphore_mem>> -> memref<!tpu.dma_semaphore, #tpu.memory_space<semaphore_mem>>
    %dma_start3A_1214 = arith.constant 3200 : i32
    %dma_start3A_1215 = tpu.memref_slice %arg4[%add3A_1209, %dma_start3A_1214] : memref<16384x3328xf32, #tpu.memory_space<hbm>> -> memref<64x128xf32, #tpu.memory_space<hbm>>
    %dma_start3A_1216 = arith.constant 0 : i32
    %dma_start3A_1217 = arith.constant 0 : i32
    %dma_start3A_1218 = tpu.memref_slice %arg8[%arg1, %dma_start3A_1210, %dma_start3A_1216, %dma_start3A_1217] : memref<16x4x64x128xf32, #tpu.memory_space<vmem_shared>> -> memref<1x1x64x128xf32, #tpu.memory_space<vmem_shared>>
    %dma_start3A_1219 = tpu.memref_squeeze %dma_start3A_1218 : memref<1x1x64x128xf32, #tpu.memory_space<vmem_shared>> -> memref<64x128xf32, #tpu.memory_space<vmem_shared>>
    tpu.enqueue_dma source(%dma_start3A_1219 : memref<64x128xf32, #tpu.memory_space<vmem_shared>>) target(%dma_start3A_1215 : memref<64x128xf32, #tpu.memory_space<hbm>>) target_semaphore(%dma_start3A_1213 : memref<!tpu.dma_semaphore, #tpu.memory_space<semaphore_mem>>)
    %dma_wait3A_1220 = arith.constant 3 : i32
    %dma_wait3A_1221 = arith.constant 3 : i32
    %dma_wait3A_1222 = arith.constant 3 : i32
    %dma_wait3A_1223 = arith.constant 0 : i32
    %dma_wait3A_1224 = arith.constant 0 : i32
    %dma_wait3A_1225 = tpu.memref_slice %arg7[%dma_wait3A_1220, %dma_wait3A_1223, %dma_wait3A_1224] : memref<4x64x128xf32, #tpu.memory_space<vmem>> -> memref<1x64x128xf32, #tpu.memory_space<vmem>>
    %dma_wait3A_1226 = tpu.memref_squeeze %dma_wait3A_1225 : memref<1x64x128xf32, #tpu.memory_space<vmem>> -> memref<64x128xf32, #tpu.memory_space<vmem>>
    %dma_wait3A_1227 = arith.constant 0 : i32
    %dma_wait3A_1228 = arith.constant 0 : i32
    %dma_wait3A_1229 = tpu.memref_slice %arg8[%arg1, %dma_wait3A_1221, %dma_wait3A_1227, %dma_wait3A_1228] : memref<16x4x64x128xf32, #tpu.memory_space<vmem_shared>> -> memref<1x1x64x128xf32, #tpu.memory_space<vmem_shared>>
    %dma_wait3A_1230 = tpu.memref_squeeze %dma_wait3A_1229 : memref<1x1x64x128xf32, #tpu.memory_space<vmem_shared>> -> memref<64x128xf32, #tpu.memory_space<vmem_shared>>
    %dma_wait3A_1231 = tpu.memref_slice %arg10[%dma_wait3A_1222] : memref<4x!tpu.dma_semaphore, #tpu.memory_space<semaphore_mem>> -> memref<1x!tpu.dma_semaphore, #tpu.memory_space<semaphore_mem>>
    %dma_wait3A_1232 = tpu.memref_squeeze %dma_wait3A_1231 : memref<1x!tpu.dma_semaphore, #tpu.memory_space<semaphore_mem>> -> memref<!tpu.dma_semaphore, #tpu.memory_space<semaphore_mem>>
    %dma_wait3A_1233 = arith.constant 0 : i32
    %dma_wait3A_1234 = arith.constant 0 : i32
    %dma_wait3A_1235 = tpu.memref_slice %arg8[%arg1, %dma_wait3A_1221, %dma_wait3A_1233, %dma_wait3A_1234] : memref<16x4x64x128xf32, #tpu.memory_space<vmem_shared>> -> memref<1x1x64x128xf32, #tpu.memory_space<vmem_shared>>
    %dma_wait3A_1236 = tpu.memref_squeeze %dma_wait3A_1235 : memref<1x1x64x128xf32, #tpu.memory_space<vmem_shared>> -> memref<64x128xf32, #tpu.memory_space<vmem_shared>>
    %dma_wait3A_1237 = arith.constant 0 : i32
    %dma_wait3A_1238 = arith.constant 0 : i32
    %dma_wait3A_1239 = tpu.memref_slice %arg7[%dma_wait3A_1220, %dma_wait3A_1237, %dma_wait3A_1238] : memref<4x64x128xf32, #tpu.memory_space<vmem>> -> memref<1x64x128xf32, #tpu.memory_space<vmem>>
    %dma_wait3A_1240 = tpu.memref_squeeze %dma_wait3A_1239 : memref<1x64x128xf32, #tpu.memory_space<vmem>> -> memref<64x128xf32, #tpu.memory_space<vmem>>
    tpu.wait_dma2 semaphore(%dma_wait3A_1232 : memref<!tpu.dma_semaphore, #tpu.memory_space<semaphore_mem>>) src(%dma_wait3A_1240 : memref<64x128xf32, #tpu.memory_space<vmem>>) dst(%dma_wait3A_1236 : memref<64x128xf32, #tpu.memory_space<vmem_shared>>)
    %add3A_1241 = arith.constant 448 : i32
    %add3A_1242 = arith.addi %mul3A_2, %add3A_1241 : i32
    %dma_start3A_1243 = arith.constant 3 : i32
    %dma_start3A_1244 = arith.constant 3 : i32
    %dma_start3A_1245 = tpu.memref_slice %arg11[%dma_start3A_1244] : memref<4x!tpu.dma_semaphore, #tpu.memory_space<semaphore_mem>> -> memref<1x!tpu.dma_semaphore, #tpu.memory_space<semaphore_mem>>
    %dma_start3A_1246 = tpu.memref_squeeze %dma_start3A_1245 : memref<1x!tpu.dma_semaphore, #tpu.memory_space<semaphore_mem>> -> memref<!tpu.dma_semaphore, #tpu.memory_space<semaphore_mem>>
    %dma_start3A_1247 = arith.constant 3200 : i32
    %dma_start3A_1248 = tpu.memref_slice %arg4[%add3A_1242, %dma_start3A_1247] : memref<16384x3328xf32, #tpu.memory_space<hbm>> -> memref<64x128xf32, #tpu.memory_space<hbm>>
    %dma_start3A_1249 = arith.constant 0 : i32
    %dma_start3A_1250 = arith.constant 0 : i32
    %dma_start3A_1251 = tpu.memref_slice %arg8[%arg1, %dma_start3A_1243, %dma_start3A_1249, %dma_start3A_1250] : memref<16x4x64x128xf32, #tpu.memory_space<vmem_shared>> -> memref<1x1x64x128xf32, #tpu.memory_space<vmem_shared>>
    %dma_start3A_1252 = tpu.memref_squeeze %dma_start3A_1251 : memref<1x1x64x128xf32, #tpu.memory_space<vmem_shared>> -> memref<64x128xf32, #tpu.memory_space<vmem_shared>>
    tpu.enqueue_dma source(%dma_start3A_1252 : memref<64x128xf32, #tpu.memory_space<vmem_shared>>) target(%dma_start3A_1248 : memref<64x128xf32, #tpu.memory_space<hbm>>) target_semaphore(%dma_start3A_1246 : memref<!tpu.dma_semaphore, #tpu.memory_space<semaphore_mem>>)
    %add3A_1253 = arith.constant 256 : i32
    %add3A_1254 = arith.addi %mul3A_2, %add3A_1253 : i32
    %dma_wait3A_1255 = arith.constant 0 : i32
    %dma_wait3A_1256 = arith.constant 0 : i32
    %dma_wait3A_1257 = tpu.memref_slice %arg11[%dma_wait3A_1256] : memref<4x!tpu.dma_semaphore, #tpu.memory_space<semaphore_mem>> -> memref<1x!tpu.dma_semaphore, #tpu.memory_space<semaphore_mem>>
    %dma_wait3A_1258 = tpu.memref_squeeze %dma_wait3A_1257 : memref<1x!tpu.dma_semaphore, #tpu.memory_space<semaphore_mem>> -> memref<!tpu.dma_semaphore, #tpu.memory_space<semaphore_mem>>
    %dma_wait3A_1259 = arith.constant 3200 : i32
    %dma_wait3A_1260 = tpu.memref_slice %arg4[%add3A_1254, %dma_wait3A_1259] : memref<16384x3328xf32, #tpu.memory_space<hbm>> -> memref<64x128xf32, #tpu.memory_space<hbm>>
    %dma_wait3A_1261 = arith.constant 0 : i32
    %dma_wait3A_1262 = arith.constant 0 : i32
    %dma_wait3A_1263 = tpu.memref_slice %arg8[%arg1, %dma_wait3A_1255, %dma_wait3A_1261, %dma_wait3A_1262] : memref<16x4x64x128xf32, #tpu.memory_space<vmem_shared>> -> memref<1x1x64x128xf32, #tpu.memory_space<vmem_shared>>
    %dma_wait3A_1264 = tpu.memref_squeeze %dma_wait3A_1263 : memref<1x1x64x128xf32, #tpu.memory_space<vmem_shared>> -> memref<64x128xf32, #tpu.memory_space<vmem_shared>>
    tpu.wait_dma2 semaphore(%dma_wait3A_1258 : memref<!tpu.dma_semaphore, #tpu.memory_space<semaphore_mem>>) src(%dma_wait3A_1264 : memref<64x128xf32, #tpu.memory_space<vmem_shared>>) dst(%dma_wait3A_1260 : memref<64x128xf32, #tpu.memory_space<hbm>>)
    %add3A_1265 = arith.constant 320 : i32
    %add3A_1266 = arith.addi %mul3A_2, %add3A_1265 : i32
    %dma_wait3A_1267 = arith.constant 1 : i32
    %dma_wait3A_1268 = arith.constant 1 : i32
    %dma_wait3A_1269 = tpu.memref_slice %arg11[%dma_wait3A_1268] : memref<4x!tpu.dma_semaphore, #tpu.memory_space<semaphore_mem>> -> memref<1x!tpu.dma_semaphore, #tpu.memory_space<semaphore_mem>>
    %dma_wait3A_1270 = tpu.memref_squeeze %dma_wait3A_1269 : memref<1x!tpu.dma_semaphore, #tpu.memory_space<semaphore_mem>> -> memref<!tpu.dma_semaphore, #tpu.memory_space<semaphore_mem>>
    %dma_wait3A_1271 = arith.constant 3200 : i32
    %dma_wait3A_1272 = tpu.memref_slice %arg4[%add3A_1266, %dma_wait3A_1271] : memref<16384x3328xf32, #tpu.memory_space<hbm>> -> memref<64x128xf32, #tpu.memory_space<hbm>>
    %dma_wait3A_1273 = arith.constant 0 : i32
    %dma_wait3A_1274 = arith.constant 0 : i32
    %dma_wait3A_1275 = tpu.memref_slice %arg8[%arg1, %dma_wait3A_1267, %dma_wait3A_1273, %dma_wait3A_1274] : memref<16x4x64x128xf32, #tpu.memory_space<vmem_shared>> -> memref<1x1x64x128xf32, #tpu.memory_space<vmem_shared>>
    %dma_wait3A_1276 = tpu.memref_squeeze %dma_wait3A_1275 : memref<1x1x64x128xf32, #tpu.memory_space<vmem_shared>> -> memref<64x128xf32, #tpu.memory_space<vmem_shared>>
    tpu.wait_dma2 semaphore(%dma_wait3A_1270 : memref<!tpu.dma_semaphore, #tpu.memory_space<semaphore_mem>>) src(%dma_wait3A_1276 : memref<64x128xf32, #tpu.memory_space<vmem_shared>>) dst(%dma_wait3A_1272 : memref<64x128xf32, #tpu.memory_space<hbm>>)
    %add3A_1277 = arith.constant 384 : i32
    %add3A_1278 = arith.addi %mul3A_2, %add3A_1277 : i32
    %dma_wait3A_1279 = arith.constant 2 : i32
    %dma_wait3A_1280 = arith.constant 2 : i32
    %dma_wait3A_1281 = tpu.memref_slice %arg11[%dma_wait3A_1280] : memref<4x!tpu.dma_semaphore, #tpu.memory_space<semaphore_mem>> -> memref<1x!tpu.dma_semaphore, #tpu.memory_space<semaphore_mem>>
    %dma_wait3A_1282 = tpu.memref_squeeze %dma_wait3A_1281 : memref<1x!tpu.dma_semaphore, #tpu.memory_space<semaphore_mem>> -> memref<!tpu.dma_semaphore, #tpu.memory_space<semaphore_mem>>
    %dma_wait3A_1283 = arith.constant 3200 : i32
    %dma_wait3A_1284 = tpu.memref_slice %arg4[%add3A_1278, %dma_wait3A_1283] : memref<16384x3328xf32, #tpu.memory_space<hbm>> -> memref<64x128xf32, #tpu.memory_space<hbm>>
    %dma_wait3A_1285 = arith.constant 0 : i32
    %dma_wait3A_1286 = arith.constant 0 : i32
    %dma_wait3A_1287 = tpu.memref_slice %arg8[%arg1, %dma_wait3A_1279, %dma_wait3A_1285, %dma_wait3A_1286] : memref<16x4x64x128xf32, #tpu.memory_space<vmem_shared>> -> memref<1x1x64x128xf32, #tpu.memory_space<vmem_shared>>
    %dma_wait3A_1288 = tpu.memref_squeeze %dma_wait3A_1287 : memref<1x1x64x128xf32, #tpu.memory_space<vmem_shared>> -> memref<64x128xf32, #tpu.memory_space<vmem_shared>>
    tpu.wait_dma2 semaphore(%dma_wait3A_1282 : memref<!tpu.dma_semaphore, #tpu.memory_space<semaphore_mem>>) src(%dma_wait3A_1288 : memref<64x128xf32, #tpu.memory_space<vmem_shared>>) dst(%dma_wait3A_1284 : memref<64x128xf32, #tpu.memory_space<hbm>>)
    %add3A_1289 = arith.constant 448 : i32
    %add3A_1290 = arith.addi %mul3A_2, %add3A_1289 : i32
    %dma_wait3A_1291 = arith.constant 3 : i32
    %dma_wait3A_1292 = arith.constant 3 : i32
    %dma_wait3A_1293 = tpu.memref_slice %arg11[%dma_wait3A_1292] : memref<4x!tpu.dma_semaphore, #tpu.memory_space<semaphore_mem>> -> memref<1x!tpu.dma_semaphore, #tpu.memory_space<semaphore_mem>>
    %dma_wait3A_1294 = tpu.memref_squeeze %dma_wait3A_1293 : memref<1x!tpu.dma_semaphore, #tpu.memory_space<semaphore_mem>> -> memref<!tpu.dma_semaphore, #tpu.memory_space<semaphore_mem>>
    %dma_wait3A_1295 = arith.constant 3200 : i32
    %dma_wait3A_1296 = tpu.memref_slice %arg4[%add3A_1290, %dma_wait3A_1295] : memref<16384x3328xf32, #tpu.memory_space<hbm>> -> memref<64x128xf32, #tpu.memory_space<hbm>>
    %dma_wait3A_1297 = arith.constant 0 : i32
    %dma_wait3A_1298 = arith.constant 0 : i32
    %dma_wait3A_1299 = tpu.memref_slice %arg8[%arg1, %dma_wait3A_1291, %dma_wait3A_1297, %dma_wait3A_1298] : memref<16x4x64x128xf32, #tpu.memory_space<vmem_shared>> -> memref<1x1x64x128xf32, #tpu.memory_space<vmem_shared>>
    %dma_wait3A_1300 = tpu.memref_squeeze %dma_wait3A_1299 : memref<1x1x64x128xf32, #tpu.memory_space<vmem_shared>> -> memref<64x128xf32, #tpu.memory_space<vmem_shared>>
    tpu.wait_dma2 semaphore(%dma_wait3A_1294 : memref<!tpu.dma_semaphore, #tpu.memory_space<semaphore_mem>>) src(%dma_wait3A_1300 : memref<64x128xf32, #tpu.memory_space<vmem_shared>>) dst(%dma_wait3A_1296 : memref<64x128xf32, #tpu.memory_space<hbm>>)
    return
  }
}

</mosaic_0001>

<sc_bundles>
// kernel: _embed.3.cloned.1.call-start
scs
__scs_entry_jumppad:
0x0: {  	(pc) =	sbr.rel $0x88, $3  }
0x1: {  	(tag) =	ssettag $0x0;
	lr =	simm.s32 $0x1  }
0x2: {  	[smem:$0x3F9F] =	sst lr;
	_ =	strace $0xD0000000  }
0x3: {  	_ = 	snop  }
0x4: {  	_ = 	snop  }
0x5: {  	_ = 	snop  }
0x6: {  	_ = 	snop  }
0x7: {  	_ = 	snop  }
__scs_overlays_trampoline_lowered:
0x8: {  	[smem:$0x3FAE] =	sst s0  }
0x9: {  	[smem:$0x3FAF] =	sst s1  }
0xa: {  	[smem:$0x3FB0] =	sst s2  }
0xb: {  	[smem:$0x3FB1] =	sst s3  }
0xc: {  	[smem:$0x3FB2] =	sst s4  }
0xd: {  	[smem:$0x3FB3] =	sst s5  }
0xe: {  	[smem:$0x3FB4] =	sst s6  }
0xf: {  	[smem:$0x3FB5] =	sst s7  }
0x10: {  	[smem:$0x3FB6] =	sst s8  }
0x11: {  	[smem:$0x3FB7] =	sst s9;
	s0 =	simm.s32 @!p0 $0x0  }
0x12: {  	s1 =	sld [smem:$0x3F9D];
	s0 =	simm.s32 @p0 $0x1  }
0x13: {  	[smem:$0x3FB8] =	sst s0;
	s0 =	simm.s32 @!p1 $0x0  }
0x14: {  	s2 =	sld [smem:$0x3F9C];
	s0 =	simm.s32 @p1 $0x1  }
0x15: {  	[smem:$0x3FB9] =	sst s0;
	s0 =	simm.s32 @!p2 $0x0  }
0x16: {  	s3 =	sld [smem:$0x3FDB];
	s0 =	simm.s32 @p2 $0x1  }
0x17: {  	s4 =	simm.s32 $0x1BF5;
	[smem:$0x3FBB] =	sst s0  }
0x18: {  	s0 =	sld [smem:$0x3F9E];
	_ =	swait.ge [sflag:s4], $0x0  }
0x19: {  	s7 =	sld [smem:$0x3F9F]  }
0x1a: {  	s8 =	sadd.s32 $0xFFFFE003, lr  }
0x1b: {  	s9 =	sadd.s32 $0xFFFFFEF7, lr;
	s5 =	simm.s32 $0xFFFFFFFF;
	p2 =	slt.u32 s8, $0xFFFFF086  }
0x1c: {  	p1 =	slt.u32 s9, $0xF7A;
	s5 =	simm.s32 @!p2 $0x0  }
0x1d: {  	s5 =	simm.s32 @p1 $0x1;
	p0 =	seq.s32 s7, s2  }
0x1e: {  	s7 =	smul.u32 @!p0 $0xF7A, s2;
	p2 =	seq.s32 @!p0 s5, $0x0  }
0x1f: {  	s9 =	smul.u32 $0xF7A, s1;
	s8 =	simm.s32 @!p0 $0x1BF5;
	p2 =	por !p2, p0  }
0x20: {  	[sflag:s8] =	ssyncset.s32 @!p0 $0xFFFFF086;
	s6 =	sadd.s32 @!p0 s3, s7;
	s7 =	simm.s32 @!p0 $0x108  }
0x21: {  	s3 =	sadd.s32 s3, s9;
	s6 =	sadd.s32 @!p0 $0x88, s6;
	s7 =	simm.s32 @p2 $0x1082  }
0x22: {  	[simem:s7], [sflag:s8] =	dma.local @!p0 [hbm:s6], $0xF7A  }
0x23: {  	s9 =	sor.u32 $0xD0000000, s2;
	s6 =	simm.s32 $0x108;
	_ =	swait.ge @!p0 [sflag:s8], $0x0  }
0x24: {  	s3 =	sadd.s32 $0x88, s3;
	s6 =	simm.s32 @!p1 $0x1082;
	[sflag:s4] =	ssyncset.s32 $0xFFFFF086  }
0x25: {  	[simem:s6], [sflag:s4] =	dma.local [hbm:s3], $0xF7A  }
0x26: {  	[smem:$0x3F9F] =	sst s1;
	(tag) =	ssettag s2;
	_ =	strace s9  }
0x27: {  	s1 =	sld [smem:$0x3FAF]  }
0x28: {  	s2 =	sld [smem:$0x3FB0]  }
0x29: {  	s4 =	sld [smem:$0x3FB2]  }
0x2a: {  	p0 =	seq.s32 s5, $0x0;
	s5 =	sld [smem:$0x3FB3]  }
0x2b: {  	s6 =	sld [smem:$0x3FB4]  }
0x2c: {  	s7 =	sld [smem:$0x3FB5]  }
0x2d: {  	s3 =	simm.s32 $0x108;
	s8 =	sld [smem:$0x3FB6]  }
0x2e: {  	s3 =	simm.s32 @!p0 $0x1082;
	s9 =	sld [smem:$0x3FB7]  }
0x2f: {  	lr =	sadd.s32 s0, s3;
	s0 =	sld [smem:$0x3FAE]  }
0x30: {  	s3 =	sld [smem:$0x3FB1]  }
0x31: {  	[smem:$0x3FBA] =	sst s10  }
0x32: {  	s10 =	sld [smem:$0x3FB8];
	_ =	sdelay $0x3  }
0x33: {  	p0 =	seq.s32 s10, $0x1;
	s10 =	sld [smem:$0x3FBA];
	_ =	sdelay $0x3  }
0x34: {  	[smem:$0x3FBA] =	sst s10  }
0x35: {  	s10 =	sld [smem:$0x3FB9];
	_ =	sdelay $0x3  }
0x36: {  	p1 =	seq.s32 s10, $0x1;
	s10 =	sld [smem:$0x3FBA];
	_ =	sdelay $0x3  }
0x37: {  	[smem:$0x3FBA] =	sst s10  }
0x38: {  	s10 =	sld [smem:$0x3FBB]  }
0x39: {  	_ = 	snop;
	(pc) =	sbr.ind lr, $3  }
0x3a: {  	_ = 	snop  }
0x3b: {  	_ = 	snop  }
0x3c: {  	p2 =	seq.s32 s10, $0x1;
	s10 =	sld [smem:$0x3FBA]  }
0x3d: {  	_ =	shalt  }
0x3e: {  	_ =	shalt  }
0x3f: {  	_ =	shalt  }
0x40: {  	_ =	shalt  }
0x41: {  	_ =	shalt  }
0x42: {  	_ =	shalt  }
0x43: {  	_ =	shalt  }
0x44: {  	_ =	shalt  }
0x45: {  	_ =	shalt  }
0x46: {  	_ =	shalt  }
0x47: {  	_ =	shalt  }
0x48: {  	_ =	shalt  }
0x49: {  	_ =	shalt  }
0x4a: {  	_ =	shalt  }
0x4b: {  	_ =	shalt  }
0x4c: {  	_ =	shalt  }
0x4d: {  	_ =	shalt  }
0x4e: {  	_ =	shalt  }
0x4f: {  	_ =	shalt  }
0x50: {  	_ =	shalt  }
0x51: {  	_ =	shalt  }
0x52: {  	_ =	shalt  }
0x53: {  	_ =	shalt  }
0x54: {  	_ =	shalt  }
0x55: {  	_ =	shalt  }
0x56: {  	_ =	shalt  }
0x57: {  	_ =	shalt  }
0x58: {  	_ =	shalt  }
0x59: {  	_ =	shalt  }
0x5a: {  	_ =	shalt  }
0x5b: {  	_ =	shalt  }
0x5c: {  	_ =	shalt  }
0x5d: {  	_ =	shalt  }
0x5e: {  	_ =	shalt  }
0x5f: {  	_ =	shalt  }
0x60: {  	_ =	shalt  }
0x61: {  	_ =	shalt  }
0x62: {  	_ =	shalt  }
0x63: {  	_ =	shalt  }
0x64: {  	_ =	shalt  }
0x65: {  	_ =	shalt  }
0x66: {  	_ =	shalt  }
0x67: {  	_ =	shalt  }
0x68: {  	_ =	shalt  }
0x69: {  	_ =	shalt  }
0x6a: {  	_ =	shalt  }
0x6b: {  	_ =	shalt  }
0x6c: {  	_ =	shalt  }
0x6d: {  	_ =	shalt  }
0x6e: {  	_ =	shalt  }
0x6f: {  	_ =	shalt  }
0x70: {  	_ =	shalt  }
0x71: {  	_ =	shalt  }
0x72: {  	_ =	shalt  }
0x73: {  	_ =	shalt  }
0x74: {  	_ =	shalt  }
0x75: {  	_ =	shalt  }
0x76: {  	_ =	shalt  }
0x77: {  	_ =	shalt  }
0x78: {  	_ =	shalt  }
0x79: {  	_ =	shalt  }
0x7a: {  	_ =	shalt  }
0x7b: {  	_ =	shalt  }
0x7c: {  	_ =	shalt  }
0x7d: {  	_ =	shalt  }
0x7e: {  	_ =	shalt  }
0x7f: {  	_ =	shalt  }
0x80: {  	_ =	shalt  }
0x81: {  	_ =	shalt  }
0x82: {  	_ =	shalt  }
0x83: {  	_ =	shalt  }
0x84: {  	_ =	shalt  }
0x85: {  	_ =	shalt  }
0x86: {  	_ =	shalt  }
0x87: {  	_ =	shalt  }
.Lfunc_end0:
.L_simem_size_0:
called_computation_lowered:
.L_overlay_start_0:
0x88: {  	s2 =	sld [smem:$0x3FD9]  }
0x89: {  	s3 =	sld [smem:$0x3FFE];
	_ =	sdelay $0x1  }
0x8a: {  	s1 =	srdreg.scid  }
0x8b: {  	s0 =	sand.u32 $0x1, s1  }
0x8c: {  	s18 =	sshll.u32 s0, $0xA;
	s2 =	sadd.s32 s3, s2  }
0x8d: {  	s2 =	sadd.s32 s2, s18  }
0x8e: {  	[smem:$0x3FC6] =	sst s2  }
0x8f: {  	_ = 	snop  }
0x90: {  	s2 =	sld [smem:$0x3FC9]  }
0x91: {  	s19 =	sld [smem:$0x3FC8]  }
0x92: {  	s4 =	sld [smem:$0x3FD0];
	(tm) =	ssettm $0x1  }
0x93: {  	s5 =	sld [smem:$0x3FFB];
	_ =	sdelay $0x3  }
0x94: {  	_ =	strace s5  }
0x95: {  	s5 =	sld [smem:$0x3FFC];
	_ =	sdelay $0x3  }
0x96: {  	_ =	strace s5  }
0x97: {  	s5 =	sld [smem:$0x3FFD];
	_ =	sdelay $0x3  }
0x98: {  	_ =	strace s5  }
0x99: {  	_ =	strace $0x8FFFFFFF  }
0x9a: {  	s20 =	sld [smem:$0x3FDB];
	_ =	sdelay $0x1  }
0x9b: {  	s6 =	simm.s32 $_scs_section_size  }
0x9c: {  	s7 =	simm.s32 $_size__tile_overlayer_lowered;
	s8 =	simm.s32 $_tile_overlayer_lowered  }
0x9d: {  	s23 =	simm.s32 $0x1BFF;
	s22 =	sshll.u32 s8, $0x1;
	s5 =	sadd.s32 s6, s20  }
0x9e: {  	s9 =	simm.s32 $0x0;
	s21 =	sshll.u32 s7, $0x1;
	s7 =	sadd.s32 s22, s5  }
0x9f: {  	[timem:s9], [sflag:s23] =	dma.local [hbm:s7], s21  }
0xa0: {  	_ =	swait.ge [sflag:s23], s21  }
0xa1: {  	s6 =	ssub.s32 $0x0, s21;
	[sflag:s23] =	ssyncset.done $0x0  }
0xa2: {  	[sflag:s23] =	ssyncadd.s32 s6;
	_ =	sdelay $0x1  }
0xa3: {  	s24 =	simm.s32 $0x1B8B  }
0xa4: {  	_ =	swait.ge [sflag:s24], $0x1  }
0xa5: {  	[sflag:s24] =	ssyncset.done $0x0  }
0xa6: {  	s25 =	simm.s32 $0x1B8E;
	[sflag:s24] =	ssyncadd.s32 $0xFFFFFFFF  }
0xa7: {  	s26 =	simm.s32 $execute0_lowered;
	[smem:$0x3FD2] =	sst s25  }
0xa8: {  	s6 =	sshll.u32 s26, $0x1;
	_ =	strace $0x80000046;
	[dreg:$0x1] =	wrdreg $0xFFFFFFFF  }
0xa9: {  	s28 =	simm.s32 $_size_execute0_lowered;
	s5 =	sadd.s32 s5, s6;
	[dreg:$0x0] =	wrdreg $0x0  }
0xaa: {  	s6 =	sshll.u32 s28, $0x1;
	[dreg:$0x2] =	wrdreg s5  }
0xab: {  	[dreg:$0x3] =	wrdreg s6  }
0xac: {  	[dreg:$0x4] =	wrdreg $0xC0  }
0xad: {  	_ =	task [dreg:s9], $0x5FFFF  }
0xae: {  	[dreg:$0x1] =	wrdreg $0xFFFFFFFF  }
0xaf: {  	[dreg:$0x0] =	wrdreg $0x60  }
0xb0: {  	[dreg:$0x2] =	wrdreg s2  }
0xb1: {  	[dreg:$0x3] =	wrdreg s19  }
0xb2: {  	[dreg:$0x4] =	wrdreg s4  }
0xb3: {  	[dreg:$0x5] =	wrdreg $0x128000  }
0xb4: {  	[dreg:$0x6] =	wrdreg $0x9  }
0xb5: {  	_ =	task.clear_ibuf [dreg:s9], $0x7FFFF;
	_ =	strace $0x90000046  }
0xb6: {  	s29 =	simm.s32 $0x9;
	_ =	strace $0x80000048  }
0xb7: {  	_ =	swait.ge [sflag:s29], $0x1  }
0xb8: {  	[sflag:s29] =	ssyncadd.s32 $0xFFFFFFFF  }
0xb9: {  	_ =	strace $0x90000048  }
0xba: {  	_ =	sfence  }
0xbb: {  	s30 =	sld [smem:$0x0];
	_ =	sdelay $0x2  }
0xbc: {  	s31 =	sshll.u32 s1, $0xD;
	s1 =	sshrl.u32 s1, $0x2  }
0xbd: {  	s3 =	sand.u32 $0x4000, s31;
	s1 =	sadd.s32 s1, s30  }
0xbe: {  	s0 =	sor.u32 s3, s0;
	s1 =	sshll.u32 s1, $0x11  }
0xbf: {  	s0 =	sor.u32 s1, s0  }
0xc0: {  	s0 =	sadd.s32 $0x8F2B, s0  }
0xc1: {  	[sflag:s0] =	ssyncadd.remote.s32 $0x1  }
0xc2: {  	_ =	sfence.sel $0xFFFF  }
0xc3: {  	[dreg:$0x0] =	wrdreg $0xFFFFFFFF;
	(pc) =	sbr.abs _section_cstart, $3  }
0xc4: {  	[dreg:$0x1] =	wrdreg $0xFFFFFFFF  }
0xc5: {  	_ =	task.clear_ibuf [dreg:s9], $0x2FFFF;
	_ =	strace $0x9FFFFFFF  }
0xc6: {  	(tm) =	ssettm $0x7FFFFFFF  }
0xc7: {  	_ =	shalt  }
tec
execute0_lowered:
.L_overlay_start_1:
0x0: {  	(tag) =	ssettag $0x1  }
0x1: {  	s1 =	rddreg [dreg:$0x0]  }
0x2: {  	s0 =	rddreg [dreg:$0x1]  }
0x3: {  	s7 =	rddreg [dreg:$0x2]  }
0x4: {  	s2 =	rddreg [dreg:$0x3]  }
0x5: {  	s3 =	srdreg.scid;
	s6 =	stileid.u32  }
0x6: {  	s8 =	simm.s32 $0x0;
	s3 =	sand.u32 $0x1, s3;
	s5 =	sshll.u32 s6, $0x9  }
0x7: {  	[smem:$0x7FF] =	sst s8;
	s18 =	sshll.u32 s6, $0xF;
	s4 =	sshll.u32 s3, $0xD  }
0x8: {  	s3 =	ssub.s32 $0x2, s3;
	_ =	strace $0x80000047;
	s16 =	sor.u32 s5, s4  }
0x9: {  	s17 =	sshrl.u32 s3, $0x1;
	s4 =	sadd.s32 s18, s2;
	[dreg:$0x5] =	wrdreg s16  }
0xa: {  	s5 =	sshrl.u32 s16, $0x3;
	s0 =	sadd.s32 s0, s16;
	[dreg:$0x6] =	wrdreg s4  }
0xb: {  	s3 =	ssub.s32 s3, s17;
	s2 =	sadd.s32 $0x2000, s4;
	[dreg:$0xe] =	wrdreg s0  }
0xc: {  	s21 =	sadd.s32 $0x4000, s4;
	s19 =	smul.u32 $0x6800, s5;
	[dreg:$0x7] =	wrdreg s2  }
0xd: {  	s4 =	sadd.s32 $0x6000, s4;
	s20 =	smul.u32 $0xD00, s5;
	[dreg:$0x8] =	wrdreg s21  }
0xe: {  	[dreg:$0x9] =	wrdreg s4;
	s30 =	smax.u32 s3, $0x1;
	s22 =	sshrl.u32 s19, $0x3  }
0xf: {  	[dreg:$0x17] =	wrdreg s30;
	s0 =	sadd.s32 s7, s20;
	s23 =	sadd.s32 s7, s22  }
0x10: {  	[dreg:$0xf] =	wrdreg s0;
	s2 =	sadd.s32 $0x6800, s23  }
0x11: {  	s24 =	sadd.s32 $0xD000, s23;
	[dreg:$0x10] =	wrdreg s2  }
0x12: {  	s25 =	sadd.s32 $0x13800, s23;
	[dreg:$0x11] =	wrdreg s24  }
0x13: {  	s26 =	sadd.s32 $0x1AC80, s23;
	[dreg:$0x12] =	wrdreg s25  }
0x14: {  	s31 =	simm.s32 $0x8;
	s28 =	sadd.s32 $0x21480, s23;
	[dreg:$0x13] =	wrdreg s26  }
0x15: {  	s4 =	simm.s32 $0x80;
	s29 =	sadd.s32 $0x27C80, s23;
	[dreg:$0x14] =	wrdreg s28  }
0x16: {  	s3 =	simm.s32 $0x0;
	s0 =	sadd.s32 $0x2E480, s23;
	[dreg:$0x15] =	wrdreg s29  }
0x17: {  	s23 =	simm.s32 $0x40;
	[dreg:$0x16] =	wrdreg s0;
	s2 =	simm.s32 $0xD00  }
.LBB2_1:
0x18: {  	[dreg:$0x18] =	wrdreg s3  }
0x19: {  	s3 =	simm.s32 $0x0;
	s0 =	rddreg [dreg:$0xe]  }
0x1a: {  	s5 =	simm.s32 $0x1000;
	s7 =	simm.s32 $0x20000;
	s6 =	simm.s32 $0xD  }
0x1b: {  	[tilespmem:s3], [sflag:$0xD] =	stream.strided.gather [hbm4b:s0+s5], $0x4000, s7, s5, $0x38;
	[tilespmem:$0x1A800] =	vst v63  }
0x1c: {  	_ =	swait.ge [sflag:s6], $0x4000  }
0x1d: {  	[sflag:s6] =	ssyncset.done $0x0  }
0x1e: {  	[sflag:s6] =	ssyncadd.s32 $0xFFFFC000  }
0x1f: {  	v0 =	vld [tilespmem:$0x0]  }
0x20: {  	v1 =	vld [tilespmem:$0x10]  }
0x21: {  	v2 =	vld [tilespmem:$0x20]  }
0x22: {  	v3 =	vld [tilespmem:$0x30]  }
0x23: {  	v4 =	vld [tilespmem:$0x40]  }
0x24: {  	v5 =	vld [tilespmem:$0x50];
	v0 =	vadd.s32 $0x1, v0  }
0x25: {  	v8 =	vld [tilespmem:$0x60];
	v7 =	vadd.s32 $0x1, v1;
	[tilespmem:$0x4000] =	vst v0  }
0x26: {  	v10 =	vld [tilespmem:$0x70];
	v9 =	vadd.s32 $0x1, v2;
	[tilespmem:$0x4010] =	vst v7  }
0x27: {  	v12 =	vld [tilespmem:$0x400];
	v11 =	vadd.s32 $0x1, v3;
	[tilespmem:$0x4020] =	vst v9  }
0x28: {  	v14 =	vld [tilespmem:$0x410];
	v13 =	vadd.s32 $0x1, v4;
	[tilespmem:$0x4030] =	vst v11  }
0x29: {  	v16 =	vld [tilespmem:$0x420];
	v15 =	vadd.s32 $0x1, v5;
	[tilespmem:$0x4080] =	vst v13  }
0x2a: {  	v18 =	vld [tilespmem:$0x430];
	v17 =	vadd.s32 $0x1, v8;
	[tilespmem:$0x4090] =	vst v15  }
0x2b: {  	v20 =	vld [tilespmem:$0x440];
	v19 =	vadd.s32 $0x1, v10;
	[tilespmem:$0x40A0] =	vst v17  }
0x2c: {  	v22 =	vld [tilespmem:$0x450];
	v21 =	vadd.s32 $0x1, v12;
	[tilespmem:$0x40B0] =	vst v19  }
0x2d: {  	v24 =	vld [tilespmem:$0x460];
	v23 =	vadd.s32 $0x1, v14;
	[tilespmem:$0x4100] =	vst v21  }
0x2e: {  	v26 =	vld [tilespmem:$0x470];
	v25 =	vadd.s32 $0x1, v16;
	[tilespmem:$0x4110] =	vst v23  }
0x2f: {  	v27 =	vadd.s32 $0x1, v18;
	[tilespmem:$0x4120] =	vst v25  }
0x30: {  	v28 =	vadd.s32 $0x1, v20;
	[tilespmem:$0x4130] =	vst v27  }
0x31: {  	v29 =	vadd.s32 $0x1, v22;
	[tilespmem:$0x4180] =	vst v28  }
0x32: {  	v30 =	vadd.s32 $0x1, v24;
	[tilespmem:$0x4190] =	vst v29  }
0x33: {  	v31 =	vadd.s32 $0x1, v26;
	[tilespmem:$0x41A0] =	vst v30  }
0x34: {  	s14 =	simm.s32 $0xA800;
	s7 =	simm.s32 $0x4000;
	[tilespmem:$0x41B0] =	vst v31  }
0x35: {  	[tilespmem:s14], [sflag:$0x1] =	stream.indirect.gather [hbm4b:s1+s23], $0x80, s7, s23, $0xb8;
	[tilespmem:$0x1A800] =	vst v63  }
0x36: {  	s8 =	simm.s32 $0x4080;
	s26 =	simm.s32 $0xC800  }
0x37: {  	[tilespmem:s26], [sflag:$0x2] =	stream.indirect.gather [hbm4b:s1+s23], $0x80, s8, s23, $0xb8;
	[tilespmem:$0x1A800] =	vst v63  }
0x38: {  	s9 =	simm.s32 $0x4100;
	s13 =	simm.s32 $0xE800  }
0x39: {  	[tilespmem:s13], [sflag:$0x3] =	stream.indirect.gather [hbm4b:s1+s23], $0x80, s9, s23, $0xb8;
	[tilespmem:$0x1A800] =	vst v63  }
0x3a: {  	s10 =	simm.s32 $0x4180;
	s12 =	simm.s32 $0x10800  }
0x3b: {  	[tilespmem:s12], [sflag:$0x4] =	stream.indirect.gather [hbm4b:s1+s23], $0x80, s10, s23, $0xb8;
	[tilespmem:$0x1A800] =	vst v63  }
0x3c: {  	v32 =	vld [tilespmem:$0x800]  }
0x3d: {  	v33 =	vld [tilespmem:$0x810]  }
0x3e: {  	v34 =	vld [tilespmem:$0x820]  }
0x3f: {  	v35 =	vld [tilespmem:$0x830]  }
0x40: {  	v36 =	vld [tilespmem:$0x840]  }
0x41: {  	v37 =	vld [tilespmem:$0x850];
	v0 =	vadd.s32 $0x1, v32  }
0x42: {  	v39 =	vld [tilespmem:$0x860];
	v38 =	vadd.s32 $0x1, v33;
	[tilespmem:$0x4200] =	vst v0  }
0x43: {  	v41 =	vld [tilespmem:$0x870];
	v40 =	vadd.s32 $0x1, v34;
	[tilespmem:$0x4210] =	vst v38  }
0x44: {  	v43 =	vld [tilespmem:$0xC00];
	v42 =	vadd.s32 $0x1, v35;
	[tilespmem:$0x4220] =	vst v40  }
0x45: {  	v45 =	vld [tilespmem:$0xC10];
	v44 =	vadd.s32 $0x1, v36;
	[tilespmem:$0x4230] =	vst v42  }
0x46: {  	v47 =	vld [tilespmem:$0xC20];
	v46 =	vadd.s32 $0x1, v37;
	[tilespmem:$0x4280] =	vst v44  }
0x47: {  	v49 =	vld [tilespmem:$0xC30];
	v48 =	vadd.s32 $0x1, v39;
	[tilespmem:$0x4290] =	vst v46  }
0x48: {  	v51 =	vld [tilespmem:$0xC40];
	v50 =	vadd.s32 $0x1, v41;
	[tilespmem:$0x42A0] =	vst v48  }
0x49: {  	v53 =	vld [tilespmem:$0xC50];
	v52 =	vadd.s32 $0x1, v43;
	[tilespmem:$0x42B0] =	vst v50  }
0x4a: {  	v55 =	vld [tilespmem:$0xC60];
	v54 =	vadd.s32 $0x1, v45;
	[tilespmem:$0x4300] =	vst v52  }
0x4b: {  	v57 =	vld [tilespmem:$0xC70];
	v56 =	vadd.s32 $0x1, v47;
	[tilespmem:$0x4310] =	vst v54  }
0x4c: {  	v58 =	vadd.s32 $0x1, v49;
	[tilespmem:$0x4320] =	vst v56  }
0x4d: {  	v59 =	vadd.s32 $0x1, v51;
	[tilespmem:$0x4330] =	vst v58  }
0x4e: {  	v60 =	vadd.s32 $0x1, v53;
	[tilespmem:$0x4380] =	vst v59  }
0x4f: {  	v61 =	vadd.s32 $0x1, v55;
	[tilespmem:$0x4390] =	vst v60  }
0x50: {  	v62 =	vadd.s32 $0x1, v57;
	[tilespmem:$0x43A0] =	vst v61  }
0x51: {  	s16 =	simm.s32 $0x1;
	[tilespmem:$0x43B0] =	vst v62  }
0x52: {  	_ =	swait.ge [sflag:s16], $0x2000  }
0x53: {  	[sflag:s16] =	ssyncset.done $0x0  }
0x54: {  	s17 =	simm.s32 $0x2;
	s7 =	rddreg [dreg:$0x6];
	[sflag:s16] =	ssyncadd.s32 $0xFFFFE000  }
0x55: {  	[spmem:s7] =	stream.linear.scatter [tilespmem:s14], [sflag:$0x5], $0x2000, $0x38;
	[tilespmem:$0x1A800] =	vst v63  }
0x56: {  	_ =	swait.ge [sflag:s17], $0x2000  }
0x57: {  	[sflag:s17] =	ssyncset.done $0x0  }
0x58: {  	s18 =	simm.s32 $0x3;
	s8 =	rddreg [dreg:$0x7];
	[sflag:s17] =	ssyncadd.s32 $0xFFFFE000  }
0x59: {  	[spmem:s8] =	stream.linear.scatter [tilespmem:s26], [sflag:$0x6], $0x2000, $0x38;
	[tilespmem:$0x1A800] =	vst v63  }
0x5a: {  	_ =	swait.ge [sflag:s18], $0x2000  }
0x5b: {  	[sflag:s18] =	ssyncset.done $0x0  }
0x5c: {  	s19 =	simm.s32 $0x4;
	s9 =	rddreg [dreg:$0x8];
	[sflag:s18] =	ssyncadd.s32 $0xFFFFE000  }
0x5d: {  	[spmem:s9] =	stream.linear.scatter [tilespmem:s13], [sflag:$0x7], $0x2000, $0x38;
	[tilespmem:$0x1A800] =	vst v63  }
0x5e: {  	_ =	swait.ge [sflag:s19], $0x2000  }
0x5f: {  	s25 =	simm.s32 $0x5;
	[sflag:s19] =	ssyncset.done $0x0  }
0x60: {  	s11 =	stileid.u32;
	s21 =	rddreg [dreg:$0x9];
	[sflag:s19] =	ssyncadd.s32 $0xFFFFE000  }
0x61: {  	[spmem:s21] =	stream.linear.scatter [tilespmem:s12], [sflag:$0x8], $0x2000, $0x38;
	[tilespmem:$0x1A800] =	vst v63  }
0x62: {  	s0 =	sshll.u32 s11, $0x6;
	_ =	swait.ge [sflag:s25], $0x2000  }
0x63: {  	s11 =	sor.u32 $0x1C09, s0;
	[sflag:s25] =	ssyncset.done $0x0  }
0x64: {  	s6 =	sshrl.u32 s7, $0x3;
	s15 =	rddreg [dreg:$0xf];
	[sflag:s25] =	ssyncadd.s32 $0xFFFFE000  }
0x65: {  	[hbm:s15@s2], [sflag:s11] =	dma.strided [spmem:s6@s4], $0x400, s31, $0x10   }
0x66: {  	s20 =	simm.s32 $0x4200;
	s15 =	simm.s32 $0x6  }
0x67: {  	[tilespmem:s14], [sflag:$0x1] =	stream.indirect.gather [hbm4b:s1+s23], $0x80, s20, s23, $0xb8;
	[tilespmem:$0x1A800] =	vst v63  }
0x68: {  	s24 =	sor.u32 $0x1C0A, s0;
	_ =	swait.ge [sflag:s15], $0x2000  }
0x69: {  	s10 =	simm.s32 $0x4280;
	s29 =	sshrl.u32 s8, $0x3;
	[sflag:s15] =	ssyncset.done $0x0  }
0x6a: {  	s20 =	simm.s32 $0x7;
	s22 =	rddreg [dreg:$0x10];
	[sflag:s15] =	ssyncadd.s32 $0xFFFFE000  }
0x6b: {  	[hbm:s22@s2], [sflag:s24] =	dma.strided [spmem:s29@s4], $0x400, s31, $0x10   }
0x6c: {  	[tilespmem:s26], [sflag:$0x2] =	stream.indirect.gather [hbm4b:s1+s23], $0x80, s10, s23, $0xb8;
	[tilespmem:$0x1A800] =	vst v63  }
0x6d: {  	s10 =	sor.u32 $0x1C0B, s0;
	_ =	swait.ge [sflag:s20], $0x2000  }
0x6e: {  	[dreg:$0xa] =	wrdreg s10;
	[sflag:s20] =	ssyncset.done $0x0  }
0x6f: {  	s22 =	rddreg [dreg:$0x11];
	[sflag:s20] =	ssyncadd.s32 $0xFFFFE000;
	s20 =	sshrl.u32 s9, $0x3  }
0x70: {  	[dreg:$0xb] =	wrdreg s20  }
0x71: {  	[hbm:s22@s2], [sflag:s10] =	dma.strided [spmem:s20@s4], $0x400, s31, $0x10   }
0x72: {  	s22 =	simm.s32 $0x4300;
	s10 =	sor.u32 $0x1C0C, s0  }
0x73: {  	[tilespmem:s13], [sflag:$0x3] =	stream.indirect.gather [hbm4b:s1+s23], $0x80, s22, s23, $0xb8;
	[tilespmem:$0x1A800] =	vst v63  }
0x74: {  	s20 =	sshrl.u32 s21, $0x3;
	_ =	swait.ge [sflag:s31], $0x2000;
	[dreg:$0xc] =	wrdreg s10  }
0x75: {  	[dreg:$0xd] =	wrdreg s20;
	[sflag:s31] =	ssyncset.done $0x0  }
0x76: {  	s22 =	rddreg [dreg:$0x12];
	[sflag:s31] =	ssyncadd.s32 $0xFFFFE000  }
0x77: {  	[hbm:s22@s2], [sflag:s10] =	dma.strided [spmem:s20@s4], $0x400, s31, $0x10   }
0x78: {  	s5 =	simm.s32 $0x4380;
	s10 =	sand.u32 $0x2000, s3;
	s20 =	simm.s32 $0x200  }
0x79: {  	[tilespmem:s12], [sflag:$0x4] =	stream.indirect.gather [hbm4b:s1+s23], $0x80, s5, s23, $0xb8;
	[tilespmem:$0x1A800] =	vst v63  }
0x7a: {  	s22 =	simm.s32 $0x80;
	s0 =	sshrl.u32 s10, $0x2;
	s3 =	sand.u32 $0x7000, s20  }
0x7b: {  	s5 =	sand.u32 $0x380, s22;
	s0 =	sor.u32 s0, s3  }
0x7c: {  	s0 =	sor.u32 s5, s0  }
0x7d: {  	v63 =	vld [tilespmem:s0+$0x0];
	_ =	sdelay $0x4  }
0x7e: {  	s10 =	simm.s32 $0x0;
	v0 =	vadd.s32 $0x1, v63  }
0x7f: {  	[tilespmem:s10+$0x4400] =	vst v0  }
0x80: {  	v0 =	vld [tilespmem:s0+$0x10];
	_ =	sdelay $0x4  }
0x81: {  	v0 =	vadd.s32 $0x1, v0  }
0x82: {  	[tilespmem:s10+$0x4410] =	vst v0  }
0x83: {  	v0 =	vld [tilespmem:s0+$0x20];
	_ =	sdelay $0x4  }
0x84: {  	v0 =	vadd.s32 $0x1, v0  }
0x85: {  	[tilespmem:s10+$0x4420] =	vst v0  }
0x86: {  	v0 =	vld [tilespmem:s0+$0x30];
	_ =	sdelay $0x2  }
0x87: {  	s20 =	simm.s32 $0x240;
	s5 =	simm.s32 $0x1200  }
0x88: {  	s22 =	simm.s32 $0x90;
	s3 =	sand.u32 $0x7000, s20;
	s0 =	sand.u32 $0x800, s5  }
0x89: {  	s5 =	sand.u32 $0x380, s22;
	s0 =	sor.u32 s0, s3;
	v0 =	vadd.s32 $0x1, v0  }
0x8a: {  	s0 =	sor.u32 s5, s0;
	[tilespmem:s10+$0x4430] =	vst v0  }
0x8b: {  	v0 =	vld [tilespmem:s0+$0x40];
	_ =	sdelay $0x4  }
0x8c: {  	v0 =	vadd.s32 $0x1, v0  }
0x8d: {  	[tilespmem:s10+$0x4480] =	vst v0  }
0x8e: {  	v0 =	vld [tilespmem:s0+$0x50];
	_ =	sdelay $0x4  }
0x8f: {  	v0 =	vadd.s32 $0x1, v0  }
0x90: {  	[tilespmem:s10+$0x4490] =	vst v0  }
0x91: {  	v0 =	vld [tilespmem:s0+$0x60];
	_ =	sdelay $0x4  }
0x92: {  	v0 =	vadd.s32 $0x1, v0  }
0x93: {  	[tilespmem:s10+$0x44A0] =	vst v0  }
0x94: {  	v0 =	vld [tilespmem:s0+$0x70];
	_ =	sdelay $0x1  }
0x95: {  	s5 =	simm.s32 $0x5000  }
0x96: {  	s20 =	simm.s32 $0x280;
	s0 =	sand.u32 $0x3000, s5  }
0x97: {  	s22 =	simm.s32 $0xA0;
	s3 =	sand.u32 $0x7000, s20;
	s0 =	sshrl.u32 s0, $0x2  }
0x98: {  	s5 =	sand.u32 $0x380, s22;
	s0 =	sor.u32 s0, s3;
	v0 =	vadd.s32 $0x1, v0  }
0x99: {  	s0 =	sor.u32 s5, s0;
	[tilespmem:s10+$0x44B0] =	vst v0  }
0x9a: {  	v0 =	vld [tilespmem:s0+$0x0];
	_ =	sdelay $0x4  }
0x9b: {  	v0 =	vadd.s32 $0x1, v0  }
0x9c: {  	[tilespmem:s10+$0x4500] =	vst v0  }
0x9d: {  	v0 =	vld [tilespmem:s0+$0x10];
	_ =	sdelay $0x4  }
0x9e: {  	v0 =	vadd.s32 $0x1, v0  }
0x9f: {  	[tilespmem:s10+$0x4510] =	vst v0  }
0xa0: {  	v0 =	vld [tilespmem:s0+$0x20];
	_ =	sdelay $0x4  }
0xa1: {  	v0 =	vadd.s32 $0x1, v0  }
0xa2: {  	[tilespmem:s10+$0x4520] =	vst v0  }
0xa3: {  	v0 =	vld [tilespmem:s0+$0x30];
	_ =	sdelay $0x2  }
0xa4: {  	s20 =	simm.s32 $0x2C0;
	s5 =	simm.s32 $0x1600  }
0xa5: {  	s22 =	simm.s32 $0xB0;
	s3 =	sand.u32 $0x7000, s20;
	s0 =	sand.u32 $0xC00, s5  }
0xa6: {  	s5 =	sand.u32 $0x380, s22;
	s0 =	sor.u32 s0, s3;
	v0 =	vadd.s32 $0x1, v0  }
0xa7: {  	s0 =	sor.u32 s5, s0;
	[tilespmem:s10+$0x4530] =	vst v0  }
0xa8: {  	v0 =	vld [tilespmem:s0+$0x40];
	_ =	sdelay $0x4  }
0xa9: {  	v0 =	vadd.s32 $0x1, v0  }
0xaa: {  	[tilespmem:s10+$0x4580] =	vst v0  }
0xab: {  	v0 =	vld [tilespmem:s0+$0x50];
	_ =	sdelay $0x4  }
0xac: {  	v0 =	vadd.s32 $0x1, v0  }
0xad: {  	[tilespmem:s10+$0x4590] =	vst v0  }
0xae: {  	v0 =	vld [tilespmem:s0+$0x60];
	_ =	sdelay $0x4  }
0xaf: {  	v0 =	vadd.s32 $0x1, v0  }
0xb0: {  	[tilespmem:s10+$0x45A0] =	vst v0  }
0xb1: {  	v0 =	vld [tilespmem:s0+$0x70];
	_ =	sdelay $0x4  }
0xb2: {  	v0 =	vadd.s32 $0x1, v0  }
0xb3: {  	[tilespmem:s10+$0x45B0] =	vst v0  }
0xb4: {  	_ =	swait.ge [sflag:s16], $0x2000  }
0xb5: {  	[sflag:s16] =	ssyncset.done $0x0  }
0xb6: {  	s20 =	simm.s32 $0x9;
	[sflag:s16] =	ssyncadd.s32 $0xFFFFE000  }
0xb7: {  	_ =	swait.ge [sflag:s20], $0x400  }
0xb8: {  	[sflag:s20] =	ssyncset.done $0x0  }
0xb9: {  	[sflag:s20] =	ssyncadd.s32 $0xFFFFFC00  }
0xba: {  	[spmem:s7] =	stream.linear.scatter [tilespmem:s14], [sflag:$0x5], $0x2000, $0x38;
	[tilespmem:$0x1A800] =	vst v63  }
0xbb: {  	_ =	swait.ge [sflag:s17], $0x2000  }
0xbc: {  	[sflag:s17] =	ssyncset.done $0x0  }
0xbd: {  	s22 =	simm.s32 $0xA;
	[sflag:s17] =	ssyncadd.s32 $0xFFFFE000  }
0xbe: {  	s28 =	simm.s32 $0x800;
	s30 =	simm.s32 $0x2000;
	_ =	swait.ge [sflag:s22], $0x400  }
0xbf: {  	s3 =	simm.s32 $0x100;
	s16 =	simm.s32 $0x1;
	[sflag:s22] =	ssyncset.done $0x0  }
0xc0: {  	s0 =	sand.u32 $0x100, s3;
	s5 =	smul.u32 $0x186A80, s16;
	[sflag:s22] =	ssyncadd.s32 $0xFFFFFC00  }
0xc1: {  	[spmem:s8] =	stream.linear.scatter [tilespmem:s26], [sflag:$0x6], $0x2000, $0x38;
	[tilespmem:$0x1A800] =	vst v63  }
0xc2: {  	s20 =	simm.s32 $0x1;
	s7 =	simm.s32 $0x200;
	_ =	swait.ge [sflag:s18], $0x2000  }
0xc3: {  	s3 =	sand.u32 $0xFC00, s7;
	s7 =	smul.u32 $0x186A80, s20;
	[sflag:s18] =	ssyncset.done $0x0  }
0xc4: {  	s20 =	simm.s32 $0x1;
	[sflag:s18] =	ssyncadd.s32 $0xFFFFE000;
	s18 =	simm.s32 $0xB  }
0xc5: {  	s5 =	sadd.s32 s1, s5;
	s20 =	smul.u32 $0x186A80, s20;
	_ =	swait.ge [sflag:s18], $0x400  }
0xc6: {  	s17 =	sand.u32 $0x2000, s30;
	[sflag:s18] =	ssyncset.done $0x0;
	s22 =	rddreg [dreg:$0x5]  }
0xc7: {  	s16 =	sadd.s32 s1, s7;
	s8 =	sor.u32 s22, s0;
	[sflag:s18] =	ssyncadd.s32 $0xFFFFFC00  }
0xc8: {  	[spmem:s9] =	stream.linear.scatter [tilespmem:s13], [sflag:$0x7], $0x2000, $0x38;
	[tilespmem:$0x1A800] =	vst v63  }
0xc9: {  	s0 =	simm.s32 $0x1000;
	s18 =	simm.s32 $0x1;
	_ =	swait.ge [sflag:s19], $0x2000  }
0xca: {  	s8 =	sshrl.u32 s8, $0x3;
	s9 =	smul.u32 $0x186A80, s18;
	[sflag:s19] =	ssyncset.done $0x0  }
0xcb: {  	s13 =	simm.s32 $0xC;
	s8 =	smul.u32 $0x6800, s8;
	[sflag:s19] =	ssyncadd.s32 $0xFFFFE000  }
0xcc: {  	s22 =	sadd.s32 s1, s9;
	s9 =	simm.s32 $0x400;
	_ =	swait.ge [sflag:s13], $0x400  }
0xcd: {  	s19 =	sor.u32 s3, s8;
	s3 =	sadd.s32 s3, s8;
	[sflag:s13] =	ssyncset.done $0x0  }
0xce: {  	s8 =	simm.s32 $0xF;
	s18 =	sshrl.u32 s19, $0x3;
	[sflag:s13] =	ssyncadd.s32 $0xFFFFFC00  }
0xcf: {  	[spmem:s21] =	stream.linear.scatter [tilespmem:s12], [sflag:$0x8], $0x2000, $0x38;
	[tilespmem:$0x1A800] =	vst v63  }
0xd0: {  	s19 =	simm.s32 $0x4400;
	s3 =	sshrl.u32 s3, $0x3;
	_ =	swait.ge [sflag:s25], $0x2000  }
0xd1: {  	s13 =	smov.u32 s6;
	s12 =	smov.u32 s11;
	[sflag:s25] =	ssyncset.done $0x0  }
0xd2: {  	s21 =	rddreg [dreg:$0x2];
	[sflag:s25] =	ssyncadd.s32 $0xFFFFE000;
	s25 =	simm.s32 $0x200  }
0xd3: {  	s18 =	sadd.s32 s21, s18;
	s7 =	sadd.s32 s21, s3;
	s3 =	simm.s32 $0xC  }
0xd4: {  	[hbm:s18@s2], [sflag:s11] =	dma.strided [spmem:s6@s4], $0x400, s31, $0x10   }
0xd5: {  	[tilespmem:s14], [sflag:$0x1] =	stream.indirect.gather [hbm4b:s5+s23], $0x80, s19, s23, $0xb8;
	[tilespmem:$0x1A800] =	vst v63  }
0xd6: {  	s21 =	sadd.s32 $0x6800, s7;
	s18 =	simm.s32 $0x4000;
	_ =	swait.ge [sflag:s15], $0x2000  }
0xd7: {  	s19 =	sadd.s32 s1, s20;
	s20 =	simm.s32 $0x4480;
	[sflag:s15] =	ssyncset.done $0x0  }
0xd8: {  	s14 =	smov.u32 s24;
	[sflag:s15] =	ssyncadd.s32 $0xFFFFE000;
	s15 =	smov.u32 s29  }
0xd9: {  	[hbm:s21@s2], [sflag:s24] =	dma.strided [spmem:s29@s4], $0x400, s31, $0x10   }
0xda: {  	[tilespmem:s26], [sflag:$0x2] =	stream.indirect.gather [hbm4b:s19+s23], $0x80, s20, s23, $0xb8;
	[tilespmem:$0x1A800] =	vst v63  }
0xdb: {  	s21 =	simm.s32 $0xC0;
	s19 =	simm.s32 $0x4500;
	s20 =	simm.s32 $0x300  }
.LBB2_2:
0xdc: {  	s6 =	simm.s32 $0x7  }
0xdd: {  	s26 =	sadd.s32 $0xD000, s7;
	_ =	swait.ge [sflag:s6], $0x2000  }
0xde: {  	s17 =	sshrl.u32 s17, $0x2;
	[sflag:s6] =	ssyncset.done $0x0;
	s29 =	rddreg [dreg:$0xa]  }
0xdf: {  	s20 =	sand.u32 $0x7000, s20;
	s11 =	rddreg [dreg:$0xb];
	[sflag:s6] =	ssyncadd.s32 $0xFFFFE000  }
0xe0: {  	[hbm:s26@s2], [sflag:s29] =	dma.strided [spmem:s11@s4], $0x400, s31, $0x10   }
0xe1: {  	s21 =	sand.u32 $0x380, s21;
	s17 =	sor.u32 s17, s20;
	s29 =	simm.s32 $0xE800  }
0xe2: {  	[tilespmem:s29], [sflag:$0x3] =	stream.indirect.gather [hbm4b:s22+s23], $0x80, s19, s23, $0xb8;
	[tilespmem:$0x1A800] =	vst v63  }
0xe3: {  	s10 =	sadd.s32 $0x4580, s10;
	s20 =	sor.u32 s21, s17;
	_ =	swait.ge [sflag:s31], $0x2000  }
0xe4: {  	s17 =	sadd.s32 $0x13800, s7;
	[sflag:s31] =	ssyncset.done $0x0;
	s21 =	rddreg [dreg:$0xc]  }
0xe5: {  	s11 =	simm.s32 $0x10800;
	s22 =	rddreg [dreg:$0xd];
	[sflag:s31] =	ssyncadd.s32 $0xFFFFE000  }
0xe6: {  	[hbm:s17@s2], [sflag:s21] =	dma.strided [spmem:s22@s4], $0x400, s31, $0x10   }
0xe7: {  	[tilespmem:s11], [sflag:$0x4] =	stream.indirect.gather [hbm4b:s16+s23], $0x80, s10, s23, $0xb8;
	[tilespmem:$0x1A800] =	vst v63  }
0xe8: {  	v0 =	vld [tilespmem:s20+$0x0];
	_ =	sdelay $0x4  }
0xe9: {  	s10 =	sshra.s32 s28, $0x2;
	v0 =	vadd.s32 $0x1, v0  }
0xea: {  	[tilespmem:s10+$0x4400] =	vst v0  }
0xeb: {  	v0 =	vld [tilespmem:s20+$0x10];
	_ =	sdelay $0x4  }
0xec: {  	v0 =	vadd.s32 $0x1, v0  }
0xed: {  	[tilespmem:s10+$0x4410] =	vst v0  }
0xee: {  	v0 =	vld [tilespmem:s20+$0x20];
	_ =	sdelay $0x4  }
0xef: {  	v0 =	vadd.s32 $0x1, v0  }
0xf0: {  	[tilespmem:s10+$0x4420] =	vst v0  }
0xf1: {  	v0 =	vld [tilespmem:s20+$0x30]  }
0xf2: {  	s24 =	sand.u32 $0x2000, s18;
	s3 =	sshrl.u32 s3, $0x3;
	s26 =	sshrl.u32 s8, $0x3  }
0xf3: {  	s19 =	smul.u32 $0x186A80, s3;
	s3 =	sadd.s32 $0xFFFFFFFE, s8;
	s17 =	smov.u32 s24  }
0xf4: {  	s24 =	sadd.s32 $0x1200, s28;
	s16 =	smul.u32 $0x186A80, s26;
	s26 =	sshll.u32 s3, $0x6  }
0xf5: {  	s6 =	sshll.u32 s3, $0x4;
	s7 =	sand.u32 $0x800, s24;
	s21 =	sand.u32 $0x7000, s26  }
0xf6: {  	s22 =	sand.u32 $0x380, s6;
	s7 =	sor.u32 s7, s21;
	v0 =	vadd.s32 $0x1, v0  }
0xf7: {  	s7 =	sor.u32 s22, s7;
	[tilespmem:s10+$0x4430] =	vst v0  }
0xf8: {  	v0 =	vld [tilespmem:s7+$0x40];
	_ =	sdelay $0x4  }
0xf9: {  	v0 =	vadd.s32 $0x1, v0  }
0xfa: {  	[tilespmem:s10+$0x4480] =	vst v0  }
0xfb: {  	v0 =	vld [tilespmem:s7+$0x50];
	_ =	sdelay $0x4  }
0xfc: {  	v0 =	vadd.s32 $0x1, v0  }
0xfd: {  	[tilespmem:s10+$0x4490] =	vst v0  }
0xfe: {  	v0 =	vld [tilespmem:s7+$0x60];
	_ =	sdelay $0x4  }
0xff: {  	v0 =	vadd.s32 $0x1, v0  }
0x100: {  	[tilespmem:s10+$0x44A0] =	vst v0  }
0x101: {  	v0 =	vld [tilespmem:s7+$0x70]  }
0x102: {  	s24 =	sadd.s32 $0x5000, s30  }
0x103: {  	s21 =	sand.u32 $0x3000, s24;
	s22 =	sadd.s32 $0xFFFFFFFF, s8  }
0x104: {  	s21 =	sshrl.u32 s21, $0x2;
	s26 =	sshll.u32 s22, $0x6  }
0x105: {  	s6 =	sshll.u32 s22, $0x4;
	s20 =	sshrl.u32 s22, $0x3;
	s22 =	sand.u32 $0x7000, s26  }
0x106: {  	s24 =	sand.u32 $0x380, s6;
	s21 =	sor.u32 s21, s22;
	v0 =	vadd.s32 $0x1, v0  }
0x107: {  	s7 =	sor.u32 s24, s21;
	[tilespmem:s10+$0x44B0] =	vst v0  }
0x108: {  	v0 =	vld [tilespmem:s7+$0x0];
	_ =	sdelay $0x4  }
0x109: {  	v0 =	vadd.s32 $0x1, v0  }
0x10a: {  	[tilespmem:s10+$0x4500] =	vst v0  }
0x10b: {  	v0 =	vld [tilespmem:s7+$0x10];
	_ =	sdelay $0x4  }
0x10c: {  	v0 =	vadd.s32 $0x1, v0  }
0x10d: {  	[tilespmem:s10+$0x4510] =	vst v0  }
0x10e: {  	v0 =	vld [tilespmem:s7+$0x20];
	_ =	sdelay $0x4  }
0x10f: {  	v0 =	vadd.s32 $0x1, v0  }
0x110: {  	[tilespmem:s10+$0x4520] =	vst v0  }
0x111: {  	v0 =	vld [tilespmem:s7+$0x30];
	_ =	sdelay $0x1  }
0x112: {  	s26 =	sshll.u32 s8, $0x6;
	s20 =	smul.u32 $0x186A80, s20  }
0x113: {  	s5 =	smov.u32 s0;
	s6 =	sand.u32 $0x7000, s26;
	s24 =	sadd.s32 $0x1600, s28  }
0x114: {  	s22 =	sadd.s32 s1, s20;
	s20 =	sand.u32 $0xC00, s24;
	s24 =	sshll.u32 s8, $0x4  }
0x115: {  	s28 =	smov.u32 s5;
	s21 =	sand.u32 $0x380, s24;
	s5 =	sor.u32 s20, s6;
	v0 =	vadd.s32 $0x1, v0  }
0x116: {  	s5 =	sor.u32 s21, s5;
	[tilespmem:s10+$0x4530] =	vst v0  }
0x117: {  	v0 =	vld [tilespmem:s5+$0x40];
	_ =	sdelay $0x4  }
0x118: {  	v0 =	vadd.s32 $0x1, v0  }
0x119: {  	[tilespmem:s10+$0x4580] =	vst v0  }
0x11a: {  	v0 =	vld [tilespmem:s5+$0x50];
	_ =	sdelay $0x4  }
0x11b: {  	v0 =	vadd.s32 $0x1, v0  }
0x11c: {  	[tilespmem:s10+$0x4590] =	vst v0  }
0x11d: {  	v0 =	vld [tilespmem:s5+$0x60];
	_ =	sdelay $0x4  }
0x11e: {  	v0 =	vadd.s32 $0x1, v0  }
0x11f: {  	[tilespmem:s10+$0x45A0] =	vst v0  }
0x120: {  	v0 =	vld [tilespmem:s5+$0x70];
	_ =	sdelay $0x4  }
0x121: {  	v0 =	vadd.s32 $0x1, v0  }
0x122: {  	s26 =	simm.s32 $0x1;
	[tilespmem:s10+$0x45B0] =	vst v0  }
0x123: {  	_ =	swait.ge [sflag:s26], $0x2000  }
0x124: {  	[sflag:s26] =	ssyncset.done $0x0  }
0x125: {  	s6 =	simm.s32 $0x9;
	[sflag:s26] =	ssyncadd.s32 $0xFFFFE000  }
0x126: {  	_ =	swait.ge [sflag:s6], $0x400  }
0x127: {  	s20 =	simm.s32 $0x2;
	[sflag:s6] =	ssyncset.done $0x0  }
0x128: {  	s26 =	simm.s32 $0xA800;
	s7 =	rddreg [dreg:$0x6];
	[sflag:s6] =	ssyncadd.s32 $0xFFFFFC00  }
0x129: {  	[spmem:s7] =	stream.linear.scatter [tilespmem:s26], [sflag:$0x5], $0x2000, $0x38;
	[tilespmem:$0x1A800] =	vst v63  }
0x12a: {  	_ =	swait.ge [sflag:s20], $0x2000  }
0x12b: {  	[sflag:s20] =	ssyncset.done $0x0  }
0x12c: {  	s21 =	simm.s32 $0xA;
	[sflag:s20] =	ssyncadd.s32 $0xFFFFE000  }
0x12d: {  	_ =	swait.ge [sflag:s21], $0x400  }
0x12e: {  	s6 =	simm.s32 $0xC800;
	[sflag:s21] =	ssyncset.done $0x0  }
0x12f: {  	s7 =	simm.s32 $0x3;
	s24 =	rddreg [dreg:$0x7];
	[sflag:s21] =	ssyncadd.s32 $0xFFFFFC00  }
0x130: {  	[spmem:s24] =	stream.linear.scatter [tilespmem:s6], [sflag:$0x6], $0x2000, $0x38;
	[tilespmem:$0x1A800] =	vst v63  }
0x131: {  	_ =	swait.ge [sflag:s7], $0x2000  }
0x132: {  	p0 =	sne.s32 s0, $0x18800;
	s0 =	sadd.s32 $0x800, s0;
	[sflag:s7] =	ssyncset.done $0x0  }
0x133: {  	s30 =	smov.u32 s18;
	s24 =	simm.s32 $0xB;
	[sflag:s7] =	ssyncadd.s32 $0xFFFFE000  }
0x134: {  	s3 =	sshrl.u32 s3, $0x3;
	s18 =	sadd.s32 $0x2000, s18;
	_ =	swait.ge [sflag:s24], $0x400  }
0x135: {  	s3 =	smul.u32 $0x186A80, s3;
	s16 =	sadd.s32 s1, s16;
	[sflag:s24] =	ssyncset.done $0x0  }
0x136: {  	s8 =	sadd.s32 $0x4, s8;
	[sflag:s24] =	ssyncadd.s32 $0xFFFFFC00;
	s24 =	rddreg [dreg:$0x8]  }
0x137: {  	[spmem:s24] =	stream.linear.scatter [tilespmem:s29], [sflag:$0x7], $0x2000, $0x38;
	[tilespmem:$0x1A800] =	vst v63  }
0x138: {  	s20 =	sand.u32 $0x100, s25;
	s21 =	rddreg [dreg:$0x5];
	s29 =	simm.s32 $0x4  }
0x139: {  	s25 =	sadd.s32 $0x100, s25;
	s5 =	sor.u32 s21, s20;
	_ =	swait.ge [sflag:s29], $0x2000  }
0x13a: {  	s7 =	sand.u32 $0xFC00, s9;
	s5 =	sshrl.u32 s5, $0x3;
	[sflag:s29] =	ssyncset.done $0x0  }
0x13b: {  	s5 =	smul.u32 $0x6800, s5;
	[sflag:s29] =	ssyncadd.s32 $0xFFFFE000;
	s29 =	simm.s32 $0xC  }
0x13c: {  	s9 =	sadd.s32 $0x200, s9;
	s24 =	simm.s32 $0x5;
	_ =	swait.ge [sflag:s29], $0x400  }
0x13d: {  	s21 =	sor.u32 s7, s5;
	s5 =	sadd.s32 s7, s5;
	[sflag:s29] =	ssyncset.done $0x0  }
0x13e: {  	s20 =	sshrl.u32 s21, $0x3;
	[sflag:s29] =	ssyncadd.s32 $0xFFFFFC00;
	s29 =	rddreg [dreg:$0x9]  }
0x13f: {  	[spmem:s29] =	stream.linear.scatter [tilespmem:s11], [sflag:$0x8], $0x2000, $0x38;
	[tilespmem:$0x1A800] =	vst v63  }
0x140: {  	s21 =	sadd.s32 $0x4400, s10;
	s5 =	sshrl.u32 s5, $0x3;
	_ =	swait.ge [sflag:s24], $0x2000  }
0x141: {  	s11 =	simm.s32 $0x6;
	s29 =	rddreg [dreg:$0x2];
	[sflag:s24] =	ssyncset.done $0x0  }
0x142: {  	s7 =	sadd.s32 s29, s20;
	s20 =	sadd.s32 s1, s19;
	s19 =	sadd.s32 $0x4500, s10  }
0x143: {  	[sflag:s24] =	ssyncadd.s32 $0xFFFFE000;
	s24 =	sadd.s32 s1, s3;
	s3 =	sadd.s32 $0xFFFFFFFD, s8  }
0x144: {  	[hbm:s7@s2], [sflag:s12] =	dma.strided [spmem:s13@s4], $0x400, s31, $0x10   }
0x145: {  	[tilespmem:s26], [sflag:$0x1] =	stream.indirect.gather [hbm4b:s20+s23], $0x80, s21, s23, $0xb8;
	[tilespmem:$0x1A800] =	vst v63  }
.Ltmp0:
0x146: {  	s7 =	sadd.s32 s29, s5;
	_ =	swait.ge [sflag:s11], $0x2000;
	(pc) =	sbr.rel @p0 .LBB2_2-.Ltmp0, $4  }
0x147: {  	s26 =	sadd.s32 $0x4480, s10;
	s20 =	sshll.u32 s3, $0x6;
	[sflag:s11] =	ssyncset.done $0x0  }
0x148: {  	s21 =	sshll.u32 s3, $0x4;
	s5 =	sadd.s32 $0x6800, s7;
	[sflag:s11] =	ssyncadd.s32 $0xFFFFE000  }
0x149: {  	[hbm:s5@s2], [sflag:s14] =	dma.strided [spmem:s15@s4], $0x400, s31, $0x10   }
0x14a: {  	[tilespmem:s6], [sflag:$0x2] =	stream.indirect.gather [hbm4b:s24+s23], $0x80, s26, s23, $0xb8;
	[tilespmem:$0x1A800] =	vst v63  }
0x14b: {  	s5 =	simm.s32 $0x7  }
0x14c: {  	s0 =	sadd.s32 $0xD000, s7;
	_ =	swait.ge [sflag:s5], $0x2000  }
0x14d: {  	s18 =	simm.s32 $0xE800;
	[sflag:s5] =	ssyncset.done $0x0;
	s11 =	rddreg [dreg:$0xa]  }
0x14e: {  	s20 =	sand.u32 $0x7000, s20;
	s6 =	rddreg [dreg:$0xb];
	[sflag:s5] =	ssyncadd.s32 $0xFFFFE000  }
0x14f: {  	[hbm:s0@s2], [sflag:s11] =	dma.strided [spmem:s6@s4], $0x400, s31, $0x10   }
0x150: {  	s21 =	sand.u32 $0x380, s21;
	s24 =	sadd.s32 $0x13800, s7;
	s11 =	simm.s32 $0x10800  }
0x151: {  	[tilespmem:s18], [sflag:$0x3] =	stream.indirect.gather [hbm4b:s22+s23], $0x80, s19, s23, $0xb8;
	[tilespmem:$0x1A800] =	vst v63  }
0x152: {  	s19 =	sshrl.u32 s17, $0x2;
	s22 =	sadd.s32 $0x4580, s10;
	_ =	swait.ge [sflag:s31], $0x2000  }
0x153: {  	s0 =	sor.u32 s19, s20;
	[sflag:s31] =	ssyncset.done $0x0;
	s26 =	rddreg [dreg:$0xc]  }
0x154: {  	s5 =	sor.u32 s21, s0;
	s29 =	rddreg [dreg:$0xd];
	[sflag:s31] =	ssyncadd.s32 $0xFFFFE000  }
0x155: {  	[hbm:s24@s2], [sflag:s26] =	dma.strided [spmem:s29@s4], $0x400, s31, $0x10   }
0x156: {  	[tilespmem:s11], [sflag:$0x4] =	stream.indirect.gather [hbm4b:s16+s23], $0x80, s22, s23, $0xb8;
	[tilespmem:$0x1A800] =	vst v63  }
0x157: {  	v0 =	vld [tilespmem:s5+$0x0];
	_ =	sdelay $0x4  }
0x158: {  	s0 =	sshra.s32 s28, $0x2;
	v0 =	vadd.s32 $0x1, v0  }
0x159: {  	[tilespmem:s0+$0x4400] =	vst v0  }
0x15a: {  	v0 =	vld [tilespmem:s5+$0x10];
	_ =	sdelay $0x4  }
0x15b: {  	v0 =	vadd.s32 $0x1, v0  }
0x15c: {  	[tilespmem:s0+$0x4410] =	vst v0  }
0x15d: {  	v0 =	vld [tilespmem:s5+$0x20];
	_ =	sdelay $0x4  }
0x15e: {  	v0 =	vadd.s32 $0x1, v0  }
0x15f: {  	[tilespmem:s0+$0x4420] =	vst v0  }
0x160: {  	v0 =	vld [tilespmem:s5+$0x30];
	_ =	sdelay $0x1  }
0x161: {  	s17 =	sadd.s32 $0xFFFFFFFE, s8  }
0x162: {  	s18 =	sadd.s32 $0x1200, s28;
	s19 =	sshll.u32 s17, $0x6  }
0x163: {  	s7 =	sand.u32 $0x800, s18;
	s20 =	sshll.u32 s17, $0x4;
	s10 =	sand.u32 $0x7000, s19  }
0x164: {  	s7 =	sor.u32 s7, s10;
	s16 =	sand.u32 $0x380, s20;
	v0 =	vadd.s32 $0x1, v0  }
0x165: {  	s7 =	sor.u32 s16, s7;
	[tilespmem:s0+$0x4430] =	vst v0  }
0x166: {  	v0 =	vld [tilespmem:s7+$0x40];
	_ =	sdelay $0x4  }
0x167: {  	v0 =	vadd.s32 $0x1, v0  }
0x168: {  	[tilespmem:s0+$0x4480] =	vst v0  }
0x169: {  	v0 =	vld [tilespmem:s7+$0x50];
	_ =	sdelay $0x4  }
0x16a: {  	v0 =	vadd.s32 $0x1, v0  }
0x16b: {  	[tilespmem:s0+$0x4490] =	vst v0  }
0x16c: {  	v0 =	vld [tilespmem:s7+$0x60];
	_ =	sdelay $0x4  }
0x16d: {  	v0 =	vadd.s32 $0x1, v0  }
0x16e: {  	[tilespmem:s0+$0x44A0] =	vst v0  }
0x16f: {  	v0 =	vld [tilespmem:s7+$0x70];
	_ =	sdelay $0x1  }
0x170: {  	s19 =	sadd.s32 $0xFFFFFFFF, s8;
	s21 =	sadd.s32 $0x5000, s30  }
0x171: {  	s22 =	sshll.u32 s19, $0x6;
	s7 =	sand.u32 $0x3000, s21  }
0x172: {  	s24 =	sshll.u32 s19, $0x4;
	s16 =	sand.u32 $0x7000, s22;
	s7 =	sshrl.u32 s7, $0x2  }
0x173: {  	s26 =	sand.u32 $0x380, s24;
	s7 =	sor.u32 s7, s16;
	v0 =	vadd.s32 $0x1, v0  }
0x174: {  	s7 =	sor.u32 s26, s7;
	[tilespmem:s0+$0x44B0] =	vst v0  }
0x175: {  	v0 =	vld [tilespmem:s7+$0x0];
	_ =	sdelay $0x4  }
0x176: {  	v0 =	vadd.s32 $0x1, v0  }
0x177: {  	[tilespmem:s0+$0x4500] =	vst v0  }
0x178: {  	v0 =	vld [tilespmem:s7+$0x10];
	_ =	sdelay $0x4  }
0x179: {  	v0 =	vadd.s32 $0x1, v0  }
0x17a: {  	[tilespmem:s0+$0x4510] =	vst v0  }
0x17b: {  	v0 =	vld [tilespmem:s7+$0x20];
	_ =	sdelay $0x4  }
0x17c: {  	v0 =	vadd.s32 $0x1, v0  }
0x17d: {  	[tilespmem:s0+$0x4520] =	vst v0  }
0x17e: {  	v0 =	vld [tilespmem:s7+$0x30];
	_ =	sdelay $0x2  }
0x17f: {  	s30 =	sshll.u32 s8, $0x6;
	s29 =	sadd.s32 $0x1600, s28  }
0x180: {  	s5 =	sshll.u32 s8, $0x4;
	s16 =	sand.u32 $0x7000, s30;
	s7 =	sand.u32 $0xC00, s29  }
0x181: {  	s6 =	sand.u32 $0x380, s5;
	s7 =	sor.u32 s7, s16;
	v0 =	vadd.s32 $0x1, v0  }
0x182: {  	s7 =	sor.u32 s6, s7;
	[tilespmem:s0+$0x4530] =	vst v0  }
0x183: {  	v0 =	vld [tilespmem:s7+$0x40];
	_ =	sdelay $0x4  }
0x184: {  	v0 =	vadd.s32 $0x1, v0  }
0x185: {  	[tilespmem:s0+$0x4580] =	vst v0  }
0x186: {  	v0 =	vld [tilespmem:s7+$0x50];
	_ =	sdelay $0x4  }
0x187: {  	v0 =	vadd.s32 $0x1, v0  }
0x188: {  	[tilespmem:s0+$0x4590] =	vst v0  }
0x189: {  	v0 =	vld [tilespmem:s7+$0x60];
	_ =	sdelay $0x4  }
0x18a: {  	v0 =	vadd.s32 $0x1, v0  }
0x18b: {  	[tilespmem:s0+$0x45A0] =	vst v0  }
0x18c: {  	v0 =	vld [tilespmem:s7+$0x70];
	_ =	sdelay $0x4  }
0x18d: {  	v0 =	vadd.s32 $0x1, v0  }
0x18e: {  	[dreg:$0x19] =	wrdreg s17;
	s26 =	simm.s32 $0x1;
	[tilespmem:s0+$0x45B0] =	vst v0  }
0x18f: {  	_ =	swait.ge [sflag:s26], $0x2000  }
0x190: {  	[sflag:s26] =	ssyncset.done $0x0  }
0x191: {  	s18 =	simm.s32 $0x9;
	[sflag:s26] =	ssyncadd.s32 $0xFFFFE000  }
0x192: {  	_ =	swait.ge [sflag:s18], $0x400  }
0x193: {  	s28 =	simm.s32 $0x2;
	[sflag:s18] =	ssyncset.done $0x0  }
0x194: {  	s7 =	simm.s32 $0xA800;
	s22 =	rddreg [dreg:$0x6];
	[sflag:s18] =	ssyncadd.s32 $0xFFFFFC00  }
0x195: {  	[spmem:s22] =	stream.linear.scatter [tilespmem:s7], [sflag:$0x5], $0x2000, $0x38;
	[tilespmem:$0x1A800] =	vst v63  }
0x196: {  	_ =	swait.ge [sflag:s28], $0x2000  }
0x197: {  	[sflag:s28] =	ssyncset.done $0x0  }
0x198: {  	s11 =	simm.s32 $0xA;
	[sflag:s28] =	ssyncadd.s32 $0xFFFFE000  }
0x199: {  	_ =	swait.ge [sflag:s11], $0x400  }
0x19a: {  	s10 =	simm.s32 $0xC800;
	[sflag:s11] =	ssyncset.done $0x0  }
0x19b: {  	s29 =	simm.s32 $0x3;
	s24 =	rddreg [dreg:$0x7];
	[sflag:s11] =	ssyncadd.s32 $0xFFFFFC00  }
0x19c: {  	[spmem:s24] =	stream.linear.scatter [tilespmem:s10], [sflag:$0x6], $0x2000, $0x38;
	[tilespmem:$0x1A800] =	vst v63  }
0x19d: {  	_ =	swait.ge [sflag:s29], $0x2000  }
0x19e: {  	[sflag:s29] =	ssyncset.done $0x0  }
0x19f: {  	s10 =	simm.s32 $0xB;
	[sflag:s29] =	ssyncadd.s32 $0xFFFFE000  }
0x1a0: {  	_ =	swait.ge [sflag:s10], $0x400  }
0x1a1: {  	s30 =	simm.s32 $0x4;
	[sflag:s10] =	ssyncset.done $0x0  }
0x1a2: {  	s16 =	simm.s32 $0xE800;
	s20 =	rddreg [dreg:$0x8];
	[sflag:s10] =	ssyncadd.s32 $0xFFFFFC00  }
0x1a3: {  	[spmem:s20] =	stream.linear.scatter [tilespmem:s16], [sflag:$0x7], $0x2000, $0x38;
	[tilespmem:$0x1A800] =	vst v63  }
0x1a4: {  	_ =	swait.ge [sflag:s30], $0x2000  }
0x1a5: {  	[sflag:s30] =	ssyncset.done $0x0  }
0x1a6: {  	s6 =	simm.s32 $0xC;
	[sflag:s30] =	ssyncadd.s32 $0xFFFFE000  }
0x1a7: {  	s17 =	sand.u32 $0x100, s25;
	s21 =	rddreg [dreg:$0x5];
	_ =	swait.ge [sflag:s6], $0x400  }
0x1a8: {  	s25 =	simm.s32 $0x10800;
	s7 =	sor.u32 s21, s17;
	[sflag:s6] =	ssyncset.done $0x0  }
0x1a9: {  	s7 =	sshrl.u32 s7, $0x3;
	s21 =	rddreg [dreg:$0x9];
	[sflag:s6] =	ssyncadd.s32 $0xFFFFFC00  }
0x1aa: {  	[spmem:s21] =	stream.linear.scatter [tilespmem:s25], [sflag:$0x8], $0x2000, $0x38;
	[tilespmem:$0x1A800] =	vst v63  }
0x1ab: {  	s7 =	smul.u32 $0x6800, s7;
	s25 =	simm.s32 $0x5  }
0x1ac: {  	s9 =	sand.u32 $0xFC00, s9;
	s3 =	sshrl.u32 s3, $0x3;
	_ =	swait.ge [sflag:s25], $0x2000  }
0x1ad: {  	s3 =	smul.u32 $0x186A80, s3;
	s5 =	sor.u32 s9, s7;
	[sflag:s25] =	ssyncset.done $0x0  }
0x1ae: {  	s16 =	sshrl.u32 s5, $0x3;
	s17 =	rddreg [dreg:$0x2]  }
0x1af: {  	s3 =	sadd.s32 s1, s3;
	[sflag:s25] =	ssyncadd.s32 $0xFFFFE000;
	s16 =	sadd.s32 s17, s16  }
0x1b0: {  	[hbm:s16@s2], [sflag:s12] =	dma.strided [spmem:s13@s4], $0x400, s31, $0x10   }
0x1b1: {  	s9 =	sadd.s32 s9, s7;
	s5 =	simm.s32 $0xA800;
	s16 =	sadd.s32 $0x4400, s0  }
0x1b2: {  	[tilespmem:s5], [sflag:$0x1] =	stream.indirect.gather [hbm4b:s3+s23], $0x80, s16, s23, $0xb8;
	[tilespmem:$0x1A800] =	vst v63  }
0x1b3: {  	s3 =	sshrl.u32 s9, $0x3;
	s9 =	simm.s32 $0x6  }
0x1b4: {  	_ =	swait.ge [sflag:s9], $0x2000  }
0x1b5: {  	s16 =	rddreg [dreg:$0x19]  }
0x1b6: {  	s3 =	sadd.s32 s17, s3;
	[sflag:s9] =	ssyncset.done $0x0;
	s5 =	sshrl.u32 s16, $0x3  }
0x1b7: {  	s17 =	sadd.s32 $0x6800, s3;
	[sflag:s9] =	ssyncadd.s32 $0xFFFFE000;
	s5 =	smul.u32 $0x186A80, s5  }
0x1b8: {  	[hbm:s17@s2], [sflag:s14] =	dma.strided [spmem:s15@s4], $0x400, s31, $0x10   }
0x1b9: {  	s16 =	sadd.s32 $0x4480, s0;
	s17 =	simm.s32 $0xC800;
	s5 =	sadd.s32 s1, s5  }
0x1ba: {  	[tilespmem:s17], [sflag:$0x2] =	stream.indirect.gather [hbm4b:s5+s23], $0x80, s16, s23, $0xb8;
	[tilespmem:$0x1A800] =	vst v63  }
0x1bb: {  	s17 =	simm.s32 $0x7  }
0x1bc: {  	s7 =	sshrl.u32 s19, $0x3;
	_ =	swait.ge [sflag:s17], $0x2000  }
0x1bd: {  	s5 =	smul.u32 $0x186A80, s7;
	[sflag:s17] =	ssyncset.done $0x0;
	s19 =	rddreg [dreg:$0xb]  }
0x1be: {  	s7 =	sadd.s32 $0xD000, s3;
	[sflag:s17] =	ssyncadd.s32 $0xFFFFE000;
	s17 =	rddreg [dreg:$0xa]  }
0x1bf: {  	[hbm:s7@s2], [sflag:s17] =	dma.strided [spmem:s19@s4], $0x400, s31, $0x10   }
0x1c0: {  	s16 =	simm.s32 $0xE800;
	s5 =	sadd.s32 s1, s5;
	s7 =	sadd.s32 $0x4500, s0  }
0x1c1: {  	[tilespmem:s16], [sflag:$0x3] =	stream.indirect.gather [hbm4b:s5+s23], $0x80, s7, s23, $0xb8;
	[tilespmem:$0x1A800] =	vst v63  }
0x1c2: {  	s8 =	sshrl.u32 s8, $0x3;
	_ =	swait.ge [sflag:s31], $0x2000  }
0x1c3: {  	s3 =	sadd.s32 $0x13800, s3;
	[sflag:s31] =	ssyncset.done $0x0;
	s7 =	rddreg [dreg:$0xc]  }
0x1c4: {  	s5 =	smul.u32 $0x186A80, s8;
	s8 =	rddreg [dreg:$0xd];
	[sflag:s31] =	ssyncadd.s32 $0xFFFFE000  }
0x1c5: {  	[hbm:s3@s2], [sflag:s7] =	dma.strided [spmem:s8@s4], $0x400, s31, $0x10   }
0x1c6: {  	s0 =	sadd.s32 $0x4580, s0;
	s3 =	sadd.s32 s1, s5;
	s5 =	simm.s32 $0x10800  }
0x1c7: {  	[tilespmem:s5], [sflag:$0x4] =	stream.indirect.gather [hbm4b:s3+s23], $0x80, s0, s23, $0xb8;
	[tilespmem:$0x1A800] =	vst v63  }
0x1c8: {  	_ =	swait.ge [sflag:s26], $0x2000  }
0x1c9: {  	[sflag:s26] =	ssyncset.done $0x0  }
0x1ca: {  	[sflag:s26] =	ssyncadd.s32 $0xFFFFE000  }
0x1cb: {  	_ =	swait.ge [sflag:s18], $0x400  }
0x1cc: {  	[sflag:s18] =	ssyncset.done $0x0  }
0x1cd: {  	s26 =	simm.s32 $0xA800;
	[sflag:s18] =	ssyncadd.s32 $0xFFFFFC00  }
0x1ce: {  	[spmem:s22] =	stream.linear.scatter [tilespmem:s26], [sflag:$0x5], $0x2000, $0x38;
	[tilespmem:$0x1A800] =	vst v63  }
0x1cf: {  	_ =	swait.ge [sflag:s28], $0x2000  }
0x1d0: {  	[sflag:s28] =	ssyncset.done $0x0  }
0x1d1: {  	[sflag:s28] =	ssyncadd.s32 $0xFFFFE000  }
0x1d2: {  	_ =	swait.ge [sflag:s11], $0x400  }
0x1d3: {  	[sflag:s11] =	ssyncset.done $0x0  }
0x1d4: {  	s3 =	simm.s32 $0xC800;
	[sflag:s11] =	ssyncadd.s32 $0xFFFFFC00  }
0x1d5: {  	[spmem:s24] =	stream.linear.scatter [tilespmem:s3], [sflag:$0x6], $0x2000, $0x38;
	[tilespmem:$0x1A800] =	vst v63  }
0x1d6: {  	_ =	swait.ge [sflag:s29], $0x2000  }
0x1d7: {  	[sflag:s29] =	ssyncset.done $0x0  }
0x1d8: {  	[sflag:s29] =	ssyncadd.s32 $0xFFFFE000  }
0x1d9: {  	_ =	swait.ge [sflag:s10], $0x400  }
0x1da: {  	[sflag:s10] =	ssyncset.done $0x0  }
0x1db: {  	[sflag:s10] =	ssyncadd.s32 $0xFFFFFC00  }
0x1dc: {  	[spmem:s20] =	stream.linear.scatter [tilespmem:s16], [sflag:$0x7], $0x2000, $0x38;
	[tilespmem:$0x1A800] =	vst v63  }
0x1dd: {  	_ =	swait.ge [sflag:s30], $0x2000  }
0x1de: {  	[sflag:s30] =	ssyncset.done $0x0  }
0x1df: {  	[sflag:s30] =	ssyncadd.s32 $0xFFFFE000  }
0x1e0: {  	_ =	swait.ge [sflag:s6], $0x400  }
0x1e1: {  	[sflag:s6] =	ssyncset.done $0x0  }
0x1e2: {  	[sflag:s6] =	ssyncadd.s32 $0xFFFFFC00  }
0x1e3: {  	[spmem:s21] =	stream.linear.scatter [tilespmem:s5], [sflag:$0x8], $0x2000, $0x38;
	[tilespmem:$0x1A800] =	vst v63  }
0x1e4: {  	_ =	swait.ge [sflag:s25], $0x2000  }
0x1e5: {  	[sflag:s25] =	ssyncset.done $0x0  }
0x1e6: {  	s22 =	rddreg [dreg:$0x13];
	[sflag:s25] =	ssyncadd.s32 $0xFFFFE000  }
0x1e7: {  	[hbm:s22@s2], [sflag:s12] =	dma.strided [spmem:s13@s4], $0x400, s31, $0x10   }
0x1e8: {  	_ =	swait.ge [sflag:s9], $0x2000  }
0x1e9: {  	[sflag:s9] =	ssyncset.done $0x0  }
0x1ea: {  	s25 =	simm.s32 $0x7;
	s24 =	rddreg [dreg:$0x14];
	[sflag:s9] =	ssyncadd.s32 $0xFFFFE000  }
0x1eb: {  	[hbm:s24@s2], [sflag:s14] =	dma.strided [spmem:s15@s4], $0x400, s31, $0x10   }
0x1ec: {  	_ =	swait.ge [sflag:s25], $0x2000  }
0x1ed: {  	[sflag:s25] =	ssyncset.done $0x0  }
0x1ee: {  	s26 =	rddreg [dreg:$0x15];
	[sflag:s25] =	ssyncadd.s32 $0xFFFFE000  }
0x1ef: {  	[hbm:s26@s2], [sflag:s17] =	dma.strided [spmem:s19@s4], $0x400, s31, $0x10   }
0x1f0: {  	_ =	swait.ge [sflag:s31], $0x2000  }
0x1f1: {  	[sflag:s31] =	ssyncset.done $0x0  }
0x1f2: {  	s28 =	rddreg [dreg:$0x16];
	[sflag:s31] =	ssyncadd.s32 $0xFFFFE000  }
0x1f3: {  	[hbm:s28@s2], [sflag:s7] =	dma.strided [spmem:s8@s4], $0x400, s31, $0x10   }
0x1f4: {  	_ =	swait.ge [sflag:s18], $0x400  }
0x1f5: {  	[sflag:s18] =	ssyncset.done $0x0  }
0x1f6: {  	[sflag:s18] =	ssyncadd.s32 $0xFFFFFC00  }
0x1f7: {  	_ =	swait.ge [sflag:s11], $0x400  }
0x1f8: {  	[sflag:s11] =	ssyncset.done $0x0  }
0x1f9: {  	[sflag:s11] =	ssyncadd.s32 $0xFFFFFC00  }
0x1fa: {  	_ =	swait.ge [sflag:s10], $0x400  }
0x1fb: {  	[sflag:s10] =	ssyncset.done $0x0  }
0x1fc: {  	[sflag:s10] =	ssyncadd.s32 $0xFFFFFC00  }
0x1fd: {  	_ =	swait.ge [sflag:s6], $0x400  }
0x1fe: {  	s29 =	rddreg [dreg:$0x18]  }
0x1ff: {  	s30 =	rddreg [dreg:$0x17];
	s3 =	sadd.s32 $0x1, s29  }
0x200: {  	p0 =	sne.s32 s3, s30  }
.Ltmp1:
0x201: {  	_ = 	snop;
	(pc) =	sbr.rel @p0 .LBB2_1-.Ltmp1, $3  }
0x202: {  	_ =	sdelay $0x1  }
0x203: {  	[sflag:s6] =	ssyncset.done $0x0  }
0x204: {  	[sflag:s6] =	ssyncadd.s32 $0xFFFFFC00  }
0x205: {  	_ =	sfence.sel $0x180000  }
0x206: {  	[bflag:$0x0] =	sbarrier.arrive $0xFFFF  }
0x207: {  	_ =	strace $0x90000047  }
0x208: {  	s0 =	stileid.u32;
	[bflag:$0x2] =	sbarrier.arrive $0xFFFF  }
0x209: {  	p0 =	sne.s32 s0, $0x0;
	s0 =	rddreg [dreg:$0x4]  }
0x20a: {  	s0 =	sadd.s32 @!p0 $0x100000, s0  }
0x20b: {  	[sflag:s0] =	ssyncadd.tile.s32 @!p0 $0x1;
	_ =	shalt  }
.Lfunc_end2:
_tile_overlayer_lowered:
.L_overlay_start_2:
0x20c: {  	(tag) =	ssettag $0x2  }
0x20d: {  	s0 =	rddreg [dreg:$0x0];
	s2 =	stileid.u32  }
0x20e: {  	s1 =	rddreg [dreg:$0x1];
	p0 =	sne.s32 s2, $0x0  }
0x20f: {  	s3 =	rddreg [dreg:$0x2];
	[bflag:$0x3] =	sbarrier.arrive $0xFFFF;
	s2 =	simm.s32 @!p0 $0x1C0D  }
0x210: {  	[timem:s3], [sflag:s2] =	dma.local @!p0 [hbm:s0], s1  }
0x211: {  	s0 =	simm.s32 @!p0 $0xD  }
0x212: {  	_ =	swait.ge @!p0 [sflag:s0], s1  }
0x213: {  	s1 =	ssub.s32 @!p0 $0x0, s1;
	[sflag:s0] =	ssyncset.done @!p0 $0x0  }
0x214: {  	[sflag:s0] =	ssyncadd.s32 @!p0 s1  }
0x215: {  	[bflag:$0x3] =	sbarrier.arrive $0xFFFF  }
0x216: {  	_ =	shalt  }

</sc_bundles>
